<compile_context>
chip_gen: v7x
topology: tpu7x:2x2x1
jax: 0.10.2.dev20260603
libtpu: 0.0.44.dev20260713+nightly
codegen_flags: <defaults>
</compile_context>

<pallas_src>
import functools

import jax
import jax.numpy as jnp
from jax import lax
from jax.experimental import pallas as pl
from jax.experimental.pallas import tpu as pltpu
from jax.experimental.pallas import tpu_sc as plsc

N = 10000
E = 320000
D_IN = 128
D_H = 256
D_OUT = 40
BN_EPS = 1e-5

NPAD = 10240
NW = 32
K = 128
EPW = E // NW
NBUF = 2
CHUNKS = 80
EPW_PAD = CHUNKS * K
ROWS_PER_TILE = NPAD // 16
R = 2048


def _hist_body(idxs, zeros1, out, ibuf, ones_v, acc, isem):
    c = lax.axis_index("c")
    s = lax.axis_index("s")
    w = s * 2 + c
    lo = s * ROWS_PER_TILE
    for i in range(K // 16):
        ones_v[pl.ds(i * 16, 16)] = jnp.ones((16,), jnp.float32)
    pltpu.sync_copy(zeros1.at[pl.ds(lo, ROWS_PER_TILE)],
                    acc.at[pl.ds(lo, ROWS_PER_TILE)])
    plsc.subcore_barrier()

    for p in range(4):
        pltpu.async_copy(idxs.at[w, p], ibuf.at[p], isem)

    @pl.loop(0, CHUNKS)
    def _(j):
        ib = lax.rem(j, 4)
        pltpu.make_async_copy(idxs.at[w, 0], ibuf.at[ib], isem).wait()
        pltpu.sync_copy(ones_v, acc.at[ibuf.at[ib, 1]], add=True)

        @pl.when(j + 4 < CHUNKS)
        def _():
            pltpu.async_copy(idxs.at[w, j + 4], ibuf.at[ib], isem)

    plsc.subcore_barrier()
    pltpu.sync_copy(acc.at[pl.ds(lo, ROWS_PER_TILE)],
                    out.at[c, pl.ds(lo, ROWS_PER_TILE)])


_hist = functools.partial(
    pl.kernel,
    out_type=jax.ShapeDtypeStruct((2, NPAD), jnp.float32),
    mesh=plsc.VectorSubcoreMesh(core_axis_name="c", subcore_axis_name="s"),
    scratch_types=[
        pltpu.VMEM((4, 2, K), jnp.int32),
        pltpu.VMEM((K,), jnp.float32),
        pltpu.VMEM_SHARED((NPAD,), jnp.float32),
        pltpu.SemaphoreType.DMA,
    ],
)(_hist_body)


def _one_pass(table, zeros, idxs, out, ibuf, rows, acc, gsem, isem, c, w, lo):
    @pl.when(c == 0)
    def _():
        pltpu.sync_copy(table.at[pl.ds(lo, ROWS_PER_TILE)],
                        acc.at[pl.ds(lo, ROWS_PER_TILE)])

    @pl.when(c != 0)
    def _():
        pltpu.sync_copy(zeros.at[pl.ds(lo, ROWS_PER_TILE)],
                        acc.at[pl.ds(lo, ROWS_PER_TILE)])

    plsc.subcore_barrier()

    for p in range(4):
        pltpu.async_copy(idxs.at[w, p], ibuf.at[p], isem)
    for p in range(NBUF):
        pltpu.make_async_copy(idxs.at[w, 0], ibuf.at[p], isem).wait()
        pltpu.async_copy(table.at[ibuf.at[p, 0]], rows.at[p], gsem)

    @pl.loop(0, CHUNKS, step=NBUF)
    def _(i):
        for b in range(NBUF):
            j = i + b
            ib = lax.rem(j, 4)
            pltpu.make_async_copy(table.at[pl.ds(0, K)], rows.at[b],
                                  gsem).wait()
            pltpu.sync_copy(rows.at[b], acc.at[ibuf.at[ib, 1]], add=True)

            @pl.when(j + 4 < CHUNKS)
            def _():
                pltpu.async_copy(idxs.at[w, j + 4], ibuf.at[ib], isem)

            @pl.when(j + NBUF < CHUNKS)
            def _():
                ib2 = lax.rem(j + NBUF, 4)
                pltpu.make_async_copy(idxs.at[w, 0], ibuf.at[ib2],
                                      isem).wait()
                pltpu.async_copy(table.at[ibuf.at[ib2, 0]], rows.at[b],
                                 gsem)

    plsc.subcore_barrier()
    pltpu.sync_copy(acc.at[pl.ds(lo, ROWS_PER_TILE)],
                    out.at[c, pl.ds(lo, ROWS_PER_TILE)])


def _make_scatter(D, n_tables=1, tc_tiling=True):
    def body(*args):
        tables = args[:n_tables]
        zeros, idxs = args[n_tables:n_tables + 2]
        outs = args[n_tables + 2:n_tables + 2 + n_tables]
        ibuf, rows, acc, gsem, isem = args[n_tables + 2 + n_tables:]
        c = lax.axis_index("c")
        s = lax.axis_index("s")
        w = s * 2 + c
        lo = s * ROWS_PER_TILE
        for t in range(n_tables):
            _one_pass(tables[t], zeros, idxs, outs[t], ibuf, rows, acc,
                      gsem, isem, c, w, lo)

    out_t = jax.ShapeDtypeStruct((2, NPAD, D), jnp.float32)
    return functools.partial(
        pl.kernel,
        out_type=out_t if n_tables == 1 else [out_t] * n_tables,
        mesh=plsc.VectorSubcoreMesh(core_axis_name="c", subcore_axis_name="s"),
        compiler_params=None if tc_tiling else pltpu.CompilerParams(
            use_tc_tiling_on_sc=False),
        scratch_types=[
            pltpu.VMEM((4, 2, K), jnp.int32),
            pltpu.VMEM((NBUF, K, D), jnp.float32),
            pltpu.VMEM_SHARED((NPAD, D), jnp.float32),
            pltpu.SemaphoreType.DMA,
            pltpu.SemaphoreType.DMA,
        ],
    )(body)


_scatter128 = _make_scatter(128)
_scatter128x2 = _make_scatter(128, n_tables=2)
_scatter64 = _make_scatter(64, tc_tiling=False)


def _prep_body(deg2_ref, x_ref, dinv_ref, g0_ref):
    deg = deg2_ref[0] + deg2_ref[1] + 1.0
    dv = lax.rsqrt(deg)
    dinv_ref[...] = dv
    g0_ref[...] = x_ref[...] * dv


def _prep(deg2, x_pad):
    return pl.pallas_call(
        _prep_body,
        grid=(NPAD // R,),
        in_specs=[
            pl.BlockSpec((2, R, 1), lambda i: (0, i, 0)),
            pl.BlockSpec((R, D_IN), lambda i: (i, 0)),
        ],
        out_specs=[
            pl.BlockSpec((R, 1), lambda i: (i, 0)),
            pl.BlockSpec((R, D_IN), lambda i: (i, 0)),
        ],
        out_shape=[
            jax.ShapeDtypeStruct((NPAD, 1), jnp.float32),
            jax.ShapeDtypeStruct((NPAD, D_IN), jnp.float32),
        ],
    )(deg2, x_pad)


def _layer1_body(s0_ref, dinv_ref, w1_ref, sc1_ref, sh1_ref, ga_ref, gb_ref):
    dv = dinv_ref[...]
    a1 = (s0_ref[0] + s0_ref[1]) * dv
    h = jnp.dot(a1, w1_ref[...], preferred_element_type=jnp.float32)
    h = jnp.maximum(h * sc1_ref[...] + sh1_ref[...], 0.0)
    g1 = h * dv
    ga_ref[...] = g1[:, :128]
    gb_ref[...] = g1[:, 128:]


def _layer1(s0, dinv, w1, sc1, sh1):
    return pl.pallas_call(
        _layer1_body,
        grid=(NPAD // R,),
        in_specs=[
            pl.BlockSpec((2, R, 128), lambda i: (0, i, 0)),
            pl.BlockSpec((R, 1), lambda i: (i, 0)),
            pl.BlockSpec((D_IN, D_H), lambda i: (0, 0)),
            pl.BlockSpec((1, D_H), lambda i: (0, 0)),
            pl.BlockSpec((1, D_H), lambda i: (0, 0)),
        ],
        out_specs=[
            pl.BlockSpec((R, 128), lambda i: (i, 0)),
            pl.BlockSpec((R, 128), lambda i: (i, 0)),
        ],
        out_shape=[
            jax.ShapeDtypeStruct((NPAD, 128), jnp.float32),
            jax.ShapeDtypeStruct((NPAD, 128), jnp.float32),
        ],
    )(s0, dinv, w1, sc1, sh1)


def _layer23_body(s1a_ref, s1b_ref, dinv_ref, w2_ref, w3_ref, sc2_ref,
                  sh2_ref, g2_ref):
    dv = dinv_ref[...]
    a2 = jnp.concatenate([s1a_ref[0] + s1a_ref[1],
                          s1b_ref[0] + s1b_ref[1]], axis=1) * dv
    h = jnp.dot(a2, w2_ref[...], preferred_element_type=jnp.float32)
    h = jnp.maximum(h * sc2_ref[...] + sh2_ref[...], 0.0)
    z = jnp.dot(h, w3_ref[...], preferred_element_type=jnp.float32)
    g2_ref[...] = z * dv


def _layer23(s1a, s1b, dinv, w2, w3p, sc2, sh2):
    return pl.pallas_call(
        _layer23_body,
        grid=(NPAD // R,),
        in_specs=[
            pl.BlockSpec((2, R, 128), lambda i: (0, i, 0)),
            pl.BlockSpec((2, R, 128), lambda i: (0, i, 0)),
            pl.BlockSpec((R, 1), lambda i: (i, 0)),
            pl.BlockSpec((D_H, D_H), lambda i: (0, 0)),
            pl.BlockSpec((D_H, 64), lambda i: (0, 0)),
            pl.BlockSpec((1, D_H), lambda i: (0, 0)),
            pl.BlockSpec((1, D_H), lambda i: (0, 0)),
        ],
        out_specs=pl.BlockSpec((R, 64), lambda i: (i, 0)),
        out_shape=jax.ShapeDtypeStruct((NPAD, 64), jnp.float32),
    )(s1a, s1b, dinv, w2, w3p, sc2, sh2)


def _final_body(s2_ref, dinv_ref, b3_ref, out_ref):
    a3 = (s2_ref[0] + s2_ref[1]) * dinv_ref[...] + b3_ref[...]
    m = jnp.max(a3, axis=1, keepdims=True)
    e = jnp.exp(a3 - m)
    lse = jnp.log(jnp.sum(e, axis=1, keepdims=True))
    out_ref[...] = (a3 - m - lse)[:, :D_OUT]


def _final(s2, dinv, b3p):
    return pl.pallas_call(
        _final_body,
        grid=(NPAD // R,),
        in_specs=[
            pl.BlockSpec((2, R, 64), lambda i: (0, i, 0)),
            pl.BlockSpec((R, 1), lambda i: (i, 0)),
            pl.BlockSpec((1, 64), lambda i: (0, 0)),
        ],
        out_specs=pl.BlockSpec((R, D_OUT), lambda i: (i, 0)),
        out_shape=jax.ShapeDtypeStruct((N, D_OUT), jnp.float32),
    )(s2, dinv, b3p)


def kernel(x, edge_index, W1, b1, W2, b2, W3, b3,
           bn1_w, bn1_b, bn2_w, bn2_b):
    f32 = jnp.float32
    x_pad = jnp.pad(x, ((0, NPAD - N), (0, 0)))

    src = edge_index[0].reshape(NW, EPW)
    dst = edge_index[1].reshape(NW, EPW)
    n_fill = EPW_PAD - EPW
    fill = (N + (jnp.arange(NW * n_fill, dtype=jnp.int32) % (NPAD - N))
            ).reshape(NW, n_fill)
    srcs = jnp.concatenate([src, fill], axis=1).reshape(NW, CHUNKS, K)
    dsts = jnp.concatenate([dst, fill], axis=1).reshape(NW, CHUNKS, K)
    idxs = jnp.stack([srcs, dsts], axis=2)

    c1 = bn1_w * (1.0 / jnp.sqrt(1.0 + BN_EPS))
    sc1 = c1.reshape(1, D_H)
    sh1 = (b1 * c1 + bn1_b).reshape(1, D_H)
    c2 = bn2_w * (1.0 / jnp.sqrt(1.0 + BN_EPS))
    sc2 = c2.reshape(1, D_H)
    sh2 = (b2 * c2 + bn2_b).reshape(1, D_H)
    w3p = jnp.pad(W3, ((0, 0), (0, 64 - D_OUT)))
    b3p = jnp.concatenate([b3, jnp.full((64 - D_OUT,), -1e30, f32)]
                          ).reshape(1, 64)

    zeros1 = jnp.zeros((NPAD,), f32)
    zeros128 = jnp.zeros((NPAD, 128), f32)
    zeros64 = jnp.zeros((NPAD, 64), f32)

    deg2 = _hist(idxs, zeros1)
    dinv, g0 = _prep(deg2[:, :, None], x_pad)
    s0 = _scatter128(g0, zeros128, idxs)
    g1a, g1b = _layer1(s0, dinv, W1, sc1, sh1)
    s1a, s1b = _scatter128x2(g1a, g1b, zeros128, idxs)
    g2 = _layer23(s1a, s1b, dinv, W2, w3p, sc2, sh2)
    s2 = _scatter64(g2, zeros64, idxs)
    return _final(s2, dinv, b3p)

# --- scband reference (transcript-rebuilt; emitter-appended) ---
"""Pipeline reference for scband-gcn-arxiv-46076409152401 (READ-ONLY COPY).

The authoritative reference and input builder live on the scoring server;
editing this copy changes nothing except your own understanding.
"""

import jax, jax.numpy as jnp
import numpy as np

N = 10000
E = 320000
D_IN = 128
D_H = 256
D_OUT = 40
BN_EPS = 1e-5


def setup_inputs(seed: int = 0) -> dict:
    key = jax.random.key(seed)
    ks = jax.random.split(key, 12)
    x = jax.random.normal(ks[0], (N, D_IN), dtype=jnp.float32)
    edge_index = jax.random.randint(ks[1], (2, E), 0, N, dtype=jnp.int32)
    # GCNConv weights (glorot-ish scale) and biases
    W1 = jax.random.normal(ks[2], (D_IN, D_H), dtype=jnp.float32) * (1.0 / np.sqrt(D_IN))
    b1 = jnp.zeros((D_H,), dtype=jnp.float32)
    W2 = jax.random.normal(ks[3], (D_H, D_H), dtype=jnp.float32) * (1.0 / np.sqrt(D_H))
    b2 = jnp.zeros((D_H,), dtype=jnp.float32)
    W3 = jax.random.normal(ks[4], (D_H, D_OUT), dtype=jnp.float32) * (1.0 / np.sqrt(D_H))
    b3 = jnp.zeros((D_OUT,), dtype=jnp.float32)
    # BatchNorm affine params (eval mode, running_mean=0, running_var=1)
    bn1_w = jnp.ones((D_H,), dtype=jnp.float32)
    bn1_b = jnp.zeros((D_H,), dtype=jnp.float32)
    bn2_w = jnp.ones((D_H,), dtype=jnp.float32)
    bn2_b = jnp.zeros((D_H,), dtype=jnp.float32)
    return {
        "x": x, "edge_index": edge_index,
        "W1": W1, "b1": b1, "W2": W2, "b2": b2, "W3": W3, "b3": b3,
        "bn1_w": bn1_w, "bn1_b": bn1_b, "bn2_w": bn2_w, "bn2_b": bn2_b,
    }


def _gcn_conv(x, src, dst, dinv, W, b):
    # PyG GCNConv (eval): x' = D^{-1/2} (A + I) D^{-1/2} (x W) + b
    h = x @ W
    norm = dinv[src] * dinv[dst]
    msg = h[src] * norm[:, None]
    out = jax.ops.segment_sum(msg, dst, num_segments=N)
    return out + b


def _bn_eval(x, w, b):
    # BatchNorm1d eval with running_mean=0, running_var=1
    return x * (w / jnp.sqrt(1.0 + BN_EPS)) + b


def reference(x, edge_index, W1, b1, W2, b2, W3, b3, bn1_w, bn1_b, bn2_w, bn2_b):
    loop = jnp.arange(N, dtype=edge_index.dtype)
    src = jnp.concatenate([edge_index[0], loop])
    dst = jnp.concatenate([edge_index[1], loop])
    deg = jnp.zeros((N,), dtype=jnp.float32).at[dst].add(1.0)
    dinv = jnp.where(deg > 0, jax.lax.rsqrt(deg), 0.0)

    h = _gcn_conv(x, src, dst, dinv, W1, b1)
    h = _bn_eval(h, bn1_w, bn1_b)
    h = jax.nn.relu(h)
    # dropout is identity in eval mode

    h = _gcn_conv(h, src, dst, dinv, W2, b2)
    h = _bn_eval(h, bn2_w, bn2_b)
    h = jax.nn.relu(h)

    h = _gcn_conv(h, src, dst, dinv, W3, b3)
    return jax.nn.log_softmax(h, axis=-1)

if __name__ == "__main__":
    import jax
    _d = setup_inputs()
    print(jax.jit(kernel)(*tuple(_d.values())))

</pallas_src>

<mosaic_0001>
#map = affine_map<(d0, d1) -> (0, 0, 0, 0)>
#map1 = affine_map<(d0, d1) -> (0)>
#map2 = affine_map<(d0, d1) -> (0, 0)>
module attributes {stable_mosaic.version = 14 : i64} {
  func.func @_hist_body(%arg0: i32, %arg1: i32, %arg2: memref<32x80x2x128xi32, #tpu.memory_space<hbm>>, %arg3: memref<10240xf32, #tpu.memory_space<hbm>>, %arg4: memref<2x10240xf32, #tpu.memory_space<hbm>>, %arg5: memref<4x2x128xi32, #tpu.memory_space<vmem>>, %arg6: memref<128xf32, #tpu.memory_space<vmem>>, %arg7: memref<10240xf32, #tpu.memory_space<vmem_shared>>, %arg8: memref<!tpu.dma_semaphore, #tpu.memory_space<semaphore_mem>>) attributes {dimension_semantics = [#tpu.dimension_semantics<core_parallel>, #tpu.dimension_semantics<subcore_parallel>], iteration_bounds = array<i64: 2, 16>, scalar_prefetch = 0 : i64, scratch_operands = 4 : i64, tpu.core_type = #tpu.core_type<sc_vector_subcore>, window_params = [{transform_indices = #map}, {transform_indices = #map1}, {transform_indices = #map2}]} {
    %mul3A = arith.constant 2 : i32
    %mul3A_0 = arith.muli %arg1, %mul3A : i32
    %add3A = arith.addi %mul3A_0, %arg0 : i32
    %mul3A_1 = arith.constant 640 : i32
    %mul3A_2 = arith.muli %arg1, %mul3A_1 : i32
    %broadcast_in_dim3A = arith.constant 1.000000e+00 : f32
    %broadcast_in_dim3A_3 = vector.broadcast %broadcast_in_dim3A : f32 to vector<16xf32>
    %swap3A = arith.constant 0 : index
    %swap3A_4 = tpu.vector_load %arg6[%swap3A] {strides = array<i32>} : memref<128xf32, #tpu.memory_space<vmem>>, vector<16xf32>,
    %swap3A_5 = vector.shape_cast %swap3A_4 : vector<16xf32> to vector<16xf32>
    %swap3A_6 = vector.shape_cast %broadcast_in_dim3A_3 : vector<16xf32> to vector<16xf32>
    tpu.vector_store %arg6[%swap3A], %swap3A_6 {strides = array<i32>} : memref<128xf32, #tpu.memory_space<vmem>>, vector<16xf32>,
    %broadcast_in_dim3A_7 = arith.constant 1.000000e+00 : f32
    %broadcast_in_dim3A_8 = vector.broadcast %broadcast_in_dim3A_7 : f32 to vector<16xf32>
    %swap3A_9 = arith.constant 16 : index
    %swap3A_10 = tpu.vector_load %arg6[%swap3A_9] {strides = array<i32>} : memref<128xf32, #tpu.memory_space<vmem>>, vector<16xf32>,
    %swap3A_11 = vector.shape_cast %swap3A_10 : vector<16xf32> to vector<16xf32>
    %swap3A_12 = vector.shape_cast %broadcast_in_dim3A_8 : vector<16xf32> to vector<16xf32>
    tpu.vector_store %arg6[%swap3A_9], %swap3A_12 {strides = array<i32>} : memref<128xf32, #tpu.memory_space<vmem>>, vector<16xf32>,
    %broadcast_in_dim3A_13 = arith.constant 1.000000e+00 : f32
    %broadcast_in_dim3A_14 = vector.broadcast %broadcast_in_dim3A_13 : f32 to vector<16xf32>
    %swap3A_15 = arith.constant 32 : index
    %swap3A_16 = tpu.vector_load %arg6[%swap3A_15] {strides = array<i32>} : memref<128xf32, #tpu.memory_space<vmem>>, vector<16xf32>,
    %swap3A_17 = vector.shape_cast %swap3A_16 : vector<16xf32> to vector<16xf32>
    %swap3A_18 = vector.shape_cast %broadcast_in_dim3A_14 : vector<16xf32> to vector<16xf32>
    tpu.vector_store %arg6[%swap3A_15], %swap3A_18 {strides = array<i32>} : memref<128xf32, #tpu.memory_space<vmem>>, vector<16xf32>,
    %broadcast_in_dim3A_19 = arith.constant 1.000000e+00 : f32
    %broadcast_in_dim3A_20 = vector.broadcast %broadcast_in_dim3A_19 : f32 to vector<16xf32>
    %swap3A_21 = arith.constant 48 : index
    %swap3A_22 = tpu.vector_load %arg6[%swap3A_21] {strides = array<i32>} : memref<128xf32, #tpu.memory_space<vmem>>, vector<16xf32>,
    %swap3A_23 = vector.shape_cast %swap3A_22 : vector<16xf32> to vector<16xf32>
    %swap3A_24 = vector.shape_cast %broadcast_in_dim3A_20 : vector<16xf32> to vector<16xf32>
    tpu.vector_store %arg6[%swap3A_21], %swap3A_24 {strides = array<i32>} : memref<128xf32, #tpu.memory_space<vmem>>, vector<16xf32>,
    %broadcast_in_dim3A_25 = arith.constant 1.000000e+00 : f32
    %broadcast_in_dim3A_26 = vector.broadcast %broadcast_in_dim3A_25 : f32 to vector<16xf32>
    %swap3A_27 = arith.constant 64 : index
    %swap3A_28 = tpu.vector_load %arg6[%swap3A_27] {strides = array<i32>} : memref<128xf32, #tpu.memory_space<vmem>>, vector<16xf32>,
    %swap3A_29 = vector.shape_cast %swap3A_28 : vector<16xf32> to vector<16xf32>
    %swap3A_30 = vector.shape_cast %broadcast_in_dim3A_26 : vector<16xf32> to vector<16xf32>
    tpu.vector_store %arg6[%swap3A_27], %swap3A_30 {strides = array<i32>} : memref<128xf32, #tpu.memory_space<vmem>>, vector<16xf32>,
    %broadcast_in_dim3A_31 = arith.constant 1.000000e+00 : f32
    %broadcast_in_dim3A_32 = vector.broadcast %broadcast_in_dim3A_31 : f32 to vector<16xf32>
    %swap3A_33 = arith.constant 80 : index
    %swap3A_34 = tpu.vector_load %arg6[%swap3A_33] {strides = array<i32>} : memref<128xf32, #tpu.memory_space<vmem>>, vector<16xf32>,
    %swap3A_35 = vector.shape_cast %swap3A_34 : vector<16xf32> to vector<16xf32>
    %swap3A_36 = vector.shape_cast %broadcast_in_dim3A_32 : vector<16xf32> to vector<16xf32>
    tpu.vector_store %arg6[%swap3A_33], %swap3A_36 {strides = array<i32>} : memref<128xf32, #tpu.memory_space<vmem>>, vector<16xf32>,
    %broadcast_in_dim3A_37 = arith.constant 1.000000e+00 : f32
    %broadcast_in_dim3A_38 = vector.broadcast %broadcast_in_dim3A_37 : f32 to vector<16xf32>
    %swap3A_39 = arith.constant 96 : index
    %swap3A_40 = tpu.vector_load %arg6[%swap3A_39] {strides = array<i32>} : memref<128xf32, #tpu.memory_space<vmem>>, vector<16xf32>,
    %swap3A_41 = vector.shape_cast %swap3A_40 : vector<16xf32> to vector<16xf32>
    %swap3A_42 = vector.shape_cast %broadcast_in_dim3A_38 : vector<16xf32> to vector<16xf32>
    tpu.vector_store %arg6[%swap3A_39], %swap3A_42 {strides = array<i32>} : memref<128xf32, #tpu.memory_space<vmem>>, vector<16xf32>,
    %broadcast_in_dim3A_43 = arith.constant 1.000000e+00 : f32
    %broadcast_in_dim3A_44 = vector.broadcast %broadcast_in_dim3A_43 : f32 to vector<16xf32>
    %swap3A_45 = arith.constant 112 : index
    %swap3A_46 = tpu.vector_load %arg6[%swap3A_45] {strides = array<i32>} : memref<128xf32, #tpu.memory_space<vmem>>, vector<16xf32>,
    %swap3A_47 = vector.shape_cast %swap3A_46 : vector<16xf32> to vector<16xf32>
    %swap3A_48 = vector.shape_cast %broadcast_in_dim3A_44 : vector<16xf32> to vector<16xf32>
    tpu.vector_store %arg6[%swap3A_45], %swap3A_48 {strides = array<i32>} : memref<128xf32, #tpu.memory_space<vmem>>, vector<16xf32>,
    "tpu.region"() ({
      %run_scoped3A = tpu.sem_alloc : memref<!tpu.dma_semaphore, #tpu.memory_space<semaphore_mem>>
      %dma_start3A_125 = tpu.memref_slice %arg7[%mul3A_2] : memref<10240xf32, #tpu.memory_space<vmem_shared>> -> memref<640xf32, #tpu.memory_space<vmem_shared>>
      %dma_start3A_126 = tpu.memref_slice %arg3[%mul3A_2] : memref<10240xf32, #tpu.memory_space<hbm>> -> memref<640xf32, #tpu.memory_space<hbm>>
      tpu.enqueue_dma source(%dma_start3A_126 : memref<640xf32, #tpu.memory_space<hbm>>) target(%dma_start3A_125 : memref<640xf32, #tpu.memory_space<vmem_shared>>) target_semaphore(%run_scoped3A : memref<!tpu.dma_semaphore, #tpu.memory_space<semaphore_mem>>)
      %dma_wait3A = tpu.memref_slice %arg7[%mul3A_2] : memref<10240xf32, #tpu.memory_space<vmem_shared>> -> memref<640xf32, #tpu.memory_space<vmem_shared>>
      %dma_wait3A_127 = tpu.memref_slice %arg3[%mul3A_2] : memref<10240xf32, #tpu.memory_space<hbm>> -> memref<640xf32, #tpu.memory_space<hbm>>
      tpu.wait_dma2 semaphore(%run_scoped3A : memref<!tpu.dma_semaphore, #tpu.memory_space<semaphore_mem>>) src(%dma_wait3A_127 : memref<640xf32, #tpu.memory_space<hbm>>) dst(%dma_wait3A : memref<640xf32, #tpu.memory_space<vmem_shared>>)
      tpu.yield
    }) : () -> ()
    %barrier3A = arith.constant 0 : index
    tpu.barrier barrier_id(%barrier3A)
    %dma_start3A = arith.constant 0 : i32
    %dma_start3A_49 = arith.constant 0 : i32
    %dma_start3A_50 = arith.constant 0 : i32
    %dma_start3A_51 = arith.constant 0 : i32
    %dma_start3A_52 = tpu.memref_slice %arg5[%dma_start3A_49, %dma_start3A_50, %dma_start3A_51] : memref<4x2x128xi32, #tpu.memory_space<vmem>> -> memref<1x2x128xi32, #tpu.memory_space<vmem>>
    %dma_start3A_53 = tpu.memref_squeeze %dma_start3A_52 : memref<1x2x128xi32, #tpu.memory_space<vmem>> -> memref<2x128xi32, #tpu.memory_space<vmem>>
    %dma_start3A_54 = arith.constant 0 : i32
    %dma_start3A_55 = arith.constant 0 : i32
    %dma_start3A_56 = tpu.memref_slice %arg2[%add3A, %dma_start3A, %dma_start3A_54, %dma_start3A_55] : memref<32x80x2x128xi32, #tpu.memory_space<hbm>> -> memref<1x1x2x128xi32, #tpu.memory_space<hbm>>
    %dma_start3A_57 = tpu.memref_squeeze %dma_start3A_56 : memref<1x1x2x128xi32, #tpu.memory_space<hbm>> -> memref<2x128xi32, #tpu.memory_space<hbm>>
    %dma_start3A_58 = arith.constant 0 : i32
    %dma_start3A_59 = arith.constant 0 : i32
    %dma_start3A_60 = tpu.memref_slice %arg5[%dma_start3A_49, %dma_start3A_58, %dma_start3A_59] : memref<4x2x128xi32, #tpu.memory_space<vmem>> -> memref<1x2x128xi32, #tpu.memory_space<vmem>>
    %dma_start3A_61 = tpu.memref_squeeze %dma_start3A_60 : memref<1x2x128xi32, #tpu.memory_space<vmem>> -> memref<2x128xi32, #tpu.memory_space<vmem>>
    %dma_start3A_62 = arith.constant 0 : i32
    %dma_start3A_63 = arith.constant 0 : i32
    %dma_start3A_64 = tpu.memref_slice %arg2[%add3A, %dma_start3A, %dma_start3A_62, %dma_start3A_63] : memref<32x80x2x128xi32, #tpu.memory_space<hbm>> -> memref<1x1x2x128xi32, #tpu.memory_space<hbm>>
    %dma_start3A_65 = tpu.memref_squeeze %dma_start3A_64 : memref<1x1x2x128xi32, #tpu.memory_space<hbm>> -> memref<2x128xi32, #tpu.memory_space<hbm>>
    tpu.enqueue_dma source(%dma_start3A_65 : memref<2x128xi32, #tpu.memory_space<hbm>>) target(%dma_start3A_61 : memref<2x128xi32, #tpu.memory_space<vmem>>) target_semaphore(%arg8 : memref<!tpu.dma_semaphore, #tpu.memory_space<semaphore_mem>>)
    %dma_start3A_66 = arith.constant 1 : i32
    %dma_start3A_67 = arith.constant 1 : i32
    %dma_start3A_68 = arith.constant 0 : i32
    %dma_start3A_69 = arith.constant 0 : i32
    %dma_start3A_70 = tpu.memref_slice %arg5[%dma_start3A_67, %dma_start3A_68, %dma_start3A_69] : memref<4x2x128xi32, #tpu.memory_space<vmem>> -> memref<1x2x128xi32, #tpu.memory_space<vmem>>
    %dma_start3A_71 = tpu.memref_squeeze %dma_start3A_70 : memref<1x2x128xi32, #tpu.memory_space<vmem>> -> memref<2x128xi32, #tpu.memory_space<vmem>>
    %dma_start3A_72 = arith.constant 0 : i32
    %dma_start3A_73 = arith.constant 0 : i32
    %dma_start3A_74 = tpu.memref_slice %arg2[%add3A, %dma_start3A_66, %dma_start3A_72, %dma_start3A_73] : memref<32x80x2x128xi32, #tpu.memory_space<hbm>> -> memref<1x1x2x128xi32, #tpu.memory_space<hbm>>
    %dma_start3A_75 = tpu.memref_squeeze %dma_start3A_74 : memref<1x1x2x128xi32, #tpu.memory_space<hbm>> -> memref<2x128xi32, #tpu.memory_space<hbm>>
    %dma_start3A_76 = arith.constant 0 : i32
    %dma_start3A_77 = arith.constant 0 : i32
    %dma_start3A_78 = tpu.memref_slice %arg5[%dma_start3A_67, %dma_start3A_76, %dma_start3A_77] : memref<4x2x128xi32, #tpu.memory_space<vmem>> -> memref<1x2x128xi32, #tpu.memory_space<vmem>>
    %dma_start3A_79 = tpu.memref_squeeze %dma_start3A_78 : memref<1x2x128xi32, #tpu.memory_space<vmem>> -> memref<2x128xi32, #tpu.memory_space<vmem>>
    %dma_start3A_80 = arith.constant 0 : i32
    %dma_start3A_81 = arith.constant 0 : i32
    %dma_start3A_82 = tpu.memref_slice %arg2[%add3A, %dma_start3A_66, %dma_start3A_80, %dma_start3A_81] : memref<32x80x2x128xi32, #tpu.memory_space<hbm>> -> memref<1x1x2x128xi32, #tpu.memory_space<hbm>>
    %dma_start3A_83 = tpu.memref_squeeze %dma_start3A_82 : memref<1x1x2x128xi32, #tpu.memory_space<hbm>> -> memref<2x128xi32, #tpu.memory_space<hbm>>
    tpu.enqueue_dma source(%dma_start3A_83 : memref<2x128xi32, #tpu.memory_space<hbm>>) target(%dma_start3A_79 : memref<2x128xi32, #tpu.memory_space<vmem>>) target_semaphore(%arg8 : memref<!tpu.dma_semaphore, #tpu.memory_space<semaphore_mem>>)
    %dma_start3A_84 = arith.constant 2 : i32
    %dma_start3A_85 = arith.constant 2 : i32
    %dma_start3A_86 = arith.constant 0 : i32
    %dma_start3A_87 = arith.constant 0 : i32
    %dma_start3A_88 = tpu.memref_slice %arg5[%dma_start3A_85, %dma_start3A_86, %dma_start3A_87] : memref<4x2x128xi32, #tpu.memory_space<vmem>> -> memref<1x2x128xi32, #tpu.memory_space<vmem>>
    %dma_start3A_89 = tpu.memref_squeeze %dma_start3A_88 : memref<1x2x128xi32, #tpu.memory_space<vmem>> -> memref<2x128xi32, #tpu.memory_space<vmem>>
    %dma_start3A_90 = arith.constant 0 : i32
    %dma_start3A_91 = arith.constant 0 : i32
    %dma_start3A_92 = tpu.memref_slice %arg2[%add3A, %dma_start3A_84, %dma_start3A_90, %dma_start3A_91] : memref<32x80x2x128xi32, #tpu.memory_space<hbm>> -> memref<1x1x2x128xi32, #tpu.memory_space<hbm>>
    %dma_start3A_93 = tpu.memref_squeeze %dma_start3A_92 : memref<1x1x2x128xi32, #tpu.memory_space<hbm>> -> memref<2x128xi32, #tpu.memory_space<hbm>>
    %dma_start3A_94 = arith.constant 0 : i32
    %dma_start3A_95 = arith.constant 0 : i32
    %dma_start3A_96 = tpu.memref_slice %arg5[%dma_start3A_85, %dma_start3A_94, %dma_start3A_95] : memref<4x2x128xi32, #tpu.memory_space<vmem>> -> memref<1x2x128xi32, #tpu.memory_space<vmem>>
    %dma_start3A_97 = tpu.memref_squeeze %dma_start3A_96 : memref<1x2x128xi32, #tpu.memory_space<vmem>> -> memref<2x128xi32, #tpu.memory_space<vmem>>
    %dma_start3A_98 = arith.constant 0 : i32
    %dma_start3A_99 = arith.constant 0 : i32
    %dma_start3A_100 = tpu.memref_slice %arg2[%add3A, %dma_start3A_84, %dma_start3A_98, %dma_start3A_99] : memref<32x80x2x128xi32, #tpu.memory_space<hbm>> -> memref<1x1x2x128xi32, #tpu.memory_space<hbm>>
    %dma_start3A_101 = tpu.memref_squeeze %dma_start3A_100 : memref<1x1x2x128xi32, #tpu.memory_space<hbm>> -> memref<2x128xi32, #tpu.memory_space<hbm>>
    tpu.enqueue_dma source(%dma_start3A_101 : memref<2x128xi32, #tpu.memory_space<hbm>>) target(%dma_start3A_97 : memref<2x128xi32, #tpu.memory_space<vmem>>) target_semaphore(%arg8 : memref<!tpu.dma_semaphore, #tpu.memory_space<semaphore_mem>>)
    %dma_start3A_102 = arith.constant 3 : i32
    %dma_start3A_103 = arith.constant 3 : i32
    %dma_start3A_104 = arith.constant 0 : i32
    %dma_start3A_105 = arith.constant 0 : i32
    %dma_start3A_106 = tpu.memref_slice %arg5[%dma_start3A_103, %dma_start3A_104, %dma_start3A_105] : memref<4x2x128xi32, #tpu.memory_space<vmem>> -> memref<1x2x128xi32, #tpu.memory_space<vmem>>
    %dma_start3A_107 = tpu.memref_squeeze %dma_start3A_106 : memref<1x2x128xi32, #tpu.memory_space<vmem>> -> memref<2x128xi32, #tpu.memory_space<vmem>>
    %dma_start3A_108 = arith.constant 0 : i32
    %dma_start3A_109 = arith.constant 0 : i32
    %dma_start3A_110 = tpu.memref_slice %arg2[%add3A, %dma_start3A_102, %dma_start3A_108, %dma_start3A_109] : memref<32x80x2x128xi32, #tpu.memory_space<hbm>> -> memref<1x1x2x128xi32, #tpu.memory_space<hbm>>
    %dma_start3A_111 = tpu.memref_squeeze %dma_start3A_110 : memref<1x1x2x128xi32, #tpu.memory_space<hbm>> -> memref<2x128xi32, #tpu.memory_space<hbm>>
    %dma_start3A_112 = arith.constant 0 : i32
    %dma_start3A_113 = arith.constant 0 : i32
    %dma_start3A_114 = tpu.memref_slice %arg5[%dma_start3A_103, %dma_start3A_112, %dma_start3A_113] : memref<4x2x128xi32, #tpu.memory_space<vmem>> -> memref<1x2x128xi32, #tpu.memory_space<vmem>>
    %dma_start3A_115 = tpu.memref_squeeze %dma_start3A_114 : memref<1x2x128xi32, #tpu.memory_space<vmem>> -> memref<2x128xi32, #tpu.memory_space<vmem>>
    %dma_start3A_116 = arith.constant 0 : i32
    %dma_start3A_117 = arith.constant 0 : i32
    %dma_start3A_118 = tpu.memref_slice %arg2[%add3A, %dma_start3A_102, %dma_start3A_116, %dma_start3A_117] : memref<32x80x2x128xi32, #tpu.memory_space<hbm>> -> memref<1x1x2x128xi32, #tpu.memory_space<hbm>>
    %dma_start3A_119 = tpu.memref_squeeze %dma_start3A_118 : memref<1x1x2x128xi32, #tpu.memory_space<hbm>> -> memref<2x128xi32, #tpu.memory_space<hbm>>
    tpu.enqueue_dma source(%dma_start3A_119 : memref<2x128xi32, #tpu.memory_space<hbm>>) target(%dma_start3A_115 : memref<2x128xi32, #tpu.memory_space<vmem>>) target_semaphore(%arg8 : memref<!tpu.dma_semaphore, #tpu.memory_space<semaphore_mem>>)
    %scan3A = arith.constant 0 : i32
    %scan3A_120 = arith.constant 80 : i32
    %scan3A_121 = arith.addi %scan3A, %scan3A_120 : i32
    %scan3A_122 = arith.constant 1 : i32
    scf.for %scan3A_125 = %scan3A to %scan3A_121 step %scan3A_122  : i32 {
      %mul3A_126 = arith.constant 1 : i32
      %mul3A_127 = arith.muli %scan3A_125, %mul3A_126 : i32
      %add3A_128 = arith.constant 0 : i32
      %add3A_129 = arith.addi %add3A_128, %mul3A_127 : i32
      %rem3A = arith.constant 4 : i32
      %rem3A_130 = arith.remsi %add3A_129, %rem3A : i32
      %dma_wait3A = arith.constant 0 : i32
      %dma_wait3A_131 = arith.constant 0 : i32
      %dma_wait3A_132 = arith.constant 0 : i32
      %dma_wait3A_133 = tpu.memref_slice %arg5[%rem3A_130, %dma_wait3A_131, %dma_wait3A_132] : memref<4x2x128xi32, #tpu.memory_space<vmem>> -> memref<1x2x128xi32, #tpu.memory_space<vmem>>
      %dma_wait3A_134 = tpu.memref_squeeze %dma_wait3A_133 : memref<1x2x128xi32, #tpu.memory_space<vmem>> -> memref<2x128xi32, #tpu.memory_space<vmem>>
      %dma_wait3A_135 = arith.constant 0 : i32
      %dma_wait3A_136 = arith.constant 0 : i32
      %dma_wait3A_137 = tpu.memref_slice %arg2[%add3A, %dma_wait3A, %dma_wait3A_135, %dma_wait3A_136] : memref<32x80x2x128xi32, #tpu.memory_space<hbm>> -> memref<1x1x2x128xi32, #tpu.memory_space<hbm>>
      %dma_wait3A_138 = tpu.memref_squeeze %dma_wait3A_137 : memref<1x1x2x128xi32, #tpu.memory_space<hbm>> -> memref<2x128xi32, #tpu.memory_space<hbm>>
      %dma_wait3A_139 = arith.constant 0 : i32
      %dma_wait3A_140 = arith.constant 0 : i32
      %dma_wait3A_141 = tpu.memref_slice %arg5[%rem3A_130, %dma_wait3A_139, %dma_wait3A_140] : memref<4x2x128xi32, #tpu.memory_space<vmem>> -> memref<1x2x128xi32, #tpu.memory_space<vmem>>
      %dma_wait3A_142 = tpu.memref_squeeze %dma_wait3A_141 : memref<1x2x128xi32, #tpu.memory_space<vmem>> -> memref<2x128xi32, #tpu.memory_space<vmem>>
      %dma_wait3A_143 = arith.constant 0 : i32
      %dma_wait3A_144 = arith.constant 0 : i32
      %dma_wait3A_145 = tpu.memref_slice %arg2[%add3A, %dma_wait3A, %dma_wait3A_143, %dma_wait3A_144] : memref<32x80x2x128xi32, #tpu.memory_space<hbm>> -> memref<1x1x2x128xi32, #tpu.memory_space<hbm>>
      %dma_wait3A_146 = tpu.memref_squeeze %dma_wait3A_145 : memref<1x1x2x128xi32, #tpu.memory_space<hbm>> -> memref<2x128xi32, #tpu.memory_space<hbm>>
      tpu.wait_dma2 semaphore(%arg8 : memref<!tpu.dma_semaphore, #tpu.memory_space<semaphore_mem>>) src(%dma_wait3A_146 : memref<2x128xi32, #tpu.memory_space<hbm>>) dst(%dma_wait3A_142 : memref<2x128xi32, #tpu.memory_space<vmem>>)
      %run_scoped3A = arith.constant 1 : i32
      "tpu.region"() ({
        %run_scoped3A_151 = tpu.sem_alloc : memref<!tpu.dma_semaphore, #tpu.memory_space<semaphore_mem>>
        %dma_start3A_152 = arith.constant 0 : i32
        %dma_start3A_153 = tpu.memref_slice %arg5[%rem3A_130, %run_scoped3A, %dma_start3A_152] : memref<4x2x128xi32, #tpu.memory_space<vmem>> -> memref<1x1x128xi32, #tpu.memory_space<vmem>>
        %dma_start3A_154 = tpu.memref_squeeze %dma_start3A_153 : memref<1x1x128xi32, #tpu.memory_space<vmem>> -> memref<128xi32, #tpu.memory_space<vmem>>
        %dma_start3A_155 = arith.constant 0 : i32
        %dma_start3A_156 = tpu.memref_slice %arg7[%dma_start3A_155] : memref<10240xf32, #tpu.memory_space<vmem_shared>> -> memref<10240xf32, #tpu.memory_space<vmem_shared>>
        tpu.enqueue_indirect_dma source(%arg6 : memref<128xf32, #tpu.memory_space<vmem>>) target(%dma_start3A_156 : memref<10240xf32, #tpu.memory_space<vmem_shared>>) offsets(%dma_start3A_154 : memref<128xi32, #tpu.memory_space<vmem>>) semaphore(%run_scoped3A_151 : memref<!tpu.dma_semaphore, #tpu.memory_space<semaphore_mem>>) {add = true}
        %dma_wait3A_157 = arith.constant 0 : i32
        %dma_wait3A_158 = tpu.memref_slice %arg5[%rem3A_130, %run_scoped3A, %dma_wait3A_157] : memref<4x2x128xi32, #tpu.memory_space<vmem>> -> memref<1x1x128xi32, #tpu.memory_space<vmem>>
        %dma_wait3A_159 = tpu.memref_squeeze %dma_wait3A_158 : memref<1x1x128xi32, #tpu.memory_space<vmem>> -> memref<128xi32, #tpu.memory_space<vmem>>
        %dma_wait3A_160 = arith.constant 0 : i32
        %dma_wait3A_161 = tpu.memref_slice %arg7[%dma_wait3A_160] : memref<10240xf32, #tpu.memory_space<vmem_shared>> -> memref<10240xf32, #tpu.memory_space<vmem_shared>>
        tpu.wait_indirect_dma semaphore(%run_scoped3A_151 : memref<!tpu.dma_semaphore, #tpu.memory_space<semaphore_mem>>) src(%arg6 : memref<128xf32, #tpu.memory_space<vmem>>) dst(%dma_wait3A_161 : memref<10240xf32, #tpu.memory_space<vmem_shared>>)
        tpu.yield
      }) : () -> ()
      %add3A_147 = arith.constant 4 : i32
      %add3A_148 = arith.addi %add3A_129, %add3A_147 : i32
      %lt3A = arith.constant 80 : i32
      %lt3A_149 = arith.cmpi slt, %add3A_148, %lt3A : i32
      %convert_element_type3A = arith.extui %lt3A_149 : i1 to i32
      %cond3A = arith.constant 0 : i32
      %cond3A_150 = arith.cmpi ne, %convert_element_type3A, %cond3A : i32
      scf.if %cond3A_150 {
        %add3A_151 = arith.constant 4 : i32
        %add3A_152 = arith.addi %add3A_129, %add3A_151 : i32
        %dma_start3A_153 = arith.constant 0 : i32
        %dma_start3A_154 = arith.constant 0 : i32
        %dma_start3A_155 = tpu.memref_slice %arg5[%rem3A_130, %dma_start3A_153, %dma_start3A_154] : memref<4x2x128xi32, #tpu.memory_space<vmem>> -> memref<1x2x128xi32, #tpu.memory_space<vmem>>
        %dma_start3A_156 = tpu.memref_squeeze %dma_start3A_155 : memref<1x2x128xi32, #tpu.memory_space<vmem>> -> memref<2x128xi32, #tpu.memory_space<vmem>>
        %dma_start3A_157 = arith.constant 0 : i32
        %dma_start3A_158 = arith.constant 0 : i32
        %dma_start3A_159 = tpu.memref_slice %arg2[%add3A, %add3A_152, %dma_start3A_157, %dma_start3A_158] : memref<32x80x2x128xi32, #tpu.memory_space<hbm>> -> memref<1x1x2x128xi32, #tpu.memory_space<hbm>>
        %dma_start3A_160 = tpu.memref_squeeze %dma_start3A_159 : memref<1x1x2x128xi32, #tpu.memory_space<hbm>> -> memref<2x128xi32, #tpu.memory_space<hbm>>
        %dma_start3A_161 = arith.constant 0 : i32
        %dma_start3A_162 = arith.constant 0 : i32
        %dma_start3A_163 = tpu.memref_slice %arg5[%rem3A_130, %dma_start3A_161, %dma_start3A_162] : memref<4x2x128xi32, #tpu.memory_space<vmem>> -> memref<1x2x128xi32, #tpu.memory_space<vmem>>
        %dma_start3A_164 = tpu.memref_squeeze %dma_start3A_163 : memref<1x2x128xi32, #tpu.memory_space<vmem>> -> memref<2x128xi32, #tpu.memory_space<vmem>>
        %dma_start3A_165 = arith.constant 0 : i32
        %dma_start3A_166 = arith.constant 0 : i32
        %dma_start3A_167 = tpu.memref_slice %arg2[%add3A, %add3A_152, %dma_start3A_165, %dma_start3A_166] : memref<32x80x2x128xi32, #tpu.memory_space<hbm>> -> memref<1x1x2x128xi32, #tpu.memory_space<hbm>>
        %dma_start3A_168 = tpu.memref_squeeze %dma_start3A_167 : memref<1x1x2x128xi32, #tpu.memory_space<hbm>> -> memref<2x128xi32, #tpu.memory_space<hbm>>
        tpu.enqueue_dma source(%dma_start3A_168 : memref<2x128xi32, #tpu.memory_space<hbm>>) target(%dma_start3A_164 : memref<2x128xi32, #tpu.memory_space<vmem>>) target_semaphore(%arg8 : memref<!tpu.dma_semaphore, #tpu.memory_space<semaphore_mem>>)
      } else {
      }
    }
    %scan3A_123 = arith.constant 80 : i32
    %barrier3A_124 = arith.constant 0 : index
    tpu.barrier barrier_id(%barrier3A_124)
    "tpu.region"() ({
      %run_scoped3A = tpu.sem_alloc : memref<!tpu.dma_semaphore, #tpu.memory_space<semaphore_mem>>
      %dma_start3A_125 = tpu.memref_slice %arg4[%arg0, %mul3A_2] : memref<2x10240xf32, #tpu.memory_space<hbm>> -> memref<1x640xf32, #tpu.memory_space<hbm>>
      %dma_start3A_126 = tpu.memref_squeeze %dma_start3A_125 : memref<1x640xf32, #tpu.memory_space<hbm>> -> memref<640xf32, #tpu.memory_space<hbm>>
      %dma_start3A_127 = tpu.memref_slice %arg7[%mul3A_2] : memref<10240xf32, #tpu.memory_space<vmem_shared>> -> memref<640xf32, #tpu.memory_space<vmem_shared>>
      tpu.enqueue_dma source(%dma_start3A_127 : memref<640xf32, #tpu.memory_space<vmem_shared>>) target(%dma_start3A_126 : memref<640xf32, #tpu.memory_space<hbm>>) target_semaphore(%run_scoped3A : memref<!tpu.dma_semaphore, #tpu.memory_space<semaphore_mem>>)
      %dma_wait3A = tpu.memref_slice %arg4[%arg0, %mul3A_2] : memref<2x10240xf32, #tpu.memory_space<hbm>> -> memref<1x640xf32, #tpu.memory_space<hbm>>
      %dma_wait3A_128 = tpu.memref_squeeze %dma_wait3A : memref<1x640xf32, #tpu.memory_space<hbm>> -> memref<640xf32, #tpu.memory_space<hbm>>
      %dma_wait3A_129 = tpu.memref_slice %arg7[%mul3A_2] : memref<10240xf32, #tpu.memory_space<vmem_shared>> -> memref<640xf32, #tpu.memory_space<vmem_shared>>
      tpu.wait_dma2 semaphore(%run_scoped3A : memref<!tpu.dma_semaphore, #tpu.memory_space<semaphore_mem>>) src(%dma_wait3A_129 : memref<640xf32, #tpu.memory_space<vmem_shared>>) dst(%dma_wait3A_128 : memref<640xf32, #tpu.memory_space<hbm>>)
      tpu.yield
    }) : () -> ()
    return
  }
}

#map = affine_map<(d0, d1) -> (0, 0)>
#map1 = affine_map<(d0, d1) -> (0, 0, 0, 0)>
#map2 = affine_map<(d0, d1) -> (0, 0, 0)>
module attributes {stable_mosaic.version = 14 : i64} {
  func.func @body(%arg0: i32, %arg1: i32, %arg2: memref<10240x128xf32, #tpu.memory_space<hbm>>, %arg3: memref<10240x128xf32, #tpu.memory_space<hbm>>, %arg4: memref<32x80x2x128xi32, #tpu.memory_space<hbm>>, %arg5: memref<2x10240x128xf32, #tpu.memory_space<hbm>>, %arg6: memref<4x2x128xi32, #tpu.memory_space<vmem>>, %arg7: memref<2x128x128xf32, #tpu.memory_space<vmem>>, %arg8: memref<10240x128xf32, #tpu.memory_space<vmem_shared>>, %arg9: memref<!tpu.dma_semaphore, #tpu.memory_space<semaphore_mem>>, %arg10: memref<!tpu.dma_semaphore, #tpu.memory_space<semaphore_mem>>) attributes {dimension_semantics = [#tpu.dimension_semantics<core_parallel>, #tpu.dimension_semantics<subcore_parallel>], iteration_bounds = array<i64: 2, 16>, scalar_prefetch = 0 : i64, scratch_operands = 5 : i64, tpu.core_type = #tpu.core_type<sc_vector_subcore>, window_params = [{transform_indices = #map}, {transform_indices = #map}, {transform_indices = #map1}, {transform_indices = #map2}]} {
    %mul3A = arith.constant 2 : i32
    %mul3A_0 = arith.muli %arg1, %mul3A : i32
    %add3A = arith.addi %mul3A_0, %arg0 : i32
    %mul3A_1 = arith.constant 640 : i32
    %mul3A_2 = arith.muli %arg1, %mul3A_1 : i32
    %eq3A = arith.constant 0 : i32
    %eq3A_3 = arith.cmpi eq, %arg0, %eq3A : i32
    %convert_element_type3A = arith.extui %eq3A_3 : i1 to i32
    %cond3A = arith.constant 0 : i32
    %cond3A_4 = arith.cmpi ne, %convert_element_type3A, %cond3A : i32
    scf.if %cond3A_4 {
      "tpu.region"() ({
        %run_scoped3A = tpu.sem_alloc : memref<!tpu.dma_semaphore, #tpu.memory_space<semaphore_mem>>
        %dma_start3A_146 = arith.constant 0 : i32
        %dma_start3A_147 = tpu.memref_slice %arg8[%mul3A_2, %dma_start3A_146] : memref<10240x128xf32, #tpu.memory_space<vmem_shared>> -> memref<640x128xf32, #tpu.memory_space<vmem_shared>>
        %dma_start3A_148 = arith.constant 0 : i32
        %dma_start3A_149 = tpu.memref_slice %arg2[%mul3A_2, %dma_start3A_148] : memref<10240x128xf32, #tpu.memory_space<hbm>> -> memref<640x128xf32, #tpu.memory_space<hbm>>
        tpu.enqueue_dma source(%dma_start3A_149 : memref<640x128xf32, #tpu.memory_space<hbm>>) target(%dma_start3A_147 : memref<640x128xf32, #tpu.memory_space<vmem_shared>>) target_semaphore(%run_scoped3A : memref<!tpu.dma_semaphore, #tpu.memory_space<semaphore_mem>>)
        %dma_wait3A_150 = arith.constant 0 : i32
        %dma_wait3A_151 = tpu.memref_slice %arg8[%mul3A_2, %dma_wait3A_150] : memref<10240x128xf32, #tpu.memory_space<vmem_shared>> -> memref<640x128xf32, #tpu.memory_space<vmem_shared>>
        %dma_wait3A_152 = arith.constant 0 : i32
        %dma_wait3A_153 = tpu.memref_slice %arg2[%mul3A_2, %dma_wait3A_152] : memref<10240x128xf32, #tpu.memory_space<hbm>> -> memref<640x128xf32, #tpu.memory_space<hbm>>
        tpu.wait_dma2 semaphore(%run_scoped3A : memref<!tpu.dma_semaphore, #tpu.memory_space<semaphore_mem>>) src(%dma_wait3A_153 : memref<640x128xf32, #tpu.memory_space<hbm>>) dst(%dma_wait3A_151 : memref<640x128xf32, #tpu.memory_space<vmem_shared>>)
        tpu.yield
      }) : () -> ()
    } else {
    }
    %ne3A = arith.constant 0 : i32
    %ne3A_5 = arith.cmpi ne, %arg0, %ne3A : i32
    %convert_element_type3A_6 = arith.extui %ne3A_5 : i1 to i32
    %cond3A_7 = arith.constant 0 : i32
    %cond3A_8 = arith.cmpi ne, %convert_element_type3A_6, %cond3A_7 : i32
    scf.if %cond3A_8 {
      "tpu.region"() ({
        %run_scoped3A = tpu.sem_alloc : memref<!tpu.dma_semaphore, #tpu.memory_space<semaphore_mem>>
        %dma_start3A_146 = arith.constant 0 : i32
        %dma_start3A_147 = tpu.memref_slice %arg8[%mul3A_2, %dma_start3A_146] : memref<10240x128xf32, #tpu.memory_space<vmem_shared>> -> memref<640x128xf32, #tpu.memory_space<vmem_shared>>
        %dma_start3A_148 = arith.constant 0 : i32
        %dma_start3A_149 = tpu.memref_slice %arg3[%mul3A_2, %dma_start3A_148] : memref<10240x128xf32, #tpu.memory_space<hbm>> -> memref<640x128xf32, #tpu.memory_space<hbm>>
        tpu.enqueue_dma source(%dma_start3A_149 : memref<640x128xf32, #tpu.memory_space<hbm>>) target(%dma_start3A_147 : memref<640x128xf32, #tpu.memory_space<vmem_shared>>) target_semaphore(%run_scoped3A : memref<!tpu.dma_semaphore, #tpu.memory_space<semaphore_mem>>)
        %dma_wait3A_150 = arith.constant 0 : i32
        %dma_wait3A_151 = tpu.memref_slice %arg8[%mul3A_2, %dma_wait3A_150] : memref<10240x128xf32, #tpu.memory_space<vmem_shared>> -> memref<640x128xf32, #tpu.memory_space<vmem_shared>>
        %dma_wait3A_152 = arith.constant 0 : i32
        %dma_wait3A_153 = tpu.memref_slice %arg3[%mul3A_2, %dma_wait3A_152] : memref<10240x128xf32, #tpu.memory_space<hbm>> -> memref<640x128xf32, #tpu.memory_space<hbm>>
        tpu.wait_dma2 semaphore(%run_scoped3A : memref<!tpu.dma_semaphore, #tpu.memory_space<semaphore_mem>>) src(%dma_wait3A_153 : memref<640x128xf32, #tpu.memory_space<hbm>>) dst(%dma_wait3A_151 : memref<640x128xf32, #tpu.memory_space<vmem_shared>>)
        tpu.yield
      }) : () -> ()
    } else {
    }
    %barrier3A = arith.constant 0 : index
    tpu.barrier barrier_id(%barrier3A)
    %dma_start3A = arith.constant 0 : i32
    %dma_start3A_9 = arith.constant 0 : i32
    %dma_start3A_10 = arith.constant 0 : i32
    %dma_start3A_11 = arith.constant 0 : i32
    %dma_start3A_12 = tpu.memref_slice %arg6[%dma_start3A_9, %dma_start3A_10, %dma_start3A_11] : memref<4x2x128xi32, #tpu.memory_space<vmem>> -> memref<1x2x128xi32, #tpu.memory_space<vmem>>
    %dma_start3A_13 = tpu.memref_squeeze %dma_start3A_12 : memref<1x2x128xi32, #tpu.memory_space<vmem>> -> memref<2x128xi32, #tpu.memory_space<vmem>>
    %dma_start3A_14 = arith.constant 0 : i32
    %dma_start3A_15 = arith.constant 0 : i32
    %dma_start3A_16 = tpu.memref_slice %arg4[%add3A, %dma_start3A, %dma_start3A_14, %dma_start3A_15] : memref<32x80x2x128xi32, #tpu.memory_space<hbm>> -> memref<1x1x2x128xi32, #tpu.memory_space<hbm>>
    %dma_start3A_17 = tpu.memref_squeeze %dma_start3A_16 : memref<1x1x2x128xi32, #tpu.memory_space<hbm>> -> memref<2x128xi32, #tpu.memory_space<hbm>>
    %dma_start3A_18 = arith.constant 0 : i32
    %dma_start3A_19 = arith.constant 0 : i32
    %dma_start3A_20 = tpu.memref_slice %arg6[%dma_start3A_9, %dma_start3A_18, %dma_start3A_19] : memref<4x2x128xi32, #tpu.memory_space<vmem>> -> memref<1x2x128xi32, #tpu.memory_space<vmem>>
    %dma_start3A_21 = tpu.memref_squeeze %dma_start3A_20 : memref<1x2x128xi32, #tpu.memory_space<vmem>> -> memref<2x128xi32, #tpu.memory_space<vmem>>
    %dma_start3A_22 = arith.constant 0 : i32
    %dma_start3A_23 = arith.constant 0 : i32
    %dma_start3A_24 = tpu.memref_slice %arg4[%add3A, %dma_start3A, %dma_start3A_22, %dma_start3A_23] : memref<32x80x2x128xi32, #tpu.memory_space<hbm>> -> memref<1x1x2x128xi32, #tpu.memory_space<hbm>>
    %dma_start3A_25 = tpu.memref_squeeze %dma_start3A_24 : memref<1x1x2x128xi32, #tpu.memory_space<hbm>> -> memref<2x128xi32, #tpu.memory_space<hbm>>
    tpu.enqueue_dma source(%dma_start3A_25 : memref<2x128xi32, #tpu.memory_space<hbm>>) target(%dma_start3A_21 : memref<2x128xi32, #tpu.memory_space<vmem>>) target_semaphore(%arg10 : memref<!tpu.dma_semaphore, #tpu.memory_space<semaphore_mem>>)
    %dma_start3A_26 = arith.constant 1 : i32
    %dma_start3A_27 = arith.constant 1 : i32
    %dma_start3A_28 = arith.constant 0 : i32
    %dma_start3A_29 = arith.constant 0 : i32
    %dma_start3A_30 = tpu.memref_slice %arg6[%dma_start3A_27, %dma_start3A_28, %dma_start3A_29] : memref<4x2x128xi32, #tpu.memory_space<vmem>> -> memref<1x2x128xi32, #tpu.memory_space<vmem>>
    %dma_start3A_31 = tpu.memref_squeeze %dma_start3A_30 : memref<1x2x128xi32, #tpu.memory_space<vmem>> -> memref<2x128xi32, #tpu.memory_space<vmem>>
    %dma_start3A_32 = arith.constant 0 : i32
    %dma_start3A_33 = arith.constant 0 : i32
    %dma_start3A_34 = tpu.memref_slice %arg4[%add3A, %dma_start3A_26, %dma_start3A_32, %dma_start3A_33] : memref<32x80x2x128xi32, #tpu.memory_space<hbm>> -> memref<1x1x2x128xi32, #tpu.memory_space<hbm>>
    %dma_start3A_35 = tpu.memref_squeeze %dma_start3A_34 : memref<1x1x2x128xi32, #tpu.memory_space<hbm>> -> memref<2x128xi32, #tpu.memory_space<hbm>>
    %dma_start3A_36 = arith.constant 0 : i32
    %dma_start3A_37 = arith.constant 0 : i32
    %dma_start3A_38 = tpu.memref_slice %arg6[%dma_start3A_27, %dma_start3A_36, %dma_start3A_37] : memref<4x2x128xi32, #tpu.memory_space<vmem>> -> memref<1x2x128xi32, #tpu.memory_space<vmem>>
    %dma_start3A_39 = tpu.memref_squeeze %dma_start3A_38 : memref<1x2x128xi32, #tpu.memory_space<vmem>> -> memref<2x128xi32, #tpu.memory_space<vmem>>
    %dma_start3A_40 = arith.constant 0 : i32
    %dma_start3A_41 = arith.constant 0 : i32
    %dma_start3A_42 = tpu.memref_slice %arg4[%add3A, %dma_start3A_26, %dma_start3A_40, %dma_start3A_41] : memref<32x80x2x128xi32, #tpu.memory_space<hbm>> -> memref<1x1x2x128xi32, #tpu.memory_space<hbm>>
    %dma_start3A_43 = tpu.memref_squeeze %dma_start3A_42 : memref<1x1x2x128xi32, #tpu.memory_space<hbm>> -> memref<2x128xi32, #tpu.memory_space<hbm>>
    tpu.enqueue_dma source(%dma_start3A_43 : memref<2x128xi32, #tpu.memory_space<hbm>>) target(%dma_start3A_39 : memref<2x128xi32, #tpu.memory_space<vmem>>) target_semaphore(%arg10 : memref<!tpu.dma_semaphore, #tpu.memory_space<semaphore_mem>>)
    %dma_start3A_44 = arith.constant 2 : i32
    %dma_start3A_45 = arith.constant 2 : i32
    %dma_start3A_46 = arith.constant 0 : i32
    %dma_start3A_47 = arith.constant 0 : i32
    %dma_start3A_48 = tpu.memref_slice %arg6[%dma_start3A_45, %dma_start3A_46, %dma_start3A_47] : memref<4x2x128xi32, #tpu.memory_space<vmem>> -> memref<1x2x128xi32, #tpu.memory_space<vmem>>
    %dma_start3A_49 = tpu.memref_squeeze %dma_start3A_48 : memref<1x2x128xi32, #tpu.memory_space<vmem>> -> memref<2x128xi32, #tpu.memory_space<vmem>>
    %dma_start3A_50 = arith.constant 0 : i32
    %dma_start3A_51 = arith.constant 0 : i32
    %dma_start3A_52 = tpu.memref_slice %arg4[%add3A, %dma_start3A_44, %dma_start3A_50, %dma_start3A_51] : memref<32x80x2x128xi32, #tpu.memory_space<hbm>> -> memref<1x1x2x128xi32, #tpu.memory_space<hbm>>
    %dma_start3A_53 = tpu.memref_squeeze %dma_start3A_52 : memref<1x1x2x128xi32, #tpu.memory_space<hbm>> -> memref<2x128xi32, #tpu.memory_space<hbm>>
    %dma_start3A_54 = arith.constant 0 : i32
    %dma_start3A_55 = arith.constant 0 : i32
    %dma_start3A_56 = tpu.memref_slice %arg6[%dma_start3A_45, %dma_start3A_54, %dma_start3A_55] : memref<4x2x128xi32, #tpu.memory_space<vmem>> -> memref<1x2x128xi32, #tpu.memory_space<vmem>>
    %dma_start3A_57 = tpu.memref_squeeze %dma_start3A_56 : memref<1x2x128xi32, #tpu.memory_space<vmem>> -> memref<2x128xi32, #tpu.memory_space<vmem>>
    %dma_start3A_58 = arith.constant 0 : i32
    %dma_start3A_59 = arith.constant 0 : i32
    %dma_start3A_60 = tpu.memref_slice %arg4[%add3A, %dma_start3A_44, %dma_start3A_58, %dma_start3A_59] : memref<32x80x2x128xi32, #tpu.memory_space<hbm>> -> memref<1x1x2x128xi32, #tpu.memory_space<hbm>>
    %dma_start3A_61 = tpu.memref_squeeze %dma_start3A_60 : memref<1x1x2x128xi32, #tpu.memory_space<hbm>> -> memref<2x128xi32, #tpu.memory_space<hbm>>
    tpu.enqueue_dma source(%dma_start3A_61 : memref<2x128xi32, #tpu.memory_space<hbm>>) target(%dma_start3A_57 : memref<2x128xi32, #tpu.memory_space<vmem>>) target_semaphore(%arg10 : memref<!tpu.dma_semaphore, #tpu.memory_space<semaphore_mem>>)
    %dma_start3A_62 = arith.constant 3 : i32
    %dma_start3A_63 = arith.constant 3 : i32
    %dma_start3A_64 = arith.constant 0 : i32
    %dma_start3A_65 = arith.constant 0 : i32
    %dma_start3A_66 = tpu.memref_slice %arg6[%dma_start3A_63, %dma_start3A_64, %dma_start3A_65] : memref<4x2x128xi32, #tpu.memory_space<vmem>> -> memref<1x2x128xi32, #tpu.memory_space<vmem>>
    %dma_start3A_67 = tpu.memref_squeeze %dma_start3A_66 : memref<1x2x128xi32, #tpu.memory_space<vmem>> -> memref<2x128xi32, #tpu.memory_space<vmem>>
    %dma_start3A_68 = arith.constant 0 : i32
    %dma_start3A_69 = arith.constant 0 : i32
    %dma_start3A_70 = tpu.memref_slice %arg4[%add3A, %dma_start3A_62, %dma_start3A_68, %dma_start3A_69] : memref<32x80x2x128xi32, #tpu.memory_space<hbm>> -> memref<1x1x2x128xi32, #tpu.memory_space<hbm>>
    %dma_start3A_71 = tpu.memref_squeeze %dma_start3A_70 : memref<1x1x2x128xi32, #tpu.memory_space<hbm>> -> memref<2x128xi32, #tpu.memory_space<hbm>>
    %dma_start3A_72 = arith.constant 0 : i32
    %dma_start3A_73 = arith.constant 0 : i32
    %dma_start3A_74 = tpu.memref_slice %arg6[%dma_start3A_63, %dma_start3A_72, %dma_start3A_73] : memref<4x2x128xi32, #tpu.memory_space<vmem>> -> memref<1x2x128xi32, #tpu.memory_space<vmem>>
    %dma_start3A_75 = tpu.memref_squeeze %dma_start3A_74 : memref<1x2x128xi32, #tpu.memory_space<vmem>> -> memref<2x128xi32, #tpu.memory_space<vmem>>
    %dma_start3A_76 = arith.constant 0 : i32
    %dma_start3A_77 = arith.constant 0 : i32
    %dma_start3A_78 = tpu.memref_slice %arg4[%add3A, %dma_start3A_62, %dma_start3A_76, %dma_start3A_77] : memref<32x80x2x128xi32, #tpu.memory_space<hbm>> -> memref<1x1x2x128xi32, #tpu.memory_space<hbm>>
    %dma_start3A_79 = tpu.memref_squeeze %dma_start3A_78 : memref<1x1x2x128xi32, #tpu.memory_space<hbm>> -> memref<2x128xi32, #tpu.memory_space<hbm>>
    tpu.enqueue_dma source(%dma_start3A_79 : memref<2x128xi32, #tpu.memory_space<hbm>>) target(%dma_start3A_75 : memref<2x128xi32, #tpu.memory_space<vmem>>) target_semaphore(%arg10 : memref<!tpu.dma_semaphore, #tpu.memory_space<semaphore_mem>>)
    %dma_wait3A = arith.constant 0 : i32
    %dma_wait3A_80 = arith.constant 0 : i32
    %dma_wait3A_81 = arith.constant 0 : i32
    %dma_wait3A_82 = arith.constant 0 : i32
    %dma_wait3A_83 = tpu.memref_slice %arg6[%dma_wait3A_80, %dma_wait3A_81, %dma_wait3A_82] : memref<4x2x128xi32, #tpu.memory_space<vmem>> -> memref<1x2x128xi32, #tpu.memory_space<vmem>>
    %dma_wait3A_84 = tpu.memref_squeeze %dma_wait3A_83 : memref<1x2x128xi32, #tpu.memory_space<vmem>> -> memref<2x128xi32, #tpu.memory_space<vmem>>
    %dma_wait3A_85 = arith.constant 0 : i32
    %dma_wait3A_86 = arith.constant 0 : i32
    %dma_wait3A_87 = tpu.memref_slice %arg4[%add3A, %dma_wait3A, %dma_wait3A_85, %dma_wait3A_86] : memref<32x80x2x128xi32, #tpu.memory_space<hbm>> -> memref<1x1x2x128xi32, #tpu.memory_space<hbm>>
    %dma_wait3A_88 = tpu.memref_squeeze %dma_wait3A_87 : memref<1x1x2x128xi32, #tpu.memory_space<hbm>> -> memref<2x128xi32, #tpu.memory_space<hbm>>
    %dma_wait3A_89 = arith.constant 0 : i32
    %dma_wait3A_90 = arith.constant 0 : i32
    %dma_wait3A_91 = tpu.memref_slice %arg6[%dma_wait3A_80, %dma_wait3A_89, %dma_wait3A_90] : memref<4x2x128xi32, #tpu.memory_space<vmem>> -> memref<1x2x128xi32, #tpu.memory_space<vmem>>
    %dma_wait3A_92 = tpu.memref_squeeze %dma_wait3A_91 : memref<1x2x128xi32, #tpu.memory_space<vmem>> -> memref<2x128xi32, #tpu.memory_space<vmem>>
    %dma_wait3A_93 = arith.constant 0 : i32
    %dma_wait3A_94 = arith.constant 0 : i32
    %dma_wait3A_95 = tpu.memref_slice %arg4[%add3A, %dma_wait3A, %dma_wait3A_93, %dma_wait3A_94] : memref<32x80x2x128xi32, #tpu.memory_space<hbm>> -> memref<1x1x2x128xi32, #tpu.memory_space<hbm>>
    %dma_wait3A_96 = tpu.memref_squeeze %dma_wait3A_95 : memref<1x1x2x128xi32, #tpu.memory_space<hbm>> -> memref<2x128xi32, #tpu.memory_space<hbm>>
    tpu.wait_dma2 semaphore(%arg10 : memref<!tpu.dma_semaphore, #tpu.memory_space<semaphore_mem>>) src(%dma_wait3A_96 : memref<2x128xi32, #tpu.memory_space<hbm>>) dst(%dma_wait3A_92 : memref<2x128xi32, #tpu.memory_space<vmem>>)
    %dma_start3A_97 = arith.constant 0 : i32
    %dma_start3A_98 = arith.constant 0 : i32
    %dma_start3A_99 = arith.constant 0 : i32
    %dma_start3A_100 = arith.constant 0 : i32
    %dma_start3A_101 = arith.constant 0 : i32
    %dma_start3A_102 = tpu.memref_slice %arg7[%dma_start3A_99, %dma_start3A_100, %dma_start3A_101] : memref<2x128x128xf32, #tpu.memory_space<vmem>> -> memref<1x128x128xf32, #tpu.memory_space<vmem>>
    %dma_start3A_103 = tpu.memref_squeeze %dma_start3A_102 : memref<1x128x128xf32, #tpu.memory_space<vmem>> -> memref<128x128xf32, #tpu.memory_space<vmem>>
    %dma_start3A_104 = arith.constant 0 : i32
    %dma_start3A_105 = tpu.memref_slice %arg6[%dma_start3A_97, %dma_start3A_98, %dma_start3A_104] : memref<4x2x128xi32, #tpu.memory_space<vmem>> -> memref<1x1x128xi32, #tpu.memory_space<vmem>>
    %dma_start3A_106 = tpu.memref_squeeze %dma_start3A_105 : memref<1x1x128xi32, #tpu.memory_space<vmem>> -> memref<128xi32, #tpu.memory_space<vmem>>
    %dma_start3A_107 = arith.constant 0 : i32
    %dma_start3A_108 = arith.constant 0 : i32
    %dma_start3A_109 = tpu.memref_slice %arg2[%dma_start3A_107, %dma_start3A_108] : memref<10240x128xf32, #tpu.memory_space<hbm>> -> memref<10240x128xf32, #tpu.memory_space<hbm>>
    tpu.enqueue_indirect_dma source(%dma_start3A_109 : memref<10240x128xf32, #tpu.memory_space<hbm>>) target(%dma_start3A_103 : memref<128x128xf32, #tpu.memory_space<vmem>>) offsets(%dma_start3A_106 : memref<128xi32, #tpu.memory_space<vmem>>) semaphore(%arg9 : memref<!tpu.dma_semaphore, #tpu.memory_space<semaphore_mem>>)
    %dma_wait3A_110 = arith.constant 0 : i32
    %dma_wait3A_111 = arith.constant 1 : i32
    %dma_wait3A_112 = arith.constant 0 : i32
    %dma_wait3A_113 = arith.constant 0 : i32
    %dma_wait3A_114 = tpu.memref_slice %arg6[%dma_wait3A_111, %dma_wait3A_112, %dma_wait3A_113] : memref<4x2x128xi32, #tpu.memory_space<vmem>> -> memref<1x2x128xi32, #tpu.memory_space<vmem>>
    %dma_wait3A_115 = tpu.memref_squeeze %dma_wait3A_114 : memref<1x2x128xi32, #tpu.memory_space<vmem>> -> memref<2x128xi32, #tpu.memory_space<vmem>>
    %dma_wait3A_116 = arith.constant 0 : i32
    %dma_wait3A_117 = arith.constant 0 : i32
    %dma_wait3A_118 = tpu.memref_slice %arg4[%add3A, %dma_wait3A_110, %dma_wait3A_116, %dma_wait3A_117] : memref<32x80x2x128xi32, #tpu.memory_space<hbm>> -> memref<1x1x2x128xi32, #tpu.memory_space<hbm>>
    %dma_wait3A_119 = tpu.memref_squeeze %dma_wait3A_118 : memref<1x1x2x128xi32, #tpu.memory_space<hbm>> -> memref<2x128xi32, #tpu.memory_space<hbm>>
    %dma_wait3A_120 = arith.constant 0 : i32
    %dma_wait3A_121 = arith.constant 0 : i32
    %dma_wait3A_122 = tpu.memref_slice %arg6[%dma_wait3A_111, %dma_wait3A_120, %dma_wait3A_121] : memref<4x2x128xi32, #tpu.memory_space<vmem>> -> memref<1x2x128xi32, #tpu.memory_space<vmem>>
    %dma_wait3A_123 = tpu.memref_squeeze %dma_wait3A_122 : memref<1x2x128xi32, #tpu.memory_space<vmem>> -> memref<2x128xi32, #tpu.memory_space<vmem>>
    %dma_wait3A_124 = arith.constant 0 : i32
    %dma_wait3A_125 = arith.constant 0 : i32
    %dma_wait3A_126 = tpu.memref_slice %arg4[%add3A, %dma_wait3A_110, %dma_wait3A_124, %dma_wait3A_125] : memref<32x80x2x128xi32, #tpu.memory_space<hbm>> -> memref<1x1x2x128xi32, #tpu.memory_space<hbm>>
    %dma_wait3A_127 = tpu.memref_squeeze %dma_wait3A_126 : memref<1x1x2x128xi32, #tpu.memory_space<hbm>> -> memref<2x128xi32, #tpu.memory_space<hbm>>
    tpu.wait_dma2 semaphore(%arg10 : memref<!tpu.dma_semaphore, #tpu.memory_space<semaphore_mem>>) src(%dma_wait3A_127 : memref<2x128xi32, #tpu.memory_space<hbm>>) dst(%dma_wait3A_123 : memref<2x128xi32, #tpu.memory_space<vmem>>)
    %dma_start3A_128 = arith.constant 1 : i32
    %dma_start3A_129 = arith.constant 0 : i32
    %dma_start3A_130 = arith.constant 1 : i32
    %dma_start3A_131 = arith.constant 0 : i32
    %dma_start3A_132 = arith.constant 0 : i32
    %dma_start3A_133 = tpu.memref_slice %arg7[%dma_start3A_130, %dma_start3A_131, %dma_start3A_132] : memref<2x128x128xf32, #tpu.memory_space<vmem>> -> memref<1x128x128xf32, #tpu.memory_space<vmem>>
    %dma_start3A_134 = tpu.memref_squeeze %dma_start3A_133 : memref<1x128x128xf32, #tpu.memory_space<vmem>> -> memref<128x128xf32, #tpu.memory_space<vmem>>
    %dma_start3A_135 = arith.constant 0 : i32
    %dma_start3A_136 = tpu.memref_slice %arg6[%dma_start3A_128, %dma_start3A_129, %dma_start3A_135] : memref<4x2x128xi32, #tpu.memory_space<vmem>> -> memref<1x1x128xi32, #tpu.memory_space<vmem>>
    %dma_start3A_137 = tpu.memref_squeeze %dma_start3A_136 : memref<1x1x128xi32, #tpu.memory_space<vmem>> -> memref<128xi32, #tpu.memory_space<vmem>>
    %dma_start3A_138 = arith.constant 0 : i32
    %dma_start3A_139 = arith.constant 0 : i32
    %dma_start3A_140 = tpu.memref_slice %arg2[%dma_start3A_138, %dma_start3A_139] : memref<10240x128xf32, #tpu.memory_space<hbm>> -> memref<10240x128xf32, #tpu.memory_space<hbm>>
    tpu.enqueue_indirect_dma source(%dma_start3A_140 : memref<10240x128xf32, #tpu.memory_space<hbm>>) target(%dma_start3A_134 : memref<128x128xf32, #tpu.memory_space<vmem>>) offsets(%dma_start3A_137 : memref<128xi32, #tpu.memory_space<vmem>>) semaphore(%arg9 : memref<!tpu.dma_semaphore, #tpu.memory_space<semaphore_mem>>)
    %scan3A = arith.constant 0 : i32
    %scan3A_141 = arith.constant 40 : i32
    %scan3A_142 = arith.addi %scan3A, %scan3A_141 : i32
    %scan3A_143 = arith.constant 1 : i32
    scf.for %scan3A_146 = %scan3A to %scan3A_142 step %scan3A_143  : i32 {
      %mul3A_147 = arith.constant 2 : i32
      %mul3A_148 = arith.muli %scan3A_146, %mul3A_147 : i32
      %add3A_149 = arith.constant 0 : i32
      %add3A_150 = arith.addi %add3A_149, %mul3A_148 : i32
      %add3A_151 = arith.constant 0 : i32
      %add3A_152 = arith.addi %add3A_150, %add3A_151 : i32
      %rem3A = arith.constant 4 : i32
      %rem3A_153 = arith.remsi %add3A_152, %rem3A : i32
      %dma_wait3A_154 = arith.constant 0 : i32
      %dma_wait3A_155 = arith.constant 0 : i32
      %dma_wait3A_156 = arith.constant 0 : i32
      %dma_wait3A_157 = tpu.memref_slice %arg7[%dma_wait3A_154, %dma_wait3A_155, %dma_wait3A_156] : memref<2x128x128xf32, #tpu.memory_space<vmem>> -> memref<1x128x128xf32, #tpu.memory_space<vmem>>
      %dma_wait3A_158 = tpu.memref_squeeze %dma_wait3A_157 : memref<1x128x128xf32, #tpu.memory_space<vmem>> -> memref<128x128xf32, #tpu.memory_space<vmem>>
      %dma_wait3A_159 = arith.constant 0 : i32
      %dma_wait3A_160 = arith.constant 0 : i32
      %dma_wait3A_161 = tpu.memref_slice %arg2[%dma_wait3A_159, %dma_wait3A_160] : memref<10240x128xf32, #tpu.memory_space<hbm>> -> memref<128x128xf32, #tpu.memory_space<hbm>>
      %dma_wait3A_162 = arith.constant 0 : i32
      %dma_wait3A_163 = arith.constant 0 : i32
      %dma_wait3A_164 = tpu.memref_slice %arg7[%dma_wait3A_154, %dma_wait3A_162, %dma_wait3A_163] : memref<2x128x128xf32, #tpu.memory_space<vmem>> -> memref<1x128x128xf32, #tpu.memory_space<vmem>>
      %dma_wait3A_165 = tpu.memref_squeeze %dma_wait3A_164 : memref<1x128x128xf32, #tpu.memory_space<vmem>> -> memref<128x128xf32, #tpu.memory_space<vmem>>
      %dma_wait3A_166 = arith.constant 0 : i32
      %dma_wait3A_167 = arith.constant 0 : i32
      %dma_wait3A_168 = tpu.memref_slice %arg2[%dma_wait3A_166, %dma_wait3A_167] : memref<10240x128xf32, #tpu.memory_space<hbm>> -> memref<128x128xf32, #tpu.memory_space<hbm>>
      tpu.wait_dma2 semaphore(%arg9 : memref<!tpu.dma_semaphore, #tpu.memory_space<semaphore_mem>>) src(%dma_wait3A_168 : memref<128x128xf32, #tpu.memory_space<hbm>>) dst(%dma_wait3A_165 : memref<128x128xf32, #tpu.memory_space<vmem>>)
      %run_scoped3A = arith.constant 0 : i32
      %run_scoped3A_169 = arith.constant 1 : i32
      "tpu.region"() ({
        %run_scoped3A_218 = tpu.sem_alloc : memref<!tpu.dma_semaphore, #tpu.memory_space<semaphore_mem>>
        %dma_start3A_219 = arith.constant 0 : i32
        %dma_start3A_220 = arith.constant 0 : i32
        %dma_start3A_221 = tpu.memref_slice %arg7[%run_scoped3A, %dma_start3A_219, %dma_start3A_220] : memref<2x128x128xf32, #tpu.memory_space<vmem>> -> memref<1x128x128xf32, #tpu.memory_space<vmem>>
        %dma_start3A_222 = tpu.memref_squeeze %dma_start3A_221 : memref<1x128x128xf32, #tpu.memory_space<vmem>> -> memref<128x128xf32, #tpu.memory_space<vmem>>
        %dma_start3A_223 = arith.constant 0 : i32
        %dma_start3A_224 = tpu.memref_slice %arg6[%rem3A_153, %run_scoped3A_169, %dma_start3A_223] : memref<4x2x128xi32, #tpu.memory_space<vmem>> -> memref<1x1x128xi32, #tpu.memory_space<vmem>>
        %dma_start3A_225 = tpu.memref_squeeze %dma_start3A_224 : memref<1x1x128xi32, #tpu.memory_space<vmem>> -> memref<128xi32, #tpu.memory_space<vmem>>
        %dma_start3A_226 = arith.constant 0 : i32
        %dma_start3A_227 = arith.constant 0 : i32
        %dma_start3A_228 = tpu.memref_slice %arg8[%dma_start3A_226, %dma_start3A_227] : memref<10240x128xf32, #tpu.memory_space<vmem_shared>> -> memref<10240x128xf32, #tpu.memory_space<vmem_shared>>
        tpu.enqueue_indirect_dma source(%dma_start3A_222 : memref<128x128xf32, #tpu.memory_space<vmem>>) target(%dma_start3A_228 : memref<10240x128xf32, #tpu.memory_space<vmem_shared>>) offsets(%dma_start3A_225 : memref<128xi32, #tpu.memory_space<vmem>>) semaphore(%run_scoped3A_218 : memref<!tpu.dma_semaphore, #tpu.memory_space<semaphore_mem>>) {add = true}
        %dma_wait3A_229 = arith.constant 0 : i32
        %dma_wait3A_230 = arith.constant 0 : i32
        %dma_wait3A_231 = tpu.memref_slice %arg7[%run_scoped3A, %dma_wait3A_229, %dma_wait3A_230] : memref<2x128x128xf32, #tpu.memory_space<vmem>> -> memref<1x128x128xf32, #tpu.memory_space<vmem>>
        %dma_wait3A_232 = tpu.memref_squeeze %dma_wait3A_231 : memref<1x128x128xf32, #tpu.memory_space<vmem>> -> memref<128x128xf32, #tpu.memory_space<vmem>>
        %dma_wait3A_233 = arith.constant 0 : i32
        %dma_wait3A_234 = tpu.memref_slice %arg6[%rem3A_153, %run_scoped3A_169, %dma_wait3A_233] : memref<4x2x128xi32, #tpu.memory_space<vmem>> -> memref<1x1x128xi32, #tpu.memory_space<vmem>>
        %dma_wait3A_235 = tpu.memref_squeeze %dma_wait3A_234 : memref<1x1x128xi32, #tpu.memory_space<vmem>> -> memref<128xi32, #tpu.memory_space<vmem>>
        %dma_wait3A_236 = arith.constant 0 : i32
        %dma_wait3A_237 = arith.constant 0 : i32
        %dma_wait3A_238 = tpu.memref_slice %arg8[%dma_wait3A_236, %dma_wait3A_237] : memref<10240x128xf32, #tpu.memory_space<vmem_shared>> -> memref<10240x128xf32, #tpu.memory_space<vmem_shared>>
        tpu.wait_indirect_dma semaphore(%run_scoped3A_218 : memref<!tpu.dma_semaphore, #tpu.memory_space<semaphore_mem>>) src(%dma_wait3A_232 : memref<128x128xf32, #tpu.memory_space<vmem>>) dst(%dma_wait3A_238 : memref<10240x128xf32, #tpu.memory_space<vmem_shared>>)
        tpu.yield
      }) : () -> ()
      %add3A_170 = arith.constant 4 : i32
      %add3A_171 = arith.addi %add3A_152, %add3A_170 : i32
      %lt3A = arith.constant 80 : i32
      %lt3A_172 = arith.cmpi slt, %add3A_171, %lt3A : i32
      %convert_element_type3A_173 = arith.extui %lt3A_172 : i1 to i32
      %cond3A_174 = arith.constant 0 : i32
      %cond3A_175 = arith.cmpi ne, %convert_element_type3A_173, %cond3A_174 : i32
      scf.if %cond3A_175 {
        %add3A_218 = arith.constant 4 : i32
        %add3A_219 = arith.addi %add3A_152, %add3A_218 : i32
        %dma_start3A_220 = arith.constant 0 : i32
        %dma_start3A_221 = arith.constant 0 : i32
        %dma_start3A_222 = tpu.memref_slice %arg6[%rem3A_153, %dma_start3A_220, %dma_start3A_221] : memref<4x2x128xi32, #tpu.memory_space<vmem>> -> memref<1x2x128xi32, #tpu.memory_space<vmem>>
        %dma_start3A_223 = tpu.memref_squeeze %dma_start3A_222 : memref<1x2x128xi32, #tpu.memory_space<vmem>> -> memref<2x128xi32, #tpu.memory_space<vmem>>
        %dma_start3A_224 = arith.constant 0 : i32
        %dma_start3A_225 = arith.constant 0 : i32
        %dma_start3A_226 = tpu.memref_slice %arg4[%add3A, %add3A_219, %dma_start3A_224, %dma_start3A_225] : memref<32x80x2x128xi32, #tpu.memory_space<hbm>> -> memref<1x1x2x128xi32, #tpu.memory_space<hbm>>
        %dma_start3A_227 = tpu.memref_squeeze %dma_start3A_226 : memref<1x1x2x128xi32, #tpu.memory_space<hbm>> -> memref<2x128xi32, #tpu.memory_space<hbm>>
        %dma_start3A_228 = arith.constant 0 : i32
        %dma_start3A_229 = arith.constant 0 : i32
        %dma_start3A_230 = tpu.memref_slice %arg6[%rem3A_153, %dma_start3A_228, %dma_start3A_229] : memref<4x2x128xi32, #tpu.memory_space<vmem>> -> memref<1x2x128xi32, #tpu.memory_space<vmem>>
        %dma_start3A_231 = tpu.memref_squeeze %dma_start3A_230 : memref<1x2x128xi32, #tpu.memory_space<vmem>> -> memref<2x128xi32, #tpu.memory_space<vmem>>
        %dma_start3A_232 = arith.constant 0 : i32
        %dma_start3A_233 = arith.constant 0 : i32
        %dma_start3A_234 = tpu.memref_slice %arg4[%add3A, %add3A_219, %dma_start3A_232, %dma_start3A_233] : memref<32x80x2x128xi32, #tpu.memory_space<hbm>> -> memref<1x1x2x128xi32, #tpu.memory_space<hbm>>
        %dma_start3A_235 = tpu.memref_squeeze %dma_start3A_234 : memref<1x1x2x128xi32, #tpu.memory_space<hbm>> -> memref<2x128xi32, #tpu.memory_space<hbm>>
        tpu.enqueue_dma source(%dma_start3A_235 : memref<2x128xi32, #tpu.memory_space<hbm>>) target(%dma_start3A_231 : memref<2x128xi32, #tpu.memory_space<vmem>>) target_semaphore(%arg10 : memref<!tpu.dma_semaphore, #tpu.memory_space<semaphore_mem>>)
      } else {
      }
      %add3A_176 = arith.constant 2 : i32
      %add3A_177 = arith.addi %add3A_152, %add3A_176 : i32
      %lt3A_178 = arith.constant 80 : i32
      %lt3A_179 = arith.cmpi slt, %add3A_177, %lt3A_178 : i32
      %convert_element_type3A_180 = arith.extui %lt3A_179 : i1 to i32
      %cond3A_181 = arith.constant 0 : i32
      %cond3A_182 = arith.cmpi ne, %convert_element_type3A_180, %cond3A_181 : i32
      scf.if %cond3A_182 {
        %add3A_218 = arith.constant 2 : i32
        %add3A_219 = arith.addi %add3A_152, %add3A_218 : i32
        %rem3A_220 = arith.constant 4 : i32
        %rem3A_221 = arith.remsi %add3A_219, %rem3A_220 : i32
        %dma_wait3A_222 = arith.constant 0 : i32
        %dma_wait3A_223 = arith.constant 0 : i32
        %dma_wait3A_224 = arith.constant 0 : i32
        %dma_wait3A_225 = tpu.memref_slice %arg6[%rem3A_221, %dma_wait3A_223, %dma_wait3A_224] : memref<4x2x128xi32, #tpu.memory_space<vmem>> -> memref<1x2x128xi32, #tpu.memory_space<vmem>>
        %dma_wait3A_226 = tpu.memref_squeeze %dma_wait3A_225 : memref<1x2x128xi32, #tpu.memory_space<vmem>> -> memref<2x128xi32, #tpu.memory_space<vmem>>
        %dma_wait3A_227 = arith.constant 0 : i32
        %dma_wait3A_228 = arith.constant 0 : i32
        %dma_wait3A_229 = tpu.memref_slice %arg4[%add3A, %dma_wait3A_222, %dma_wait3A_227, %dma_wait3A_228] : memref<32x80x2x128xi32, #tpu.memory_space<hbm>> -> memref<1x1x2x128xi32, #tpu.memory_space<hbm>>
        %dma_wait3A_230 = tpu.memref_squeeze %dma_wait3A_229 : memref<1x1x2x128xi32, #tpu.memory_space<hbm>> -> memref<2x128xi32, #tpu.memory_space<hbm>>
        %dma_wait3A_231 = arith.constant 0 : i32
        %dma_wait3A_232 = arith.constant 0 : i32
        %dma_wait3A_233 = tpu.memref_slice %arg6[%rem3A_221, %dma_wait3A_231, %dma_wait3A_232] : memref<4x2x128xi32, #tpu.memory_space<vmem>> -> memref<1x2x128xi32, #tpu.memory_space<vmem>>
        %dma_wait3A_234 = tpu.memref_squeeze %dma_wait3A_233 : memref<1x2x128xi32, #tpu.memory_space<vmem>> -> memref<2x128xi32, #tpu.memory_space<vmem>>
        %dma_wait3A_235 = arith.constant 0 : i32
        %dma_wait3A_236 = arith.constant 0 : i32
        %dma_wait3A_237 = tpu.memref_slice %arg4[%add3A, %dma_wait3A_222, %dma_wait3A_235, %dma_wait3A_236] : memref<32x80x2x128xi32, #tpu.memory_space<hbm>> -> memref<1x1x2x128xi32, #tpu.memory_space<hbm>>
        %dma_wait3A_238 = tpu.memref_squeeze %dma_wait3A_237 : memref<1x1x2x128xi32, #tpu.memory_space<hbm>> -> memref<2x128xi32, #tpu.memory_space<hbm>>
        tpu.wait_dma2 semaphore(%arg10 : memref<!tpu.dma_semaphore, #tpu.memory_space<semaphore_mem>>) src(%dma_wait3A_238 : memref<2x128xi32, #tpu.memory_space<hbm>>) dst(%dma_wait3A_234 : memref<2x128xi32, #tpu.memory_space<vmem>>)
        %dma_start3A_239 = arith.constant 0 : i32
        %dma_start3A_240 = arith.constant 0 : i32
        %dma_start3A_241 = arith.constant 0 : i32
        %dma_start3A_242 = arith.constant 0 : i32
        %dma_start3A_243 = tpu.memref_slice %arg7[%dma_start3A_240, %dma_start3A_241, %dma_start3A_242] : memref<2x128x128xf32, #tpu.memory_space<vmem>> -> memref<1x128x128xf32, #tpu.memory_space<vmem>>
        %dma_start3A_244 = tpu.memref_squeeze %dma_start3A_243 : memref<1x128x128xf32, #tpu.memory_space<vmem>> -> memref<128x128xf32, #tpu.memory_space<vmem>>
        %dma_start3A_245 = arith.constant 0 : i32
        %dma_start3A_246 = tpu.memref_slice %arg6[%rem3A_221, %dma_start3A_239, %dma_start3A_245] : memref<4x2x128xi32, #tpu.memory_space<vmem>> -> memref<1x1x128xi32, #tpu.memory_space<vmem>>
        %dma_start3A_247 = tpu.memref_squeeze %dma_start3A_246 : memref<1x1x128xi32, #tpu.memory_space<vmem>> -> memref<128xi32, #tpu.memory_space<vmem>>
        %dma_start3A_248 = arith.constant 0 : i32
        %dma_start3A_249 = arith.constant 0 : i32
        %dma_start3A_250 = tpu.memref_slice %arg2[%dma_start3A_248, %dma_start3A_249] : memref<10240x128xf32, #tpu.memory_space<hbm>> -> memref<10240x128xf32, #tpu.memory_space<hbm>>
        tpu.enqueue_indirect_dma source(%dma_start3A_250 : memref<10240x128xf32, #tpu.memory_space<hbm>>) target(%dma_start3A_244 : memref<128x128xf32, #tpu.memory_space<vmem>>) offsets(%dma_start3A_247 : memref<128xi32, #tpu.memory_space<vmem>>) semaphore(%arg9 : memref<!tpu.dma_semaphore, #tpu.memory_space<semaphore_mem>>)
      } else {
      }
      %add3A_183 = arith.constant 1 : i32
      %add3A_184 = arith.addi %add3A_150, %add3A_183 : i32
      %rem3A_185 = arith.constant 4 : i32
      %rem3A_186 = arith.remsi %add3A_184, %rem3A_185 : i32
      %dma_wait3A_187 = arith.constant 1 : i32
      %dma_wait3A_188 = arith.constant 0 : i32
      %dma_wait3A_189 = arith.constant 0 : i32
      %dma_wait3A_190 = tpu.memref_slice %arg7[%dma_wait3A_187, %dma_wait3A_188, %dma_wait3A_189] : memref<2x128x128xf32, #tpu.memory_space<vmem>> -> memref<1x128x128xf32, #tpu.memory_space<vmem>>
      %dma_wait3A_191 = tpu.memref_squeeze %dma_wait3A_190 : memref<1x128x128xf32, #tpu.memory_space<vmem>> -> memref<128x128xf32, #tpu.memory_space<vmem>>
      %dma_wait3A_192 = arith.constant 0 : i32
      %dma_wait3A_193 = arith.constant 0 : i32
      %dma_wait3A_194 = tpu.memref_slice %arg2[%dma_wait3A_192, %dma_wait3A_193] : memref<10240x128xf32, #tpu.memory_space<hbm>> -> memref<128x128xf32, #tpu.memory_space<hbm>>
      %dma_wait3A_195 = arith.constant 0 : i32
      %dma_wait3A_196 = arith.constant 0 : i32
      %dma_wait3A_197 = tpu.memref_slice %arg7[%dma_wait3A_187, %dma_wait3A_195, %dma_wait3A_196] : memref<2x128x128xf32, #tpu.memory_space<vmem>> -> memref<1x128x128xf32, #tpu.memory_space<vmem>>
      %dma_wait3A_198 = tpu.memref_squeeze %dma_wait3A_197 : memref<1x128x128xf32, #tpu.memory_space<vmem>> -> memref<128x128xf32, #tpu.memory_space<vmem>>
      %dma_wait3A_199 = arith.constant 0 : i32
      %dma_wait3A_200 = arith.constant 0 : i32
      %dma_wait3A_201 = tpu.memref_slice %arg2[%dma_wait3A_199, %dma_wait3A_200] : memref<10240x128xf32, #tpu.memory_space<hbm>> -> memref<128x128xf32, #tpu.memory_space<hbm>>
      tpu.wait_dma2 semaphore(%arg9 : memref<!tpu.dma_semaphore, #tpu.memory_space<semaphore_mem>>) src(%dma_wait3A_201 : memref<128x128xf32, #tpu.memory_space<hbm>>) dst(%dma_wait3A_198 : memref<128x128xf32, #tpu.memory_space<vmem>>)
      %run_scoped3A_202 = arith.constant 1 : i32
      %run_scoped3A_203 = arith.constant 1 : i32
      "tpu.region"() ({
        %run_scoped3A_218 = tpu.sem_alloc : memref<!tpu.dma_semaphore, #tpu.memory_space<semaphore_mem>>
        %dma_start3A_219 = arith.constant 0 : i32
        %dma_start3A_220 = arith.constant 0 : i32
        %dma_start3A_221 = tpu.memref_slice %arg7[%run_scoped3A_202, %dma_start3A_219, %dma_start3A_220] : memref<2x128x128xf32, #tpu.memory_space<vmem>> -> memref<1x128x128xf32, #tpu.memory_space<vmem>>
        %dma_start3A_222 = tpu.memref_squeeze %dma_start3A_221 : memref<1x128x128xf32, #tpu.memory_space<vmem>> -> memref<128x128xf32, #tpu.memory_space<vmem>>
        %dma_start3A_223 = arith.constant 0 : i32
        %dma_start3A_224 = tpu.memref_slice %arg6[%rem3A_186, %run_scoped3A_203, %dma_start3A_223] : memref<4x2x128xi32, #tpu.memory_space<vmem>> -> memref<1x1x128xi32, #tpu.memory_space<vmem>>
        %dma_start3A_225 = tpu.memref_squeeze %dma_start3A_224 : memref<1x1x128xi32, #tpu.memory_space<vmem>> -> memref<128xi32, #tpu.memory_space<vmem>>
        %dma_start3A_226 = arith.constant 0 : i32
        %dma_start3A_227 = arith.constant 0 : i32
        %dma_start3A_228 = tpu.memref_slice %arg8[%dma_start3A_226, %dma_start3A_227] : memref<10240x128xf32, #tpu.memory_space<vmem_shared>> -> memref<10240x128xf32, #tpu.memory_space<vmem_shared>>
        tpu.enqueue_indirect_dma source(%dma_start3A_222 : memref<128x128xf32, #tpu.memory_space<vmem>>) target(%dma_start3A_228 : memref<10240x128xf32, #tpu.memory_space<vmem_shared>>) offsets(%dma_start3A_225 : memref<128xi32, #tpu.memory_space<vmem>>) semaphore(%run_scoped3A_218 : memref<!tpu.dma_semaphore, #tpu.memory_space<semaphore_mem>>) {add = true}
        %dma_wait3A_229 = arith.constant 0 : i32
        %dma_wait3A_230 = arith.constant 0 : i32
        %dma_wait3A_231 = tpu.memref_slice %arg7[%run_scoped3A_202, %dma_wait3A_229, %dma_wait3A_230] : memref<2x128x128xf32, #tpu.memory_space<vmem>> -> memref<1x128x128xf32, #tpu.memory_space<vmem>>
        %dma_wait3A_232 = tpu.memref_squeeze %dma_wait3A_231 : memref<1x128x128xf32, #tpu.memory_space<vmem>> -> memref<128x128xf32, #tpu.memory_space<vmem>>
        %dma_wait3A_233 = arith.constant 0 : i32
        %dma_wait3A_234 = tpu.memref_slice %arg6[%rem3A_186, %run_scoped3A_203, %dma_wait3A_233] : memref<4x2x128xi32, #tpu.memory_space<vmem>> -> memref<1x1x128xi32, #tpu.memory_space<vmem>>
        %dma_wait3A_235 = tpu.memref_squeeze %dma_wait3A_234 : memref<1x1x128xi32, #tpu.memory_space<vmem>> -> memref<128xi32, #tpu.memory_space<vmem>>
        %dma_wait3A_236 = arith.constant 0 : i32
        %dma_wait3A_237 = arith.constant 0 : i32
        %dma_wait3A_238 = tpu.memref_slice %arg8[%dma_wait3A_236, %dma_wait3A_237] : memref<10240x128xf32, #tpu.memory_space<vmem_shared>> -> memref<10240x128xf32, #tpu.memory_space<vmem_shared>>
        tpu.wait_indirect_dma semaphore(%run_scoped3A_218 : memref<!tpu.dma_semaphore, #tpu.memory_space<semaphore_mem>>) src(%dma_wait3A_232 : memref<128x128xf32, #tpu.memory_space<vmem>>) dst(%dma_wait3A_238 : memref<10240x128xf32, #tpu.memory_space<vmem_shared>>)
        tpu.yield
      }) : () -> ()
      %add3A_204 = arith.constant 4 : i32
      %add3A_205 = arith.addi %add3A_184, %add3A_204 : i32
      %lt3A_206 = arith.constant 80 : i32
      %lt3A_207 = arith.cmpi slt, %add3A_205, %lt3A_206 : i32
      %convert_element_type3A_208 = arith.extui %lt3A_207 : i1 to i32
      %cond3A_209 = arith.constant 0 : i32
      %cond3A_210 = arith.cmpi ne, %convert_element_type3A_208, %cond3A_209 : i32
      scf.if %cond3A_210 {
        %add3A_218 = arith.constant 4 : i32
        %add3A_219 = arith.addi %add3A_184, %add3A_218 : i32
        %dma_start3A_220 = arith.constant 0 : i32
        %dma_start3A_221 = arith.constant 0 : i32
        %dma_start3A_222 = tpu.memref_slice %arg6[%rem3A_186, %dma_start3A_220, %dma_start3A_221] : memref<4x2x128xi32, #tpu.memory_space<vmem>> -> memref<1x2x128xi32, #tpu.memory_space<vmem>>
        %dma_start3A_223 = tpu.memref_squeeze %dma_start3A_222 : memref<1x2x128xi32, #tpu.memory_space<vmem>> -> memref<2x128xi32, #tpu.memory_space<vmem>>
        %dma_start3A_224 = arith.constant 0 : i32
        %dma_start3A_225 = arith.constant 0 : i32
        %dma_start3A_226 = tpu.memref_slice %arg4[%add3A, %add3A_219, %dma_start3A_224, %dma_start3A_225] : memref<32x80x2x128xi32, #tpu.memory_space<hbm>> -> memref<1x1x2x128xi32, #tpu.memory_space<hbm>>
        %dma_start3A_227 = tpu.memref_squeeze %dma_start3A_226 : memref<1x1x2x128xi32, #tpu.memory_space<hbm>> -> memref<2x128xi32, #tpu.memory_space<hbm>>
        %dma_start3A_228 = arith.constant 0 : i32
        %dma_start3A_229 = arith.constant 0 : i32
        %dma_start3A_230 = tpu.memref_slice %arg6[%rem3A_186, %dma_start3A_228, %dma_start3A_229] : memref<4x2x128xi32, #tpu.memory_space<vmem>> -> memref<1x2x128xi32, #tpu.memory_space<vmem>>
        %dma_start3A_231 = tpu.memref_squeeze %dma_start3A_230 : memref<1x2x128xi32, #tpu.memory_space<vmem>> -> memref<2x128xi32, #tpu.memory_space<vmem>>
        %dma_start3A_232 = arith.constant 0 : i32
        %dma_start3A_233 = arith.constant 0 : i32
        %dma_start3A_234 = tpu.memref_slice %arg4[%add3A, %add3A_219, %dma_start3A_232, %dma_start3A_233] : memref<32x80x2x128xi32, #tpu.memory_space<hbm>> -> memref<1x1x2x128xi32, #tpu.memory_space<hbm>>
        %dma_start3A_235 = tpu.memref_squeeze %dma_start3A_234 : memref<1x1x2x128xi32, #tpu.memory_space<hbm>> -> memref<2x128xi32, #tpu.memory_space<hbm>>
        tpu.enqueue_dma source(%dma_start3A_235 : memref<2x128xi32, #tpu.memory_space<hbm>>) target(%dma_start3A_231 : memref<2x128xi32, #tpu.memory_space<vmem>>) target_semaphore(%arg10 : memref<!tpu.dma_semaphore, #tpu.memory_space<semaphore_mem>>)
      } else {
      }
      %add3A_211 = arith.constant 2 : i32
      %add3A_212 = arith.addi %add3A_184, %add3A_211 : i32
      %lt3A_213 = arith.constant 80 : i32
      %lt3A_214 = arith.cmpi slt, %add3A_212, %lt3A_213 : i32
      %convert_element_type3A_215 = arith.extui %lt3A_214 : i1 to i32
      %cond3A_216 = arith.constant 0 : i32
      %cond3A_217 = arith.cmpi ne, %convert_element_type3A_215, %cond3A_216 : i32
      scf.if %cond3A_217 {
        %add3A_218 = arith.constant 2 : i32
        %add3A_219 = arith.addi %add3A_184, %add3A_218 : i32
        %rem3A_220 = arith.constant 4 : i32
        %rem3A_221 = arith.remsi %add3A_219, %rem3A_220 : i32
        %dma_wait3A_222 = arith.constant 0 : i32
        %dma_wait3A_223 = arith.constant 0 : i32
        %dma_wait3A_224 = arith.constant 0 : i32
        %dma_wait3A_225 = tpu.memref_slice %arg6[%rem3A_221, %dma_wait3A_223, %dma_wait3A_224] : memref<4x2x128xi32, #tpu.memory_space<vmem>> -> memref<1x2x128xi32, #tpu.memory_space<vmem>>
        %dma_wait3A_226 = tpu.memref_squeeze %dma_wait3A_225 : memref<1x2x128xi32, #tpu.memory_space<vmem>> -> memref<2x128xi32, #tpu.memory_space<vmem>>
        %dma_wait3A_227 = arith.constant 0 : i32
        %dma_wait3A_228 = arith.constant 0 : i32
        %dma_wait3A_229 = tpu.memref_slice %arg4[%add3A, %dma_wait3A_222, %dma_wait3A_227, %dma_wait3A_228] : memref<32x80x2x128xi32, #tpu.memory_space<hbm>> -> memref<1x1x2x128xi32, #tpu.memory_space<hbm>>
        %dma_wait3A_230 = tpu.memref_squeeze %dma_wait3A_229 : memref<1x1x2x128xi32, #tpu.memory_space<hbm>> -> memref<2x128xi32, #tpu.memory_space<hbm>>
        %dma_wait3A_231 = arith.constant 0 : i32
        %dma_wait3A_232 = arith.constant 0 : i32
        %dma_wait3A_233 = tpu.memref_slice %arg6[%rem3A_221, %dma_wait3A_231, %dma_wait3A_232] : memref<4x2x128xi32, #tpu.memory_space<vmem>> -> memref<1x2x128xi32, #tpu.memory_space<vmem>>
        %dma_wait3A_234 = tpu.memref_squeeze %dma_wait3A_233 : memref<1x2x128xi32, #tpu.memory_space<vmem>> -> memref<2x128xi32, #tpu.memory_space<vmem>>
        %dma_wait3A_235 = arith.constant 0 : i32
        %dma_wait3A_236 = arith.constant 0 : i32
        %dma_wait3A_237 = tpu.memref_slice %arg4[%add3A, %dma_wait3A_222, %dma_wait3A_235, %dma_wait3A_236] : memref<32x80x2x128xi32, #tpu.memory_space<hbm>> -> memref<1x1x2x128xi32, #tpu.memory_space<hbm>>
        %dma_wait3A_238 = tpu.memref_squeeze %dma_wait3A_237 : memref<1x1x2x128xi32, #tpu.memory_space<hbm>> -> memref<2x128xi32, #tpu.memory_space<hbm>>
        tpu.wait_dma2 semaphore(%arg10 : memref<!tpu.dma_semaphore, #tpu.memory_space<semaphore_mem>>) src(%dma_wait3A_238 : memref<2x128xi32, #tpu.memory_space<hbm>>) dst(%dma_wait3A_234 : memref<2x128xi32, #tpu.memory_space<vmem>>)
        %dma_start3A_239 = arith.constant 0 : i32
        %dma_start3A_240 = arith.constant 1 : i32
        %dma_start3A_241 = arith.constant 0 : i32
        %dma_start3A_242 = arith.constant 0 : i32
        %dma_start3A_243 = tpu.memref_slice %arg7[%dma_start3A_240, %dma_start3A_241, %dma_start3A_242] : memref<2x128x128xf32, #tpu.memory_space<vmem>> -> memref<1x128x128xf32, #tpu.memory_space<vmem>>
        %dma_start3A_244 = tpu.memref_squeeze %dma_start3A_243 : memref<1x128x128xf32, #tpu.memory_space<vmem>> -> memref<128x128xf32, #tpu.memory_space<vmem>>
        %dma_start3A_245 = arith.constant 0 : i32
        %dma_start3A_246 = tpu.memref_slice %arg6[%rem3A_221, %dma_start3A_239, %dma_start3A_245] : memref<4x2x128xi32, #tpu.memory_space<vmem>> -> memref<1x1x128xi32, #tpu.memory_space<vmem>>
        %dma_start3A_247 = tpu.memref_squeeze %dma_start3A_246 : memref<1x1x128xi32, #tpu.memory_space<vmem>> -> memref<128xi32, #tpu.memory_space<vmem>>
        %dma_start3A_248 = arith.constant 0 : i32
        %dma_start3A_249 = arith.constant 0 : i32
        %dma_start3A_250 = tpu.memref_slice %arg2[%dma_start3A_248, %dma_start3A_249] : memref<10240x128xf32, #tpu.memory_space<hbm>> -> memref<10240x128xf32, #tpu.memory_space<hbm>>
        tpu.enqueue_indirect_dma source(%dma_start3A_250 : memref<10240x128xf32, #tpu.memory_space<hbm>>) target(%dma_start3A_244 : memref<128x128xf32, #tpu.memory_space<vmem>>) offsets(%dma_start3A_247 : memref<128xi32, #tpu.memory_space<vmem>>) semaphore(%arg9 : memref<!tpu.dma_semaphore, #tpu.memory_space<semaphore_mem>>)
      } else {
      }
    }
    %scan3A_144 = arith.constant 40 : i32
    %barrier3A_145 = arith.constant 0 : index
    tpu.barrier barrier_id(%barrier3A_145)
    "tpu.region"() ({
      %run_scoped3A = tpu.sem_alloc : memref<!tpu.dma_semaphore, #tpu.memory_space<semaphore_mem>>
      %dma_start3A_146 = arith.constant 0 : i32
      %dma_start3A_147 = tpu.memref_slice %arg5[%arg0, %mul3A_2, %dma_start3A_146] : memref<2x10240x128xf32, #tpu.memory_space<hbm>> -> memref<1x640x128xf32, #tpu.memory_space<hbm>>
      %dma_start3A_148 = tpu.memref_squeeze %dma_start3A_147 : memref<1x640x128xf32, #tpu.memory_space<hbm>> -> memref<640x128xf32, #tpu.memory_space<hbm>>
      %dma_start3A_149 = arith.constant 0 : i32
      %dma_start3A_150 = tpu.memref_slice %arg8[%mul3A_2, %dma_start3A_149] : memref<10240x128xf32, #tpu.memory_space<vmem_shared>> -> memref<640x128xf32, #tpu.memory_space<vmem_shared>>
      tpu.enqueue_dma source(%dma_start3A_150 : memref<640x128xf32, #tpu.memory_space<vmem_shared>>) target(%dma_start3A_148 : memref<640x128xf32, #tpu.memory_space<hbm>>) target_semaphore(%run_scoped3A : memref<!tpu.dma_semaphore, #tpu.memory_space<semaphore_mem>>)
      %dma_wait3A_151 = arith.constant 0 : i32
      %dma_wait3A_152 = tpu.memref_slice %arg5[%arg0, %mul3A_2, %dma_wait3A_151] : memref<2x10240x128xf32, #tpu.memory_space<hbm>> -> memref<1x640x128xf32, #tpu.memory_space<hbm>>
      %dma_wait3A_153 = tpu.memref_squeeze %dma_wait3A_152 : memref<1x640x128xf32, #tpu.memory_space<hbm>> -> memref<640x128xf32, #tpu.memory_space<hbm>>
      %dma_wait3A_154 = arith.constant 0 : i32
      %dma_wait3A_155 = tpu.memref_slice %arg8[%mul3A_2, %dma_wait3A_154] : memref<10240x128xf32, #tpu.memory_space<vmem_shared>> -> memref<640x128xf32, #tpu.memory_space<vmem_shared>>
      tpu.wait_dma2 semaphore(%run_scoped3A : memref<!tpu.dma_semaphore, #tpu.memory_space<semaphore_mem>>) src(%dma_wait3A_155 : memref<640x128xf32, #tpu.memory_space<vmem_shared>>) dst(%dma_wait3A_153 : memref<640x128xf32, #tpu.memory_space<hbm>>)
      tpu.yield
    }) : () -> ()
    return
  }
}

#map = affine_map<(d0, d1) -> (0, 0)>
#map1 = affine_map<(d0, d1) -> (0, 0, 0, 0)>
#map2 = affine_map<(d0, d1) -> (0, 0, 0)>
module attributes {stable_mosaic.version = 14 : i64} {
  func.func @body(%arg0: i32, %arg1: i32, %arg2: memref<10240x128xf32, #tpu.memory_space<hbm>>, %arg3: memref<10240x128xf32, #tpu.memory_space<hbm>>, %arg4: memref<10240x128xf32, #tpu.memory_space<hbm>>, %arg5: memref<32x80x2x128xi32, #tpu.memory_space<hbm>>, %arg6: memref<2x10240x128xf32, #tpu.memory_space<hbm>>, %arg7: memref<2x10240x128xf32, #tpu.memory_space<hbm>>, %arg8: memref<4x2x128xi32, #tpu.memory_space<vmem>>, %arg9: memref<2x128x128xf32, #tpu.memory_space<vmem>>, %arg10: memref<10240x128xf32, #tpu.memory_space<vmem_shared>>, %arg11: memref<!tpu.dma_semaphore, #tpu.memory_space<semaphore_mem>>, %arg12: memref<!tpu.dma_semaphore, #tpu.memory_space<semaphore_mem>>) attributes {dimension_semantics = [#tpu.dimension_semantics<core_parallel>, #tpu.dimension_semantics<subcore_parallel>], iteration_bounds = array<i64: 2, 16>, scalar_prefetch = 0 : i64, scratch_operands = 5 : i64, tpu.core_type = #tpu.core_type<sc_vector_subcore>, window_params = [{transform_indices = #map}, {transform_indices = #map}, {transform_indices = #map}, {transform_indices = #map1}, {transform_indices = #map2}, {transform_indices = #map2}]} {
    %mul3A = arith.constant 2 : i32
    %mul3A_0 = arith.muli %arg1, %mul3A : i32
    %add3A = arith.addi %mul3A_0, %arg0 : i32
    %mul3A_1 = arith.constant 640 : i32
    %mul3A_2 = arith.muli %arg1, %mul3A_1 : i32
    %eq3A = arith.constant 0 : i32
    %eq3A_3 = arith.cmpi eq, %arg0, %eq3A : i32
    %convert_element_type3A = arith.extui %eq3A_3 : i1 to i32
    %cond3A = arith.constant 0 : i32
    %cond3A_4 = arith.cmpi ne, %convert_element_type3A, %cond3A : i32
    scf.if %cond3A_4 {
      "tpu.region"() ({
        %run_scoped3A = tpu.sem_alloc : memref<!tpu.dma_semaphore, #tpu.memory_space<semaphore_mem>>
        %dma_start3A_297 = arith.constant 0 : i32
        %dma_start3A_298 = tpu.memref_slice %arg10[%mul3A_2, %dma_start3A_297] : memref<10240x128xf32, #tpu.memory_space<vmem_shared>> -> memref<640x128xf32, #tpu.memory_space<vmem_shared>>
        %dma_start3A_299 = arith.constant 0 : i32
        %dma_start3A_300 = tpu.memref_slice %arg2[%mul3A_2, %dma_start3A_299] : memref<10240x128xf32, #tpu.memory_space<hbm>> -> memref<640x128xf32, #tpu.memory_space<hbm>>
        tpu.enqueue_dma source(%dma_start3A_300 : memref<640x128xf32, #tpu.memory_space<hbm>>) target(%dma_start3A_298 : memref<640x128xf32, #tpu.memory_space<vmem_shared>>) target_semaphore(%run_scoped3A : memref<!tpu.dma_semaphore, #tpu.memory_space<semaphore_mem>>)
        %dma_wait3A_301 = arith.constant 0 : i32
        %dma_wait3A_302 = tpu.memref_slice %arg10[%mul3A_2, %dma_wait3A_301] : memref<10240x128xf32, #tpu.memory_space<vmem_shared>> -> memref<640x128xf32, #tpu.memory_space<vmem_shared>>
        %dma_wait3A_303 = arith.constant 0 : i32
        %dma_wait3A_304 = tpu.memref_slice %arg2[%mul3A_2, %dma_wait3A_303] : memref<10240x128xf32, #tpu.memory_space<hbm>> -> memref<640x128xf32, #tpu.memory_space<hbm>>
        tpu.wait_dma2 semaphore(%run_scoped3A : memref<!tpu.dma_semaphore, #tpu.memory_space<semaphore_mem>>) src(%dma_wait3A_304 : memref<640x128xf32, #tpu.memory_space<hbm>>) dst(%dma_wait3A_302 : memref<640x128xf32, #tpu.memory_space<vmem_shared>>)
        tpu.yield
      }) : () -> ()
    } else {
    }
    %ne3A = arith.constant 0 : i32
    %ne3A_5 = arith.cmpi ne, %arg0, %ne3A : i32
    %convert_element_type3A_6 = arith.extui %ne3A_5 : i1 to i32
    %cond3A_7 = arith.constant 0 : i32
    %cond3A_8 = arith.cmpi ne, %convert_element_type3A_6, %cond3A_7 : i32
    scf.if %cond3A_8 {
      "tpu.region"() ({
        %run_scoped3A = tpu.sem_alloc : memref<!tpu.dma_semaphore, #tpu.memory_space<semaphore_mem>>
        %dma_start3A_297 = arith.constant 0 : i32
        %dma_start3A_298 = tpu.memref_slice %arg10[%mul3A_2, %dma_start3A_297] : memref<10240x128xf32, #tpu.memory_space<vmem_shared>> -> memref<640x128xf32, #tpu.memory_space<vmem_shared>>
        %dma_start3A_299 = arith.constant 0 : i32
        %dma_start3A_300 = tpu.memref_slice %arg4[%mul3A_2, %dma_start3A_299] : memref<10240x128xf32, #tpu.memory_space<hbm>> -> memref<640x128xf32, #tpu.memory_space<hbm>>
        tpu.enqueue_dma source(%dma_start3A_300 : memref<640x128xf32, #tpu.memory_space<hbm>>) target(%dma_start3A_298 : memref<640x128xf32, #tpu.memory_space<vmem_shared>>) target_semaphore(%run_scoped3A : memref<!tpu.dma_semaphore, #tpu.memory_space<semaphore_mem>>)
        %dma_wait3A_301 = arith.constant 0 : i32
        %dma_wait3A_302 = tpu.memref_slice %arg10[%mul3A_2, %dma_wait3A_301] : memref<10240x128xf32, #tpu.memory_space<vmem_shared>> -> memref<640x128xf32, #tpu.memory_space<vmem_shared>>
        %dma_wait3A_303 = arith.constant 0 : i32
        %dma_wait3A_304 = tpu.memref_slice %arg4[%mul3A_2, %dma_wait3A_303] : memref<10240x128xf32, #tpu.memory_space<hbm>> -> memref<640x128xf32, #tpu.memory_space<hbm>>
        tpu.wait_dma2 semaphore(%run_scoped3A : memref<!tpu.dma_semaphore, #tpu.memory_space<semaphore_mem>>) src(%dma_wait3A_304 : memref<640x128xf32, #tpu.memory_space<hbm>>) dst(%dma_wait3A_302 : memref<640x128xf32, #tpu.memory_space<vmem_shared>>)
        tpu.yield
      }) : () -> ()
    } else {
    }
    %barrier3A = arith.constant 0 : index
    tpu.barrier barrier_id(%barrier3A)
    %dma_start3A = arith.constant 0 : i32
    %dma_start3A_9 = arith.constant 0 : i32
    %dma_start3A_10 = arith.constant 0 : i32
    %dma_start3A_11 = arith.constant 0 : i32
    %dma_start3A_12 = tpu.memref_slice %arg8[%dma_start3A_9, %dma_start3A_10, %dma_start3A_11] : memref<4x2x128xi32, #tpu.memory_space<vmem>> -> memref<1x2x128xi32, #tpu.memory_space<vmem>>
    %dma_start3A_13 = tpu.memref_squeeze %dma_start3A_12 : memref<1x2x128xi32, #tpu.memory_space<vmem>> -> memref<2x128xi32, #tpu.memory_space<vmem>>
    %dma_start3A_14 = arith.constant 0 : i32
    %dma_start3A_15 = arith.constant 0 : i32
    %dma_start3A_16 = tpu.memref_slice %arg5[%add3A, %dma_start3A, %dma_start3A_14, %dma_start3A_15] : memref<32x80x2x128xi32, #tpu.memory_space<hbm>> -> memref<1x1x2x128xi32, #tpu.memory_space<hbm>>
    %dma_start3A_17 = tpu.memref_squeeze %dma_start3A_16 : memref<1x1x2x128xi32, #tpu.memory_space<hbm>> -> memref<2x128xi32, #tpu.memory_space<hbm>>
    %dma_start3A_18 = arith.constant 0 : i32
    %dma_start3A_19 = arith.constant 0 : i32
    %dma_start3A_20 = tpu.memref_slice %arg8[%dma_start3A_9, %dma_start3A_18, %dma_start3A_19] : memref<4x2x128xi32, #tpu.memory_space<vmem>> -> memref<1x2x128xi32, #tpu.memory_space<vmem>>
    %dma_start3A_21 = tpu.memref_squeeze %dma_start3A_20 : memref<1x2x128xi32, #tpu.memory_space<vmem>> -> memref<2x128xi32, #tpu.memory_space<vmem>>
    %dma_start3A_22 = arith.constant 0 : i32
    %dma_start3A_23 = arith.constant 0 : i32
    %dma_start3A_24 = tpu.memref_slice %arg5[%add3A, %dma_start3A, %dma_start3A_22, %dma_start3A_23] : memref<32x80x2x128xi32, #tpu.memory_space<hbm>> -> memref<1x1x2x128xi32, #tpu.memory_space<hbm>>
    %dma_start3A_25 = tpu.memref_squeeze %dma_start3A_24 : memref<1x1x2x128xi32, #tpu.memory_space<hbm>> -> memref<2x128xi32, #tpu.memory_space<hbm>>
    tpu.enqueue_dma source(%dma_start3A_25 : memref<2x128xi32, #tpu.memory_space<hbm>>) target(%dma_start3A_21 : memref<2x128xi32, #tpu.memory_space<vmem>>) target_semaphore(%arg12 : memref<!tpu.dma_semaphore, #tpu.memory_space<semaphore_mem>>)
    %dma_start3A_26 = arith.constant 1 : i32
    %dma_start3A_27 = arith.constant 1 : i32
    %dma_start3A_28 = arith.constant 0 : i32
    %dma_start3A_29 = arith.constant 0 : i32
    %dma_start3A_30 = tpu.memref_slice %arg8[%dma_start3A_27, %dma_start3A_28, %dma_start3A_29] : memref<4x2x128xi32, #tpu.memory_space<vmem>> -> memref<1x2x128xi32, #tpu.memory_space<vmem>>
    %dma_start3A_31 = tpu.memref_squeeze %dma_start3A_30 : memref<1x2x128xi32, #tpu.memory_space<vmem>> -> memref<2x128xi32, #tpu.memory_space<vmem>>
    %dma_start3A_32 = arith.constant 0 : i32
    %dma_start3A_33 = arith.constant 0 : i32
    %dma_start3A_34 = tpu.memref_slice %arg5[%add3A, %dma_start3A_26, %dma_start3A_32, %dma_start3A_33] : memref<32x80x2x128xi32, #tpu.memory_space<hbm>> -> memref<1x1x2x128xi32, #tpu.memory_space<hbm>>
    %dma_start3A_35 = tpu.memref_squeeze %dma_start3A_34 : memref<1x1x2x128xi32, #tpu.memory_space<hbm>> -> memref<2x128xi32, #tpu.memory_space<hbm>>
    %dma_start3A_36 = arith.constant 0 : i32
    %dma_start3A_37 = arith.constant 0 : i32
    %dma_start3A_38 = tpu.memref_slice %arg8[%dma_start3A_27, %dma_start3A_36, %dma_start3A_37] : memref<4x2x128xi32, #tpu.memory_space<vmem>> -> memref<1x2x128xi32, #tpu.memory_space<vmem>>
    %dma_start3A_39 = tpu.memref_squeeze %dma_start3A_38 : memref<1x2x128xi32, #tpu.memory_space<vmem>> -> memref<2x128xi32, #tpu.memory_space<vmem>>
    %dma_start3A_40 = arith.constant 0 : i32
    %dma_start3A_41 = arith.constant 0 : i32
    %dma_start3A_42 = tpu.memref_slice %arg5[%add3A, %dma_start3A_26, %dma_start3A_40, %dma_start3A_41] : memref<32x80x2x128xi32, #tpu.memory_space<hbm>> -> memref<1x1x2x128xi32, #tpu.memory_space<hbm>>
    %dma_start3A_43 = tpu.memref_squeeze %dma_start3A_42 : memref<1x1x2x128xi32, #tpu.memory_space<hbm>> -> memref<2x128xi32, #tpu.memory_space<hbm>>
    tpu.enqueue_dma source(%dma_start3A_43 : memref<2x128xi32, #tpu.memory_space<hbm>>) target(%dma_start3A_39 : memref<2x128xi32, #tpu.memory_space<vmem>>) target_semaphore(%arg12 : memref<!tpu.dma_semaphore, #tpu.memory_space<semaphore_mem>>)
    %dma_start3A_44 = arith.constant 2 : i32
    %dma_start3A_45 = arith.constant 2 : i32
    %dma_start3A_46 = arith.constant 0 : i32
    %dma_start3A_47 = arith.constant 0 : i32
    %dma_start3A_48 = tpu.memref_slice %arg8[%dma_start3A_45, %dma_start3A_46, %dma_start3A_47] : memref<4x2x128xi32, #tpu.memory_space<vmem>> -> memref<1x2x128xi32, #tpu.memory_space<vmem>>
    %dma_start3A_49 = tpu.memref_squeeze %dma_start3A_48 : memref<1x2x128xi32, #tpu.memory_space<vmem>> -> memref<2x128xi32, #tpu.memory_space<vmem>>
    %dma_start3A_50 = arith.constant 0 : i32
    %dma_start3A_51 = arith.constant 0 : i32
    %dma_start3A_52 = tpu.memref_slice %arg5[%add3A, %dma_start3A_44, %dma_start3A_50, %dma_start3A_51] : memref<32x80x2x128xi32, #tpu.memory_space<hbm>> -> memref<1x1x2x128xi32, #tpu.memory_space<hbm>>
    %dma_start3A_53 = tpu.memref_squeeze %dma_start3A_52 : memref<1x1x2x128xi32, #tpu.memory_space<hbm>> -> memref<2x128xi32, #tpu.memory_space<hbm>>
    %dma_start3A_54 = arith.constant 0 : i32
    %dma_start3A_55 = arith.constant 0 : i32
    %dma_start3A_56 = tpu.memref_slice %arg8[%dma_start3A_45, %dma_start3A_54, %dma_start3A_55] : memref<4x2x128xi32, #tpu.memory_space<vmem>> -> memref<1x2x128xi32, #tpu.memory_space<vmem>>
    %dma_start3A_57 = tpu.memref_squeeze %dma_start3A_56 : memref<1x2x128xi32, #tpu.memory_space<vmem>> -> memref<2x128xi32, #tpu.memory_space<vmem>>
    %dma_start3A_58 = arith.constant 0 : i32
    %dma_start3A_59 = arith.constant 0 : i32
    %dma_start3A_60 = tpu.memref_slice %arg5[%add3A, %dma_start3A_44, %dma_start3A_58, %dma_start3A_59] : memref<32x80x2x128xi32, #tpu.memory_space<hbm>> -> memref<1x1x2x128xi32, #tpu.memory_space<hbm>>
    %dma_start3A_61 = tpu.memref_squeeze %dma_start3A_60 : memref<1x1x2x128xi32, #tpu.memory_space<hbm>> -> memref<2x128xi32, #tpu.memory_space<hbm>>
    tpu.enqueue_dma source(%dma_start3A_61 : memref<2x128xi32, #tpu.memory_space<hbm>>) target(%dma_start3A_57 : memref<2x128xi32, #tpu.memory_space<vmem>>) target_semaphore(%arg12 : memref<!tpu.dma_semaphore, #tpu.memory_space<semaphore_mem>>)
    %dma_start3A_62 = arith.constant 3 : i32
    %dma_start3A_63 = arith.constant 3 : i32
    %dma_start3A_64 = arith.constant 0 : i32
    %dma_start3A_65 = arith.constant 0 : i32
    %dma_start3A_66 = tpu.memref_slice %arg8[%dma_start3A_63, %dma_start3A_64, %dma_start3A_65] : memref<4x2x128xi32, #tpu.memory_space<vmem>> -> memref<1x2x128xi32, #tpu.memory_space<vmem>>
    %dma_start3A_67 = tpu.memref_squeeze %dma_start3A_66 : memref<1x2x128xi32, #tpu.memory_space<vmem>> -> memref<2x128xi32, #tpu.memory_space<vmem>>
    %dma_start3A_68 = arith.constant 0 : i32
    %dma_start3A_69 = arith.constant 0 : i32
    %dma_start3A_70 = tpu.memref_slice %arg5[%add3A, %dma_start3A_62, %dma_start3A_68, %dma_start3A_69] : memref<32x80x2x128xi32, #tpu.memory_space<hbm>> -> memref<1x1x2x128xi32, #tpu.memory_space<hbm>>
    %dma_start3A_71 = tpu.memref_squeeze %dma_start3A_70 : memref<1x1x2x128xi32, #tpu.memory_space<hbm>> -> memref<2x128xi32, #tpu.memory_space<hbm>>
    %dma_start3A_72 = arith.constant 0 : i32
    %dma_start3A_73 = arith.constant 0 : i32
    %dma_start3A_74 = tpu.memref_slice %arg8[%dma_start3A_63, %dma_start3A_72, %dma_start3A_73] : memref<4x2x128xi32, #tpu.memory_space<vmem>> -> memref<1x2x128xi32, #tpu.memory_space<vmem>>
    %dma_start3A_75 = tpu.memref_squeeze %dma_start3A_74 : memref<1x2x128xi32, #tpu.memory_space<vmem>> -> memref<2x128xi32, #tpu.memory_space<vmem>>
    %dma_start3A_76 = arith.constant 0 : i32
    %dma_start3A_77 = arith.constant 0 : i32
    %dma_start3A_78 = tpu.memref_slice %arg5[%add3A, %dma_start3A_62, %dma_start3A_76, %dma_start3A_77] : memref<32x80x2x128xi32, #tpu.memory_space<hbm>> -> memref<1x1x2x128xi32, #tpu.memory_space<hbm>>
    %dma_start3A_79 = tpu.memref_squeeze %dma_start3A_78 : memref<1x1x2x128xi32, #tpu.memory_space<hbm>> -> memref<2x128xi32, #tpu.memory_space<hbm>>
    tpu.enqueue_dma source(%dma_start3A_79 : memref<2x128xi32, #tpu.memory_space<hbm>>) target(%dma_start3A_75 : memref<2x128xi32, #tpu.memory_space<vmem>>) target_semaphore(%arg12 : memref<!tpu.dma_semaphore, #tpu.memory_space<semaphore_mem>>)
    %dma_wait3A = arith.constant 0 : i32
    %dma_wait3A_80 = arith.constant 0 : i32
    %dma_wait3A_81 = arith.constant 0 : i32
    %dma_wait3A_82 = arith.constant 0 : i32
    %dma_wait3A_83 = tpu.memref_slice %arg8[%dma_wait3A_80, %dma_wait3A_81, %dma_wait3A_82] : memref<4x2x128xi32, #tpu.memory_space<vmem>> -> memref<1x2x128xi32, #tpu.memory_space<vmem>>
    %dma_wait3A_84 = tpu.memref_squeeze %dma_wait3A_83 : memref<1x2x128xi32, #tpu.memory_space<vmem>> -> memref<2x128xi32, #tpu.memory_space<vmem>>
    %dma_wait3A_85 = arith.constant 0 : i32
    %dma_wait3A_86 = arith.constant 0 : i32
    %dma_wait3A_87 = tpu.memref_slice %arg5[%add3A, %dma_wait3A, %dma_wait3A_85, %dma_wait3A_86] : memref<32x80x2x128xi32, #tpu.memory_space<hbm>> -> memref<1x1x2x128xi32, #tpu.memory_space<hbm>>
    %dma_wait3A_88 = tpu.memref_squeeze %dma_wait3A_87 : memref<1x1x2x128xi32, #tpu.memory_space<hbm>> -> memref<2x128xi32, #tpu.memory_space<hbm>>
    %dma_wait3A_89 = arith.constant 0 : i32
    %dma_wait3A_90 = arith.constant 0 : i32
    %dma_wait3A_91 = tpu.memref_slice %arg8[%dma_wait3A_80, %dma_wait3A_89, %dma_wait3A_90] : memref<4x2x128xi32, #tpu.memory_space<vmem>> -> memref<1x2x128xi32, #tpu.memory_space<vmem>>
    %dma_wait3A_92 = tpu.memref_squeeze %dma_wait3A_91 : memref<1x2x128xi32, #tpu.memory_space<vmem>> -> memref<2x128xi32, #tpu.memory_space<vmem>>
    %dma_wait3A_93 = arith.constant 0 : i32
    %dma_wait3A_94 = arith.constant 0 : i32
    %dma_wait3A_95 = tpu.memref_slice %arg5[%add3A, %dma_wait3A, %dma_wait3A_93, %dma_wait3A_94] : memref<32x80x2x128xi32, #tpu.memory_space<hbm>> -> memref<1x1x2x128xi32, #tpu.memory_space<hbm>>
    %dma_wait3A_96 = tpu.memref_squeeze %dma_wait3A_95 : memref<1x1x2x128xi32, #tpu.memory_space<hbm>> -> memref<2x128xi32, #tpu.memory_space<hbm>>
    tpu.wait_dma2 semaphore(%arg12 : memref<!tpu.dma_semaphore, #tpu.memory_space<semaphore_mem>>) src(%dma_wait3A_96 : memref<2x128xi32, #tpu.memory_space<hbm>>) dst(%dma_wait3A_92 : memref<2x128xi32, #tpu.memory_space<vmem>>)
    %dma_start3A_97 = arith.constant 0 : i32
    %dma_start3A_98 = arith.constant 0 : i32
    %dma_start3A_99 = arith.constant 0 : i32
    %dma_start3A_100 = arith.constant 0 : i32
    %dma_start3A_101 = arith.constant 0 : i32
    %dma_start3A_102 = tpu.memref_slice %arg9[%dma_start3A_99, %dma_start3A_100, %dma_start3A_101] : memref<2x128x128xf32, #tpu.memory_space<vmem>> -> memref<1x128x128xf32, #tpu.memory_space<vmem>>
    %dma_start3A_103 = tpu.memref_squeeze %dma_start3A_102 : memref<1x128x128xf32, #tpu.memory_space<vmem>> -> memref<128x128xf32, #tpu.memory_space<vmem>>
    %dma_start3A_104 = arith.constant 0 : i32
    %dma_start3A_105 = tpu.memref_slice %arg8[%dma_start3A_97, %dma_start3A_98, %dma_start3A_104] : memref<4x2x128xi32, #tpu.memory_space<vmem>> -> memref<1x1x128xi32, #tpu.memory_space<vmem>>
    %dma_start3A_106 = tpu.memref_squeeze %dma_start3A_105 : memref<1x1x128xi32, #tpu.memory_space<vmem>> -> memref<128xi32, #tpu.memory_space<vmem>>
    %dma_start3A_107 = arith.constant 0 : i32
    %dma_start3A_108 = arith.constant 0 : i32
    %dma_start3A_109 = tpu.memref_slice %arg2[%dma_start3A_107, %dma_start3A_108] : memref<10240x128xf32, #tpu.memory_space<hbm>> -> memref<10240x128xf32, #tpu.memory_space<hbm>>
    tpu.enqueue_indirect_dma source(%dma_start3A_109 : memref<10240x128xf32, #tpu.memory_space<hbm>>) target(%dma_start3A_103 : memref<128x128xf32, #tpu.memory_space<vmem>>) offsets(%dma_start3A_106 : memref<128xi32, #tpu.memory_space<vmem>>) semaphore(%arg11 : memref<!tpu.dma_semaphore, #tpu.memory_space<semaphore_mem>>)
    %dma_wait3A_110 = arith.constant 0 : i32
    %dma_wait3A_111 = arith.constant 1 : i32
    %dma_wait3A_112 = arith.constant 0 : i32
    %dma_wait3A_113 = arith.constant 0 : i32
    %dma_wait3A_114 = tpu.memref_slice %arg8[%dma_wait3A_111, %dma_wait3A_112, %dma_wait3A_113] : memref<4x2x128xi32, #tpu.memory_space<vmem>> -> memref<1x2x128xi32, #tpu.memory_space<vmem>>
    %dma_wait3A_115 = tpu.memref_squeeze %dma_wait3A_114 : memref<1x2x128xi32, #tpu.memory_space<vmem>> -> memref<2x128xi32, #tpu.memory_space<vmem>>
    %dma_wait3A_116 = arith.constant 0 : i32
    %dma_wait3A_117 = arith.constant 0 : i32
    %dma_wait3A_118 = tpu.memref_slice %arg5[%add3A, %dma_wait3A_110, %dma_wait3A_116, %dma_wait3A_117] : memref<32x80x2x128xi32, #tpu.memory_space<hbm>> -> memref<1x1x2x128xi32, #tpu.memory_space<hbm>>
    %dma_wait3A_119 = tpu.memref_squeeze %dma_wait3A_118 : memref<1x1x2x128xi32, #tpu.memory_space<hbm>> -> memref<2x128xi32, #tpu.memory_space<hbm>>
    %dma_wait3A_120 = arith.constant 0 : i32
    %dma_wait3A_121 = arith.constant 0 : i32
    %dma_wait3A_122 = tpu.memref_slice %arg8[%dma_wait3A_111, %dma_wait3A_120, %dma_wait3A_121] : memref<4x2x128xi32, #tpu.memory_space<vmem>> -> memref<1x2x128xi32, #tpu.memory_space<vmem>>
    %dma_wait3A_123 = tpu.memref_squeeze %dma_wait3A_122 : memref<1x2x128xi32, #tpu.memory_space<vmem>> -> memref<2x128xi32, #tpu.memory_space<vmem>>
    %dma_wait3A_124 = arith.constant 0 : i32
    %dma_wait3A_125 = arith.constant 0 : i32
    %dma_wait3A_126 = tpu.memref_slice %arg5[%add3A, %dma_wait3A_110, %dma_wait3A_124, %dma_wait3A_125] : memref<32x80x2x128xi32, #tpu.memory_space<hbm>> -> memref<1x1x2x128xi32, #tpu.memory_space<hbm>>
    %dma_wait3A_127 = tpu.memref_squeeze %dma_wait3A_126 : memref<1x1x2x128xi32, #tpu.memory_space<hbm>> -> memref<2x128xi32, #tpu.memory_space<hbm>>
    tpu.wait_dma2 semaphore(%arg12 : memref<!tpu.dma_semaphore, #tpu.memory_space<semaphore_mem>>) src(%dma_wait3A_127 : memref<2x128xi32, #tpu.memory_space<hbm>>) dst(%dma_wait3A_123 : memref<2x128xi32, #tpu.memory_space<vmem>>)
    %dma_start3A_128 = arith.constant 1 : i32
    %dma_start3A_129 = arith.constant 0 : i32
    %dma_start3A_130 = arith.constant 1 : i32
    %dma_start3A_131 = arith.constant 0 : i32
    %dma_start3A_132 = arith.constant 0 : i32
    %dma_start3A_133 = tpu.memref_slice %arg9[%dma_start3A_130, %dma_start3A_131, %dma_start3A_132] : memref<2x128x128xf32, #tpu.memory_space<vmem>> -> memref<1x128x128xf32, #tpu.memory_space<vmem>>
    %dma_start3A_134 = tpu.memref_squeeze %dma_start3A_133 : memref<1x128x128xf32, #tpu.memory_space<vmem>> -> memref<128x128xf32, #tpu.memory_space<vmem>>
    %dma_start3A_135 = arith.constant 0 : i32
    %dma_start3A_136 = tpu.memref_slice %arg8[%dma_start3A_128, %dma_start3A_129, %dma_start3A_135] : memref<4x2x128xi32, #tpu.memory_space<vmem>> -> memref<1x1x128xi32, #tpu.memory_space<vmem>>
    %dma_start3A_137 = tpu.memref_squeeze %dma_start3A_136 : memref<1x1x128xi32, #tpu.memory_space<vmem>> -> memref<128xi32, #tpu.memory_space<vmem>>
    %dma_start3A_138 = arith.constant 0 : i32
    %dma_start3A_139 = arith.constant 0 : i32
    %dma_start3A_140 = tpu.memref_slice %arg2[%dma_start3A_138, %dma_start3A_139] : memref<10240x128xf32, #tpu.memory_space<hbm>> -> memref<10240x128xf32, #tpu.memory_space<hbm>>
    tpu.enqueue_indirect_dma source(%dma_start3A_140 : memref<10240x128xf32, #tpu.memory_space<hbm>>) target(%dma_start3A_134 : memref<128x128xf32, #tpu.memory_space<vmem>>) offsets(%dma_start3A_137 : memref<128xi32, #tpu.memory_space<vmem>>) semaphore(%arg11 : memref<!tpu.dma_semaphore, #tpu.memory_space<semaphore_mem>>)
    %scan3A = arith.constant 0 : i32
    %scan3A_141 = arith.constant 40 : i32
    %scan3A_142 = arith.addi %scan3A, %scan3A_141 : i32
    %scan3A_143 = arith.constant 1 : i32
    scf.for %scan3A_297 = %scan3A to %scan3A_142 step %scan3A_143  : i32 {
      %mul3A_298 = arith.constant 2 : i32
      %mul3A_299 = arith.muli %scan3A_297, %mul3A_298 : i32
      %add3A_300 = arith.constant 0 : i32
      %add3A_301 = arith.addi %add3A_300, %mul3A_299 : i32
      %add3A_302 = arith.constant 0 : i32
      %add3A_303 = arith.addi %add3A_301, %add3A_302 : i32
      %rem3A = arith.constant 4 : i32
      %rem3A_304 = arith.remsi %add3A_303, %rem3A : i32
      %dma_wait3A_305 = arith.constant 0 : i32
      %dma_wait3A_306 = arith.constant 0 : i32
      %dma_wait3A_307 = arith.constant 0 : i32
      %dma_wait3A_308 = tpu.memref_slice %arg9[%dma_wait3A_305, %dma_wait3A_306, %dma_wait3A_307] : memref<2x128x128xf32, #tpu.memory_space<vmem>> -> memref<1x128x128xf32, #tpu.memory_space<vmem>>
      %dma_wait3A_309 = tpu.memref_squeeze %dma_wait3A_308 : memref<1x128x128xf32, #tpu.memory_space<vmem>> -> memref<128x128xf32, #tpu.memory_space<vmem>>
      %dma_wait3A_310 = arith.constant 0 : i32
      %dma_wait3A_311 = arith.constant 0 : i32
      %dma_wait3A_312 = tpu.memref_slice %arg2[%dma_wait3A_310, %dma_wait3A_311] : memref<10240x128xf32, #tpu.memory_space<hbm>> -> memref<128x128xf32, #tpu.memory_space<hbm>>
      %dma_wait3A_313 = arith.constant 0 : i32
      %dma_wait3A_314 = arith.constant 0 : i32
      %dma_wait3A_315 = tpu.memref_slice %arg9[%dma_wait3A_305, %dma_wait3A_313, %dma_wait3A_314] : memref<2x128x128xf32, #tpu.memory_space<vmem>> -> memref<1x128x128xf32, #tpu.memory_space<vmem>>
      %dma_wait3A_316 = tpu.memref_squeeze %dma_wait3A_315 : memref<1x128x128xf32, #tpu.memory_space<vmem>> -> memref<128x128xf32, #tpu.memory_space<vmem>>
      %dma_wait3A_317 = arith.constant 0 : i32
      %dma_wait3A_318 = arith.constant 0 : i32
      %dma_wait3A_319 = tpu.memref_slice %arg2[%dma_wait3A_317, %dma_wait3A_318] : memref<10240x128xf32, #tpu.memory_space<hbm>> -> memref<128x128xf32, #tpu.memory_space<hbm>>
      tpu.wait_dma2 semaphore(%arg11 : memref<!tpu.dma_semaphore, #tpu.memory_space<semaphore_mem>>) src(%dma_wait3A_319 : memref<128x128xf32, #tpu.memory_space<hbm>>) dst(%dma_wait3A_316 : memref<128x128xf32, #tpu.memory_space<vmem>>)
      %run_scoped3A = arith.constant 0 : i32
      %run_scoped3A_320 = arith.constant 1 : i32
      "tpu.region"() ({
        %run_scoped3A_369 = tpu.sem_alloc : memref<!tpu.dma_semaphore, #tpu.memory_space<semaphore_mem>>
        %dma_start3A_370 = arith.constant 0 : i32
        %dma_start3A_371 = arith.constant 0 : i32
        %dma_start3A_372 = tpu.memref_slice %arg9[%run_scoped3A, %dma_start3A_370, %dma_start3A_371] : memref<2x128x128xf32, #tpu.memory_space<vmem>> -> memref<1x128x128xf32, #tpu.memory_space<vmem>>
        %dma_start3A_373 = tpu.memref_squeeze %dma_start3A_372 : memref<1x128x128xf32, #tpu.memory_space<vmem>> -> memref<128x128xf32, #tpu.memory_space<vmem>>
        %dma_start3A_374 = arith.constant 0 : i32
        %dma_start3A_375 = tpu.memref_slice %arg8[%rem3A_304, %run_scoped3A_320, %dma_start3A_374] : memref<4x2x128xi32, #tpu.memory_space<vmem>> -> memref<1x1x128xi32, #tpu.memory_space<vmem>>
        %dma_start3A_376 = tpu.memref_squeeze %dma_start3A_375 : memref<1x1x128xi32, #tpu.memory_space<vmem>> -> memref<128xi32, #tpu.memory_space<vmem>>
        %dma_start3A_377 = arith.constant 0 : i32
        %dma_start3A_378 = arith.constant 0 : i32
        %dma_start3A_379 = tpu.memref_slice %arg10[%dma_start3A_377, %dma_start3A_378] : memref<10240x128xf32, #tpu.memory_space<vmem_shared>> -> memref<10240x128xf32, #tpu.memory_space<vmem_shared>>
        tpu.enqueue_indirect_dma source(%dma_start3A_373 : memref<128x128xf32, #tpu.memory_space<vmem>>) target(%dma_start3A_379 : memref<10240x128xf32, #tpu.memory_space<vmem_shared>>) offsets(%dma_start3A_376 : memref<128xi32, #tpu.memory_space<vmem>>) semaphore(%run_scoped3A_369 : memref<!tpu.dma_semaphore, #tpu.memory_space<semaphore_mem>>) {add = true}
        %dma_wait3A_380 = arith.constant 0 : i32
        %dma_wait3A_381 = arith.constant 0 : i32
        %dma_wait3A_382 = tpu.memref_slice %arg9[%run_scoped3A, %dma_wait3A_380, %dma_wait3A_381] : memref<2x128x128xf32, #tpu.memory_space<vmem>> -> memref<1x128x128xf32, #tpu.memory_space<vmem>>
        %dma_wait3A_383 = tpu.memref_squeeze %dma_wait3A_382 : memref<1x128x128xf32, #tpu.memory_space<vmem>> -> memref<128x128xf32, #tpu.memory_space<vmem>>
        %dma_wait3A_384 = arith.constant 0 : i32
        %dma_wait3A_385 = tpu.memref_slice %arg8[%rem3A_304, %run_scoped3A_320, %dma_wait3A_384] : memref<4x2x128xi32, #tpu.memory_space<vmem>> -> memref<1x1x128xi32, #tpu.memory_space<vmem>>
        %dma_wait3A_386 = tpu.memref_squeeze %dma_wait3A_385 : memref<1x1x128xi32, #tpu.memory_space<vmem>> -> memref<128xi32, #tpu.memory_space<vmem>>
        %dma_wait3A_387 = arith.constant 0 : i32
        %dma_wait3A_388 = arith.constant 0 : i32
        %dma_wait3A_389 = tpu.memref_slice %arg10[%dma_wait3A_387, %dma_wait3A_388] : memref<10240x128xf32, #tpu.memory_space<vmem_shared>> -> memref<10240x128xf32, #tpu.memory_space<vmem_shared>>
        tpu.wait_indirect_dma semaphore(%run_scoped3A_369 : memref<!tpu.dma_semaphore, #tpu.memory_space<semaphore_mem>>) src(%dma_wait3A_383 : memref<128x128xf32, #tpu.memory_space<vmem>>) dst(%dma_wait3A_389 : memref<10240x128xf32, #tpu.memory_space<vmem_shared>>)
        tpu.yield
      }) : () -> ()
      %add3A_321 = arith.constant 4 : i32
      %add3A_322 = arith.addi %add3A_303, %add3A_321 : i32
      %lt3A = arith.constant 80 : i32
      %lt3A_323 = arith.cmpi slt, %add3A_322, %lt3A : i32
      %convert_element_type3A_324 = arith.extui %lt3A_323 : i1 to i32
      %cond3A_325 = arith.constant 0 : i32
      %cond3A_326 = arith.cmpi ne, %convert_element_type3A_324, %cond3A_325 : i32
      scf.if %cond3A_326 {
        %add3A_369 = arith.constant 4 : i32
        %add3A_370 = arith.addi %add3A_303, %add3A_369 : i32
        %dma_start3A_371 = arith.constant 0 : i32
        %dma_start3A_372 = arith.constant 0 : i32
        %dma_start3A_373 = tpu.memref_slice %arg8[%rem3A_304, %dma_start3A_371, %dma_start3A_372] : memref<4x2x128xi32, #tpu.memory_space<vmem>> -> memref<1x2x128xi32, #tpu.memory_space<vmem>>
        %dma_start3A_374 = tpu.memref_squeeze %dma_start3A_373 : memref<1x2x128xi32, #tpu.memory_space<vmem>> -> memref<2x128xi32, #tpu.memory_space<vmem>>
        %dma_start3A_375 = arith.constant 0 : i32
        %dma_start3A_376 = arith.constant 0 : i32
        %dma_start3A_377 = tpu.memref_slice %arg5[%add3A, %add3A_370, %dma_start3A_375, %dma_start3A_376] : memref<32x80x2x128xi32, #tpu.memory_space<hbm>> -> memref<1x1x2x128xi32, #tpu.memory_space<hbm>>
        %dma_start3A_378 = tpu.memref_squeeze %dma_start3A_377 : memref<1x1x2x128xi32, #tpu.memory_space<hbm>> -> memref<2x128xi32, #tpu.memory_space<hbm>>
        %dma_start3A_379 = arith.constant 0 : i32
        %dma_start3A_380 = arith.constant 0 : i32
        %dma_start3A_381 = tpu.memref_slice %arg8[%rem3A_304, %dma_start3A_379, %dma_start3A_380] : memref<4x2x128xi32, #tpu.memory_space<vmem>> -> memref<1x2x128xi32, #tpu.memory_space<vmem>>
        %dma_start3A_382 = tpu.memref_squeeze %dma_start3A_381 : memref<1x2x128xi32, #tpu.memory_space<vmem>> -> memref<2x128xi32, #tpu.memory_space<vmem>>
        %dma_start3A_383 = arith.constant 0 : i32
        %dma_start3A_384 = arith.constant 0 : i32
        %dma_start3A_385 = tpu.memref_slice %arg5[%add3A, %add3A_370, %dma_start3A_383, %dma_start3A_384] : memref<32x80x2x128xi32, #tpu.memory_space<hbm>> -> memref<1x1x2x128xi32, #tpu.memory_space<hbm>>
        %dma_start3A_386 = tpu.memref_squeeze %dma_start3A_385 : memref<1x1x2x128xi32, #tpu.memory_space<hbm>> -> memref<2x128xi32, #tpu.memory_space<hbm>>
        tpu.enqueue_dma source(%dma_start3A_386 : memref<2x128xi32, #tpu.memory_space<hbm>>) target(%dma_start3A_382 : memref<2x128xi32, #tpu.memory_space<vmem>>) target_semaphore(%arg12 : memref<!tpu.dma_semaphore, #tpu.memory_space<semaphore_mem>>)
      } else {
      }
      %add3A_327 = arith.constant 2 : i32
      %add3A_328 = arith.addi %add3A_303, %add3A_327 : i32
      %lt3A_329 = arith.constant 80 : i32
      %lt3A_330 = arith.cmpi slt, %add3A_328, %lt3A_329 : i32
      %convert_element_type3A_331 = arith.extui %lt3A_330 : i1 to i32
      %cond3A_332 = arith.constant 0 : i32
      %cond3A_333 = arith.cmpi ne, %convert_element_type3A_331, %cond3A_332 : i32
      scf.if %cond3A_333 {
        %add3A_369 = arith.constant 2 : i32
        %add3A_370 = arith.addi %add3A_303, %add3A_369 : i32
        %rem3A_371 = arith.constant 4 : i32
        %rem3A_372 = arith.remsi %add3A_370, %rem3A_371 : i32
        %dma_wait3A_373 = arith.constant 0 : i32
        %dma_wait3A_374 = arith.constant 0 : i32
        %dma_wait3A_375 = arith.constant 0 : i32
        %dma_wait3A_376 = tpu.memref_slice %arg8[%rem3A_372, %dma_wait3A_374, %dma_wait3A_375] : memref<4x2x128xi32, #tpu.memory_space<vmem>> -> memref<1x2x128xi32, #tpu.memory_space<vmem>>
        %dma_wait3A_377 = tpu.memref_squeeze %dma_wait3A_376 : memref<1x2x128xi32, #tpu.memory_space<vmem>> -> memref<2x128xi32, #tpu.memory_space<vmem>>
        %dma_wait3A_378 = arith.constant 0 : i32
        %dma_wait3A_379 = arith.constant 0 : i32
        %dma_wait3A_380 = tpu.memref_slice %arg5[%add3A, %dma_wait3A_373, %dma_wait3A_378, %dma_wait3A_379] : memref<32x80x2x128xi32, #tpu.memory_space<hbm>> -> memref<1x1x2x128xi32, #tpu.memory_space<hbm>>
        %dma_wait3A_381 = tpu.memref_squeeze %dma_wait3A_380 : memref<1x1x2x128xi32, #tpu.memory_space<hbm>> -> memref<2x128xi32, #tpu.memory_space<hbm>>
        %dma_wait3A_382 = arith.constant 0 : i32
        %dma_wait3A_383 = arith.constant 0 : i32
        %dma_wait3A_384 = tpu.memref_slice %arg8[%rem3A_372, %dma_wait3A_382, %dma_wait3A_383] : memref<4x2x128xi32, #tpu.memory_space<vmem>> -> memref<1x2x128xi32, #tpu.memory_space<vmem>>
        %dma_wait3A_385 = tpu.memref_squeeze %dma_wait3A_384 : memref<1x2x128xi32, #tpu.memory_space<vmem>> -> memref<2x128xi32, #tpu.memory_space<vmem>>
        %dma_wait3A_386 = arith.constant 0 : i32
        %dma_wait3A_387 = arith.constant 0 : i32
        %dma_wait3A_388 = tpu.memref_slice %arg5[%add3A, %dma_wait3A_373, %dma_wait3A_386, %dma_wait3A_387] : memref<32x80x2x128xi32, #tpu.memory_space<hbm>> -> memref<1x1x2x128xi32, #tpu.memory_space<hbm>>
        %dma_wait3A_389 = tpu.memref_squeeze %dma_wait3A_388 : memref<1x1x2x128xi32, #tpu.memory_space<hbm>> -> memref<2x128xi32, #tpu.memory_space<hbm>>
        tpu.wait_dma2 semaphore(%arg12 : memref<!tpu.dma_semaphore, #tpu.memory_space<semaphore_mem>>) src(%dma_wait3A_389 : memref<2x128xi32, #tpu.memory_space<hbm>>) dst(%dma_wait3A_385 : memref<2x128xi32, #tpu.memory_space<vmem>>)
        %dma_start3A_390 = arith.constant 0 : i32
        %dma_start3A_391 = arith.constant 0 : i32
        %dma_start3A_392 = arith.constant 0 : i32
        %dma_start3A_393 = arith.constant 0 : i32
        %dma_start3A_394 = tpu.memref_slice %arg9[%dma_start3A_391, %dma_start3A_392, %dma_start3A_393] : memref<2x128x128xf32, #tpu.memory_space<vmem>> -> memref<1x128x128xf32, #tpu.memory_space<vmem>>
        %dma_start3A_395 = tpu.memref_squeeze %dma_start3A_394 : memref<1x128x128xf32, #tpu.memory_space<vmem>> -> memref<128x128xf32, #tpu.memory_space<vmem>>
        %dma_start3A_396 = arith.constant 0 : i32
        %dma_start3A_397 = tpu.memref_slice %arg8[%rem3A_372, %dma_start3A_390, %dma_start3A_396] : memref<4x2x128xi32, #tpu.memory_space<vmem>> -> memref<1x1x128xi32, #tpu.memory_space<vmem>>
        %dma_start3A_398 = tpu.memref_squeeze %dma_start3A_397 : memref<1x1x128xi32, #tpu.memory_space<vmem>> -> memref<128xi32, #tpu.memory_space<vmem>>
        %dma_start3A_399 = arith.constant 0 : i32
        %dma_start3A_400 = arith.constant 0 : i32
        %dma_start3A_401 = tpu.memref_slice %arg2[%dma_start3A_399, %dma_start3A_400] : memref<10240x128xf32, #tpu.memory_space<hbm>> -> memref<10240x128xf32, #tpu.memory_space<hbm>>
        tpu.enqueue_indirect_dma source(%dma_start3A_401 : memref<10240x128xf32, #tpu.memory_space<hbm>>) target(%dma_start3A_395 : memref<128x128xf32, #tpu.memory_space<vmem>>) offsets(%dma_start3A_398 : memref<128xi32, #tpu.memory_space<vmem>>) semaphore(%arg11 : memref<!tpu.dma_semaphore, #tpu.memory_space<semaphore_mem>>)
      } else {
      }
      %add3A_334 = arith.constant 1 : i32
      %add3A_335 = arith.addi %add3A_301, %add3A_334 : i32
      %rem3A_336 = arith.constant 4 : i32
      %rem3A_337 = arith.remsi %add3A_335, %rem3A_336 : i32
      %dma_wait3A_338 = arith.constant 1 : i32
      %dma_wait3A_339 = arith.constant 0 : i32
      %dma_wait3A_340 = arith.constant 0 : i32
      %dma_wait3A_341 = tpu.memref_slice %arg9[%dma_wait3A_338, %dma_wait3A_339, %dma_wait3A_340] : memref<2x128x128xf32, #tpu.memory_space<vmem>> -> memref<1x128x128xf32, #tpu.memory_space<vmem>>
      %dma_wait3A_342 = tpu.memref_squeeze %dma_wait3A_341 : memref<1x128x128xf32, #tpu.memory_space<vmem>> -> memref<128x128xf32, #tpu.memory_space<vmem>>
      %dma_wait3A_343 = arith.constant 0 : i32
      %dma_wait3A_344 = arith.constant 0 : i32
      %dma_wait3A_345 = tpu.memref_slice %arg2[%dma_wait3A_343, %dma_wait3A_344] : memref<10240x128xf32, #tpu.memory_space<hbm>> -> memref<128x128xf32, #tpu.memory_space<hbm>>
      %dma_wait3A_346 = arith.constant 0 : i32
      %dma_wait3A_347 = arith.constant 0 : i32
      %dma_wait3A_348 = tpu.memref_slice %arg9[%dma_wait3A_338, %dma_wait3A_346, %dma_wait3A_347] : memref<2x128x128xf32, #tpu.memory_space<vmem>> -> memref<1x128x128xf32, #tpu.memory_space<vmem>>
      %dma_wait3A_349 = tpu.memref_squeeze %dma_wait3A_348 : memref<1x128x128xf32, #tpu.memory_space<vmem>> -> memref<128x128xf32, #tpu.memory_space<vmem>>
      %dma_wait3A_350 = arith.constant 0 : i32
      %dma_wait3A_351 = arith.constant 0 : i32
      %dma_wait3A_352 = tpu.memref_slice %arg2[%dma_wait3A_350, %dma_wait3A_351] : memref<10240x128xf32, #tpu.memory_space<hbm>> -> memref<128x128xf32, #tpu.memory_space<hbm>>
      tpu.wait_dma2 semaphore(%arg11 : memref<!tpu.dma_semaphore, #tpu.memory_space<semaphore_mem>>) src(%dma_wait3A_352 : memref<128x128xf32, #tpu.memory_space<hbm>>) dst(%dma_wait3A_349 : memref<128x128xf32, #tpu.memory_space<vmem>>)
      %run_scoped3A_353 = arith.constant 1 : i32
      %run_scoped3A_354 = arith.constant 1 : i32
      "tpu.region"() ({
        %run_scoped3A_369 = tpu.sem_alloc : memref<!tpu.dma_semaphore, #tpu.memory_space<semaphore_mem>>
        %dma_start3A_370 = arith.constant 0 : i32
        %dma_start3A_371 = arith.constant 0 : i32
        %dma_start3A_372 = tpu.memref_slice %arg9[%run_scoped3A_353, %dma_start3A_370, %dma_start3A_371] : memref<2x128x128xf32, #tpu.memory_space<vmem>> -> memref<1x128x128xf32, #tpu.memory_space<vmem>>
        %dma_start3A_373 = tpu.memref_squeeze %dma_start3A_372 : memref<1x128x128xf32, #tpu.memory_space<vmem>> -> memref<128x128xf32, #tpu.memory_space<vmem>>
        %dma_start3A_374 = arith.constant 0 : i32
        %dma_start3A_375 = tpu.memref_slice %arg8[%rem3A_337, %run_scoped3A_354, %dma_start3A_374] : memref<4x2x128xi32, #tpu.memory_space<vmem>> -> memref<1x1x128xi32, #tpu.memory_space<vmem>>
        %dma_start3A_376 = tpu.memref_squeeze %dma_start3A_375 : memref<1x1x128xi32, #tpu.memory_space<vmem>> -> memref<128xi32, #tpu.memory_space<vmem>>
        %dma_start3A_377 = arith.constant 0 : i32
        %dma_start3A_378 = arith.constant 0 : i32
        %dma_start3A_379 = tpu.memref_slice %arg10[%dma_start3A_377, %dma_start3A_378] : memref<10240x128xf32, #tpu.memory_space<vmem_shared>> -> memref<10240x128xf32, #tpu.memory_space<vmem_shared>>
        tpu.enqueue_indirect_dma source(%dma_start3A_373 : memref<128x128xf32, #tpu.memory_space<vmem>>) target(%dma_start3A_379 : memref<10240x128xf32, #tpu.memory_space<vmem_shared>>) offsets(%dma_start3A_376 : memref<128xi32, #tpu.memory_space<vmem>>) semaphore(%run_scoped3A_369 : memref<!tpu.dma_semaphore, #tpu.memory_space<semaphore_mem>>) {add = true}
        %dma_wait3A_380 = arith.constant 0 : i32
        %dma_wait3A_381 = arith.constant 0 : i32
        %dma_wait3A_382 = tpu.memref_slice %arg9[%run_scoped3A_353, %dma_wait3A_380, %dma_wait3A_381] : memref<2x128x128xf32, #tpu.memory_space<vmem>> -> memref<1x128x128xf32, #tpu.memory_space<vmem>>
        %dma_wait3A_383 = tpu.memref_squeeze %dma_wait3A_382 : memref<1x128x128xf32, #tpu.memory_space<vmem>> -> memref<128x128xf32, #tpu.memory_space<vmem>>
        %dma_wait3A_384 = arith.constant 0 : i32
        %dma_wait3A_385 = tpu.memref_slice %arg8[%rem3A_337, %run_scoped3A_354, %dma_wait3A_384] : memref<4x2x128xi32, #tpu.memory_space<vmem>> -> memref<1x1x128xi32, #tpu.memory_space<vmem>>
        %dma_wait3A_386 = tpu.memref_squeeze %dma_wait3A_385 : memref<1x1x128xi32, #tpu.memory_space<vmem>> -> memref<128xi32, #tpu.memory_space<vmem>>
        %dma_wait3A_387 = arith.constant 0 : i32
        %dma_wait3A_388 = arith.constant 0 : i32
        %dma_wait3A_389 = tpu.memref_slice %arg10[%dma_wait3A_387, %dma_wait3A_388] : memref<10240x128xf32, #tpu.memory_space<vmem_shared>> -> memref<10240x128xf32, #tpu.memory_space<vmem_shared>>
        tpu.wait_indirect_dma semaphore(%run_scoped3A_369 : memref<!tpu.dma_semaphore, #tpu.memory_space<semaphore_mem>>) src(%dma_wait3A_383 : memref<128x128xf32, #tpu.memory_space<vmem>>) dst(%dma_wait3A_389 : memref<10240x128xf32, #tpu.memory_space<vmem_shared>>)
        tpu.yield
      }) : () -> ()
      %add3A_355 = arith.constant 4 : i32
      %add3A_356 = arith.addi %add3A_335, %add3A_355 : i32
      %lt3A_357 = arith.constant 80 : i32
      %lt3A_358 = arith.cmpi slt, %add3A_356, %lt3A_357 : i32
      %convert_element_type3A_359 = arith.extui %lt3A_358 : i1 to i32
      %cond3A_360 = arith.constant 0 : i32
      %cond3A_361 = arith.cmpi ne, %convert_element_type3A_359, %cond3A_360 : i32
      scf.if %cond3A_361 {
        %add3A_369 = arith.constant 4 : i32
        %add3A_370 = arith.addi %add3A_335, %add3A_369 : i32
        %dma_start3A_371 = arith.constant 0 : i32
        %dma_start3A_372 = arith.constant 0 : i32
        %dma_start3A_373 = tpu.memref_slice %arg8[%rem3A_337, %dma_start3A_371, %dma_start3A_372] : memref<4x2x128xi32, #tpu.memory_space<vmem>> -> memref<1x2x128xi32, #tpu.memory_space<vmem>>
        %dma_start3A_374 = tpu.memref_squeeze %dma_start3A_373 : memref<1x2x128xi32, #tpu.memory_space<vmem>> -> memref<2x128xi32, #tpu.memory_space<vmem>>
        %dma_start3A_375 = arith.constant 0 : i32
        %dma_start3A_376 = arith.constant 0 : i32
        %dma_start3A_377 = tpu.memref_slice %arg5[%add3A, %add3A_370, %dma_start3A_375, %dma_start3A_376] : memref<32x80x2x128xi32, #tpu.memory_space<hbm>> -> memref<1x1x2x128xi32, #tpu.memory_space<hbm>>
        %dma_start3A_378 = tpu.memref_squeeze %dma_start3A_377 : memref<1x1x2x128xi32, #tpu.memory_space<hbm>> -> memref<2x128xi32, #tpu.memory_space<hbm>>
        %dma_start3A_379 = arith.constant 0 : i32
        %dma_start3A_380 = arith.constant 0 : i32
        %dma_start3A_381 = tpu.memref_slice %arg8[%rem3A_337, %dma_start3A_379, %dma_start3A_380] : memref<4x2x128xi32, #tpu.memory_space<vmem>> -> memref<1x2x128xi32, #tpu.memory_space<vmem>>
        %dma_start3A_382 = tpu.memref_squeeze %dma_start3A_381 : memref<1x2x128xi32, #tpu.memory_space<vmem>> -> memref<2x128xi32, #tpu.memory_space<vmem>>
        %dma_start3A_383 = arith.constant 0 : i32
        %dma_start3A_384 = arith.constant 0 : i32
        %dma_start3A_385 = tpu.memref_slice %arg5[%add3A, %add3A_370, %dma_start3A_383, %dma_start3A_384] : memref<32x80x2x128xi32, #tpu.memory_space<hbm>> -> memref<1x1x2x128xi32, #tpu.memory_space<hbm>>
        %dma_start3A_386 = tpu.memref_squeeze %dma_start3A_385 : memref<1x1x2x128xi32, #tpu.memory_space<hbm>> -> memref<2x128xi32, #tpu.memory_space<hbm>>
        tpu.enqueue_dma source(%dma_start3A_386 : memref<2x128xi32, #tpu.memory_space<hbm>>) target(%dma_start3A_382 : memref<2x128xi32, #tpu.memory_space<vmem>>) target_semaphore(%arg12 : memref<!tpu.dma_semaphore, #tpu.memory_space<semaphore_mem>>)
      } else {
      }
      %add3A_362 = arith.constant 2 : i32
      %add3A_363 = arith.addi %add3A_335, %add3A_362 : i32
      %lt3A_364 = arith.constant 80 : i32
      %lt3A_365 = arith.cmpi slt, %add3A_363, %lt3A_364 : i32
      %convert_element_type3A_366 = arith.extui %lt3A_365 : i1 to i32
      %cond3A_367 = arith.constant 0 : i32
      %cond3A_368 = arith.cmpi ne, %convert_element_type3A_366, %cond3A_367 : i32
      scf.if %cond3A_368 {
        %add3A_369 = arith.constant 2 : i32
        %add3A_370 = arith.addi %add3A_335, %add3A_369 : i32
        %rem3A_371 = arith.constant 4 : i32
        %rem3A_372 = arith.remsi %add3A_370, %rem3A_371 : i32
        %dma_wait3A_373 = arith.constant 0 : i32
        %dma_wait3A_374 = arith.constant 0 : i32
        %dma_wait3A_375 = arith.constant 0 : i32
        %dma_wait3A_376 = tpu.memref_slice %arg8[%rem3A_372, %dma_wait3A_374, %dma_wait3A_375] : memref<4x2x128xi32, #tpu.memory_space<vmem>> -> memref<1x2x128xi32, #tpu.memory_space<vmem>>
        %dma_wait3A_377 = tpu.memref_squeeze %dma_wait3A_376 : memref<1x2x128xi32, #tpu.memory_space<vmem>> -> memref<2x128xi32, #tpu.memory_space<vmem>>
        %dma_wait3A_378 = arith.constant 0 : i32
        %dma_wait3A_379 = arith.constant 0 : i32
        %dma_wait3A_380 = tpu.memref_slice %arg5[%add3A, %dma_wait3A_373, %dma_wait3A_378, %dma_wait3A_379] : memref<32x80x2x128xi32, #tpu.memory_space<hbm>> -> memref<1x1x2x128xi32, #tpu.memory_space<hbm>>
        %dma_wait3A_381 = tpu.memref_squeeze %dma_wait3A_380 : memref<1x1x2x128xi32, #tpu.memory_space<hbm>> -> memref<2x128xi32, #tpu.memory_space<hbm>>
        %dma_wait3A_382 = arith.constant 0 : i32
        %dma_wait3A_383 = arith.constant 0 : i32
        %dma_wait3A_384 = tpu.memref_slice %arg8[%rem3A_372, %dma_wait3A_382, %dma_wait3A_383] : memref<4x2x128xi32, #tpu.memory_space<vmem>> -> memref<1x2x128xi32, #tpu.memory_space<vmem>>
        %dma_wait3A_385 = tpu.memref_squeeze %dma_wait3A_384 : memref<1x2x128xi32, #tpu.memory_space<vmem>> -> memref<2x128xi32, #tpu.memory_space<vmem>>
        %dma_wait3A_386 = arith.constant 0 : i32
        %dma_wait3A_387 = arith.constant 0 : i32
        %dma_wait3A_388 = tpu.memref_slice %arg5[%add3A, %dma_wait3A_373, %dma_wait3A_386, %dma_wait3A_387] : memref<32x80x2x128xi32, #tpu.memory_space<hbm>> -> memref<1x1x2x128xi32, #tpu.memory_space<hbm>>
        %dma_wait3A_389 = tpu.memref_squeeze %dma_wait3A_388 : memref<1x1x2x128xi32, #tpu.memory_space<hbm>> -> memref<2x128xi32, #tpu.memory_space<hbm>>
        tpu.wait_dma2 semaphore(%arg12 : memref<!tpu.dma_semaphore, #tpu.memory_space<semaphore_mem>>) src(%dma_wait3A_389 : memref<2x128xi32, #tpu.memory_space<hbm>>) dst(%dma_wait3A_385 : memref<2x128xi32, #tpu.memory_space<vmem>>)
        %dma_start3A_390 = arith.constant 0 : i32
        %dma_start3A_391 = arith.constant 1 : i32
        %dma_start3A_392 = arith.constant 0 : i32
        %dma_start3A_393 = arith.constant 0 : i32
        %dma_start3A_394 = tpu.memref_slice %arg9[%dma_start3A_391, %dma_start3A_392, %dma_start3A_393] : memref<2x128x128xf32, #tpu.memory_space<vmem>> -> memref<1x128x128xf32, #tpu.memory_space<vmem>>
        %dma_start3A_395 = tpu.memref_squeeze %dma_start3A_394 : memref<1x128x128xf32, #tpu.memory_space<vmem>> -> memref<128x128xf32, #tpu.memory_space<vmem>>
        %dma_start3A_396 = arith.constant 0 : i32
        %dma_start3A_397 = tpu.memref_slice %arg8[%rem3A_372, %dma_start3A_390, %dma_start3A_396] : memref<4x2x128xi32, #tpu.memory_space<vmem>> -> memref<1x1x128xi32, #tpu.memory_space<vmem>>
        %dma_start3A_398 = tpu.memref_squeeze %dma_start3A_397 : memref<1x1x128xi32, #tpu.memory_space<vmem>> -> memref<128xi32, #tpu.memory_space<vmem>>
        %dma_start3A_399 = arith.constant 0 : i32
        %dma_start3A_400 = arith.constant 0 : i32
        %dma_start3A_401 = tpu.memref_slice %arg2[%dma_start3A_399, %dma_start3A_400] : memref<10240x128xf32, #tpu.memory_space<hbm>> -> memref<10240x128xf32, #tpu.memory_space<hbm>>
        tpu.enqueue_indirect_dma source(%dma_start3A_401 : memref<10240x128xf32, #tpu.memory_space<hbm>>) target(%dma_start3A_395 : memref<128x128xf32, #tpu.memory_space<vmem>>) offsets(%dma_start3A_398 : memref<128xi32, #tpu.memory_space<vmem>>) semaphore(%arg11 : memref<!tpu.dma_semaphore, #tpu.memory_space<semaphore_mem>>)
      } else {
      }
    }
    %scan3A_144 = arith.constant 40 : i32
    %barrier3A_145 = arith.constant 0 : index
    tpu.barrier barrier_id(%barrier3A_145)
    "tpu.region"() ({
      %run_scoped3A = tpu.sem_alloc : memref<!tpu.dma_semaphore, #tpu.memory_space<semaphore_mem>>
      %dma_start3A_297 = arith.constant 0 : i32
      %dma_start3A_298 = tpu.memref_slice %arg6[%arg0, %mul3A_2, %dma_start3A_297] : memref<2x10240x128xf32, #tpu.memory_space<hbm>> -> memref<1x640x128xf32, #tpu.memory_space<hbm>>
      %dma_start3A_299 = tpu.memref_squeeze %dma_start3A_298 : memref<1x640x128xf32, #tpu.memory_space<hbm>> -> memref<640x128xf32, #tpu.memory_space<hbm>>
      %dma_start3A_300 = arith.constant 0 : i32
      %dma_start3A_301 = tpu.memref_slice %arg10[%mul3A_2, %dma_start3A_300] : memref<10240x128xf32, #tpu.memory_space<vmem_shared>> -> memref<640x128xf32, #tpu.memory_space<vmem_shared>>
      tpu.enqueue_dma source(%dma_start3A_301 : memref<640x128xf32, #tpu.memory_space<vmem_shared>>) target(%dma_start3A_299 : memref<640x128xf32, #tpu.memory_space<hbm>>) target_semaphore(%run_scoped3A : memref<!tpu.dma_semaphore, #tpu.memory_space<semaphore_mem>>)
      %dma_wait3A_302 = arith.constant 0 : i32
      %dma_wait3A_303 = tpu.memref_slice %arg6[%arg0, %mul3A_2, %dma_wait3A_302] : memref<2x10240x128xf32, #tpu.memory_space<hbm>> -> memref<1x640x128xf32, #tpu.memory_space<hbm>>
      %dma_wait3A_304 = tpu.memref_squeeze %dma_wait3A_303 : memref<1x640x128xf32, #tpu.memory_space<hbm>> -> memref<640x128xf32, #tpu.memory_space<hbm>>
      %dma_wait3A_305 = arith.constant 0 : i32
      %dma_wait3A_306 = tpu.memref_slice %arg10[%mul3A_2, %dma_wait3A_305] : memref<10240x128xf32, #tpu.memory_space<vmem_shared>> -> memref<640x128xf32, #tpu.memory_space<vmem_shared>>
      tpu.wait_dma2 semaphore(%run_scoped3A : memref<!tpu.dma_semaphore, #tpu.memory_space<semaphore_mem>>) src(%dma_wait3A_306 : memref<640x128xf32, #tpu.memory_space<vmem_shared>>) dst(%dma_wait3A_304 : memref<640x128xf32, #tpu.memory_space<hbm>>)
      tpu.yield
    }) : () -> ()
    %eq3A_146 = arith.constant 0 : i32
    %eq3A_147 = arith.cmpi eq, %arg0, %eq3A_146 : i32
    %convert_element_type3A_148 = arith.extui %eq3A_147 : i1 to i32
    %cond3A_149 = arith.constant 0 : i32
    %cond3A_150 = arith.cmpi ne, %convert_element_type3A_148, %cond3A_149 : i32
    scf.if %cond3A_150 {
      "tpu.region"() ({
        %run_scoped3A = tpu.sem_alloc : memref<!tpu.dma_semaphore, #tpu.memory_space<semaphore_mem>>
        %dma_start3A_297 = arith.constant 0 : i32
        %dma_start3A_298 = tpu.memref_slice %arg10[%mul3A_2, %dma_start3A_297] : memref<10240x128xf32, #tpu.memory_space<vmem_shared>> -> memref<640x128xf32, #tpu.memory_space<vmem_shared>>
        %dma_start3A_299 = arith.constant 0 : i32
        %dma_start3A_300 = tpu.memref_slice %arg3[%mul3A_2, %dma_start3A_299] : memref<10240x128xf32, #tpu.memory_space<hbm>> -> memref<640x128xf32, #tpu.memory_space<hbm>>
        tpu.enqueue_dma source(%dma_start3A_300 : memref<640x128xf32, #tpu.memory_space<hbm>>) target(%dma_start3A_298 : memref<640x128xf32, #tpu.memory_space<vmem_shared>>) target_semaphore(%run_scoped3A : memref<!tpu.dma_semaphore, #tpu.memory_space<semaphore_mem>>)
        %dma_wait3A_301 = arith.constant 0 : i32
        %dma_wait3A_302 = tpu.memref_slice %arg10[%mul3A_2, %dma_wait3A_301] : memref<10240x128xf32, #tpu.memory_space<vmem_shared>> -> memref<640x128xf32, #tpu.memory_space<vmem_shared>>
        %dma_wait3A_303 = arith.constant 0 : i32
        %dma_wait3A_304 = tpu.memref_slice %arg3[%mul3A_2, %dma_wait3A_303] : memref<10240x128xf32, #tpu.memory_space<hbm>> -> memref<640x128xf32, #tpu.memory_space<hbm>>
        tpu.wait_dma2 semaphore(%run_scoped3A : memref<!tpu.dma_semaphore, #tpu.memory_space<semaphore_mem>>) src(%dma_wait3A_304 : memref<640x128xf32, #tpu.memory_space<hbm>>) dst(%dma_wait3A_302 : memref<640x128xf32, #tpu.memory_space<vmem_shared>>)
        tpu.yield
      }) : () -> ()
    } else {
    }
    %ne3A_151 = arith.constant 0 : i32
    %ne3A_152 = arith.cmpi ne, %arg0, %ne3A_151 : i32
    %convert_element_type3A_153 = arith.extui %ne3A_152 : i1 to i32
    %cond3A_154 = arith.constant 0 : i32
    %cond3A_155 = arith.cmpi ne, %convert_element_type3A_153, %cond3A_154 : i32
    scf.if %cond3A_155 {
      "tpu.region"() ({
        %run_scoped3A = tpu.sem_alloc : memref<!tpu.dma_semaphore, #tpu.memory_space<semaphore_mem>>
        %dma_start3A_297 = arith.constant 0 : i32
        %dma_start3A_298 = tpu.memref_slice %arg10[%mul3A_2, %dma_start3A_297] : memref<10240x128xf32, #tpu.memory_space<vmem_shared>> -> memref<640x128xf32, #tpu.memory_space<vmem_shared>>
        %dma_start3A_299 = arith.constant 0 : i32
        %dma_start3A_300 = tpu.memref_slice %arg4[%mul3A_2, %dma_start3A_299] : memref<10240x128xf32, #tpu.memory_space<hbm>> -> memref<640x128xf32, #tpu.memory_space<hbm>>
        tpu.enqueue_dma source(%dma_start3A_300 : memref<640x128xf32, #tpu.memory_space<hbm>>) target(%dma_start3A_298 : memref<640x128xf32, #tpu.memory_space<vmem_shared>>) target_semaphore(%run_scoped3A : memref<!tpu.dma_semaphore, #tpu.memory_space<semaphore_mem>>)
        %dma_wait3A_301 = arith.constant 0 : i32
        %dma_wait3A_302 = tpu.memref_slice %arg10[%mul3A_2, %dma_wait3A_301] : memref<10240x128xf32, #tpu.memory_space<vmem_shared>> -> memref<640x128xf32, #tpu.memory_space<vmem_shared>>
        %dma_wait3A_303 = arith.constant 0 : i32
        %dma_wait3A_304 = tpu.memref_slice %arg4[%mul3A_2, %dma_wait3A_303] : memref<10240x128xf32, #tpu.memory_space<hbm>> -> memref<640x128xf32, #tpu.memory_space<hbm>>
        tpu.wait_dma2 semaphore(%run_scoped3A : memref<!tpu.dma_semaphore, #tpu.memory_space<semaphore_mem>>) src(%dma_wait3A_304 : memref<640x128xf32, #tpu.memory_space<hbm>>) dst(%dma_wait3A_302 : memref<640x128xf32, #tpu.memory_space<vmem_shared>>)
        tpu.yield
      }) : () -> ()
    } else {
    }
    %barrier3A_156 = arith.constant 0 : index
    tpu.barrier barrier_id(%barrier3A_156)
    %dma_start3A_157 = arith.constant 0 : i32
    %dma_start3A_158 = arith.constant 0 : i32
    %dma_start3A_159 = arith.constant 0 : i32
    %dma_start3A_160 = arith.constant 0 : i32
    %dma_start3A_161 = tpu.memref_slice %arg8[%dma_start3A_158, %dma_start3A_159, %dma_start3A_160] : memref<4x2x128xi32, #tpu.memory_space<vmem>> -> memref<1x2x128xi32, #tpu.memory_space<vmem>>
    %dma_start3A_162 = tpu.memref_squeeze %dma_start3A_161 : memref<1x2x128xi32, #tpu.memory_space<vmem>> -> memref<2x128xi32, #tpu.memory_space<vmem>>
    %dma_start3A_163 = arith.constant 0 : i32
    %dma_start3A_164 = arith.constant 0 : i32
    %dma_start3A_165 = tpu.memref_slice %arg5[%add3A, %dma_start3A_157, %dma_start3A_163, %dma_start3A_164] : memref<32x80x2x128xi32, #tpu.memory_space<hbm>> -> memref<1x1x2x128xi32, #tpu.memory_space<hbm>>
    %dma_start3A_166 = tpu.memref_squeeze %dma_start3A_165 : memref<1x1x2x128xi32, #tpu.memory_space<hbm>> -> memref<2x128xi32, #tpu.memory_space<hbm>>
    %dma_start3A_167 = arith.constant 0 : i32
    %dma_start3A_168 = arith.constant 0 : i32
    %dma_start3A_169 = tpu.memref_slice %arg8[%dma_start3A_158, %dma_start3A_167, %dma_start3A_168] : memref<4x2x128xi32, #tpu.memory_space<vmem>> -> memref<1x2x128xi32, #tpu.memory_space<vmem>>
    %dma_start3A_170 = tpu.memref_squeeze %dma_start3A_169 : memref<1x2x128xi32, #tpu.memory_space<vmem>> -> memref<2x128xi32, #tpu.memory_space<vmem>>
    %dma_start3A_171 = arith.constant 0 : i32
    %dma_start3A_172 = arith.constant 0 : i32
    %dma_start3A_173 = tpu.memref_slice %arg5[%add3A, %dma_start3A_157, %dma_start3A_171, %dma_start3A_172] : memref<32x80x2x128xi32, #tpu.memory_space<hbm>> -> memref<1x1x2x128xi32, #tpu.memory_space<hbm>>
    %dma_start3A_174 = tpu.memref_squeeze %dma_start3A_173 : memref<1x1x2x128xi32, #tpu.memory_space<hbm>> -> memref<2x128xi32, #tpu.memory_space<hbm>>
    tpu.enqueue_dma source(%dma_start3A_174 : memref<2x128xi32, #tpu.memory_space<hbm>>) target(%dma_start3A_170 : memref<2x128xi32, #tpu.memory_space<vmem>>) target_semaphore(%arg12 : memref<!tpu.dma_semaphore, #tpu.memory_space<semaphore_mem>>)
    %dma_start3A_175 = arith.constant 1 : i32
    %dma_start3A_176 = arith.constant 1 : i32
    %dma_start3A_177 = arith.constant 0 : i32
    %dma_start3A_178 = arith.constant 0 : i32
    %dma_start3A_179 = tpu.memref_slice %arg8[%dma_start3A_176, %dma_start3A_177, %dma_start3A_178] : memref<4x2x128xi32, #tpu.memory_space<vmem>> -> memref<1x2x128xi32, #tpu.memory_space<vmem>>
    %dma_start3A_180 = tpu.memref_squeeze %dma_start3A_179 : memref<1x2x128xi32, #tpu.memory_space<vmem>> -> memref<2x128xi32, #tpu.memory_space<vmem>>
    %dma_start3A_181 = arith.constant 0 : i32
    %dma_start3A_182 = arith.constant 0 : i32
    %dma_start3A_183 = tpu.memref_slice %arg5[%add3A, %dma_start3A_175, %dma_start3A_181, %dma_start3A_182] : memref<32x80x2x128xi32, #tpu.memory_space<hbm>> -> memref<1x1x2x128xi32, #tpu.memory_space<hbm>>
    %dma_start3A_184 = tpu.memref_squeeze %dma_start3A_183 : memref<1x1x2x128xi32, #tpu.memory_space<hbm>> -> memref<2x128xi32, #tpu.memory_space<hbm>>
    %dma_start3A_185 = arith.constant 0 : i32
    %dma_start3A_186 = arith.constant 0 : i32
    %dma_start3A_187 = tpu.memref_slice %arg8[%dma_start3A_176, %dma_start3A_185, %dma_start3A_186] : memref<4x2x128xi32, #tpu.memory_space<vmem>> -> memref<1x2x128xi32, #tpu.memory_space<vmem>>
    %dma_start3A_188 = tpu.memref_squeeze %dma_start3A_187 : memref<1x2x128xi32, #tpu.memory_space<vmem>> -> memref<2x128xi32, #tpu.memory_space<vmem>>
    %dma_start3A_189 = arith.constant 0 : i32
    %dma_start3A_190 = arith.constant 0 : i32
    %dma_start3A_191 = tpu.memref_slice %arg5[%add3A, %dma_start3A_175, %dma_start3A_189, %dma_start3A_190] : memref<32x80x2x128xi32, #tpu.memory_space<hbm>> -> memref<1x1x2x128xi32, #tpu.memory_space<hbm>>
    %dma_start3A_192 = tpu.memref_squeeze %dma_start3A_191 : memref<1x1x2x128xi32, #tpu.memory_space<hbm>> -> memref<2x128xi32, #tpu.memory_space<hbm>>
    tpu.enqueue_dma source(%dma_start3A_192 : memref<2x128xi32, #tpu.memory_space<hbm>>) target(%dma_start3A_188 : memref<2x128xi32, #tpu.memory_space<vmem>>) target_semaphore(%arg12 : memref<!tpu.dma_semaphore, #tpu.memory_space<semaphore_mem>>)
    %dma_start3A_193 = arith.constant 2 : i32
    %dma_start3A_194 = arith.constant 2 : i32
    %dma_start3A_195 = arith.constant 0 : i32
    %dma_start3A_196 = arith.constant 0 : i32
    %dma_start3A_197 = tpu.memref_slice %arg8[%dma_start3A_194, %dma_start3A_195, %dma_start3A_196] : memref<4x2x128xi32, #tpu.memory_space<vmem>> -> memref<1x2x128xi32, #tpu.memory_space<vmem>>
    %dma_start3A_198 = tpu.memref_squeeze %dma_start3A_197 : memref<1x2x128xi32, #tpu.memory_space<vmem>> -> memref<2x128xi32, #tpu.memory_space<vmem>>
    %dma_start3A_199 = arith.constant 0 : i32
    %dma_start3A_200 = arith.constant 0 : i32
    %dma_start3A_201 = tpu.memref_slice %arg5[%add3A, %dma_start3A_193, %dma_start3A_199, %dma_start3A_200] : memref<32x80x2x128xi32, #tpu.memory_space<hbm>> -> memref<1x1x2x128xi32, #tpu.memory_space<hbm>>
    %dma_start3A_202 = tpu.memref_squeeze %dma_start3A_201 : memref<1x1x2x128xi32, #tpu.memory_space<hbm>> -> memref<2x128xi32, #tpu.memory_space<hbm>>
    %dma_start3A_203 = arith.constant 0 : i32
    %dma_start3A_204 = arith.constant 0 : i32
    %dma_start3A_205 = tpu.memref_slice %arg8[%dma_start3A_194, %dma_start3A_203, %dma_start3A_204] : memref<4x2x128xi32, #tpu.memory_space<vmem>> -> memref<1x2x128xi32, #tpu.memory_space<vmem>>
    %dma_start3A_206 = tpu.memref_squeeze %dma_start3A_205 : memref<1x2x128xi32, #tpu.memory_space<vmem>> -> memref<2x128xi32, #tpu.memory_space<vmem>>
    %dma_start3A_207 = arith.constant 0 : i32
    %dma_start3A_208 = arith.constant 0 : i32
    %dma_start3A_209 = tpu.memref_slice %arg5[%add3A, %dma_start3A_193, %dma_start3A_207, %dma_start3A_208] : memref<32x80x2x128xi32, #tpu.memory_space<hbm>> -> memref<1x1x2x128xi32, #tpu.memory_space<hbm>>
    %dma_start3A_210 = tpu.memref_squeeze %dma_start3A_209 : memref<1x1x2x128xi32, #tpu.memory_space<hbm>> -> memref<2x128xi32, #tpu.memory_space<hbm>>
    tpu.enqueue_dma source(%dma_start3A_210 : memref<2x128xi32, #tpu.memory_space<hbm>>) target(%dma_start3A_206 : memref<2x128xi32, #tpu.memory_space<vmem>>) target_semaphore(%arg12 : memref<!tpu.dma_semaphore, #tpu.memory_space<semaphore_mem>>)
    %dma_start3A_211 = arith.constant 3 : i32
    %dma_start3A_212 = arith.constant 3 : i32
    %dma_start3A_213 = arith.constant 0 : i32
    %dma_start3A_214 = arith.constant 0 : i32
    %dma_start3A_215 = tpu.memref_slice %arg8[%dma_start3A_212, %dma_start3A_213, %dma_start3A_214] : memref<4x2x128xi32, #tpu.memory_space<vmem>> -> memref<1x2x128xi32, #tpu.memory_space<vmem>>
    %dma_start3A_216 = tpu.memref_squeeze %dma_start3A_215 : memref<1x2x128xi32, #tpu.memory_space<vmem>> -> memref<2x128xi32, #tpu.memory_space<vmem>>
    %dma_start3A_217 = arith.constant 0 : i32
    %dma_start3A_218 = arith.constant 0 : i32
    %dma_start3A_219 = tpu.memref_slice %arg5[%add3A, %dma_start3A_211, %dma_start3A_217, %dma_start3A_218] : memref<32x80x2x128xi32, #tpu.memory_space<hbm>> -> memref<1x1x2x128xi32, #tpu.memory_space<hbm>>
    %dma_start3A_220 = tpu.memref_squeeze %dma_start3A_219 : memref<1x1x2x128xi32, #tpu.memory_space<hbm>> -> memref<2x128xi32, #tpu.memory_space<hbm>>
    %dma_start3A_221 = arith.constant 0 : i32
    %dma_start3A_222 = arith.constant 0 : i32
    %dma_start3A_223 = tpu.memref_slice %arg8[%dma_start3A_212, %dma_start3A_221, %dma_start3A_222] : memref<4x2x128xi32, #tpu.memory_space<vmem>> -> memref<1x2x128xi32, #tpu.memory_space<vmem>>
    %dma_start3A_224 = tpu.memref_squeeze %dma_start3A_223 : memref<1x2x128xi32, #tpu.memory_space<vmem>> -> memref<2x128xi32, #tpu.memory_space<vmem>>
    %dma_start3A_225 = arith.constant 0 : i32
    %dma_start3A_226 = arith.constant 0 : i32
    %dma_start3A_227 = tpu.memref_slice %arg5[%add3A, %dma_start3A_211, %dma_start3A_225, %dma_start3A_226] : memref<32x80x2x128xi32, #tpu.memory_space<hbm>> -> memref<1x1x2x128xi32, #tpu.memory_space<hbm>>
    %dma_start3A_228 = tpu.memref_squeeze %dma_start3A_227 : memref<1x1x2x128xi32, #tpu.memory_space<hbm>> -> memref<2x128xi32, #tpu.memory_space<hbm>>
    tpu.enqueue_dma source(%dma_start3A_228 : memref<2x128xi32, #tpu.memory_space<hbm>>) target(%dma_start3A_224 : memref<2x128xi32, #tpu.memory_space<vmem>>) target_semaphore(%arg12 : memref<!tpu.dma_semaphore, #tpu.memory_space<semaphore_mem>>)
    %dma_wait3A_229 = arith.constant 0 : i32
    %dma_wait3A_230 = arith.constant 0 : i32
    %dma_wait3A_231 = arith.constant 0 : i32
    %dma_wait3A_232 = arith.constant 0 : i32
    %dma_wait3A_233 = tpu.memref_slice %arg8[%dma_wait3A_230, %dma_wait3A_231, %dma_wait3A_232] : memref<4x2x128xi32, #tpu.memory_space<vmem>> -> memref<1x2x128xi32, #tpu.memory_space<vmem>>
    %dma_wait3A_234 = tpu.memref_squeeze %dma_wait3A_233 : memref<1x2x128xi32, #tpu.memory_space<vmem>> -> memref<2x128xi32, #tpu.memory_space<vmem>>
    %dma_wait3A_235 = arith.constant 0 : i32
    %dma_wait3A_236 = arith.constant 0 : i32
    %dma_wait3A_237 = tpu.memref_slice %arg5[%add3A, %dma_wait3A_229, %dma_wait3A_235, %dma_wait3A_236] : memref<32x80x2x128xi32, #tpu.memory_space<hbm>> -> memref<1x1x2x128xi32, #tpu.memory_space<hbm>>
    %dma_wait3A_238 = tpu.memref_squeeze %dma_wait3A_237 : memref<1x1x2x128xi32, #tpu.memory_space<hbm>> -> memref<2x128xi32, #tpu.memory_space<hbm>>
    %dma_wait3A_239 = arith.constant 0 : i32
    %dma_wait3A_240 = arith.constant 0 : i32
    %dma_wait3A_241 = tpu.memref_slice %arg8[%dma_wait3A_230, %dma_wait3A_239, %dma_wait3A_240] : memref<4x2x128xi32, #tpu.memory_space<vmem>> -> memref<1x2x128xi32, #tpu.memory_space<vmem>>
    %dma_wait3A_242 = tpu.memref_squeeze %dma_wait3A_241 : memref<1x2x128xi32, #tpu.memory_space<vmem>> -> memref<2x128xi32, #tpu.memory_space<vmem>>
    %dma_wait3A_243 = arith.constant 0 : i32
    %dma_wait3A_244 = arith.constant 0 : i32
    %dma_wait3A_245 = tpu.memref_slice %arg5[%add3A, %dma_wait3A_229, %dma_wait3A_243, %dma_wait3A_244] : memref<32x80x2x128xi32, #tpu.memory_space<hbm>> -> memref<1x1x2x128xi32, #tpu.memory_space<hbm>>
    %dma_wait3A_246 = tpu.memref_squeeze %dma_wait3A_245 : memref<1x1x2x128xi32, #tpu.memory_space<hbm>> -> memref<2x128xi32, #tpu.memory_space<hbm>>
    tpu.wait_dma2 semaphore(%arg12 : memref<!tpu.dma_semaphore, #tpu.memory_space<semaphore_mem>>) src(%dma_wait3A_246 : memref<2x128xi32, #tpu.memory_space<hbm>>) dst(%dma_wait3A_242 : memref<2x128xi32, #tpu.memory_space<vmem>>)
    %dma_start3A_247 = arith.constant 0 : i32
    %dma_start3A_248 = arith.constant 0 : i32
    %dma_start3A_249 = arith.constant 0 : i32
    %dma_start3A_250 = arith.constant 0 : i32
    %dma_start3A_251 = arith.constant 0 : i32
    %dma_start3A_252 = tpu.memref_slice %arg9[%dma_start3A_249, %dma_start3A_250, %dma_start3A_251] : memref<2x128x128xf32, #tpu.memory_space<vmem>> -> memref<1x128x128xf32, #tpu.memory_space<vmem>>
    %dma_start3A_253 = tpu.memref_squeeze %dma_start3A_252 : memref<1x128x128xf32, #tpu.memory_space<vmem>> -> memref<128x128xf32, #tpu.memory_space<vmem>>
    %dma_start3A_254 = arith.constant 0 : i32
    %dma_start3A_255 = tpu.memref_slice %arg8[%dma_start3A_247, %dma_start3A_248, %dma_start3A_254] : memref<4x2x128xi32, #tpu.memory_space<vmem>> -> memref<1x1x128xi32, #tpu.memory_space<vmem>>
    %dma_start3A_256 = tpu.memref_squeeze %dma_start3A_255 : memref<1x1x128xi32, #tpu.memory_space<vmem>> -> memref<128xi32, #tpu.memory_space<vmem>>
    %dma_start3A_257 = arith.constant 0 : i32
    %dma_start3A_258 = arith.constant 0 : i32
    %dma_start3A_259 = tpu.memref_slice %arg3[%dma_start3A_257, %dma_start3A_258] : memref<10240x128xf32, #tpu.memory_space<hbm>> -> memref<10240x128xf32, #tpu.memory_space<hbm>>
    tpu.enqueue_indirect_dma source(%dma_start3A_259 : memref<10240x128xf32, #tpu.memory_space<hbm>>) target(%dma_start3A_253 : memref<128x128xf32, #tpu.memory_space<vmem>>) offsets(%dma_start3A_256 : memref<128xi32, #tpu.memory_space<vmem>>) semaphore(%arg11 : memref<!tpu.dma_semaphore, #tpu.memory_space<semaphore_mem>>)
    %dma_wait3A_260 = arith.constant 0 : i32
    %dma_wait3A_261 = arith.constant 1 : i32
    %dma_wait3A_262 = arith.constant 0 : i32
    %dma_wait3A_263 = arith.constant 0 : i32
    %dma_wait3A_264 = tpu.memref_slice %arg8[%dma_wait3A_261, %dma_wait3A_262, %dma_wait3A_263] : memref<4x2x128xi32, #tpu.memory_space<vmem>> -> memref<1x2x128xi32, #tpu.memory_space<vmem>>
    %dma_wait3A_265 = tpu.memref_squeeze %dma_wait3A_264 : memref<1x2x128xi32, #tpu.memory_space<vmem>> -> memref<2x128xi32, #tpu.memory_space<vmem>>
    %dma_wait3A_266 = arith.constant 0 : i32
    %dma_wait3A_267 = arith.constant 0 : i32
    %dma_wait3A_268 = tpu.memref_slice %arg5[%add3A, %dma_wait3A_260, %dma_wait3A_266, %dma_wait3A_267] : memref<32x80x2x128xi32, #tpu.memory_space<hbm>> -> memref<1x1x2x128xi32, #tpu.memory_space<hbm>>
    %dma_wait3A_269 = tpu.memref_squeeze %dma_wait3A_268 : memref<1x1x2x128xi32, #tpu.memory_space<hbm>> -> memref<2x128xi32, #tpu.memory_space<hbm>>
    %dma_wait3A_270 = arith.constant 0 : i32
    %dma_wait3A_271 = arith.constant 0 : i32
    %dma_wait3A_272 = tpu.memref_slice %arg8[%dma_wait3A_261, %dma_wait3A_270, %dma_wait3A_271] : memref<4x2x128xi32, #tpu.memory_space<vmem>> -> memref<1x2x128xi32, #tpu.memory_space<vmem>>
    %dma_wait3A_273 = tpu.memref_squeeze %dma_wait3A_272 : memref<1x2x128xi32, #tpu.memory_space<vmem>> -> memref<2x128xi32, #tpu.memory_space<vmem>>
    %dma_wait3A_274 = arith.constant 0 : i32
    %dma_wait3A_275 = arith.constant 0 : i32
    %dma_wait3A_276 = tpu.memref_slice %arg5[%add3A, %dma_wait3A_260, %dma_wait3A_274, %dma_wait3A_275] : memref<32x80x2x128xi32, #tpu.memory_space<hbm>> -> memref<1x1x2x128xi32, #tpu.memory_space<hbm>>
    %dma_wait3A_277 = tpu.memref_squeeze %dma_wait3A_276 : memref<1x1x2x128xi32, #tpu.memory_space<hbm>> -> memref<2x128xi32, #tpu.memory_space<hbm>>
    tpu.wait_dma2 semaphore(%arg12 : memref<!tpu.dma_semaphore, #tpu.memory_space<semaphore_mem>>) src(%dma_wait3A_277 : memref<2x128xi32, #tpu.memory_space<hbm>>) dst(%dma_wait3A_273 : memref<2x128xi32, #tpu.memory_space<vmem>>)
    %dma_start3A_278 = arith.constant 1 : i32
    %dma_start3A_279 = arith.constant 0 : i32
    %dma_start3A_280 = arith.constant 1 : i32
    %dma_start3A_281 = arith.constant 0 : i32
    %dma_start3A_282 = arith.constant 0 : i32
    %dma_start3A_283 = tpu.memref_slice %arg9[%dma_start3A_280, %dma_start3A_281, %dma_start3A_282] : memref<2x128x128xf32, #tpu.memory_space<vmem>> -> memref<1x128x128xf32, #tpu.memory_space<vmem>>
    %dma_start3A_284 = tpu.memref_squeeze %dma_start3A_283 : memref<1x128x128xf32, #tpu.memory_space<vmem>> -> memref<128x128xf32, #tpu.memory_space<vmem>>
    %dma_start3A_285 = arith.constant 0 : i32
    %dma_start3A_286 = tpu.memref_slice %arg8[%dma_start3A_278, %dma_start3A_279, %dma_start3A_285] : memref<4x2x128xi32, #tpu.memory_space<vmem>> -> memref<1x1x128xi32, #tpu.memory_space<vmem>>
    %dma_start3A_287 = tpu.memref_squeeze %dma_start3A_286 : memref<1x1x128xi32, #tpu.memory_space<vmem>> -> memref<128xi32, #tpu.memory_space<vmem>>
    %dma_start3A_288 = arith.constant 0 : i32
    %dma_start3A_289 = arith.constant 0 : i32
    %dma_start3A_290 = tpu.memref_slice %arg3[%dma_start3A_288, %dma_start3A_289] : memref<10240x128xf32, #tpu.memory_space<hbm>> -> memref<10240x128xf32, #tpu.memory_space<hbm>>
    tpu.enqueue_indirect_dma source(%dma_start3A_290 : memref<10240x128xf32, #tpu.memory_space<hbm>>) target(%dma_start3A_284 : memref<128x128xf32, #tpu.memory_space<vmem>>) offsets(%dma_start3A_287 : memref<128xi32, #tpu.memory_space<vmem>>) semaphore(%arg11 : memref<!tpu.dma_semaphore, #tpu.memory_space<semaphore_mem>>)
    %scan3A_291 = arith.constant 0 : i32
    %scan3A_292 = arith.constant 40 : i32
    %scan3A_293 = arith.addi %scan3A_291, %scan3A_292 : i32
    %scan3A_294 = arith.constant 1 : i32
    scf.for %scan3A_297 = %scan3A_291 to %scan3A_293 step %scan3A_294  : i32 {
      %mul3A_298 = arith.constant 2 : i32
      %mul3A_299 = arith.muli %scan3A_297, %mul3A_298 : i32
      %add3A_300 = arith.constant 0 : i32
      %add3A_301 = arith.addi %add3A_300, %mul3A_299 : i32
      %add3A_302 = arith.constant 0 : i32
      %add3A_303 = arith.addi %add3A_301, %add3A_302 : i32
      %rem3A = arith.constant 4 : i32
      %rem3A_304 = arith.remsi %add3A_303, %rem3A : i32
      %dma_wait3A_305 = arith.constant 0 : i32
      %dma_wait3A_306 = arith.constant 0 : i32
      %dma_wait3A_307 = arith.constant 0 : i32
      %dma_wait3A_308 = tpu.memref_slice %arg9[%dma_wait3A_305, %dma_wait3A_306, %dma_wait3A_307] : memref<2x128x128xf32, #tpu.memory_space<vmem>> -> memref<1x128x128xf32, #tpu.memory_space<vmem>>
      %dma_wait3A_309 = tpu.memref_squeeze %dma_wait3A_308 : memref<1x128x128xf32, #tpu.memory_space<vmem>> -> memref<128x128xf32, #tpu.memory_space<vmem>>
      %dma_wait3A_310 = arith.constant 0 : i32
      %dma_wait3A_311 = arith.constant 0 : i32
      %dma_wait3A_312 = tpu.memref_slice %arg3[%dma_wait3A_310, %dma_wait3A_311] : memref<10240x128xf32, #tpu.memory_space<hbm>> -> memref<128x128xf32, #tpu.memory_space<hbm>>
      %dma_wait3A_313 = arith.constant 0 : i32
      %dma_wait3A_314 = arith.constant 0 : i32
      %dma_wait3A_315 = tpu.memref_slice %arg9[%dma_wait3A_305, %dma_wait3A_313, %dma_wait3A_314] : memref<2x128x128xf32, #tpu.memory_space<vmem>> -> memref<1x128x128xf32, #tpu.memory_space<vmem>>
      %dma_wait3A_316 = tpu.memref_squeeze %dma_wait3A_315 : memref<1x128x128xf32, #tpu.memory_space<vmem>> -> memref<128x128xf32, #tpu.memory_space<vmem>>
      %dma_wait3A_317 = arith.constant 0 : i32
      %dma_wait3A_318 = arith.constant 0 : i32
      %dma_wait3A_319 = tpu.memref_slice %arg3[%dma_wait3A_317, %dma_wait3A_318] : memref<10240x128xf32, #tpu.memory_space<hbm>> -> memref<128x128xf32, #tpu.memory_space<hbm>>
      tpu.wait_dma2 semaphore(%arg11 : memref<!tpu.dma_semaphore, #tpu.memory_space<semaphore_mem>>) src(%dma_wait3A_319 : memref<128x128xf32, #tpu.memory_space<hbm>>) dst(%dma_wait3A_316 : memref<128x128xf32, #tpu.memory_space<vmem>>)
      %run_scoped3A = arith.constant 0 : i32
      %run_scoped3A_320 = arith.constant 1 : i32
      "tpu.region"() ({
        %run_scoped3A_369 = tpu.sem_alloc : memref<!tpu.dma_semaphore, #tpu.memory_space<semaphore_mem>>
        %dma_start3A_370 = arith.constant 0 : i32
        %dma_start3A_371 = arith.constant 0 : i32
        %dma_start3A_372 = tpu.memref_slice %arg9[%run_scoped3A, %dma_start3A_370, %dma_start3A_371] : memref<2x128x128xf32, #tpu.memory_space<vmem>> -> memref<1x128x128xf32, #tpu.memory_space<vmem>>
        %dma_start3A_373 = tpu.memref_squeeze %dma_start3A_372 : memref<1x128x128xf32, #tpu.memory_space<vmem>> -> memref<128x128xf32, #tpu.memory_space<vmem>>
        %dma_start3A_374 = arith.constant 0 : i32
        %dma_start3A_375 = tpu.memref_slice %arg8[%rem3A_304, %run_scoped3A_320, %dma_start3A_374] : memref<4x2x128xi32, #tpu.memory_space<vmem>> -> memref<1x1x128xi32, #tpu.memory_space<vmem>>
        %dma_start3A_376 = tpu.memref_squeeze %dma_start3A_375 : memref<1x1x128xi32, #tpu.memory_space<vmem>> -> memref<128xi32, #tpu.memory_space<vmem>>
        %dma_start3A_377 = arith.constant 0 : i32
        %dma_start3A_378 = arith.constant 0 : i32
        %dma_start3A_379 = tpu.memref_slice %arg10[%dma_start3A_377, %dma_start3A_378] : memref<10240x128xf32, #tpu.memory_space<vmem_shared>> -> memref<10240x128xf32, #tpu.memory_space<vmem_shared>>
        tpu.enqueue_indirect_dma source(%dma_start3A_373 : memref<128x128xf32, #tpu.memory_space<vmem>>) target(%dma_start3A_379 : memref<10240x128xf32, #tpu.memory_space<vmem_shared>>) offsets(%dma_start3A_376 : memref<128xi32, #tpu.memory_space<vmem>>) semaphore(%run_scoped3A_369 : memref<!tpu.dma_semaphore, #tpu.memory_space<semaphore_mem>>) {add = true}
        %dma_wait3A_380 = arith.constant 0 : i32
        %dma_wait3A_381 = arith.constant 0 : i32
        %dma_wait3A_382 = tpu.memref_slice %arg9[%run_scoped3A, %dma_wait3A_380, %dma_wait3A_381] : memref<2x128x128xf32, #tpu.memory_space<vmem>> -> memref<1x128x128xf32, #tpu.memory_space<vmem>>
        %dma_wait3A_383 = tpu.memref_squeeze %dma_wait3A_382 : memref<1x128x128xf32, #tpu.memory_space<vmem>> -> memref<128x128xf32, #tpu.memory_space<vmem>>
        %dma_wait3A_384 = arith.constant 0 : i32
        %dma_wait3A_385 = tpu.memref_slice %arg8[%rem3A_304, %run_scoped3A_320, %dma_wait3A_384] : memref<4x2x128xi32, #tpu.memory_space<vmem>> -> memref<1x1x128xi32, #tpu.memory_space<vmem>>
        %dma_wait3A_386 = tpu.memref_squeeze %dma_wait3A_385 : memref<1x1x128xi32, #tpu.memory_space<vmem>> -> memref<128xi32, #tpu.memory_space<vmem>>
        %dma_wait3A_387 = arith.constant 0 : i32
        %dma_wait3A_388 = arith.constant 0 : i32
        %dma_wait3A_389 = tpu.memref_slice %arg10[%dma_wait3A_387, %dma_wait3A_388] : memref<10240x128xf32, #tpu.memory_space<vmem_shared>> -> memref<10240x128xf32, #tpu.memory_space<vmem_shared>>
        tpu.wait_indirect_dma semaphore(%run_scoped3A_369 : memref<!tpu.dma_semaphore, #tpu.memory_space<semaphore_mem>>) src(%dma_wait3A_383 : memref<128x128xf32, #tpu.memory_space<vmem>>) dst(%dma_wait3A_389 : memref<10240x128xf32, #tpu.memory_space<vmem_shared>>)
        tpu.yield
      }) : () -> ()
      %add3A_321 = arith.constant 4 : i32
      %add3A_322 = arith.addi %add3A_303, %add3A_321 : i32
      %lt3A = arith.constant 80 : i32
      %lt3A_323 = arith.cmpi slt, %add3A_322, %lt3A : i32
      %convert_element_type3A_324 = arith.extui %lt3A_323 : i1 to i32
      %cond3A_325 = arith.constant 0 : i32
      %cond3A_326 = arith.cmpi ne, %convert_element_type3A_324, %cond3A_325 : i32
      scf.if %cond3A_326 {
        %add3A_369 = arith.constant 4 : i32
        %add3A_370 = arith.addi %add3A_303, %add3A_369 : i32
        %dma_start3A_371 = arith.constant 0 : i32
        %dma_start3A_372 = arith.constant 0 : i32
        %dma_start3A_373 = tpu.memref_slice %arg8[%rem3A_304, %dma_start3A_371, %dma_start3A_372] : memref<4x2x128xi32, #tpu.memory_space<vmem>> -> memref<1x2x128xi32, #tpu.memory_space<vmem>>
        %dma_start3A_374 = tpu.memref_squeeze %dma_start3A_373 : memref<1x2x128xi32, #tpu.memory_space<vmem>> -> memref<2x128xi32, #tpu.memory_space<vmem>>
        %dma_start3A_375 = arith.constant 0 : i32
        %dma_start3A_376 = arith.constant 0 : i32
        %dma_start3A_377 = tpu.memref_slice %arg5[%add3A, %add3A_370, %dma_start3A_375, %dma_start3A_376] : memref<32x80x2x128xi32, #tpu.memory_space<hbm>> -> memref<1x1x2x128xi32, #tpu.memory_space<hbm>>
        %dma_start3A_378 = tpu.memref_squeeze %dma_start3A_377 : memref<1x1x2x128xi32, #tpu.memory_space<hbm>> -> memref<2x128xi32, #tpu.memory_space<hbm>>
        %dma_start3A_379 = arith.constant 0 : i32
        %dma_start3A_380 = arith.constant 0 : i32
        %dma_start3A_381 = tpu.memref_slice %arg8[%rem3A_304, %dma_start3A_379, %dma_start3A_380] : memref<4x2x128xi32, #tpu.memory_space<vmem>> -> memref<1x2x128xi32, #tpu.memory_space<vmem>>
        %dma_start3A_382 = tpu.memref_squeeze %dma_start3A_381 : memref<1x2x128xi32, #tpu.memory_space<vmem>> -> memref<2x128xi32, #tpu.memory_space<vmem>>
        %dma_start3A_383 = arith.constant 0 : i32
        %dma_start3A_384 = arith.constant 0 : i32
        %dma_start3A_385 = tpu.memref_slice %arg5[%add3A, %add3A_370, %dma_start3A_383, %dma_start3A_384] : memref<32x80x2x128xi32, #tpu.memory_space<hbm>> -> memref<1x1x2x128xi32, #tpu.memory_space<hbm>>
        %dma_start3A_386 = tpu.memref_squeeze %dma_start3A_385 : memref<1x1x2x128xi32, #tpu.memory_space<hbm>> -> memref<2x128xi32, #tpu.memory_space<hbm>>
        tpu.enqueue_dma source(%dma_start3A_386 : memref<2x128xi32, #tpu.memory_space<hbm>>) target(%dma_start3A_382 : memref<2x128xi32, #tpu.memory_space<vmem>>) target_semaphore(%arg12 : memref<!tpu.dma_semaphore, #tpu.memory_space<semaphore_mem>>)
      } else {
      }
      %add3A_327 = arith.constant 2 : i32
      %add3A_328 = arith.addi %add3A_303, %add3A_327 : i32
      %lt3A_329 = arith.constant 80 : i32
      %lt3A_330 = arith.cmpi slt, %add3A_328, %lt3A_329 : i32
      %convert_element_type3A_331 = arith.extui %lt3A_330 : i1 to i32
      %cond3A_332 = arith.constant 0 : i32
      %cond3A_333 = arith.cmpi ne, %convert_element_type3A_331, %cond3A_332 : i32
      scf.if %cond3A_333 {
        %add3A_369 = arith.constant 2 : i32
        %add3A_370 = arith.addi %add3A_303, %add3A_369 : i32
        %rem3A_371 = arith.constant 4 : i32
        %rem3A_372 = arith.remsi %add3A_370, %rem3A_371 : i32
        %dma_wait3A_373 = arith.constant 0 : i32
        %dma_wait3A_374 = arith.constant 0 : i32
        %dma_wait3A_375 = arith.constant 0 : i32
        %dma_wait3A_376 = tpu.memref_slice %arg8[%rem3A_372, %dma_wait3A_374, %dma_wait3A_375] : memref<4x2x128xi32, #tpu.memory_space<vmem>> -> memref<1x2x128xi32, #tpu.memory_space<vmem>>
        %dma_wait3A_377 = tpu.memref_squeeze %dma_wait3A_376 : memref<1x2x128xi32, #tpu.memory_space<vmem>> -> memref<2x128xi32, #tpu.memory_space<vmem>>
        %dma_wait3A_378 = arith.constant 0 : i32
        %dma_wait3A_379 = arith.constant 0 : i32
        %dma_wait3A_380 = tpu.memref_slice %arg5[%add3A, %dma_wait3A_373, %dma_wait3A_378, %dma_wait3A_379] : memref<32x80x2x128xi32, #tpu.memory_space<hbm>> -> memref<1x1x2x128xi32, #tpu.memory_space<hbm>>
        %dma_wait3A_381 = tpu.memref_squeeze %dma_wait3A_380 : memref<1x1x2x128xi32, #tpu.memory_space<hbm>> -> memref<2x128xi32, #tpu.memory_space<hbm>>
        %dma_wait3A_382 = arith.constant 0 : i32
        %dma_wait3A_383 = arith.constant 0 : i32
        %dma_wait3A_384 = tpu.memref_slice %arg8[%rem3A_372, %dma_wait3A_382, %dma_wait3A_383] : memref<4x2x128xi32, #tpu.memory_space<vmem>> -> memref<1x2x128xi32, #tpu.memory_space<vmem>>
        %dma_wait3A_385 = tpu.memref_squeeze %dma_wait3A_384 : memref<1x2x128xi32, #tpu.memory_space<vmem>> -> memref<2x128xi32, #tpu.memory_space<vmem>>
        %dma_wait3A_386 = arith.constant 0 : i32
        %dma_wait3A_387 = arith.constant 0 : i32
        %dma_wait3A_388 = tpu.memref_slice %arg5[%add3A, %dma_wait3A_373, %dma_wait3A_386, %dma_wait3A_387] : memref<32x80x2x128xi32, #tpu.memory_space<hbm>> -> memref<1x1x2x128xi32, #tpu.memory_space<hbm>>
        %dma_wait3A_389 = tpu.memref_squeeze %dma_wait3A_388 : memref<1x1x2x128xi32, #tpu.memory_space<hbm>> -> memref<2x128xi32, #tpu.memory_space<hbm>>
        tpu.wait_dma2 semaphore(%arg12 : memref<!tpu.dma_semaphore, #tpu.memory_space<semaphore_mem>>) src(%dma_wait3A_389 : memref<2x128xi32, #tpu.memory_space<hbm>>) dst(%dma_wait3A_385 : memref<2x128xi32, #tpu.memory_space<vmem>>)
        %dma_start3A_390 = arith.constant 0 : i32
        %dma_start3A_391 = arith.constant 0 : i32
        %dma_start3A_392 = arith.constant 0 : i32
        %dma_start3A_393 = arith.constant 0 : i32
        %dma_start3A_394 = tpu.memref_slice %arg9[%dma_start3A_391, %dma_start3A_392, %dma_start3A_393] : memref<2x128x128xf32, #tpu.memory_space<vmem>> -> memref<1x128x128xf32, #tpu.memory_space<vmem>>
        %dma_start3A_395 = tpu.memref_squeeze %dma_start3A_394 : memref<1x128x128xf32, #tpu.memory_space<vmem>> -> memref<128x128xf32, #tpu.memory_space<vmem>>
        %dma_start3A_396 = arith.constant 0 : i32
        %dma_start3A_397 = tpu.memref_slice %arg8[%rem3A_372, %dma_start3A_390, %dma_start3A_396] : memref<4x2x128xi32, #tpu.memory_space<vmem>> -> memref<1x1x128xi32, #tpu.memory_space<vmem>>
        %dma_start3A_398 = tpu.memref_squeeze %dma_start3A_397 : memref<1x1x128xi32, #tpu.memory_space<vmem>> -> memref<128xi32, #tpu.memory_space<vmem>>
        %dma_start3A_399 = arith.constant 0 : i32
        %dma_start3A_400 = arith.constant 0 : i32
        %dma_start3A_401 = tpu.memref_slice %arg3[%dma_start3A_399, %dma_start3A_400] : memref<10240x128xf32, #tpu.memory_space<hbm>> -> memref<10240x128xf32, #tpu.memory_space<hbm>>
        tpu.enqueue_indirect_dma source(%dma_start3A_401 : memref<10240x128xf32, #tpu.memory_space<hbm>>) target(%dma_start3A_395 : memref<128x128xf32, #tpu.memory_space<vmem>>) offsets(%dma_start3A_398 : memref<128xi32, #tpu.memory_space<vmem>>) semaphore(%arg11 : memref<!tpu.dma_semaphore, #tpu.memory_space<semaphore_mem>>)
      } else {
      }
      %add3A_334 = arith.constant 1 : i32
      %add3A_335 = arith.addi %add3A_301, %add3A_334 : i32
      %rem3A_336 = arith.constant 4 : i32
      %rem3A_337 = arith.remsi %add3A_335, %rem3A_336 : i32
      %dma_wait3A_338 = arith.constant 1 : i32
      %dma_wait3A_339 = arith.constant 0 : i32
      %dma_wait3A_340 = arith.constant 0 : i32
      %dma_wait3A_341 = tpu.memref_slice %arg9[%dma_wait3A_338, %dma_wait3A_339, %dma_wait3A_340] : memref<2x128x128xf32, #tpu.memory_space<vmem>> -> memref<1x128x128xf32, #tpu.memory_space<vmem>>
      %dma_wait3A_342 = tpu.memref_squeeze %dma_wait3A_341 : memref<1x128x128xf32, #tpu.memory_space<vmem>> -> memref<128x128xf32, #tpu.memory_space<vmem>>
      %dma_wait3A_343 = arith.constant 0 : i32
      %dma_wait3A_344 = arith.constant 0 : i32
      %dma_wait3A_345 = tpu.memref_slice %arg3[%dma_wait3A_343, %dma_wait3A_344] : memref<10240x128xf32, #tpu.memory_space<hbm>> -> memref<128x128xf32, #tpu.memory_space<hbm>>
      %dma_wait3A_346 = arith.constant 0 : i32
      %dma_wait3A_347 = arith.constant 0 : i32
      %dma_wait3A_348 = tpu.memref_slice %arg9[%dma_wait3A_338, %dma_wait3A_346, %dma_wait3A_347] : memref<2x128x128xf32, #tpu.memory_space<vmem>> -> memref<1x128x128xf32, #tpu.memory_space<vmem>>
      %dma_wait3A_349 = tpu.memref_squeeze %dma_wait3A_348 : memref<1x128x128xf32, #tpu.memory_space<vmem>> -> memref<128x128xf32, #tpu.memory_space<vmem>>
      %dma_wait3A_350 = arith.constant 0 : i32
      %dma_wait3A_351 = arith.constant 0 : i32
      %dma_wait3A_352 = tpu.memref_slice %arg3[%dma_wait3A_350, %dma_wait3A_351] : memref<10240x128xf32, #tpu.memory_space<hbm>> -> memref<128x128xf32, #tpu.memory_space<hbm>>
      tpu.wait_dma2 semaphore(%arg11 : memref<!tpu.dma_semaphore, #tpu.memory_space<semaphore_mem>>) src(%dma_wait3A_352 : memref<128x128xf32, #tpu.memory_space<hbm>>) dst(%dma_wait3A_349 : memref<128x128xf32, #tpu.memory_space<vmem>>)
      %run_scoped3A_353 = arith.constant 1 : i32
      %run_scoped3A_354 = arith.constant 1 : i32
      "tpu.region"() ({
        %run_scoped3A_369 = tpu.sem_alloc : memref<!tpu.dma_semaphore, #tpu.memory_space<semaphore_mem>>
        %dma_start3A_370 = arith.constant 0 : i32
        %dma_start3A_371 = arith.constant 0 : i32
        %dma_start3A_372 = tpu.memref_slice %arg9[%run_scoped3A_353, %dma_start3A_370, %dma_start3A_371] : memref<2x128x128xf32, #tpu.memory_space<vmem>> -> memref<1x128x128xf32, #tpu.memory_space<vmem>>
        %dma_start3A_373 = tpu.memref_squeeze %dma_start3A_372 : memref<1x128x128xf32, #tpu.memory_space<vmem>> -> memref<128x128xf32, #tpu.memory_space<vmem>>
        %dma_start3A_374 = arith.constant 0 : i32
        %dma_start3A_375 = tpu.memref_slice %arg8[%rem3A_337, %run_scoped3A_354, %dma_start3A_374] : memref<4x2x128xi32, #tpu.memory_space<vmem>> -> memref<1x1x128xi32, #tpu.memory_space<vmem>>
        %dma_start3A_376 = tpu.memref_squeeze %dma_start3A_375 : memref<1x1x128xi32, #tpu.memory_space<vmem>> -> memref<128xi32, #tpu.memory_space<vmem>>
        %dma_start3A_377 = arith.constant 0 : i32
        %dma_start3A_378 = arith.constant 0 : i32
        %dma_start3A_379 = tpu.memref_slice %arg10[%dma_start3A_377, %dma_start3A_378] : memref<10240x128xf32, #tpu.memory_space<vmem_shared>> -> memref<10240x128xf32, #tpu.memory_space<vmem_shared>>
        tpu.enqueue_indirect_dma source(%dma_start3A_373 : memref<128x128xf32, #tpu.memory_space<vmem>>) target(%dma_start3A_379 : memref<10240x128xf32, #tpu.memory_space<vmem_shared>>) offsets(%dma_start3A_376 : memref<128xi32, #tpu.memory_space<vmem>>) semaphore(%run_scoped3A_369 : memref<!tpu.dma_semaphore, #tpu.memory_space<semaphore_mem>>) {add = true}
        %dma_wait3A_380 = arith.constant 0 : i32
        %dma_wait3A_381 = arith.constant 0 : i32
        %dma_wait3A_382 = tpu.memref_slice %arg9[%run_scoped3A_353, %dma_wait3A_380, %dma_wait3A_381] : memref<2x128x128xf32, #tpu.memory_space<vmem>> -> memref<1x128x128xf32, #tpu.memory_space<vmem>>
        %dma_wait3A_383 = tpu.memref_squeeze %dma_wait3A_382 : memref<1x128x128xf32, #tpu.memory_space<vmem>> -> memref<128x128xf32, #tpu.memory_space<vmem>>
        %dma_wait3A_384 = arith.constant 0 : i32
        %dma_wait3A_385 = tpu.memref_slice %arg8[%rem3A_337, %run_scoped3A_354, %dma_wait3A_384] : memref<4x2x128xi32, #tpu.memory_space<vmem>> -> memref<1x1x128xi32, #tpu.memory_space<vmem>>
        %dma_wait3A_386 = tpu.memref_squeeze %dma_wait3A_385 : memref<1x1x128xi32, #tpu.memory_space<vmem>> -> memref<128xi32, #tpu.memory_space<vmem>>
        %dma_wait3A_387 = arith.constant 0 : i32
        %dma_wait3A_388 = arith.constant 0 : i32
        %dma_wait3A_389 = tpu.memref_slice %arg10[%dma_wait3A_387, %dma_wait3A_388] : memref<10240x128xf32, #tpu.memory_space<vmem_shared>> -> memref<10240x128xf32, #tpu.memory_space<vmem_shared>>
        tpu.wait_indirect_dma semaphore(%run_scoped3A_369 : memref<!tpu.dma_semaphore, #tpu.memory_space<semaphore_mem>>) src(%dma_wait3A_383 : memref<128x128xf32, #tpu.memory_space<vmem>>) dst(%dma_wait3A_389 : memref<10240x128xf32, #tpu.memory_space<vmem_shared>>)
        tpu.yield
      }) : () -> ()
      %add3A_355 = arith.constant 4 : i32
      %add3A_356 = arith.addi %add3A_335, %add3A_355 : i32
      %lt3A_357 = arith.constant 80 : i32
      %lt3A_358 = arith.cmpi slt, %add3A_356, %lt3A_357 : i32
      %convert_element_type3A_359 = arith.extui %lt3A_358 : i1 to i32
      %cond3A_360 = arith.constant 0 : i32
      %cond3A_361 = arith.cmpi ne, %convert_element_type3A_359, %cond3A_360 : i32
      scf.if %cond3A_361 {
        %add3A_369 = arith.constant 4 : i32
        %add3A_370 = arith.addi %add3A_335, %add3A_369 : i32
        %dma_start3A_371 = arith.constant 0 : i32
        %dma_start3A_372 = arith.constant 0 : i32
        %dma_start3A_373 = tpu.memref_slice %arg8[%rem3A_337, %dma_start3A_371, %dma_start3A_372] : memref<4x2x128xi32, #tpu.memory_space<vmem>> -> memref<1x2x128xi32, #tpu.memory_space<vmem>>
        %dma_start3A_374 = tpu.memref_squeeze %dma_start3A_373 : memref<1x2x128xi32, #tpu.memory_space<vmem>> -> memref<2x128xi32, #tpu.memory_space<vmem>>
        %dma_start3A_375 = arith.constant 0 : i32
        %dma_start3A_376 = arith.constant 0 : i32
        %dma_start3A_377 = tpu.memref_slice %arg5[%add3A, %add3A_370, %dma_start3A_375, %dma_start3A_376] : memref<32x80x2x128xi32, #tpu.memory_space<hbm>> -> memref<1x1x2x128xi32, #tpu.memory_space<hbm>>
        %dma_start3A_378 = tpu.memref_squeeze %dma_start3A_377 : memref<1x1x2x128xi32, #tpu.memory_space<hbm>> -> memref<2x128xi32, #tpu.memory_space<hbm>>
        %dma_start3A_379 = arith.constant 0 : i32
        %dma_start3A_380 = arith.constant 0 : i32
        %dma_start3A_381 = tpu.memref_slice %arg8[%rem3A_337, %dma_start3A_379, %dma_start3A_380] : memref<4x2x128xi32, #tpu.memory_space<vmem>> -> memref<1x2x128xi32, #tpu.memory_space<vmem>>
        %dma_start3A_382 = tpu.memref_squeeze %dma_start3A_381 : memref<1x2x128xi32, #tpu.memory_space<vmem>> -> memref<2x128xi32, #tpu.memory_space<vmem>>
        %dma_start3A_383 = arith.constant 0 : i32
        %dma_start3A_384 = arith.constant 0 : i32
        %dma_start3A_385 = tpu.memref_slice %arg5[%add3A, %add3A_370, %dma_start3A_383, %dma_start3A_384] : memref<32x80x2x128xi32, #tpu.memory_space<hbm>> -> memref<1x1x2x128xi32, #tpu.memory_space<hbm>>
        %dma_start3A_386 = tpu.memref_squeeze %dma_start3A_385 : memref<1x1x2x128xi32, #tpu.memory_space<hbm>> -> memref<2x128xi32, #tpu.memory_space<hbm>>
        tpu.enqueue_dma source(%dma_start3A_386 : memref<2x128xi32, #tpu.memory_space<hbm>>) target(%dma_start3A_382 : memref<2x128xi32, #tpu.memory_space<vmem>>) target_semaphore(%arg12 : memref<!tpu.dma_semaphore, #tpu.memory_space<semaphore_mem>>)
      } else {
      }
      %add3A_362 = arith.constant 2 : i32
      %add3A_363 = arith.addi %add3A_335, %add3A_362 : i32
      %lt3A_364 = arith.constant 80 : i32
      %lt3A_365 = arith.cmpi slt, %add3A_363, %lt3A_364 : i32
      %convert_element_type3A_366 = arith.extui %lt3A_365 : i1 to i32
      %cond3A_367 = arith.constant 0 : i32
      %cond3A_368 = arith.cmpi ne, %convert_element_type3A_366, %cond3A_367 : i32
      scf.if %cond3A_368 {
        %add3A_369 = arith.constant 2 : i32
        %add3A_370 = arith.addi %add3A_335, %add3A_369 : i32
        %rem3A_371 = arith.constant 4 : i32
        %rem3A_372 = arith.remsi %add3A_370, %rem3A_371 : i32
        %dma_wait3A_373 = arith.constant 0 : i32
        %dma_wait3A_374 = arith.constant 0 : i32
        %dma_wait3A_375 = arith.constant 0 : i32
        %dma_wait3A_376 = tpu.memref_slice %arg8[%rem3A_372, %dma_wait3A_374, %dma_wait3A_375] : memref<4x2x128xi32, #tpu.memory_space<vmem>> -> memref<1x2x128xi32, #tpu.memory_space<vmem>>
        %dma_wait3A_377 = tpu.memref_squeeze %dma_wait3A_376 : memref<1x2x128xi32, #tpu.memory_space<vmem>> -> memref<2x128xi32, #tpu.memory_space<vmem>>
        %dma_wait3A_378 = arith.constant 0 : i32
        %dma_wait3A_379 = arith.constant 0 : i32
        %dma_wait3A_380 = tpu.memref_slice %arg5[%add3A, %dma_wait3A_373, %dma_wait3A_378, %dma_wait3A_379] : memref<32x80x2x128xi32, #tpu.memory_space<hbm>> -> memref<1x1x2x128xi32, #tpu.memory_space<hbm>>
        %dma_wait3A_381 = tpu.memref_squeeze %dma_wait3A_380 : memref<1x1x2x128xi32, #tpu.memory_space<hbm>> -> memref<2x128xi32, #tpu.memory_space<hbm>>
        %dma_wait3A_382 = arith.constant 0 : i32
        %dma_wait3A_383 = arith.constant 0 : i32
        %dma_wait3A_384 = tpu.memref_slice %arg8[%rem3A_372, %dma_wait3A_382, %dma_wait3A_383] : memref<4x2x128xi32, #tpu.memory_space<vmem>> -> memref<1x2x128xi32, #tpu.memory_space<vmem>>
        %dma_wait3A_385 = tpu.memref_squeeze %dma_wait3A_384 : memref<1x2x128xi32, #tpu.memory_space<vmem>> -> memref<2x128xi32, #tpu.memory_space<vmem>>
        %dma_wait3A_386 = arith.constant 0 : i32
        %dma_wait3A_387 = arith.constant 0 : i32
        %dma_wait3A_388 = tpu.memref_slice %arg5[%add3A, %dma_wait3A_373, %dma_wait3A_386, %dma_wait3A_387] : memref<32x80x2x128xi32, #tpu.memory_space<hbm>> -> memref<1x1x2x128xi32, #tpu.memory_space<hbm>>
        %dma_wait3A_389 = tpu.memref_squeeze %dma_wait3A_388 : memref<1x1x2x128xi32, #tpu.memory_space<hbm>> -> memref<2x128xi32, #tpu.memory_space<hbm>>
        tpu.wait_dma2 semaphore(%arg12 : memref<!tpu.dma_semaphore, #tpu.memory_space<semaphore_mem>>) src(%dma_wait3A_389 : memref<2x128xi32, #tpu.memory_space<hbm>>) dst(%dma_wait3A_385 : memref<2x128xi32, #tpu.memory_space<vmem>>)
        %dma_start3A_390 = arith.constant 0 : i32
        %dma_start3A_391 = arith.constant 1 : i32
        %dma_start3A_392 = arith.constant 0 : i32
        %dma_start3A_393 = arith.constant 0 : i32
        %dma_start3A_394 = tpu.memref_slice %arg9[%dma_start3A_391, %dma_start3A_392, %dma_start3A_393] : memref<2x128x128xf32, #tpu.memory_space<vmem>> -> memref<1x128x128xf32, #tpu.memory_space<vmem>>
        %dma_start3A_395 = tpu.memref_squeeze %dma_start3A_394 : memref<1x128x128xf32, #tpu.memory_space<vmem>> -> memref<128x128xf32, #tpu.memory_space<vmem>>
        %dma_start3A_396 = arith.constant 0 : i32
        %dma_start3A_397 = tpu.memref_slice %arg8[%rem3A_372, %dma_start3A_390, %dma_start3A_396] : memref<4x2x128xi32, #tpu.memory_space<vmem>> -> memref<1x1x128xi32, #tpu.memory_space<vmem>>
        %dma_start3A_398 = tpu.memref_squeeze %dma_start3A_397 : memref<1x1x128xi32, #tpu.memory_space<vmem>> -> memref<128xi32, #tpu.memory_space<vmem>>
        %dma_start3A_399 = arith.constant 0 : i32
        %dma_start3A_400 = arith.constant 0 : i32
        %dma_start3A_401 = tpu.memref_slice %arg3[%dma_start3A_399, %dma_start3A_400] : memref<10240x128xf32, #tpu.memory_space<hbm>> -> memref<10240x128xf32, #tpu.memory_space<hbm>>
        tpu.enqueue_indirect_dma source(%dma_start3A_401 : memref<10240x128xf32, #tpu.memory_space<hbm>>) target(%dma_start3A_395 : memref<128x128xf32, #tpu.memory_space<vmem>>) offsets(%dma_start3A_398 : memref<128xi32, #tpu.memory_space<vmem>>) semaphore(%arg11 : memref<!tpu.dma_semaphore, #tpu.memory_space<semaphore_mem>>)
      } else {
      }
    }
    %scan3A_295 = arith.constant 40 : i32
    %barrier3A_296 = arith.constant 0 : index
    tpu.barrier barrier_id(%barrier3A_296)
    "tpu.region"() ({
      %run_scoped3A = tpu.sem_alloc : memref<!tpu.dma_semaphore, #tpu.memory_space<semaphore_mem>>
      %dma_start3A_297 = arith.constant 0 : i32
      %dma_start3A_298 = tpu.memref_slice %arg7[%arg0, %mul3A_2, %dma_start3A_297] : memref<2x10240x128xf32, #tpu.memory_space<hbm>> -> memref<1x640x128xf32, #tpu.memory_space<hbm>>
      %dma_start3A_299 = tpu.memref_squeeze %dma_start3A_298 : memref<1x640x128xf32, #tpu.memory_space<hbm>> -> memref<640x128xf32, #tpu.memory_space<hbm>>
      %dma_start3A_300 = arith.constant 0 : i32
      %dma_start3A_301 = tpu.memref_slice %arg10[%mul3A_2, %dma_start3A_300] : memref<10240x128xf32, #tpu.memory_space<vmem_shared>> -> memref<640x128xf32, #tpu.memory_space<vmem_shared>>
      tpu.enqueue_dma source(%dma_start3A_301 : memref<640x128xf32, #tpu.memory_space<vmem_shared>>) target(%dma_start3A_299 : memref<640x128xf32, #tpu.memory_space<hbm>>) target_semaphore(%run_scoped3A : memref<!tpu.dma_semaphore, #tpu.memory_space<semaphore_mem>>)
      %dma_wait3A_302 = arith.constant 0 : i32
      %dma_wait3A_303 = tpu.memref_slice %arg7[%arg0, %mul3A_2, %dma_wait3A_302] : memref<2x10240x128xf32, #tpu.memory_space<hbm>> -> memref<1x640x128xf32, #tpu.memory_space<hbm>>
      %dma_wait3A_304 = tpu.memref_squeeze %dma_wait3A_303 : memref<1x640x128xf32, #tpu.memory_space<hbm>> -> memref<640x128xf32, #tpu.memory_space<hbm>>
      %dma_wait3A_305 = arith.constant 0 : i32
      %dma_wait3A_306 = tpu.memref_slice %arg10[%mul3A_2, %dma_wait3A_305] : memref<10240x128xf32, #tpu.memory_space<vmem_shared>> -> memref<640x128xf32, #tpu.memory_space<vmem_shared>>
      tpu.wait_dma2 semaphore(%run_scoped3A : memref<!tpu.dma_semaphore, #tpu.memory_space<semaphore_mem>>) src(%dma_wait3A_306 : memref<640x128xf32, #tpu.memory_space<vmem_shared>>) dst(%dma_wait3A_304 : memref<640x128xf32, #tpu.memory_space<hbm>>)
      tpu.yield
    }) : () -> ()
    return
  }
}

#map = affine_map<(d0, d1) -> (0, 0)>
#map1 = affine_map<(d0, d1) -> (0, 0, 0, 0)>
#map2 = affine_map<(d0, d1) -> (0, 0, 0)>
module attributes {stable_mosaic.version = 14 : i64} {
  func.func @body(%arg0: i32, %arg1: i32, %arg2: memref<10240x64xf32, #tpu.memory_space<hbm>>, %arg3: memref<10240x64xf32, #tpu.memory_space<hbm>>, %arg4: memref<32x80x2x128xi32, #tpu.memory_space<hbm>>, %arg5: memref<2x10240x64xf32, #tpu.memory_space<hbm>>, %arg6: memref<4x2x128xi32, #tpu.memory_space<vmem>>, %arg7: memref<2x128x64xf32, #tpu.memory_space<vmem>>, %arg8: memref<10240x64xf32, #tpu.memory_space<vmem_shared>>, %arg9: memref<!tpu.dma_semaphore, #tpu.memory_space<semaphore_mem>>, %arg10: memref<!tpu.dma_semaphore, #tpu.memory_space<semaphore_mem>>) attributes {dimension_semantics = [#tpu.dimension_semantics<core_parallel>, #tpu.dimension_semantics<subcore_parallel>], iteration_bounds = array<i64: 2, 16>, scalar_prefetch = 0 : i64, scratch_operands = 5 : i64, tpu.core_type = #tpu.core_type<sc_vector_subcore>, window_params = [{transform_indices = #map}, {transform_indices = #map}, {transform_indices = #map1}, {transform_indices = #map2}]} {
    %mul3A = arith.constant 2 : i32
    %mul3A_0 = arith.muli %arg1, %mul3A : i32
    %add3A = arith.addi %mul3A_0, %arg0 : i32
    %mul3A_1 = arith.constant 640 : i32
    %mul3A_2 = arith.muli %arg1, %mul3A_1 : i32
    %eq3A = arith.constant 0 : i32
    %eq3A_3 = arith.cmpi eq, %arg0, %eq3A : i32
    %convert_element_type3A = arith.extui %eq3A_3 : i1 to i32
    %cond3A = arith.constant 0 : i32
    %cond3A_4 = arith.cmpi ne, %convert_element_type3A, %cond3A : i32
    scf.if %cond3A_4 {
      "tpu.region"() ({
        %run_scoped3A = tpu.sem_alloc : memref<!tpu.dma_semaphore, #tpu.memory_space<semaphore_mem>>
        %dma_start3A_146 = arith.constant 0 : i32
        %dma_start3A_147 = tpu.memref_slice %arg8[%mul3A_2, %dma_start3A_146] : memref<10240x64xf32, #tpu.memory_space<vmem_shared>> -> memref<640x64xf32, #tpu.memory_space<vmem_shared>>
        %dma_start3A_148 = arith.constant 0 : i32
        %dma_start3A_149 = tpu.memref_slice %arg2[%mul3A_2, %dma_start3A_148] : memref<10240x64xf32, #tpu.memory_space<hbm>> -> memref<640x64xf32, #tpu.memory_space<hbm>>
        tpu.enqueue_dma source(%dma_start3A_149 : memref<640x64xf32, #tpu.memory_space<hbm>>) target(%dma_start3A_147 : memref<640x64xf32, #tpu.memory_space<vmem_shared>>) target_semaphore(%run_scoped3A : memref<!tpu.dma_semaphore, #tpu.memory_space<semaphore_mem>>)
        %dma_wait3A_150 = arith.constant 0 : i32
        %dma_wait3A_151 = tpu.memref_slice %arg8[%mul3A_2, %dma_wait3A_150] : memref<10240x64xf32, #tpu.memory_space<vmem_shared>> -> memref<640x64xf32, #tpu.memory_space<vmem_shared>>
        %dma_wait3A_152 = arith.constant 0 : i32
        %dma_wait3A_153 = tpu.memref_slice %arg2[%mul3A_2, %dma_wait3A_152] : memref<10240x64xf32, #tpu.memory_space<hbm>> -> memref<640x64xf32, #tpu.memory_space<hbm>>
        tpu.wait_dma2 semaphore(%run_scoped3A : memref<!tpu.dma_semaphore, #tpu.memory_space<semaphore_mem>>) src(%dma_wait3A_153 : memref<640x64xf32, #tpu.memory_space<hbm>>) dst(%dma_wait3A_151 : memref<640x64xf32, #tpu.memory_space<vmem_shared>>)
        tpu.yield
      }) : () -> ()
    } else {
    }
    %ne3A = arith.constant 0 : i32
    %ne3A_5 = arith.cmpi ne, %arg0, %ne3A : i32
    %convert_element_type3A_6 = arith.extui %ne3A_5 : i1 to i32
    %cond3A_7 = arith.constant 0 : i32
    %cond3A_8 = arith.cmpi ne, %convert_element_type3A_6, %cond3A_7 : i32
    scf.if %cond3A_8 {
      "tpu.region"() ({
        %run_scoped3A = tpu.sem_alloc : memref<!tpu.dma_semaphore, #tpu.memory_space<semaphore_mem>>
        %dma_start3A_146 = arith.constant 0 : i32
        %dma_start3A_147 = tpu.memref_slice %arg8[%mul3A_2, %dma_start3A_146] : memref<10240x64xf32, #tpu.memory_space<vmem_shared>> -> memref<640x64xf32, #tpu.memory_space<vmem_shared>>
        %dma_start3A_148 = arith.constant 0 : i32
        %dma_start3A_149 = tpu.memref_slice %arg3[%mul3A_2, %dma_start3A_148] : memref<10240x64xf32, #tpu.memory_space<hbm>> -> memref<640x64xf32, #tpu.memory_space<hbm>>
        tpu.enqueue_dma source(%dma_start3A_149 : memref<640x64xf32, #tpu.memory_space<hbm>>) target(%dma_start3A_147 : memref<640x64xf32, #tpu.memory_space<vmem_shared>>) target_semaphore(%run_scoped3A : memref<!tpu.dma_semaphore, #tpu.memory_space<semaphore_mem>>)
        %dma_wait3A_150 = arith.constant 0 : i32
        %dma_wait3A_151 = tpu.memref_slice %arg8[%mul3A_2, %dma_wait3A_150] : memref<10240x64xf32, #tpu.memory_space<vmem_shared>> -> memref<640x64xf32, #tpu.memory_space<vmem_shared>>
        %dma_wait3A_152 = arith.constant 0 : i32
        %dma_wait3A_153 = tpu.memref_slice %arg3[%mul3A_2, %dma_wait3A_152] : memref<10240x64xf32, #tpu.memory_space<hbm>> -> memref<640x64xf32, #tpu.memory_space<hbm>>
        tpu.wait_dma2 semaphore(%run_scoped3A : memref<!tpu.dma_semaphore, #tpu.memory_space<semaphore_mem>>) src(%dma_wait3A_153 : memref<640x64xf32, #tpu.memory_space<hbm>>) dst(%dma_wait3A_151 : memref<640x64xf32, #tpu.memory_space<vmem_shared>>)
        tpu.yield
      }) : () -> ()
    } else {
    }
    %barrier3A = arith.constant 0 : index
    tpu.barrier barrier_id(%barrier3A)
    %dma_start3A = arith.constant 0 : i32
    %dma_start3A_9 = arith.constant 0 : i32
    %dma_start3A_10 = arith.constant 0 : i32
    %dma_start3A_11 = arith.constant 0 : i32
    %dma_start3A_12 = tpu.memref_slice %arg6[%dma_start3A_9, %dma_start3A_10, %dma_start3A_11] : memref<4x2x128xi32, #tpu.memory_space<vmem>> -> memref<1x2x128xi32, #tpu.memory_space<vmem>>
    %dma_start3A_13 = tpu.memref_squeeze %dma_start3A_12 : memref<1x2x128xi32, #tpu.memory_space<vmem>> -> memref<2x128xi32, #tpu.memory_space<vmem>>
    %dma_start3A_14 = arith.constant 0 : i32
    %dma_start3A_15 = arith.constant 0 : i32
    %dma_start3A_16 = tpu.memref_slice %arg4[%add3A, %dma_start3A, %dma_start3A_14, %dma_start3A_15] : memref<32x80x2x128xi32, #tpu.memory_space<hbm>> -> memref<1x1x2x128xi32, #tpu.memory_space<hbm>>
    %dma_start3A_17 = tpu.memref_squeeze %dma_start3A_16 : memref<1x1x2x128xi32, #tpu.memory_space<hbm>> -> memref<2x128xi32, #tpu.memory_space<hbm>>
    %dma_start3A_18 = arith.constant 0 : i32
    %dma_start3A_19 = arith.constant 0 : i32
    %dma_start3A_20 = tpu.memref_slice %arg6[%dma_start3A_9, %dma_start3A_18, %dma_start3A_19] : memref<4x2x128xi32, #tpu.memory_space<vmem>> -> memref<1x2x128xi32, #tpu.memory_space<vmem>>
    %dma_start3A_21 = tpu.memref_squeeze %dma_start3A_20 : memref<1x2x128xi32, #tpu.memory_space<vmem>> -> memref<2x128xi32, #tpu.memory_space<vmem>>
    %dma_start3A_22 = arith.constant 0 : i32
    %dma_start3A_23 = arith.constant 0 : i32
    %dma_start3A_24 = tpu.memref_slice %arg4[%add3A, %dma_start3A, %dma_start3A_22, %dma_start3A_23] : memref<32x80x2x128xi32, #tpu.memory_space<hbm>> -> memref<1x1x2x128xi32, #tpu.memory_space<hbm>>
    %dma_start3A_25 = tpu.memref_squeeze %dma_start3A_24 : memref<1x1x2x128xi32, #tpu.memory_space<hbm>> -> memref<2x128xi32, #tpu.memory_space<hbm>>
    tpu.enqueue_dma source(%dma_start3A_25 : memref<2x128xi32, #tpu.memory_space<hbm>>) target(%dma_start3A_21 : memref<2x128xi32, #tpu.memory_space<vmem>>) target_semaphore(%arg10 : memref<!tpu.dma_semaphore, #tpu.memory_space<semaphore_mem>>)
    %dma_start3A_26 = arith.constant 1 : i32
    %dma_start3A_27 = arith.constant 1 : i32
    %dma_start3A_28 = arith.constant 0 : i32
    %dma_start3A_29 = arith.constant 0 : i32
    %dma_start3A_30 = tpu.memref_slice %arg6[%dma_start3A_27, %dma_start3A_28, %dma_start3A_29] : memref<4x2x128xi32, #tpu.memory_space<vmem>> -> memref<1x2x128xi32, #tpu.memory_space<vmem>>
    %dma_start3A_31 = tpu.memref_squeeze %dma_start3A_30 : memref<1x2x128xi32, #tpu.memory_space<vmem>> -> memref<2x128xi32, #tpu.memory_space<vmem>>
    %dma_start3A_32 = arith.constant 0 : i32
    %dma_start3A_33 = arith.constant 0 : i32
    %dma_start3A_34 = tpu.memref_slice %arg4[%add3A, %dma_start3A_26, %dma_start3A_32, %dma_start3A_33] : memref<32x80x2x128xi32, #tpu.memory_space<hbm>> -> memref<1x1x2x128xi32, #tpu.memory_space<hbm>>
    %dma_start3A_35 = tpu.memref_squeeze %dma_start3A_34 : memref<1x1x2x128xi32, #tpu.memory_space<hbm>> -> memref<2x128xi32, #tpu.memory_space<hbm>>
    %dma_start3A_36 = arith.constant 0 : i32
    %dma_start3A_37 = arith.constant 0 : i32
    %dma_start3A_38 = tpu.memref_slice %arg6[%dma_start3A_27, %dma_start3A_36, %dma_start3A_37] : memref<4x2x128xi32, #tpu.memory_space<vmem>> -> memref<1x2x128xi32, #tpu.memory_space<vmem>>
    %dma_start3A_39 = tpu.memref_squeeze %dma_start3A_38 : memref<1x2x128xi32, #tpu.memory_space<vmem>> -> memref<2x128xi32, #tpu.memory_space<vmem>>
    %dma_start3A_40 = arith.constant 0 : i32
    %dma_start3A_41 = arith.constant 0 : i32
    %dma_start3A_42 = tpu.memref_slice %arg4[%add3A, %dma_start3A_26, %dma_start3A_40, %dma_start3A_41] : memref<32x80x2x128xi32, #tpu.memory_space<hbm>> -> memref<1x1x2x128xi32, #tpu.memory_space<hbm>>
    %dma_start3A_43 = tpu.memref_squeeze %dma_start3A_42 : memref<1x1x2x128xi32, #tpu.memory_space<hbm>> -> memref<2x128xi32, #tpu.memory_space<hbm>>
    tpu.enqueue_dma source(%dma_start3A_43 : memref<2x128xi32, #tpu.memory_space<hbm>>) target(%dma_start3A_39 : memref<2x128xi32, #tpu.memory_space<vmem>>) target_semaphore(%arg10 : memref<!tpu.dma_semaphore, #tpu.memory_space<semaphore_mem>>)
    %dma_start3A_44 = arith.constant 2 : i32
    %dma_start3A_45 = arith.constant 2 : i32
    %dma_start3A_46 = arith.constant 0 : i32
    %dma_start3A_47 = arith.constant 0 : i32
    %dma_start3A_48 = tpu.memref_slice %arg6[%dma_start3A_45, %dma_start3A_46, %dma_start3A_47] : memref<4x2x128xi32, #tpu.memory_space<vmem>> -> memref<1x2x128xi32, #tpu.memory_space<vmem>>
    %dma_start3A_49 = tpu.memref_squeeze %dma_start3A_48 : memref<1x2x128xi32, #tpu.memory_space<vmem>> -> memref<2x128xi32, #tpu.memory_space<vmem>>
    %dma_start3A_50 = arith.constant 0 : i32
    %dma_start3A_51 = arith.constant 0 : i32
    %dma_start3A_52 = tpu.memref_slice %arg4[%add3A, %dma_start3A_44, %dma_start3A_50, %dma_start3A_51] : memref<32x80x2x128xi32, #tpu.memory_space<hbm>> -> memref<1x1x2x128xi32, #tpu.memory_space<hbm>>
    %dma_start3A_53 = tpu.memref_squeeze %dma_start3A_52 : memref<1x1x2x128xi32, #tpu.memory_space<hbm>> -> memref<2x128xi32, #tpu.memory_space<hbm>>
    %dma_start3A_54 = arith.constant 0 : i32
    %dma_start3A_55 = arith.constant 0 : i32
    %dma_start3A_56 = tpu.memref_slice %arg6[%dma_start3A_45, %dma_start3A_54, %dma_start3A_55] : memref<4x2x128xi32, #tpu.memory_space<vmem>> -> memref<1x2x128xi32, #tpu.memory_space<vmem>>
    %dma_start3A_57 = tpu.memref_squeeze %dma_start3A_56 : memref<1x2x128xi32, #tpu.memory_space<vmem>> -> memref<2x128xi32, #tpu.memory_space<vmem>>
    %dma_start3A_58 = arith.constant 0 : i32
    %dma_start3A_59 = arith.constant 0 : i32
    %dma_start3A_60 = tpu.memref_slice %arg4[%add3A, %dma_start3A_44, %dma_start3A_58, %dma_start3A_59] : memref<32x80x2x128xi32, #tpu.memory_space<hbm>> -> memref<1x1x2x128xi32, #tpu.memory_space<hbm>>
    %dma_start3A_61 = tpu.memref_squeeze %dma_start3A_60 : memref<1x1x2x128xi32, #tpu.memory_space<hbm>> -> memref<2x128xi32, #tpu.memory_space<hbm>>
    tpu.enqueue_dma source(%dma_start3A_61 : memref<2x128xi32, #tpu.memory_space<hbm>>) target(%dma_start3A_57 : memref<2x128xi32, #tpu.memory_space<vmem>>) target_semaphore(%arg10 : memref<!tpu.dma_semaphore, #tpu.memory_space<semaphore_mem>>)
    %dma_start3A_62 = arith.constant 3 : i32
    %dma_start3A_63 = arith.constant 3 : i32
    %dma_start3A_64 = arith.constant 0 : i32
    %dma_start3A_65 = arith.constant 0 : i32
    %dma_start3A_66 = tpu.memref_slice %arg6[%dma_start3A_63, %dma_start3A_64, %dma_start3A_65] : memref<4x2x128xi32, #tpu.memory_space<vmem>> -> memref<1x2x128xi32, #tpu.memory_space<vmem>>
    %dma_start3A_67 = tpu.memref_squeeze %dma_start3A_66 : memref<1x2x128xi32, #tpu.memory_space<vmem>> -> memref<2x128xi32, #tpu.memory_space<vmem>>
    %dma_start3A_68 = arith.constant 0 : i32
    %dma_start3A_69 = arith.constant 0 : i32
    %dma_start3A_70 = tpu.memref_slice %arg4[%add3A, %dma_start3A_62, %dma_start3A_68, %dma_start3A_69] : memref<32x80x2x128xi32, #tpu.memory_space<hbm>> -> memref<1x1x2x128xi32, #tpu.memory_space<hbm>>
    %dma_start3A_71 = tpu.memref_squeeze %dma_start3A_70 : memref<1x1x2x128xi32, #tpu.memory_space<hbm>> -> memref<2x128xi32, #tpu.memory_space<hbm>>
    %dma_start3A_72 = arith.constant 0 : i32
    %dma_start3A_73 = arith.constant 0 : i32
    %dma_start3A_74 = tpu.memref_slice %arg6[%dma_start3A_63, %dma_start3A_72, %dma_start3A_73] : memref<4x2x128xi32, #tpu.memory_space<vmem>> -> memref<1x2x128xi32, #tpu.memory_space<vmem>>
    %dma_start3A_75 = tpu.memref_squeeze %dma_start3A_74 : memref<1x2x128xi32, #tpu.memory_space<vmem>> -> memref<2x128xi32, #tpu.memory_space<vmem>>
    %dma_start3A_76 = arith.constant 0 : i32
    %dma_start3A_77 = arith.constant 0 : i32
    %dma_start3A_78 = tpu.memref_slice %arg4[%add3A, %dma_start3A_62, %dma_start3A_76, %dma_start3A_77] : memref<32x80x2x128xi32, #tpu.memory_space<hbm>> -> memref<1x1x2x128xi32, #tpu.memory_space<hbm>>
    %dma_start3A_79 = tpu.memref_squeeze %dma_start3A_78 : memref<1x1x2x128xi32, #tpu.memory_space<hbm>> -> memref<2x128xi32, #tpu.memory_space<hbm>>
    tpu.enqueue_dma source(%dma_start3A_79 : memref<2x128xi32, #tpu.memory_space<hbm>>) target(%dma_start3A_75 : memref<2x128xi32, #tpu.memory_space<vmem>>) target_semaphore(%arg10 : memref<!tpu.dma_semaphore, #tpu.memory_space<semaphore_mem>>)
    %dma_wait3A = arith.constant 0 : i32
    %dma_wait3A_80 = arith.constant 0 : i32
    %dma_wait3A_81 = arith.constant 0 : i32
    %dma_wait3A_82 = arith.constant 0 : i32
    %dma_wait3A_83 = tpu.memref_slice %arg6[%dma_wait3A_80, %dma_wait3A_81, %dma_wait3A_82] : memref<4x2x128xi32, #tpu.memory_space<vmem>> -> memref<1x2x128xi32, #tpu.memory_space<vmem>>
    %dma_wait3A_84 = tpu.memref_squeeze %dma_wait3A_83 : memref<1x2x128xi32, #tpu.memory_space<vmem>> -> memref<2x128xi32, #tpu.memory_space<vmem>>
    %dma_wait3A_85 = arith.constant 0 : i32
    %dma_wait3A_86 = arith.constant 0 : i32
    %dma_wait3A_87 = tpu.memref_slice %arg4[%add3A, %dma_wait3A, %dma_wait3A_85, %dma_wait3A_86] : memref<32x80x2x128xi32, #tpu.memory_space<hbm>> -> memref<1x1x2x128xi32, #tpu.memory_space<hbm>>
    %dma_wait3A_88 = tpu.memref_squeeze %dma_wait3A_87 : memref<1x1x2x128xi32, #tpu.memory_space<hbm>> -> memref<2x128xi32, #tpu.memory_space<hbm>>
    %dma_wait3A_89 = arith.constant 0 : i32
    %dma_wait3A_90 = arith.constant 0 : i32
    %dma_wait3A_91 = tpu.memref_slice %arg6[%dma_wait3A_80, %dma_wait3A_89, %dma_wait3A_90] : memref<4x2x128xi32, #tpu.memory_space<vmem>> -> memref<1x2x128xi32, #tpu.memory_space<vmem>>
    %dma_wait3A_92 = tpu.memref_squeeze %dma_wait3A_91 : memref<1x2x128xi32, #tpu.memory_space<vmem>> -> memref<2x128xi32, #tpu.memory_space<vmem>>
    %dma_wait3A_93 = arith.constant 0 : i32
    %dma_wait3A_94 = arith.constant 0 : i32
    %dma_wait3A_95 = tpu.memref_slice %arg4[%add3A, %dma_wait3A, %dma_wait3A_93, %dma_wait3A_94] : memref<32x80x2x128xi32, #tpu.memory_space<hbm>> -> memref<1x1x2x128xi32, #tpu.memory_space<hbm>>
    %dma_wait3A_96 = tpu.memref_squeeze %dma_wait3A_95 : memref<1x1x2x128xi32, #tpu.memory_space<hbm>> -> memref<2x128xi32, #tpu.memory_space<hbm>>
    tpu.wait_dma2 semaphore(%arg10 : memref<!tpu.dma_semaphore, #tpu.memory_space<semaphore_mem>>) src(%dma_wait3A_96 : memref<2x128xi32, #tpu.memory_space<hbm>>) dst(%dma_wait3A_92 : memref<2x128xi32, #tpu.memory_space<vmem>>)
    %dma_start3A_97 = arith.constant 0 : i32
    %dma_start3A_98 = arith.constant 0 : i32
    %dma_start3A_99 = arith.constant 0 : i32
    %dma_start3A_100 = arith.constant 0 : i32
    %dma_start3A_101 = arith.constant 0 : i32
    %dma_start3A_102 = tpu.memref_slice %arg7[%dma_start3A_99, %dma_start3A_100, %dma_start3A_101] : memref<2x128x64xf32, #tpu.memory_space<vmem>> -> memref<1x128x64xf32, #tpu.memory_space<vmem>>
    %dma_start3A_103 = tpu.memref_squeeze %dma_start3A_102 : memref<1x128x64xf32, #tpu.memory_space<vmem>> -> memref<128x64xf32, #tpu.memory_space<vmem>>
    %dma_start3A_104 = arith.constant 0 : i32
    %dma_start3A_105 = tpu.memref_slice %arg6[%dma_start3A_97, %dma_start3A_98, %dma_start3A_104] : memref<4x2x128xi32, #tpu.memory_space<vmem>> -> memref<1x1x128xi32, #tpu.memory_space<vmem>>
    %dma_start3A_106 = tpu.memref_squeeze %dma_start3A_105 : memref<1x1x128xi32, #tpu.memory_space<vmem>> -> memref<128xi32, #tpu.memory_space<vmem>>
    %dma_start3A_107 = arith.constant 0 : i32
    %dma_start3A_108 = arith.constant 0 : i32
    %dma_start3A_109 = tpu.memref_slice %arg2[%dma_start3A_107, %dma_start3A_108] : memref<10240x64xf32, #tpu.memory_space<hbm>> -> memref<10240x64xf32, #tpu.memory_space<hbm>>
    tpu.enqueue_indirect_dma source(%dma_start3A_109 : memref<10240x64xf32, #tpu.memory_space<hbm>>) target(%dma_start3A_103 : memref<128x64xf32, #tpu.memory_space<vmem>>) offsets(%dma_start3A_106 : memref<128xi32, #tpu.memory_space<vmem>>) semaphore(%arg9 : memref<!tpu.dma_semaphore, #tpu.memory_space<semaphore_mem>>)
    %dma_wait3A_110 = arith.constant 0 : i32
    %dma_wait3A_111 = arith.constant 1 : i32
    %dma_wait3A_112 = arith.constant 0 : i32
    %dma_wait3A_113 = arith.constant 0 : i32
    %dma_wait3A_114 = tpu.memref_slice %arg6[%dma_wait3A_111, %dma_wait3A_112, %dma_wait3A_113] : memref<4x2x128xi32, #tpu.memory_space<vmem>> -> memref<1x2x128xi32, #tpu.memory_space<vmem>>
    %dma_wait3A_115 = tpu.memref_squeeze %dma_wait3A_114 : memref<1x2x128xi32, #tpu.memory_space<vmem>> -> memref<2x128xi32, #tpu.memory_space<vmem>>
    %dma_wait3A_116 = arith.constant 0 : i32
    %dma_wait3A_117 = arith.constant 0 : i32
    %dma_wait3A_118 = tpu.memref_slice %arg4[%add3A, %dma_wait3A_110, %dma_wait3A_116, %dma_wait3A_117] : memref<32x80x2x128xi32, #tpu.memory_space<hbm>> -> memref<1x1x2x128xi32, #tpu.memory_space<hbm>>
    %dma_wait3A_119 = tpu.memref_squeeze %dma_wait3A_118 : memref<1x1x2x128xi32, #tpu.memory_space<hbm>> -> memref<2x128xi32, #tpu.memory_space<hbm>>
    %dma_wait3A_120 = arith.constant 0 : i32
    %dma_wait3A_121 = arith.constant 0 : i32
    %dma_wait3A_122 = tpu.memref_slice %arg6[%dma_wait3A_111, %dma_wait3A_120, %dma_wait3A_121] : memref<4x2x128xi32, #tpu.memory_space<vmem>> -> memref<1x2x128xi32, #tpu.memory_space<vmem>>
    %dma_wait3A_123 = tpu.memref_squeeze %dma_wait3A_122 : memref<1x2x128xi32, #tpu.memory_space<vmem>> -> memref<2x128xi32, #tpu.memory_space<vmem>>
    %dma_wait3A_124 = arith.constant 0 : i32
    %dma_wait3A_125 = arith.constant 0 : i32
    %dma_wait3A_126 = tpu.memref_slice %arg4[%add3A, %dma_wait3A_110, %dma_wait3A_124, %dma_wait3A_125] : memref<32x80x2x128xi32, #tpu.memory_space<hbm>> -> memref<1x1x2x128xi32, #tpu.memory_space<hbm>>
    %dma_wait3A_127 = tpu.memref_squeeze %dma_wait3A_126 : memref<1x1x2x128xi32, #tpu.memory_space<hbm>> -> memref<2x128xi32, #tpu.memory_space<hbm>>
    tpu.wait_dma2 semaphore(%arg10 : memref<!tpu.dma_semaphore, #tpu.memory_space<semaphore_mem>>) src(%dma_wait3A_127 : memref<2x128xi32, #tpu.memory_space<hbm>>) dst(%dma_wait3A_123 : memref<2x128xi32, #tpu.memory_space<vmem>>)
    %dma_start3A_128 = arith.constant 1 : i32
    %dma_start3A_129 = arith.constant 0 : i32
    %dma_start3A_130 = arith.constant 1 : i32
    %dma_start3A_131 = arith.constant 0 : i32
    %dma_start3A_132 = arith.constant 0 : i32
    %dma_start3A_133 = tpu.memref_slice %arg7[%dma_start3A_130, %dma_start3A_131, %dma_start3A_132] : memref<2x128x64xf32, #tpu.memory_space<vmem>> -> memref<1x128x64xf32, #tpu.memory_space<vmem>>
    %dma_start3A_134 = tpu.memref_squeeze %dma_start3A_133 : memref<1x128x64xf32, #tpu.memory_space<vmem>> -> memref<128x64xf32, #tpu.memory_space<vmem>>
    %dma_start3A_135 = arith.constant 0 : i32
    %dma_start3A_136 = tpu.memref_slice %arg6[%dma_start3A_128, %dma_start3A_129, %dma_start3A_135] : memref<4x2x128xi32, #tpu.memory_space<vmem>> -> memref<1x1x128xi32, #tpu.memory_space<vmem>>
    %dma_start3A_137 = tpu.memref_squeeze %dma_start3A_136 : memref<1x1x128xi32, #tpu.memory_space<vmem>> -> memref<128xi32, #tpu.memory_space<vmem>>
    %dma_start3A_138 = arith.constant 0 : i32
    %dma_start3A_139 = arith.constant 0 : i32
    %dma_start3A_140 = tpu.memref_slice %arg2[%dma_start3A_138, %dma_start3A_139] : memref<10240x64xf32, #tpu.memory_space<hbm>> -> memref<10240x64xf32, #tpu.memory_space<hbm>>
    tpu.enqueue_indirect_dma source(%dma_start3A_140 : memref<10240x64xf32, #tpu.memory_space<hbm>>) target(%dma_start3A_134 : memref<128x64xf32, #tpu.memory_space<vmem>>) offsets(%dma_start3A_137 : memref<128xi32, #tpu.memory_space<vmem>>) semaphore(%arg9 : memref<!tpu.dma_semaphore, #tpu.memory_space<semaphore_mem>>)
    %scan3A = arith.constant 0 : i32
    %scan3A_141 = arith.constant 40 : i32
    %scan3A_142 = arith.addi %scan3A, %scan3A_141 : i32
    %scan3A_143 = arith.constant 1 : i32
    scf.for %scan3A_146 = %scan3A to %scan3A_142 step %scan3A_143  : i32 {
      %mul3A_147 = arith.constant 2 : i32
      %mul3A_148 = arith.muli %scan3A_146, %mul3A_147 : i32
      %add3A_149 = arith.constant 0 : i32
      %add3A_150 = arith.addi %add3A_149, %mul3A_148 : i32
      %add3A_151 = arith.constant 0 : i32
      %add3A_152 = arith.addi %add3A_150, %add3A_151 : i32
      %rem3A = arith.constant 4 : i32
      %rem3A_153 = arith.remsi %add3A_152, %rem3A : i32
      %dma_wait3A_154 = arith.constant 0 : i32
      %dma_wait3A_155 = arith.constant 0 : i32
      %dma_wait3A_156 = arith.constant 0 : i32
      %dma_wait3A_157 = tpu.memref_slice %arg7[%dma_wait3A_154, %dma_wait3A_155, %dma_wait3A_156] : memref<2x128x64xf32, #tpu.memory_space<vmem>> -> memref<1x128x64xf32, #tpu.memory_space<vmem>>
      %dma_wait3A_158 = tpu.memref_squeeze %dma_wait3A_157 : memref<1x128x64xf32, #tpu.memory_space<vmem>> -> memref<128x64xf32, #tpu.memory_space<vmem>>
      %dma_wait3A_159 = arith.constant 0 : i32
      %dma_wait3A_160 = arith.constant 0 : i32
      %dma_wait3A_161 = tpu.memref_slice %arg2[%dma_wait3A_159, %dma_wait3A_160] : memref<10240x64xf32, #tpu.memory_space<hbm>> -> memref<128x64xf32, #tpu.memory_space<hbm>>
      %dma_wait3A_162 = arith.constant 0 : i32
      %dma_wait3A_163 = arith.constant 0 : i32
      %dma_wait3A_164 = tpu.memref_slice %arg7[%dma_wait3A_154, %dma_wait3A_162, %dma_wait3A_163] : memref<2x128x64xf32, #tpu.memory_space<vmem>> -> memref<1x128x64xf32, #tpu.memory_space<vmem>>
      %dma_wait3A_165 = tpu.memref_squeeze %dma_wait3A_164 : memref<1x128x64xf32, #tpu.memory_space<vmem>> -> memref<128x64xf32, #tpu.memory_space<vmem>>
      %dma_wait3A_166 = arith.constant 0 : i32
      %dma_wait3A_167 = arith.constant 0 : i32
      %dma_wait3A_168 = tpu.memref_slice %arg2[%dma_wait3A_166, %dma_wait3A_167] : memref<10240x64xf32, #tpu.memory_space<hbm>> -> memref<128x64xf32, #tpu.memory_space<hbm>>
      tpu.wait_dma2 semaphore(%arg9 : memref<!tpu.dma_semaphore, #tpu.memory_space<semaphore_mem>>) src(%dma_wait3A_168 : memref<128x64xf32, #tpu.memory_space<hbm>>) dst(%dma_wait3A_165 : memref<128x64xf32, #tpu.memory_space<vmem>>)
      %run_scoped3A = arith.constant 0 : i32
      %run_scoped3A_169 = arith.constant 1 : i32
      "tpu.region"() ({
        %run_scoped3A_218 = tpu.sem_alloc : memref<!tpu.dma_semaphore, #tpu.memory_space<semaphore_mem>>
        %dma_start3A_219 = arith.constant 0 : i32
        %dma_start3A_220 = arith.constant 0 : i32
        %dma_start3A_221 = tpu.memref_slice %arg7[%run_scoped3A, %dma_start3A_219, %dma_start3A_220] : memref<2x128x64xf32, #tpu.memory_space<vmem>> -> memref<1x128x64xf32, #tpu.memory_space<vmem>>
        %dma_start3A_222 = tpu.memref_squeeze %dma_start3A_221 : memref<1x128x64xf32, #tpu.memory_space<vmem>> -> memref<128x64xf32, #tpu.memory_space<vmem>>
        %dma_start3A_223 = arith.constant 0 : i32
        %dma_start3A_224 = tpu.memref_slice %arg6[%rem3A_153, %run_scoped3A_169, %dma_start3A_223] : memref<4x2x128xi32, #tpu.memory_space<vmem>> -> memref<1x1x128xi32, #tpu.memory_space<vmem>>
        %dma_start3A_225 = tpu.memref_squeeze %dma_start3A_224 : memref<1x1x128xi32, #tpu.memory_space<vmem>> -> memref<128xi32, #tpu.memory_space<vmem>>
        %dma_start3A_226 = arith.constant 0 : i32
        %dma_start3A_227 = arith.constant 0 : i32
        %dma_start3A_228 = tpu.memref_slice %arg8[%dma_start3A_226, %dma_start3A_227] : memref<10240x64xf32, #tpu.memory_space<vmem_shared>> -> memref<10240x64xf32, #tpu.memory_space<vmem_shared>>
        tpu.enqueue_indirect_dma source(%dma_start3A_222 : memref<128x64xf32, #tpu.memory_space<vmem>>) target(%dma_start3A_228 : memref<10240x64xf32, #tpu.memory_space<vmem_shared>>) offsets(%dma_start3A_225 : memref<128xi32, #tpu.memory_space<vmem>>) semaphore(%run_scoped3A_218 : memref<!tpu.dma_semaphore, #tpu.memory_space<semaphore_mem>>) {add = true}
        %dma_wait3A_229 = arith.constant 0 : i32
        %dma_wait3A_230 = arith.constant 0 : i32
        %dma_wait3A_231 = tpu.memref_slice %arg7[%run_scoped3A, %dma_wait3A_229, %dma_wait3A_230] : memref<2x128x64xf32, #tpu.memory_space<vmem>> -> memref<1x128x64xf32, #tpu.memory_space<vmem>>
        %dma_wait3A_232 = tpu.memref_squeeze %dma_wait3A_231 : memref<1x128x64xf32, #tpu.memory_space<vmem>> -> memref<128x64xf32, #tpu.memory_space<vmem>>
        %dma_wait3A_233 = arith.constant 0 : i32
        %dma_wait3A_234 = tpu.memref_slice %arg6[%rem3A_153, %run_scoped3A_169, %dma_wait3A_233] : memref<4x2x128xi32, #tpu.memory_space<vmem>> -> memref<1x1x128xi32, #tpu.memory_space<vmem>>
        %dma_wait3A_235 = tpu.memref_squeeze %dma_wait3A_234 : memref<1x1x128xi32, #tpu.memory_space<vmem>> -> memref<128xi32, #tpu.memory_space<vmem>>
        %dma_wait3A_236 = arith.constant 0 : i32
        %dma_wait3A_237 = arith.constant 0 : i32
        %dma_wait3A_238 = tpu.memref_slice %arg8[%dma_wait3A_236, %dma_wait3A_237] : memref<10240x64xf32, #tpu.memory_space<vmem_shared>> -> memref<10240x64xf32, #tpu.memory_space<vmem_shared>>
        tpu.wait_indirect_dma semaphore(%run_scoped3A_218 : memref<!tpu.dma_semaphore, #tpu.memory_space<semaphore_mem>>) src(%dma_wait3A_232 : memref<128x64xf32, #tpu.memory_space<vmem>>) dst(%dma_wait3A_238 : memref<10240x64xf32, #tpu.memory_space<vmem_shared>>)
        tpu.yield
      }) : () -> ()
      %add3A_170 = arith.constant 4 : i32
      %add3A_171 = arith.addi %add3A_152, %add3A_170 : i32
      %lt3A = arith.constant 80 : i32
      %lt3A_172 = arith.cmpi slt, %add3A_171, %lt3A : i32
      %convert_element_type3A_173 = arith.extui %lt3A_172 : i1 to i32
      %cond3A_174 = arith.constant 0 : i32
      %cond3A_175 = arith.cmpi ne, %convert_element_type3A_173, %cond3A_174 : i32
      scf.if %cond3A_175 {
        %add3A_218 = arith.constant 4 : i32
        %add3A_219 = arith.addi %add3A_152, %add3A_218 : i32
        %dma_start3A_220 = arith.constant 0 : i32
        %dma_start3A_221 = arith.constant 0 : i32
        %dma_start3A_222 = tpu.memref_slice %arg6[%rem3A_153, %dma_start3A_220, %dma_start3A_221] : memref<4x2x128xi32, #tpu.memory_space<vmem>> -> memref<1x2x128xi32, #tpu.memory_space<vmem>>
        %dma_start3A_223 = tpu.memref_squeeze %dma_start3A_222 : memref<1x2x128xi32, #tpu.memory_space<vmem>> -> memref<2x128xi32, #tpu.memory_space<vmem>>
        %dma_start3A_224 = arith.constant 0 : i32
        %dma_start3A_225 = arith.constant 0 : i32
        %dma_start3A_226 = tpu.memref_slice %arg4[%add3A, %add3A_219, %dma_start3A_224, %dma_start3A_225] : memref<32x80x2x128xi32, #tpu.memory_space<hbm>> -> memref<1x1x2x128xi32, #tpu.memory_space<hbm>>
        %dma_start3A_227 = tpu.memref_squeeze %dma_start3A_226 : memref<1x1x2x128xi32, #tpu.memory_space<hbm>> -> memref<2x128xi32, #tpu.memory_space<hbm>>
        %dma_start3A_228 = arith.constant 0 : i32
        %dma_start3A_229 = arith.constant 0 : i32
        %dma_start3A_230 = tpu.memref_slice %arg6[%rem3A_153, %dma_start3A_228, %dma_start3A_229] : memref<4x2x128xi32, #tpu.memory_space<vmem>> -> memref<1x2x128xi32, #tpu.memory_space<vmem>>
        %dma_start3A_231 = tpu.memref_squeeze %dma_start3A_230 : memref<1x2x128xi32, #tpu.memory_space<vmem>> -> memref<2x128xi32, #tpu.memory_space<vmem>>
        %dma_start3A_232 = arith.constant 0 : i32
        %dma_start3A_233 = arith.constant 0 : i32
        %dma_start3A_234 = tpu.memref_slice %arg4[%add3A, %add3A_219, %dma_start3A_232, %dma_start3A_233] : memref<32x80x2x128xi32, #tpu.memory_space<hbm>> -> memref<1x1x2x128xi32, #tpu.memory_space<hbm>>
        %dma_start3A_235 = tpu.memref_squeeze %dma_start3A_234 : memref<1x1x2x128xi32, #tpu.memory_space<hbm>> -> memref<2x128xi32, #tpu.memory_space<hbm>>
        tpu.enqueue_dma source(%dma_start3A_235 : memref<2x128xi32, #tpu.memory_space<hbm>>) target(%dma_start3A_231 : memref<2x128xi32, #tpu.memory_space<vmem>>) target_semaphore(%arg10 : memref<!tpu.dma_semaphore, #tpu.memory_space<semaphore_mem>>)
      } else {
      }
      %add3A_176 = arith.constant 2 : i32
      %add3A_177 = arith.addi %add3A_152, %add3A_176 : i32
      %lt3A_178 = arith.constant 80 : i32
      %lt3A_179 = arith.cmpi slt, %add3A_177, %lt3A_178 : i32
      %convert_element_type3A_180 = arith.extui %lt3A_179 : i1 to i32
      %cond3A_181 = arith.constant 0 : i32
      %cond3A_182 = arith.cmpi ne, %convert_element_type3A_180, %cond3A_181 : i32
      scf.if %cond3A_182 {
        %add3A_218 = arith.constant 2 : i32
        %add3A_219 = arith.addi %add3A_152, %add3A_218 : i32
        %rem3A_220 = arith.constant 4 : i32
        %rem3A_221 = arith.remsi %add3A_219, %rem3A_220 : i32
        %dma_wait3A_222 = arith.constant 0 : i32
        %dma_wait3A_223 = arith.constant 0 : i32
        %dma_wait3A_224 = arith.constant 0 : i32
        %dma_wait3A_225 = tpu.memref_slice %arg6[%rem3A_221, %dma_wait3A_223, %dma_wait3A_224] : memref<4x2x128xi32, #tpu.memory_space<vmem>> -> memref<1x2x128xi32, #tpu.memory_space<vmem>>
        %dma_wait3A_226 = tpu.memref_squeeze %dma_wait3A_225 : memref<1x2x128xi32, #tpu.memory_space<vmem>> -> memref<2x128xi32, #tpu.memory_space<vmem>>
        %dma_wait3A_227 = arith.constant 0 : i32
        %dma_wait3A_228 = arith.constant 0 : i32
        %dma_wait3A_229 = tpu.memref_slice %arg4[%add3A, %dma_wait3A_222, %dma_wait3A_227, %dma_wait3A_228] : memref<32x80x2x128xi32, #tpu.memory_space<hbm>> -> memref<1x1x2x128xi32, #tpu.memory_space<hbm>>
        %dma_wait3A_230 = tpu.memref_squeeze %dma_wait3A_229 : memref<1x1x2x128xi32, #tpu.memory_space<hbm>> -> memref<2x128xi32, #tpu.memory_space<hbm>>
        %dma_wait3A_231 = arith.constant 0 : i32
        %dma_wait3A_232 = arith.constant 0 : i32
        %dma_wait3A_233 = tpu.memref_slice %arg6[%rem3A_221, %dma_wait3A_231, %dma_wait3A_232] : memref<4x2x128xi32, #tpu.memory_space<vmem>> -> memref<1x2x128xi32, #tpu.memory_space<vmem>>
        %dma_wait3A_234 = tpu.memref_squeeze %dma_wait3A_233 : memref<1x2x128xi32, #tpu.memory_space<vmem>> -> memref<2x128xi32, #tpu.memory_space<vmem>>
        %dma_wait3A_235 = arith.constant 0 : i32
        %dma_wait3A_236 = arith.constant 0 : i32
        %dma_wait3A_237 = tpu.memref_slice %arg4[%add3A, %dma_wait3A_222, %dma_wait3A_235, %dma_wait3A_236] : memref<32x80x2x128xi32, #tpu.memory_space<hbm>> -> memref<1x1x2x128xi32, #tpu.memory_space<hbm>>
        %dma_wait3A_238 = tpu.memref_squeeze %dma_wait3A_237 : memref<1x1x2x128xi32, #tpu.memory_space<hbm>> -> memref<2x128xi32, #tpu.memory_space<hbm>>
        tpu.wait_dma2 semaphore(%arg10 : memref<!tpu.dma_semaphore, #tpu.memory_space<semaphore_mem>>) src(%dma_wait3A_238 : memref<2x128xi32, #tpu.memory_space<hbm>>) dst(%dma_wait3A_234 : memref<2x128xi32, #tpu.memory_space<vmem>>)
        %dma_start3A_239 = arith.constant 0 : i32
        %dma_start3A_240 = arith.constant 0 : i32
        %dma_start3A_241 = arith.constant 0 : i32
        %dma_start3A_242 = arith.constant 0 : i32
        %dma_start3A_243 = tpu.memref_slice %arg7[%dma_start3A_240, %dma_start3A_241, %dma_start3A_242] : memref<2x128x64xf32, #tpu.memory_space<vmem>> -> memref<1x128x64xf32, #tpu.memory_space<vmem>>
        %dma_start3A_244 = tpu.memref_squeeze %dma_start3A_243 : memref<1x128x64xf32, #tpu.memory_space<vmem>> -> memref<128x64xf32, #tpu.memory_space<vmem>>
        %dma_start3A_245 = arith.constant 0 : i32
        %dma_start3A_246 = tpu.memref_slice %arg6[%rem3A_221, %dma_start3A_239, %dma_start3A_245] : memref<4x2x128xi32, #tpu.memory_space<vmem>> -> memref<1x1x128xi32, #tpu.memory_space<vmem>>
        %dma_start3A_247 = tpu.memref_squeeze %dma_start3A_246 : memref<1x1x128xi32, #tpu.memory_space<vmem>> -> memref<128xi32, #tpu.memory_space<vmem>>
        %dma_start3A_248 = arith.constant 0 : i32
        %dma_start3A_249 = arith.constant 0 : i32
        %dma_start3A_250 = tpu.memref_slice %arg2[%dma_start3A_248, %dma_start3A_249] : memref<10240x64xf32, #tpu.memory_space<hbm>> -> memref<10240x64xf32, #tpu.memory_space<hbm>>
        tpu.enqueue_indirect_dma source(%dma_start3A_250 : memref<10240x64xf32, #tpu.memory_space<hbm>>) target(%dma_start3A_244 : memref<128x64xf32, #tpu.memory_space<vmem>>) offsets(%dma_start3A_247 : memref<128xi32, #tpu.memory_space<vmem>>) semaphore(%arg9 : memref<!tpu.dma_semaphore, #tpu.memory_space<semaphore_mem>>)
      } else {
      }
      %add3A_183 = arith.constant 1 : i32
      %add3A_184 = arith.addi %add3A_150, %add3A_183 : i32
      %rem3A_185 = arith.constant 4 : i32
      %rem3A_186 = arith.remsi %add3A_184, %rem3A_185 : i32
      %dma_wait3A_187 = arith.constant 1 : i32
      %dma_wait3A_188 = arith.constant 0 : i32
      %dma_wait3A_189 = arith.constant 0 : i32
      %dma_wait3A_190 = tpu.memref_slice %arg7[%dma_wait3A_187, %dma_wait3A_188, %dma_wait3A_189] : memref<2x128x64xf32, #tpu.memory_space<vmem>> -> memref<1x128x64xf32, #tpu.memory_space<vmem>>
      %dma_wait3A_191 = tpu.memref_squeeze %dma_wait3A_190 : memref<1x128x64xf32, #tpu.memory_space<vmem>> -> memref<128x64xf32, #tpu.memory_space<vmem>>
      %dma_wait3A_192 = arith.constant 0 : i32
      %dma_wait3A_193 = arith.constant 0 : i32
      %dma_wait3A_194 = tpu.memref_slice %arg2[%dma_wait3A_192, %dma_wait3A_193] : memref<10240x64xf32, #tpu.memory_space<hbm>> -> memref<128x64xf32, #tpu.memory_space<hbm>>
      %dma_wait3A_195 = arith.constant 0 : i32
      %dma_wait3A_196 = arith.constant 0 : i32
      %dma_wait3A_197 = tpu.memref_slice %arg7[%dma_wait3A_187, %dma_wait3A_195, %dma_wait3A_196] : memref<2x128x64xf32, #tpu.memory_space<vmem>> -> memref<1x128x64xf32, #tpu.memory_space<vmem>>
      %dma_wait3A_198 = tpu.memref_squeeze %dma_wait3A_197 : memref<1x128x64xf32, #tpu.memory_space<vmem>> -> memref<128x64xf32, #tpu.memory_space<vmem>>
      %dma_wait3A_199 = arith.constant 0 : i32
      %dma_wait3A_200 = arith.constant 0 : i32
      %dma_wait3A_201 = tpu.memref_slice %arg2[%dma_wait3A_199, %dma_wait3A_200] : memref<10240x64xf32, #tpu.memory_space<hbm>> -> memref<128x64xf32, #tpu.memory_space<hbm>>
      tpu.wait_dma2 semaphore(%arg9 : memref<!tpu.dma_semaphore, #tpu.memory_space<semaphore_mem>>) src(%dma_wait3A_201 : memref<128x64xf32, #tpu.memory_space<hbm>>) dst(%dma_wait3A_198 : memref<128x64xf32, #tpu.memory_space<vmem>>)
      %run_scoped3A_202 = arith.constant 1 : i32
      %run_scoped3A_203 = arith.constant 1 : i32
      "tpu.region"() ({
        %run_scoped3A_218 = tpu.sem_alloc : memref<!tpu.dma_semaphore, #tpu.memory_space<semaphore_mem>>
        %dma_start3A_219 = arith.constant 0 : i32
        %dma_start3A_220 = arith.constant 0 : i32
        %dma_start3A_221 = tpu.memref_slice %arg7[%run_scoped3A_202, %dma_start3A_219, %dma_start3A_220] : memref<2x128x64xf32, #tpu.memory_space<vmem>> -> memref<1x128x64xf32, #tpu.memory_space<vmem>>
        %dma_start3A_222 = tpu.memref_squeeze %dma_start3A_221 : memref<1x128x64xf32, #tpu.memory_space<vmem>> -> memref<128x64xf32, #tpu.memory_space<vmem>>
        %dma_start3A_223 = arith.constant 0 : i32
        %dma_start3A_224 = tpu.memref_slice %arg6[%rem3A_186, %run_scoped3A_203, %dma_start3A_223] : memref<4x2x128xi32, #tpu.memory_space<vmem>> -> memref<1x1x128xi32, #tpu.memory_space<vmem>>
        %dma_start3A_225 = tpu.memref_squeeze %dma_start3A_224 : memref<1x1x128xi32, #tpu.memory_space<vmem>> -> memref<128xi32, #tpu.memory_space<vmem>>
        %dma_start3A_226 = arith.constant 0 : i32
        %dma_start3A_227 = arith.constant 0 : i32
        %dma_start3A_228 = tpu.memref_slice %arg8[%dma_start3A_226, %dma_start3A_227] : memref<10240x64xf32, #tpu.memory_space<vmem_shared>> -> memref<10240x64xf32, #tpu.memory_space<vmem_shared>>
        tpu.enqueue_indirect_dma source(%dma_start3A_222 : memref<128x64xf32, #tpu.memory_space<vmem>>) target(%dma_start3A_228 : memref<10240x64xf32, #tpu.memory_space<vmem_shared>>) offsets(%dma_start3A_225 : memref<128xi32, #tpu.memory_space<vmem>>) semaphore(%run_scoped3A_218 : memref<!tpu.dma_semaphore, #tpu.memory_space<semaphore_mem>>) {add = true}
        %dma_wait3A_229 = arith.constant 0 : i32
        %dma_wait3A_230 = arith.constant 0 : i32
        %dma_wait3A_231 = tpu.memref_slice %arg7[%run_scoped3A_202, %dma_wait3A_229, %dma_wait3A_230] : memref<2x128x64xf32, #tpu.memory_space<vmem>> -> memref<1x128x64xf32, #tpu.memory_space<vmem>>
        %dma_wait3A_232 = tpu.memref_squeeze %dma_wait3A_231 : memref<1x128x64xf32, #tpu.memory_space<vmem>> -> memref<128x64xf32, #tpu.memory_space<vmem>>
        %dma_wait3A_233 = arith.constant 0 : i32
        %dma_wait3A_234 = tpu.memref_slice %arg6[%rem3A_186, %run_scoped3A_203, %dma_wait3A_233] : memref<4x2x128xi32, #tpu.memory_space<vmem>> -> memref<1x1x128xi32, #tpu.memory_space<vmem>>
        %dma_wait3A_235 = tpu.memref_squeeze %dma_wait3A_234 : memref<1x1x128xi32, #tpu.memory_space<vmem>> -> memref<128xi32, #tpu.memory_space<vmem>>
        %dma_wait3A_236 = arith.constant 0 : i32
        %dma_wait3A_237 = arith.constant 0 : i32
        %dma_wait3A_238 = tpu.memref_slice %arg8[%dma_wait3A_236, %dma_wait3A_237] : memref<10240x64xf32, #tpu.memory_space<vmem_shared>> -> memref<10240x64xf32, #tpu.memory_space<vmem_shared>>
        tpu.wait_indirect_dma semaphore(%run_scoped3A_218 : memref<!tpu.dma_semaphore, #tpu.memory_space<semaphore_mem>>) src(%dma_wait3A_232 : memref<128x64xf32, #tpu.memory_space<vmem>>) dst(%dma_wait3A_238 : memref<10240x64xf32, #tpu.memory_space<vmem_shared>>)
        tpu.yield
      }) : () -> ()
      %add3A_204 = arith.constant 4 : i32
      %add3A_205 = arith.addi %add3A_184, %add3A_204 : i32
      %lt3A_206 = arith.constant 80 : i32
      %lt3A_207 = arith.cmpi slt, %add3A_205, %lt3A_206 : i32
      %convert_element_type3A_208 = arith.extui %lt3A_207 : i1 to i32
      %cond3A_209 = arith.constant 0 : i32
      %cond3A_210 = arith.cmpi ne, %convert_element_type3A_208, %cond3A_209 : i32
      scf.if %cond3A_210 {
        %add3A_218 = arith.constant 4 : i32
        %add3A_219 = arith.addi %add3A_184, %add3A_218 : i32
        %dma_start3A_220 = arith.constant 0 : i32
        %dma_start3A_221 = arith.constant 0 : i32
        %dma_start3A_222 = tpu.memref_slice %arg6[%rem3A_186, %dma_start3A_220, %dma_start3A_221] : memref<4x2x128xi32, #tpu.memory_space<vmem>> -> memref<1x2x128xi32, #tpu.memory_space<vmem>>
        %dma_start3A_223 = tpu.memref_squeeze %dma_start3A_222 : memref<1x2x128xi32, #tpu.memory_space<vmem>> -> memref<2x128xi32, #tpu.memory_space<vmem>>
        %dma_start3A_224 = arith.constant 0 : i32
        %dma_start3A_225 = arith.constant 0 : i32
        %dma_start3A_226 = tpu.memref_slice %arg4[%add3A, %add3A_219, %dma_start3A_224, %dma_start3A_225] : memref<32x80x2x128xi32, #tpu.memory_space<hbm>> -> memref<1x1x2x128xi32, #tpu.memory_space<hbm>>
        %dma_start3A_227 = tpu.memref_squeeze %dma_start3A_226 : memref<1x1x2x128xi32, #tpu.memory_space<hbm>> -> memref<2x128xi32, #tpu.memory_space<hbm>>
        %dma_start3A_228 = arith.constant 0 : i32
        %dma_start3A_229 = arith.constant 0 : i32
        %dma_start3A_230 = tpu.memref_slice %arg6[%rem3A_186, %dma_start3A_228, %dma_start3A_229] : memref<4x2x128xi32, #tpu.memory_space<vmem>> -> memref<1x2x128xi32, #tpu.memory_space<vmem>>
        %dma_start3A_231 = tpu.memref_squeeze %dma_start3A_230 : memref<1x2x128xi32, #tpu.memory_space<vmem>> -> memref<2x128xi32, #tpu.memory_space<vmem>>
        %dma_start3A_232 = arith.constant 0 : i32
        %dma_start3A_233 = arith.constant 0 : i32
        %dma_start3A_234 = tpu.memref_slice %arg4[%add3A, %add3A_219, %dma_start3A_232, %dma_start3A_233] : memref<32x80x2x128xi32, #tpu.memory_space<hbm>> -> memref<1x1x2x128xi32, #tpu.memory_space<hbm>>
        %dma_start3A_235 = tpu.memref_squeeze %dma_start3A_234 : memref<1x1x2x128xi32, #tpu.memory_space<hbm>> -> memref<2x128xi32, #tpu.memory_space<hbm>>
        tpu.enqueue_dma source(%dma_start3A_235 : memref<2x128xi32, #tpu.memory_space<hbm>>) target(%dma_start3A_231 : memref<2x128xi32, #tpu.memory_space<vmem>>) target_semaphore(%arg10 : memref<!tpu.dma_semaphore, #tpu.memory_space<semaphore_mem>>)
      } else {
      }
      %add3A_211 = arith.constant 2 : i32
      %add3A_212 = arith.addi %add3A_184, %add3A_211 : i32
      %lt3A_213 = arith.constant 80 : i32
      %lt3A_214 = arith.cmpi slt, %add3A_212, %lt3A_213 : i32
      %convert_element_type3A_215 = arith.extui %lt3A_214 : i1 to i32
      %cond3A_216 = arith.constant 0 : i32
      %cond3A_217 = arith.cmpi ne, %convert_element_type3A_215, %cond3A_216 : i32
      scf.if %cond3A_217 {
        %add3A_218 = arith.constant 2 : i32
        %add3A_219 = arith.addi %add3A_184, %add3A_218 : i32
        %rem3A_220 = arith.constant 4 : i32
        %rem3A_221 = arith.remsi %add3A_219, %rem3A_220 : i32
        %dma_wait3A_222 = arith.constant 0 : i32
        %dma_wait3A_223 = arith.constant 0 : i32
        %dma_wait3A_224 = arith.constant 0 : i32
        %dma_wait3A_225 = tpu.memref_slice %arg6[%rem3A_221, %dma_wait3A_223, %dma_wait3A_224] : memref<4x2x128xi32, #tpu.memory_space<vmem>> -> memref<1x2x128xi32, #tpu.memory_space<vmem>>
        %dma_wait3A_226 = tpu.memref_squeeze %dma_wait3A_225 : memref<1x2x128xi32, #tpu.memory_space<vmem>> -> memref<2x128xi32, #tpu.memory_space<vmem>>
        %dma_wait3A_227 = arith.constant 0 : i32
        %dma_wait3A_228 = arith.constant 0 : i32
        %dma_wait3A_229 = tpu.memref_slice %arg4[%add3A, %dma_wait3A_222, %dma_wait3A_227, %dma_wait3A_228] : memref<32x80x2x128xi32, #tpu.memory_space<hbm>> -> memref<1x1x2x128xi32, #tpu.memory_space<hbm>>
        %dma_wait3A_230 = tpu.memref_squeeze %dma_wait3A_229 : memref<1x1x2x128xi32, #tpu.memory_space<hbm>> -> memref<2x128xi32, #tpu.memory_space<hbm>>
        %dma_wait3A_231 = arith.constant 0 : i32
        %dma_wait3A_232 = arith.constant 0 : i32
        %dma_wait3A_233 = tpu.memref_slice %arg6[%rem3A_221, %dma_wait3A_231, %dma_wait3A_232] : memref<4x2x128xi32, #tpu.memory_space<vmem>> -> memref<1x2x128xi32, #tpu.memory_space<vmem>>
        %dma_wait3A_234 = tpu.memref_squeeze %dma_wait3A_233 : memref<1x2x128xi32, #tpu.memory_space<vmem>> -> memref<2x128xi32, #tpu.memory_space<vmem>>
        %dma_wait3A_235 = arith.constant 0 : i32
        %dma_wait3A_236 = arith.constant 0 : i32
        %dma_wait3A_237 = tpu.memref_slice %arg4[%add3A, %dma_wait3A_222, %dma_wait3A_235, %dma_wait3A_236] : memref<32x80x2x128xi32, #tpu.memory_space<hbm>> -> memref<1x1x2x128xi32, #tpu.memory_space<hbm>>
        %dma_wait3A_238 = tpu.memref_squeeze %dma_wait3A_237 : memref<1x1x2x128xi32, #tpu.memory_space<hbm>> -> memref<2x128xi32, #tpu.memory_space<hbm>>
        tpu.wait_dma2 semaphore(%arg10 : memref<!tpu.dma_semaphore, #tpu.memory_space<semaphore_mem>>) src(%dma_wait3A_238 : memref<2x128xi32, #tpu.memory_space<hbm>>) dst(%dma_wait3A_234 : memref<2x128xi32, #tpu.memory_space<vmem>>)
        %dma_start3A_239 = arith.constant 0 : i32
        %dma_start3A_240 = arith.constant 1 : i32
        %dma_start3A_241 = arith.constant 0 : i32
        %dma_start3A_242 = arith.constant 0 : i32
        %dma_start3A_243 = tpu.memref_slice %arg7[%dma_start3A_240, %dma_start3A_241, %dma_start3A_242] : memref<2x128x64xf32, #tpu.memory_space<vmem>> -> memref<1x128x64xf32, #tpu.memory_space<vmem>>
        %dma_start3A_244 = tpu.memref_squeeze %dma_start3A_243 : memref<1x128x64xf32, #tpu.memory_space<vmem>> -> memref<128x64xf32, #tpu.memory_space<vmem>>
        %dma_start3A_245 = arith.constant 0 : i32
        %dma_start3A_246 = tpu.memref_slice %arg6[%rem3A_221, %dma_start3A_239, %dma_start3A_245] : memref<4x2x128xi32, #tpu.memory_space<vmem>> -> memref<1x1x128xi32, #tpu.memory_space<vmem>>
        %dma_start3A_247 = tpu.memref_squeeze %dma_start3A_246 : memref<1x1x128xi32, #tpu.memory_space<vmem>> -> memref<128xi32, #tpu.memory_space<vmem>>
        %dma_start3A_248 = arith.constant 0 : i32
        %dma_start3A_249 = arith.constant 0 : i32
        %dma_start3A_250 = tpu.memref_slice %arg2[%dma_start3A_248, %dma_start3A_249] : memref<10240x64xf32, #tpu.memory_space<hbm>> -> memref<10240x64xf32, #tpu.memory_space<hbm>>
        tpu.enqueue_indirect_dma source(%dma_start3A_250 : memref<10240x64xf32, #tpu.memory_space<hbm>>) target(%dma_start3A_244 : memref<128x64xf32, #tpu.memory_space<vmem>>) offsets(%dma_start3A_247 : memref<128xi32, #tpu.memory_space<vmem>>) semaphore(%arg9 : memref<!tpu.dma_semaphore, #tpu.memory_space<semaphore_mem>>)
      } else {
      }
    }
    %scan3A_144 = arith.constant 40 : i32
    %barrier3A_145 = arith.constant 0 : index
    tpu.barrier barrier_id(%barrier3A_145)
    "tpu.region"() ({
      %run_scoped3A = tpu.sem_alloc : memref<!tpu.dma_semaphore, #tpu.memory_space<semaphore_mem>>
      %dma_start3A_146 = arith.constant 0 : i32
      %dma_start3A_147 = tpu.memref_slice %arg5[%arg0, %mul3A_2, %dma_start3A_146] : memref<2x10240x64xf32, #tpu.memory_space<hbm>> -> memref<1x640x64xf32, #tpu.memory_space<hbm>>
      %dma_start3A_148 = tpu.memref_squeeze %dma_start3A_147 : memref<1x640x64xf32, #tpu.memory_space<hbm>> -> memref<640x64xf32, #tpu.memory_space<hbm>>
      %dma_start3A_149 = arith.constant 0 : i32
      %dma_start3A_150 = tpu.memref_slice %arg8[%mul3A_2, %dma_start3A_149] : memref<10240x64xf32, #tpu.memory_space<vmem_shared>> -> memref<640x64xf32, #tpu.memory_space<vmem_shared>>
      tpu.enqueue_dma source(%dma_start3A_150 : memref<640x64xf32, #tpu.memory_space<vmem_shared>>) target(%dma_start3A_148 : memref<640x64xf32, #tpu.memory_space<hbm>>) target_semaphore(%run_scoped3A : memref<!tpu.dma_semaphore, #tpu.memory_space<semaphore_mem>>)
      %dma_wait3A_151 = arith.constant 0 : i32
      %dma_wait3A_152 = tpu.memref_slice %arg5[%arg0, %mul3A_2, %dma_wait3A_151] : memref<2x10240x64xf32, #tpu.memory_space<hbm>> -> memref<1x640x64xf32, #tpu.memory_space<hbm>>
      %dma_wait3A_153 = tpu.memref_squeeze %dma_wait3A_152 : memref<1x640x64xf32, #tpu.memory_space<hbm>> -> memref<640x64xf32, #tpu.memory_space<hbm>>
      %dma_wait3A_154 = arith.constant 0 : i32
      %dma_wait3A_155 = tpu.memref_slice %arg8[%mul3A_2, %dma_wait3A_154] : memref<10240x64xf32, #tpu.memory_space<vmem_shared>> -> memref<640x64xf32, #tpu.memory_space<vmem_shared>>
      tpu.wait_dma2 semaphore(%run_scoped3A : memref<!tpu.dma_semaphore, #tpu.memory_space<semaphore_mem>>) src(%dma_wait3A_155 : memref<640x64xf32, #tpu.memory_space<vmem_shared>>) dst(%dma_wait3A_153 : memref<640x64xf32, #tpu.memory_space<hbm>>)
      tpu.yield
    }) : () -> ()
    return
  }
}

module attributes {stable_mosaic.version = 14 : i64} {
  func.func @_prep_body(%arg0: i32, %arg1: memref<2x2048x1xf32, #tpu.memory_space<vmem>>, %arg2: memref<2048x128xf32, #tpu.memory_space<vmem>>, %arg3: memref<2048x1xf32, #tpu.memory_space<vmem>>, %arg4: memref<2048x128xf32, #tpu.memory_space<vmem>>) attributes {dimension_semantics = [#tpu.dimension_semantics<arbitrary>], iteration_bounds = array<i64: 5>, scalar_prefetch = 0 : i64, scratch_operands = 0 : i64, tpu.core_type = #tpu.core_type<tc>, window_params = [{transform_indices = @transform_0, window_bounds = array<i64: 2, 2048, 1>}, {transform_indices = @transform_1, window_bounds = array<i64: 2048, 128>}, {transform_indices = @transform_2, window_bounds = array<i64: 2048, 1>}, {transform_indices = @transform_3, window_bounds = array<i64: 2048, 128>}]} {
    %get3A = arith.constant 0 : index
    %get3A_0 = arith.constant 0 : index
    %get3A_1 = arith.constant 0 : index
    %get3A_2 = vector.load %arg1[%get3A, %get3A_0, %get3A_1] : memref<2x2048x1xf32, #tpu.memory_space<vmem>>, vector<1x2048x1xf32>
    %get3A_3 = vector.shape_cast %get3A_2 : vector<1x2048x1xf32> to vector<2048x1xf32>
    %get3A_4 = arith.constant 1 : index
    %get3A_5 = arith.constant 0 : index
    %get3A_6 = arith.constant 0 : index
    %get3A_7 = vector.load %arg1[%get3A_4, %get3A_5, %get3A_6] : memref<2x2048x1xf32, #tpu.memory_space<vmem>>, vector<1x2048x1xf32>
    %get3A_8 = vector.shape_cast %get3A_7 : vector<1x2048x1xf32> to vector<2048x1xf32>
    %add3A = arith.addf %get3A_3, %get3A_8 : vector<2048x1xf32>
    %add3A_9 = arith.constant 1.000000e+00 : f32
    %add3A_10 = vector.broadcast %add3A_9 : f32 to vector<2048x1xf32>
    %add3A_11 = arith.addf %add3A, %add3A_10 : vector<2048x1xf32>
    %rsqrt3A = math.rsqrt %add3A_11 : vector<2048x1xf32>
    %swap3A = arith.constant 0 : index
    %swap3A_12 = arith.constant 0 : index
    %swap3A_13 = vector.load %arg3[%swap3A, %swap3A_12] : memref<2048x1xf32, #tpu.memory_space<vmem>>, vector<2048x1xf32>
    tpu.vector_store %arg3[%swap3A, %swap3A_12], %rsqrt3A {strides = array<i32>} : memref<2048x1xf32, #tpu.memory_space<vmem>>, vector<2048x1xf32>,
    %get3A_14 = arith.constant 0 : index
    %get3A_15 = arith.constant 0 : index
    %get3A_16 = vector.load %arg2[%get3A_14, %get3A_15] : memref<2048x128xf32, #tpu.memory_space<vmem>>, vector<2048x128xf32>
    %mul3A = vector.broadcast %rsqrt3A : vector<2048x1xf32> to vector<2048x128xf32>
    %mul3A_17 = arith.mulf %get3A_16, %mul3A : vector<2048x128xf32>
    %swap3A_18 = arith.constant 0 : index
    %swap3A_19 = arith.constant 0 : index
    %swap3A_20 = vector.load %arg4[%swap3A_18, %swap3A_19] : memref<2048x128xf32, #tpu.memory_space<vmem>>, vector<2048x128xf32>
    tpu.vector_store %arg4[%swap3A_18, %swap3A_19], %mul3A_17 {strides = array<i32>} : memref<2048x128xf32, #tpu.memory_space<vmem>>, vector<2048x128xf32>,
    return
  }
  func.func @transform_0(%arg0: i32) -> (i32, i32, i32) {
    %c0_i32 = arith.constant 0 : i32
    %c0_i32_0 = arith.constant 0 : i32
    %c0_i32_1 = arith.constant 0 : i32
    return %c0_i32, %arg0, %c0_i32_0 : i32, i32, i32
  }
  func.func @transform_1(%arg0: i32) -> (i32, i32) {
    %c0_i32 = arith.constant 0 : i32
    %c0_i32_0 = arith.constant 0 : i32
    return %arg0, %c0_i32 : i32, i32
  }
  func.func @transform_2(%arg0: i32) -> (i32, i32) {
    %c0_i32 = arith.constant 0 : i32
    %c0_i32_0 = arith.constant 0 : i32
    return %arg0, %c0_i32 : i32, i32
  }
  func.func @transform_3(%arg0: i32) -> (i32, i32) {
    %c0_i32 = arith.constant 0 : i32
    %c0_i32_0 = arith.constant 0 : i32
    return %arg0, %c0_i32 : i32, i32
  }
}

module attributes {stable_mosaic.version = 14 : i64} {
  func.func @_layer1_body(%arg0: i32, %arg1: memref<2x2048x128xf32, #tpu.memory_space<vmem>>, %arg2: memref<2048x1xf32, #tpu.memory_space<vmem>>, %arg3: memref<128x256xf32, #tpu.memory_space<vmem>>, %arg4: memref<1x256xf32, #tpu.memory_space<vmem>>, %arg5: memref<1x256xf32, #tpu.memory_space<vmem>>, %arg6: memref<2048x128xf32, #tpu.memory_space<vmem>>, %arg7: memref<2048x128xf32, #tpu.memory_space<vmem>>) attributes {dimension_semantics = [#tpu.dimension_semantics<arbitrary>], iteration_bounds = array<i64: 5>, scalar_prefetch = 0 : i64, scratch_operands = 0 : i64, tpu.core_type = #tpu.core_type<tc>, window_params = [{transform_indices = @transform_0, window_bounds = array<i64: 2, 2048, 128>}, {transform_indices = @transform_1, window_bounds = array<i64: 2048, 1>}, {pipeline_mode = #tpu.pipeline_mode<synchronous>, transform_indices = @transform_2, window_bounds = array<i64: 128, 256>}, {pipeline_mode = #tpu.pipeline_mode<synchronous>, transform_indices = @transform_3, window_bounds = array<i64: 1, 256>}, {pipeline_mode = #tpu.pipeline_mode<synchronous>, transform_indices = @transform_4, window_bounds = array<i64: 1, 256>}, {transform_indices = @transform_5, window_bounds = array<i64: 2048, 128>}, {transform_indices = @transform_6, window_bounds = array<i64: 2048, 128>}]} {
    %get3A = arith.constant 0 : index
    %get3A_0 = arith.constant 0 : index
    %get3A_1 = vector.load %arg2[%get3A, %get3A_0] : memref<2048x1xf32, #tpu.memory_space<vmem>>, vector<2048x1xf32>
    %get3A_2 = arith.constant 0 : index
    %get3A_3 = arith.constant 0 : index
    %get3A_4 = arith.constant 0 : index
    %get3A_5 = vector.load %arg1[%get3A_2, %get3A_3, %get3A_4] : memref<2x2048x128xf32, #tpu.memory_space<vmem>>, vector<1x2048x128xf32>
    %get3A_6 = vector.shape_cast %get3A_5 : vector<1x2048x128xf32> to vector<2048x128xf32>
    %get3A_7 = arith.constant 1 : index
    %get3A_8 = arith.constant 0 : index
    %get3A_9 = arith.constant 0 : index
    %get3A_10 = vector.load %arg1[%get3A_7, %get3A_8, %get3A_9] : memref<2x2048x128xf32, #tpu.memory_space<vmem>>, vector<1x2048x128xf32>
    %get3A_11 = vector.shape_cast %get3A_10 : vector<1x2048x128xf32> to vector<2048x128xf32>
    %add3A = arith.addf %get3A_6, %get3A_11 : vector<2048x128xf32>
    %mul3A = vector.broadcast %get3A_1 : vector<2048x1xf32> to vector<2048x128xf32>
    %mul3A_12 = arith.mulf %add3A, %mul3A : vector<2048x128xf32>
    %get3A_13 = arith.constant 0 : index
    %get3A_14 = arith.constant 0 : index
    %get3A_15 = vector.load %arg3[%get3A_13, %get3A_14] : memref<128x256xf32, #tpu.memory_space<vmem>>, vector<128x256xf32>
    %dot_general3A = arith.constant dense<0.000000e+00> : vector<2048x256xf32>
    %dot_general3A_16 = tpu.matmul %mul3A_12, %get3A_15, %dot_general3A {dimension_numbers = #tpu.dot_dimension_numbers<[1], [0], [0], [1], [0, 0, 1, 1], [], []>, transpose_lhs_hint = false} : vector<2048x128xf32>, vector<128x256xf32>, vector<2048x256xf32> -> vector<2048x256xf32>
    %get3A_17 = arith.constant 0 : index
    %get3A_18 = arith.constant 0 : index
    %get3A_19 = vector.load %arg4[%get3A_17, %get3A_18] : memref<1x256xf32, #tpu.memory_space<vmem>>, vector<1x256xf32>
    %mul3A_20 = vector.broadcast %get3A_19 : vector<1x256xf32> to vector<2048x256xf32>
    %mul3A_21 = arith.mulf %dot_general3A_16, %mul3A_20 : vector<2048x256xf32>
    %get3A_22 = arith.constant 0 : index
    %get3A_23 = arith.constant 0 : index
    %get3A_24 = vector.load %arg5[%get3A_22, %get3A_23] : memref<1x256xf32, #tpu.memory_space<vmem>>, vector<1x256xf32>
    %add3A_25 = vector.broadcast %get3A_24 : vector<1x256xf32> to vector<2048x256xf32>
    %add3A_26 = arith.addf %mul3A_21, %add3A_25 : vector<2048x256xf32>
    %max3A = arith.constant 0.000000e+00 : f32
    %max3A_27 = vector.broadcast %max3A : f32 to vector<2048x256xf32>
    %max3A_28 = arith.maximumf %add3A_26, %max3A_27 : vector<2048x256xf32>
    %mul3A_29 = vector.broadcast %get3A_1 : vector<2048x1xf32> to vector<2048x256xf32>
    %mul3A_30 = arith.mulf %max3A_28, %mul3A_29 : vector<2048x256xf32>
    %slice3A = vector.extract_strided_slice %mul3A_30 {offsets = [0, 0], sizes = [2048, 128], strides = [1, 1]} : vector<2048x256xf32> to vector<2048x128xf32>
    %swap3A = arith.constant 0 : index
    %swap3A_31 = arith.constant 0 : index
    %swap3A_32 = vector.load %arg6[%swap3A, %swap3A_31] : memref<2048x128xf32, #tpu.memory_space<vmem>>, vector<2048x128xf32>
    tpu.vector_store %arg6[%swap3A, %swap3A_31], %slice3A {strides = array<i32>} : memref<2048x128xf32, #tpu.memory_space<vmem>>, vector<2048x128xf32>,
    %slice3A_33 = vector.extract_strided_slice %mul3A_30 {offsets = [0, 128], sizes = [2048, 128], strides = [1, 1]} : vector<2048x256xf32> to vector<2048x128xf32>
    %swap3A_34 = arith.constant 0 : index
    %swap3A_35 = arith.constant 0 : index
    %swap3A_36 = vector.load %arg7[%swap3A_34, %swap3A_35] : memref<2048x128xf32, #tpu.memory_space<vmem>>, vector<2048x128xf32>
    tpu.vector_store %arg7[%swap3A_34, %swap3A_35], %slice3A_33 {strides = array<i32>} : memref<2048x128xf32, #tpu.memory_space<vmem>>, vector<2048x128xf32>,
    return
  }
  func.func @transform_0(%arg0: i32) -> (i32, i32, i32) {
    %c0_i32 = arith.constant 0 : i32
    %c0_i32_0 = arith.constant 0 : i32
    %c0_i32_1 = arith.constant 0 : i32
    return %c0_i32, %arg0, %c0_i32_0 : i32, i32, i32
  }
  func.func @transform_1(%arg0: i32) -> (i32, i32) {
    %c0_i32 = arith.constant 0 : i32
    %c0_i32_0 = arith.constant 0 : i32
    return %arg0, %c0_i32 : i32, i32
  }
  func.func @transform_2(%arg0: i32) -> (i32, i32) {
    %c0_i32 = arith.constant 0 : i32
    %c0_i32_0 = arith.constant 0 : i32
    %c0_i32_1 = arith.constant 0 : i32
    return %c0_i32, %c0_i32_0 : i32, i32
  }
  func.func @transform_3(%arg0: i32) -> (i32, i32) {
    %c0_i32 = arith.constant 0 : i32
    %c0_i32_0 = arith.constant 0 : i32
    %c0_i32_1 = arith.constant 0 : i32
    return %c0_i32, %c0_i32_0 : i32, i32
  }
  func.func @transform_4(%arg0: i32) -> (i32, i32) {
    %c0_i32 = arith.constant 0 : i32
    %c0_i32_0 = arith.constant 0 : i32
    %c0_i32_1 = arith.constant 0 : i32
    return %c0_i32, %c0_i32_0 : i32, i32
  }
  func.func @transform_5(%arg0: i32) -> (i32, i32) {
    %c0_i32 = arith.constant 0 : i32
    %c0_i32_0 = arith.constant 0 : i32
    return %arg0, %c0_i32 : i32, i32
  }
  func.func @transform_6(%arg0: i32) -> (i32, i32) {
    %c0_i32 = arith.constant 0 : i32
    %c0_i32_0 = arith.constant 0 : i32
    return %arg0, %c0_i32 : i32, i32
  }
}

module attributes {stable_mosaic.version = 14 : i64} {
  func.func @_layer23_body(%arg0: i32, %arg1: memref<2x2048x128xf32, #tpu.memory_space<vmem>>, %arg2: memref<2x2048x128xf32, #tpu.memory_space<vmem>>, %arg3: memref<2048x1xf32, #tpu.memory_space<vmem>>, %arg4: memref<256x256xf32, #tpu.memory_space<vmem>>, %arg5: memref<256x64xf32, #tpu.memory_space<vmem>>, %arg6: memref<1x256xf32, #tpu.memory_space<vmem>>, %arg7: memref<1x256xf32, #tpu.memory_space<vmem>>, %arg8: memref<2048x64xf32, #tpu.memory_space<vmem>>) attributes {dimension_semantics = [#tpu.dimension_semantics<arbitrary>], iteration_bounds = array<i64: 5>, scalar_prefetch = 0 : i64, scratch_operands = 0 : i64, tpu.core_type = #tpu.core_type<tc>, window_params = [{transform_indices = @transform_0, window_bounds = array<i64: 2, 2048, 128>}, {transform_indices = @transform_1, window_bounds = array<i64: 2, 2048, 128>}, {transform_indices = @transform_2, window_bounds = array<i64: 2048, 1>}, {pipeline_mode = #tpu.pipeline_mode<synchronous>, transform_indices = @transform_3, window_bounds = array<i64: 256, 256>}, {pipeline_mode = #tpu.pipeline_mode<synchronous>, transform_indices = @transform_4, window_bounds = array<i64: 256, 64>}, {pipeline_mode = #tpu.pipeline_mode<synchronous>, transform_indices = @transform_5, window_bounds = array<i64: 1, 256>}, {pipeline_mode = #tpu.pipeline_mode<synchronous>, transform_indices = @transform_6, window_bounds = array<i64: 1, 256>}, {transform_indices = @transform_7, window_bounds = array<i64: 2048, 64>}]} {
    %get3A = arith.constant 0 : index
    %get3A_0 = arith.constant 0 : index
    %get3A_1 = vector.load %arg3[%get3A, %get3A_0] : memref<2048x1xf32, #tpu.memory_space<vmem>>, vector<2048x1xf32>
    %get3A_2 = arith.constant 0 : index
    %get3A_3 = arith.constant 0 : index
    %get3A_4 = arith.constant 0 : index
    %get3A_5 = vector.load %arg1[%get3A_2, %get3A_3, %get3A_4] : memref<2x2048x128xf32, #tpu.memory_space<vmem>>, vector<1x2048x128xf32>
    %get3A_6 = vector.shape_cast %get3A_5 : vector<1x2048x128xf32> to vector<2048x128xf32>
    %get3A_7 = arith.constant 1 : index
    %get3A_8 = arith.constant 0 : index
    %get3A_9 = arith.constant 0 : index
    %get3A_10 = vector.load %arg1[%get3A_7, %get3A_8, %get3A_9] : memref<2x2048x128xf32, #tpu.memory_space<vmem>>, vector<1x2048x128xf32>
    %get3A_11 = vector.shape_cast %get3A_10 : vector<1x2048x128xf32> to vector<2048x128xf32>
    %add3A = arith.addf %get3A_6, %get3A_11 : vector<2048x128xf32>
    %get3A_12 = arith.constant 0 : index
    %get3A_13 = arith.constant 0 : index
    %get3A_14 = arith.constant 0 : index
    %get3A_15 = vector.load %arg2[%get3A_12, %get3A_13, %get3A_14] : memref<2x2048x128xf32, #tpu.memory_space<vmem>>, vector<1x2048x128xf32>
    %get3A_16 = vector.shape_cast %get3A_15 : vector<1x2048x128xf32> to vector<2048x128xf32>
    %get3A_17 = arith.constant 1 : index
    %get3A_18 = arith.constant 0 : index
    %get3A_19 = arith.constant 0 : index
    %get3A_20 = vector.load %arg2[%get3A_17, %get3A_18, %get3A_19] : memref<2x2048x128xf32, #tpu.memory_space<vmem>>, vector<1x2048x128xf32>
    %get3A_21 = vector.shape_cast %get3A_20 : vector<1x2048x128xf32> to vector<2048x128xf32>
    %add3A_22 = arith.addf %get3A_16, %get3A_21 : vector<2048x128xf32>
    %concatenate3A = tpu.concatenate %add3A, %add3A_22 in 1 : vector<2048x128xf32>, vector<2048x128xf32> -> vector<2048x256xf32>
    %mul3A = vector.broadcast %get3A_1 : vector<2048x1xf32> to vector<2048x256xf32>
    %mul3A_23 = arith.mulf %concatenate3A, %mul3A : vector<2048x256xf32>
    %get3A_24 = arith.constant 0 : index
    %get3A_25 = arith.constant 0 : index
    %get3A_26 = vector.load %arg4[%get3A_24, %get3A_25] : memref<256x256xf32, #tpu.memory_space<vmem>>, vector<256x256xf32>
    %dot_general3A = arith.constant dense<0.000000e+00> : vector<2048x256xf32>
    %dot_general3A_27 = tpu.matmul %mul3A_23, %get3A_26, %dot_general3A {dimension_numbers = #tpu.dot_dimension_numbers<[1], [0], [0], [1], [0, 0, 1, 1], [], []>, transpose_lhs_hint = false} : vector<2048x256xf32>, vector<256x256xf32>, vector<2048x256xf32> -> vector<2048x256xf32>
    %get3A_28 = arith.constant 0 : index
    %get3A_29 = arith.constant 0 : index
    %get3A_30 = vector.load %arg6[%get3A_28, %get3A_29] : memref<1x256xf32, #tpu.memory_space<vmem>>, vector<1x256xf32>
    %mul3A_31 = vector.broadcast %get3A_30 : vector<1x256xf32> to vector<2048x256xf32>
    %mul3A_32 = arith.mulf %dot_general3A_27, %mul3A_31 : vector<2048x256xf32>
    %get3A_33 = arith.constant 0 : index
    %get3A_34 = arith.constant 0 : index
    %get3A_35 = vector.load %arg7[%get3A_33, %get3A_34] : memref<1x256xf32, #tpu.memory_space<vmem>>, vector<1x256xf32>
    %add3A_36 = vector.broadcast %get3A_35 : vector<1x256xf32> to vector<2048x256xf32>
    %add3A_37 = arith.addf %mul3A_32, %add3A_36 : vector<2048x256xf32>
    %max3A = arith.constant 0.000000e+00 : f32
    %max3A_38 = vector.broadcast %max3A : f32 to vector<2048x256xf32>
    %max3A_39 = arith.maximumf %add3A_37, %max3A_38 : vector<2048x256xf32>
    %get3A_40 = arith.constant 0 : index
    %get3A_41 = arith.constant 0 : index
    %get3A_42 = vector.load %arg5[%get3A_40, %get3A_41] : memref<256x64xf32, #tpu.memory_space<vmem>>, vector<256x64xf32>
    %dot_general3A_43 = arith.constant dense<0.000000e+00> : vector<2048x64xf32>
    %dot_general3A_44 = tpu.matmul %max3A_39, %get3A_42, %dot_general3A_43 {dimension_numbers = #tpu.dot_dimension_numbers<[1], [0], [0], [1], [0, 0, 1, 1], [], []>, transpose_lhs_hint = false} : vector<2048x256xf32>, vector<256x64xf32>, vector<2048x64xf32> -> vector<2048x64xf32>
    %mul3A_45 = vector.broadcast %get3A_1 : vector<2048x1xf32> to vector<2048x64xf32>
    %mul3A_46 = arith.mulf %dot_general3A_44, %mul3A_45 : vector<2048x64xf32>
    %swap3A = arith.constant 0 : index
    %swap3A_47 = arith.constant 0 : index
    %swap3A_48 = vector.load %arg8[%swap3A, %swap3A_47] : memref<2048x64xf32, #tpu.memory_space<vmem>>, vector<2048x64xf32>
    tpu.vector_store %arg8[%swap3A, %swap3A_47], %mul3A_46 {strides = array<i32>} : memref<2048x64xf32, #tpu.memory_space<vmem>>, vector<2048x64xf32>,
    return
  }
  func.func @transform_0(%arg0: i32) -> (i32, i32, i32) {
    %c0_i32 = arith.constant 0 : i32
    %c0_i32_0 = arith.constant 0 : i32
    %c0_i32_1 = arith.constant 0 : i32
    return %c0_i32, %arg0, %c0_i32_0 : i32, i32, i32
  }
  func.func @transform_1(%arg0: i32) -> (i32, i32, i32) {
    %c0_i32 = arith.constant 0 : i32
    %c0_i32_0 = arith.constant 0 : i32
    %c0_i32_1 = arith.constant 0 : i32
    return %c0_i32, %arg0, %c0_i32_0 : i32, i32, i32
  }
  func.func @transform_2(%arg0: i32) -> (i32, i32) {
    %c0_i32 = arith.constant 0 : i32
    %c0_i32_0 = arith.constant 0 : i32
    return %arg0, %c0_i32 : i32, i32
  }
  func.func @transform_3(%arg0: i32) -> (i32, i32) {
    %c0_i32 = arith.constant 0 : i32
    %c0_i32_0 = arith.constant 0 : i32
    %c0_i32_1 = arith.constant 0 : i32
    return %c0_i32, %c0_i32_0 : i32, i32
  }
  func.func @transform_4(%arg0: i32) -> (i32, i32) {
    %c0_i32 = arith.constant 0 : i32
    %c0_i32_0 = arith.constant 0 : i32
    %c0_i32_1 = arith.constant 0 : i32
    return %c0_i32, %c0_i32_0 : i32, i32
  }
  func.func @transform_5(%arg0: i32) -> (i32, i32) {
    %c0_i32 = arith.constant 0 : i32
    %c0_i32_0 = arith.constant 0 : i32
    %c0_i32_1 = arith.constant 0 : i32
    return %c0_i32, %c0_i32_0 : i32, i32
  }
  func.func @transform_6(%arg0: i32) -> (i32, i32) {
    %c0_i32 = arith.constant 0 : i32
    %c0_i32_0 = arith.constant 0 : i32
    %c0_i32_1 = arith.constant 0 : i32
    return %c0_i32, %c0_i32_0 : i32, i32
  }
  func.func @transform_7(%arg0: i32) -> (i32, i32) {
    %c0_i32 = arith.constant 0 : i32
    %c0_i32_0 = arith.constant 0 : i32
    return %arg0, %c0_i32 : i32, i32
  }
}

module attributes {stable_mosaic.version = 14 : i64} {
  func.func @_final_body(%arg0: i32, %arg1: memref<2x2048x64xf32, #tpu.memory_space<vmem>>, %arg2: memref<2048x1xf32, #tpu.memory_space<vmem>>, %arg3: memref<1x64xf32, #tpu.memory_space<vmem>>, %arg4: memref<2048x40xf32, #tpu.memory_space<vmem>>) attributes {dimension_semantics = [#tpu.dimension_semantics<arbitrary>], iteration_bounds = array<i64: 5>, scalar_prefetch = 0 : i64, scratch_operands = 0 : i64, tpu.core_type = #tpu.core_type<tc>, window_params = [{transform_indices = @transform_0, window_bounds = array<i64: 2, 2048, 64>}, {transform_indices = @transform_1, window_bounds = array<i64: 2048, 1>}, {pipeline_mode = #tpu.pipeline_mode<synchronous>, transform_indices = @transform_2, window_bounds = array<i64: 1, 64>}, {transform_indices = @transform_3, window_bounds = array<i64: 2048, 40>}]} {
    %get3A = arith.constant 0 : index
    %get3A_0 = arith.constant 0 : index
    %get3A_1 = arith.constant 0 : index
    %get3A_2 = vector.load %arg1[%get3A, %get3A_0, %get3A_1] : memref<2x2048x64xf32, #tpu.memory_space<vmem>>, vector<1x2048x64xf32>
    %get3A_3 = vector.shape_cast %get3A_2 : vector<1x2048x64xf32> to vector<2048x64xf32>
    %get3A_4 = arith.constant 1 : index
    %get3A_5 = arith.constant 0 : index
    %get3A_6 = arith.constant 0 : index
    %get3A_7 = vector.load %arg1[%get3A_4, %get3A_5, %get3A_6] : memref<2x2048x64xf32, #tpu.memory_space<vmem>>, vector<1x2048x64xf32>
    %get3A_8 = vector.shape_cast %get3A_7 : vector<1x2048x64xf32> to vector<2048x64xf32>
    %add3A = arith.addf %get3A_3, %get3A_8 : vector<2048x64xf32>
    %get3A_9 = arith.constant 0 : index
    %get3A_10 = arith.constant 0 : index
    %get3A_11 = vector.load %arg2[%get3A_9, %get3A_10] : memref<2048x1xf32, #tpu.memory_space<vmem>>, vector<2048x1xf32>
    %mul3A = vector.broadcast %get3A_11 : vector<2048x1xf32> to vector<2048x64xf32>
    %mul3A_12 = arith.mulf %add3A, %mul3A : vector<2048x64xf32>
    %get3A_13 = arith.constant 0 : index
    %get3A_14 = arith.constant 0 : index
    %get3A_15 = vector.load %arg3[%get3A_13, %get3A_14] : memref<1x64xf32, #tpu.memory_space<vmem>>, vector<1x64xf32>
    %add3A_16 = vector.broadcast %get3A_15 : vector<1x64xf32> to vector<2048x64xf32>
    %add3A_17 = arith.addf %mul3A_12, %add3A_16 : vector<2048x64xf32>
    %reduce_max3A = arith.constant dense<0xFF800000> : vector<2048xf32>
    %reduce_max3A_18 = vector.multi_reduction <maximumf>, %add3A_17, %reduce_max3A [1] : vector<2048x64xf32> to vector<2048xf32>
    %broadcast_in_dim3A = vector.shape_cast %reduce_max3A_18 : vector<2048xf32> to vector<2048x1xf32>
    %sub3A = vector.broadcast %broadcast_in_dim3A : vector<2048x1xf32> to vector<2048x64xf32>
    %sub3A_19 = arith.subf %add3A_17, %sub3A : vector<2048x64xf32>
    %exp3A = math.exp %sub3A_19 : vector<2048x64xf32>
    %reduce_sum3A = arith.constant dense<0.000000e+00> : vector<2048xf32>
    %reduce_sum3A_20 = vector.multi_reduction <add>, %exp3A, %reduce_sum3A [1] : vector<2048x64xf32> to vector<2048xf32>
    %broadcast_in_dim3A_21 = vector.shape_cast %reduce_sum3A_20 : vector<2048xf32> to vector<2048x1xf32>
    %log3A = math.log %broadcast_in_dim3A_21 : vector<2048x1xf32>
    %sub3A_22 = vector.broadcast %broadcast_in_dim3A : vector<2048x1xf32> to vector<2048x64xf32>
    %sub3A_23 = arith.subf %add3A_17, %sub3A_22 : vector<2048x64xf32>
    %sub3A_24 = vector.broadcast %log3A : vector<2048x1xf32> to vector<2048x64xf32>
    %sub3A_25 = arith.subf %sub3A_23, %sub3A_24 : vector<2048x64xf32>
    %slice3A = vector.extract_strided_slice %sub3A_25 {offsets = [0, 0], sizes = [2048, 40], strides = [1, 1]} : vector<2048x64xf32> to vector<2048x40xf32>
    %swap3A = arith.constant 0 : index
    %swap3A_26 = arith.constant 0 : index
    %swap3A_27 = vector.load %arg4[%swap3A, %swap3A_26] : memref<2048x40xf32, #tpu.memory_space<vmem>>, vector<2048x40xf32>
    tpu.vector_store %arg4[%swap3A, %swap3A_26], %slice3A {strides = array<i32>} : memref<2048x40xf32, #tpu.memory_space<vmem>>, vector<2048x40xf32>,
    return
  }
  func.func @transform_0(%arg0: i32) -> (i32, i32, i32) {
    %c0_i32 = arith.constant 0 : i32
    %c0_i32_0 = arith.constant 0 : i32
    %c0_i32_1 = arith.constant 0 : i32
    return %c0_i32, %arg0, %c0_i32_0 : i32, i32, i32
  }
  func.func @transform_1(%arg0: i32) -> (i32, i32) {
    %c0_i32 = arith.constant 0 : i32
    %c0_i32_0 = arith.constant 0 : i32
    return %arg0, %c0_i32 : i32, i32
  }
  func.func @transform_2(%arg0: i32) -> (i32, i32) {
    %c0_i32 = arith.constant 0 : i32
    %c0_i32_0 = arith.constant 0 : i32
    %c0_i32_1 = arith.constant 0 : i32
    return %c0_i32, %c0_i32_0 : i32, i32
  }
  func.func @transform_3(%arg0: i32) -> (i32, i32) {
    %c0_i32 = arith.constant 0 : i32
    %c0_i32_0 = arith.constant 0 : i32
    return %arg0, %c0_i32 : i32, i32
  }
}

</mosaic_0001>

<sc_bundles>
// kernel: kernel.10.cloned.1.call-start
scs
__scs_entry_jumppad:
0x0: {  	(pc) =	sbr.rel $0x88, $3  }
0x1: {  	(tag) =	ssettag $0x0;
	lr =	simm.s32 $0x1  }
0x2: {  	[smem:$0x3F95] =	sst lr;
	_ =	strace $0xD0000000  }
0x3: {  	_ = 	snop  }
0x4: {  	_ = 	snop  }
0x5: {  	_ = 	snop  }
0x6: {  	_ = 	snop  }
0x7: {  	_ = 	snop  }
__scs_overlays_trampoline_lowered:
0x8: {  	[smem:$0x3FA4] =	sst s0  }
0x9: {  	[smem:$0x3FA5] =	sst s1  }
0xa: {  	[smem:$0x3FA6] =	sst s2  }
0xb: {  	[smem:$0x3FA7] =	sst s3  }
0xc: {  	[smem:$0x3FA8] =	sst s4  }
0xd: {  	[smem:$0x3FA9] =	sst s5  }
0xe: {  	[smem:$0x3FAA] =	sst s6  }
0xf: {  	[smem:$0x3FAB] =	sst s7  }
0x10: {  	[smem:$0x3FAC] =	sst s8  }
0x11: {  	[smem:$0x3FAD] =	sst s9;
	s0 =	simm.s32 @!p0 $0x0  }
0x12: {  	s1 =	sld [smem:$0x3F93];
	s0 =	simm.s32 @p0 $0x1  }
0x13: {  	[smem:$0x3FAE] =	sst s0;
	s0 =	simm.s32 @!p1 $0x0  }
0x14: {  	s2 =	sld [smem:$0x3F92];
	s0 =	simm.s32 @p1 $0x1  }
0x15: {  	[smem:$0x3FAF] =	sst s0;
	s0 =	simm.s32 @!p2 $0x0  }
0x16: {  	s3 =	sld [smem:$0x3FDB];
	s0 =	simm.s32 @p2 $0x1  }
0x17: {  	s4 =	simm.s32 $0x1BF5;
	[smem:$0x3FB1] =	sst s0  }
0x18: {  	s0 =	sld [smem:$0x3F94];
	_ =	swait.ge [sflag:s4], $0x0  }
0x19: {  	s7 =	sld [smem:$0x3F95]  }
0x1a: {  	s8 =	sadd.s32 $0xFFFFE003, lr  }
0x1b: {  	s9 =	sadd.s32 $0xFFFFFEF7, lr;
	s5 =	simm.s32 $0xFFFFFFFF;
	p2 =	slt.u32 s8, $0xFFFFF086  }
0x1c: {  	p1 =	slt.u32 s9, $0xF7A;
	s5 =	simm.s32 @!p2 $0x0  }
0x1d: {  	s5 =	simm.s32 @p1 $0x1;
	p0 =	seq.s32 s7, s2  }
0x1e: {  	s7 =	smul.u32 @!p0 $0xF7A, s2;
	p2 =	seq.s32 @!p0 s5, $0x0  }
0x1f: {  	s9 =	smul.u32 $0xF7A, s1;
	s8 =	simm.s32 @!p0 $0x1BF5;
	p2 =	por !p2, p0  }
0x20: {  	[sflag:s8] =	ssyncset.s32 @!p0 $0xFFFFF086;
	s6 =	sadd.s32 @!p0 s3, s7;
	s7 =	simm.s32 @!p0 $0x108  }
0x21: {  	s3 =	sadd.s32 s3, s9;
	s6 =	sadd.s32 @!p0 $0x88, s6;
	s7 =	simm.s32 @p2 $0x1082  }
0x22: {  	[simem:s7], [sflag:s8] =	dma.local @!p0 [hbm:s6], $0xF7A  }
0x23: {  	s9 =	sor.u32 $0xD0000000, s2;
	s6 =	simm.s32 $0x108;
	_ =	swait.ge @!p0 [sflag:s8], $0x0  }
0x24: {  	s3 =	sadd.s32 $0x88, s3;
	s6 =	simm.s32 @!p1 $0x1082;
	[sflag:s4] =	ssyncset.s32 $0xFFFFF086  }
0x25: {  	[simem:s6], [sflag:s4] =	dma.local [hbm:s3], $0xF7A  }
0x26: {  	[smem:$0x3F95] =	sst s1;
	(tag) =	ssettag s2;
	_ =	strace s9  }
0x27: {  	s1 =	sld [smem:$0x3FA5]  }
0x28: {  	s2 =	sld [smem:$0x3FA6]  }
0x29: {  	s4 =	sld [smem:$0x3FA8]  }
0x2a: {  	p0 =	seq.s32 s5, $0x0;
	s5 =	sld [smem:$0x3FA9]  }
0x2b: {  	s6 =	sld [smem:$0x3FAA]  }
0x2c: {  	s7 =	sld [smem:$0x3FAB]  }
0x2d: {  	s3 =	simm.s32 $0x108;
	s8 =	sld [smem:$0x3FAC]  }
0x2e: {  	s3 =	simm.s32 @!p0 $0x1082;
	s9 =	sld [smem:$0x3FAD]  }
0x2f: {  	lr =	sadd.s32 s0, s3;
	s0 =	sld [smem:$0x3FA4]  }
0x30: {  	s3 =	sld [smem:$0x3FA7]  }
0x31: {  	[smem:$0x3FB0] =	sst s10  }
0x32: {  	s10 =	sld [smem:$0x3FAE];
	_ =	sdelay $0x3  }
0x33: {  	p0 =	seq.s32 s10, $0x1;
	s10 =	sld [smem:$0x3FB0];
	_ =	sdelay $0x3  }
0x34: {  	[smem:$0x3FB0] =	sst s10  }
0x35: {  	s10 =	sld [smem:$0x3FAF];
	_ =	sdelay $0x3  }
0x36: {  	p1 =	seq.s32 s10, $0x1;
	s10 =	sld [smem:$0x3FB0];
	_ =	sdelay $0x3  }
0x37: {  	[smem:$0x3FB0] =	sst s10  }
0x38: {  	s10 =	sld [smem:$0x3FB1]  }
0x39: {  	_ = 	snop;
	(pc) =	sbr.ind lr, $3  }
0x3a: {  	_ = 	snop  }
0x3b: {  	_ = 	snop  }
0x3c: {  	p2 =	seq.s32 s10, $0x1;
	s10 =	sld [smem:$0x3FB0]  }
0x3d: {  	_ =	shalt  }
0x3e: {  	_ =	shalt  }
0x3f: {  	_ =	shalt  }
0x40: {  	_ =	shalt  }
0x41: {  	_ =	shalt  }
0x42: {  	_ =	shalt  }
0x43: {  	_ =	shalt  }
0x44: {  	_ =	shalt  }
0x45: {  	_ =	shalt  }
0x46: {  	_ =	shalt  }
0x47: {  	_ =	shalt  }
0x48: {  	_ =	shalt  }
0x49: {  	_ =	shalt  }
0x4a: {  	_ =	shalt  }
0x4b: {  	_ =	shalt  }
0x4c: {  	_ =	shalt  }
0x4d: {  	_ =	shalt  }
0x4e: {  	_ =	shalt  }
0x4f: {  	_ =	shalt  }
0x50: {  	_ =	shalt  }
0x51: {  	_ =	shalt  }
0x52: {  	_ =	shalt  }
0x53: {  	_ =	shalt  }
0x54: {  	_ =	shalt  }
0x55: {  	_ =	shalt  }
0x56: {  	_ =	shalt  }
0x57: {  	_ =	shalt  }
0x58: {  	_ =	shalt  }
0x59: {  	_ =	shalt  }
0x5a: {  	_ =	shalt  }
0x5b: {  	_ =	shalt  }
0x5c: {  	_ =	shalt  }
0x5d: {  	_ =	shalt  }
0x5e: {  	_ =	shalt  }
0x5f: {  	_ =	shalt  }
0x60: {  	_ =	shalt  }
0x61: {  	_ =	shalt  }
0x62: {  	_ =	shalt  }
0x63: {  	_ =	shalt  }
0x64: {  	_ =	shalt  }
0x65: {  	_ =	shalt  }
0x66: {  	_ =	shalt  }
0x67: {  	_ =	shalt  }
0x68: {  	_ =	shalt  }
0x69: {  	_ =	shalt  }
0x6a: {  	_ =	shalt  }
0x6b: {  	_ =	shalt  }
0x6c: {  	_ =	shalt  }
0x6d: {  	_ =	shalt  }
0x6e: {  	_ =	shalt  }
0x6f: {  	_ =	shalt  }
0x70: {  	_ =	shalt  }
0x71: {  	_ =	shalt  }
0x72: {  	_ =	shalt  }
0x73: {  	_ =	shalt  }
0x74: {  	_ =	shalt  }
0x75: {  	_ =	shalt  }
0x76: {  	_ =	shalt  }
0x77: {  	_ =	shalt  }
0x78: {  	_ =	shalt  }
0x79: {  	_ =	shalt  }
0x7a: {  	_ =	shalt  }
0x7b: {  	_ =	shalt  }
0x7c: {  	_ =	shalt  }
0x7d: {  	_ =	shalt  }
0x7e: {  	_ =	shalt  }
0x7f: {  	_ =	shalt  }
0x80: {  	_ =	shalt  }
0x81: {  	_ =	shalt  }
0x82: {  	_ =	shalt  }
0x83: {  	_ =	shalt  }
0x84: {  	_ =	shalt  }
0x85: {  	_ =	shalt  }
0x86: {  	_ =	shalt  }
0x87: {  	_ =	shalt  }
.Lfunc_end0:
.L_simem_size_0:
called_computation_lowered:
.L_overlay_start_0:
0x88: {  	s2 =	sld [smem:$0x3FD9]  }
0x89: {  	s3 =	sld [smem:$0x3FFE];
	_ =	sdelay $0x1  }
0x8a: {  	s1 =	srdreg.scid  }
0x8b: {  	s0 =	sand.u32 $0x1, s1  }
0x8c: {  	s17 =	sshll.u32 s0, $0xA;
	s2 =	sadd.s32 s3, s2  }
0x8d: {  	s2 =	sadd.s32 s2, s17  }
0x8e: {  	[smem:$0x3FBC] =	sst s2  }
0x8f: {  	_ = 	snop  }
0x90: {  	s2 =	sld [smem:$0x3FD0];
	(tm) =	ssettm $0x1  }
0x91: {  	s18 =	sld [smem:$0x3FFB];
	_ =	sdelay $0x3  }
0x92: {  	_ =	strace s18  }
0x93: {  	s3 =	sld [smem:$0x3FFC];
	_ =	sdelay $0x3  }
0x94: {  	_ =	strace s3  }
0x95: {  	s3 =	sld [smem:$0x3FFD];
	_ =	sdelay $0x3  }
0x96: {  	_ =	strace s3  }
0x97: {  	_ =	strace $0x8FFFFFFF  }
0x98: {  	s19 =	sld [smem:$0x3FDB];
	_ =	sdelay $0x1  }
0x99: {  	s4 =	simm.s32 $_scs_section_size  }
0x9a: {  	s5 =	simm.s32 $_size__tile_overlayer_lowered;
	s6 =	simm.s32 $_tile_overlayer_lowered  }
0x9b: {  	s22 =	simm.s32 $0x1BFF;
	s21 =	sshll.u32 s6, $0x1;
	s3 =	sadd.s32 s4, s19  }
0x9c: {  	s7 =	simm.s32 $0x0;
	s20 =	sshll.u32 s5, $0x1;
	s5 =	sadd.s32 s21, s3  }
0x9d: {  	[timem:s7], [sflag:s22] =	dma.local [hbm:s5], s20  }
0x9e: {  	_ =	swait.ge [sflag:s22], s20  }
0x9f: {  	s4 =	ssub.s32 $0x0, s20;
	[sflag:s22] =	ssyncset.done $0x0  }
0xa0: {  	[sflag:s22] =	ssyncadd.s32 s4;
	_ =	sdelay $0x1  }
0xa1: {  	s23 =	simm.s32 $0x1B8B  }
0xa2: {  	_ =	swait.ge [sflag:s23], $0x1  }
0xa3: {  	[sflag:s23] =	ssyncset.done $0x0  }
0xa4: {  	s25 =	simm.s32 $0x1B8E;
	s24 =	sld [smem:$0x3FFE];
	[sflag:s23] =	ssyncadd.s32 $0xFFFFFFFF  }
0xa5: {  	s26 =	simm.s32 $execute0_lowered;
	[smem:$0x3FD2] =	sst s25  }
0xa6: {  	s5 =	sshll.u32 s26, $0x1;
	_ =	strace $0x80000046;
	[dreg:$0x1] =	wrdreg $0xFFFFFFFF  }
0xa7: {  	s28 =	simm.s32 $_size_execute0_lowered;
	s3 =	sadd.s32 s3, s5;
	[dreg:$0x0] =	wrdreg $0x0  }
0xa8: {  	s5 =	sshll.u32 s28, $0x1;
	[dreg:$0x2] =	wrdreg s3  }
0xa9: {  	[dreg:$0x3] =	wrdreg s5  }
0xaa: {  	[dreg:$0x4] =	wrdreg $0xC0  }
0xab: {  	_ =	task [dreg:s7], $0x5FFFF  }
0xac: {  	[dreg:$0x1] =	wrdreg $0xFFFFFFFF  }
0xad: {  	[dreg:$0x0] =	wrdreg $0x60  }
0xae: {  	[dreg:$0x2] =	wrdreg s24  }
0xaf: {  	[dreg:$0x3] =	wrdreg s2  }
0xb0: {  	[dreg:$0x4] =	wrdreg $0x4800  }
0xb1: {  	[dreg:$0x5] =	wrdreg $0x9  }
0xb2: {  	_ =	task.clear_ibuf [dreg:s7], $0x6FFFF;
	_ =	strace $0x90000046  }
0xb3: {  	s29 =	simm.s32 $0x9;
	_ =	strace $0x80000048  }
0xb4: {  	_ =	swait.ge [sflag:s29], $0x1  }
0xb5: {  	[sflag:s29] =	ssyncadd.s32 $0xFFFFFFFF  }
0xb6: {  	_ =	strace $0x90000048  }
0xb7: {  	_ =	sfence  }
0xb8: {  	s30 =	sld [smem:$0x0];
	_ =	sdelay $0x2  }
0xb9: {  	s31 =	sshll.u32 s1, $0xD;
	s1 =	sshrl.u32 s1, $0x2  }
0xba: {  	s3 =	sand.u32 $0x4000, s31;
	s1 =	sadd.s32 s1, s30  }
0xbb: {  	s0 =	sor.u32 s3, s0;
	s1 =	sshll.u32 s1, $0x11  }
0xbc: {  	s0 =	sor.u32 s1, s0  }
0xbd: {  	s0 =	sadd.s32 $0x8F2B, s0  }
0xbe: {  	[sflag:s0] =	ssyncadd.remote.s32 $0x1  }
0xbf: {  	_ =	sfence.sel $0xFFFF  }
0xc0: {  	[dreg:$0x0] =	wrdreg $0xFFFFFFFF;
	(pc) =	sbr.abs _section_cstart, $3  }
0xc1: {  	[dreg:$0x1] =	wrdreg $0xFFFFFFFF  }
0xc2: {  	_ =	task.clear_ibuf [dreg:s7], $0x2FFFF;
	_ =	strace $0x9FFFFFFF  }
0xc3: {  	(tm) =	ssettm $0x7FFFFFFF  }
tec
execute0_lowered:
.L_overlay_start_1:
0x0: {  	(tag) =	ssettag $0x1  }
0x1: {  	s4 =	rddreg [dreg:$0x0]  }
0x2: {  	s10 =	rddreg [dreg:$0x1]  }
0x3: {  	s2 =	rddreg [dreg:$0x2]  }
0x4: {  	s0 =	rddreg [dreg:$0x3]  }
0x5: {  	s3 =	simm.s32 $0x0;
	s1 =	stileid.u32;
	s6 =	srdreg.scid  }
0x6: {  	s17 =	simm.s32 $0x300;
	s18 =	simm.s32 $0x1;
	s19 =	simm.s32 $0x80  }
0x7: {  	s20 =	simm.s32 $0x400;
	s21 =	simm.s32 $0x20;
	s22 =	simm.s32 $0x10  }
0x8: {  	s23 =	simm.s32 $0x0;
	[smem:$0x7FF] =	sst s3;
	s5 =	smul.u32 $0x280, s1  }
0x9: {  	s12 =	sadd.s32 $0x3A00, s4;
	s8 =	sand.u32 $0x1, s6;
	s28 =	smul.u32 $0x500, s1  }
0xa: {  	s25 =	sshll.u32 s1, $0x1;
	s14 =	smul.u32 $0xA000, s1;
	s30 =	sshll.u32 s1, $0x6  }
0xb: {  	_ =	strace $0x80000047;
	s9 =	ssub.s32 $0x2, s8;
	s6 =	sor.u32 s8, s25  }
0xc: {  	s15 =	smul.u32 $0x5000, s8;
	s16 =	sshll.u32 s8, $0x7;
	s7 =	sshrl.u32 s5, $0x3  }
0xd: {  	s26 =	sshrl.u32 s9, $0x1;
	s6 =	smul.u32 $0x5000, s6;
	s13 =	sadd.s32 s5, s2  }
0xe: {  	s16 =	sor.u32 s16, s28;
	s4 =	sadd.s32 s7, s4;
	s11 =	ssub.s32 s9, s26  }
0xf: {  	s14 =	sadd.s32 s15, s14;
	s31 =	sshrl.u32 s16, $0x3;
	s13 =	sshrl.u32 s13, $0x3  }
0x10: {  	s15 =	simm.s32 $0x100;
	s16 =	simm.s32 $0x200;
	s4 =	sadd.s32 $0x17A00, s4  }
0x11: {  	s29 =	sshrl.u32 s6, $0x3;
	s6 =	sor.u32 $0x1C02, s30;
	s14 =	sor.u32 $0x400, s14  }
0x12: {  	s10 =	sadd.s32 s10, s31;
	s11 =	smax.u32 s11, $0x1;
	s5 =	sadd.s32 s12, s29  }
0x13: {  	s14 =	sshrl.u32 s14, $0x3;
	s7 =	sadd.s32 $0x20, s5;
	s8 =	sadd.s32 $0x40, s5  }
0x14: {  	v0 =	vimm.f32 $1.000000000e+00;
	s9 =	sadd.s32 $0x60, s5;
	s12 =	sadd.s32 s14, s12;
	s14 =	simm.s32 $0x2  }
.LBB2_1:
0x15: {  	[tilespmem:$0x400] =	vst v0  }
0x16: {  	[tilespmem:$0x410] =	vst v0  }
0x17: {  	[tilespmem:$0x420] =	vst v0  }
0x18: {  	[tilespmem:$0x430] =	vst v0  }
0x19: {  	[tilespmem:$0x440] =	vst v0  }
0x1a: {  	[tilespmem:$0x450] =	vst v0  }
0x1b: {  	[tilespmem:$0x460] =	vst v0  }
0x1c: {  	[tilespmem:$0x470] =	vst v0  }
0x1d: {  	[spmem:s13], [sflag:s6] =	dma.local [hbm:s4], $0x50  }
0x1e: {  	_ =	swait.ge [sflag:s14], $0x50  }
0x1f: {  	[sflag:s14] =	ssyncset.done $0x0  }
0x20: {  	[sflag:s14] =	ssyncadd.s32 $0xFFFFFFB0  }
0x21: {  	[bflag:$0x0] =	sbarrier.arrive $0xFFFF  }
0x22: {  	[tilespmem:s3], [sflag:$0x1] =	stream.linear.gather [hbm4b:s5+s3], $0x100, $0x38;
	[tilespmem:$0x700] =	vst v63  }
0x23: {  	_ = 	snop  }
0x24: {  	[tilespmem:s15], [sflag:$0x1] =	stream.linear.gather [hbm4b:s7+s3], $0x100, $0x38;
	[tilespmem:$0x700] =	vst v63  }
0x25: {  	_ = 	snop  }
0x26: {  	[tilespmem:s16], [sflag:$0x1] =	stream.linear.gather [hbm4b:s8+s3], $0x100, $0x38;
	[tilespmem:$0x700] =	vst v63  }
0x27: {  	_ = 	snop  }
0x28: {  	[tilespmem:s17], [sflag:$0x1] =	stream.linear.gather [hbm4b:s9+s3], $0x100, $0x38;
	[tilespmem:$0x700] =	vst v63  }
0x29: {  	_ =	swait.ge [sflag:s18], $0x100  }
0x2a: {  	s24 =	sand.u32 $0x300, s3;
	[sflag:s18] =	ssyncset.done $0x0  }
0x2b: {  	s25 =	sor.u32 $0x80, s24;
	[sflag:s18] =	ssyncadd.s32 $0xFFFFFF00  }
0x2c: {  	[spmem:s2] =	stream.indirect.scatter.add.f32 [tilespmem:s20], [sflag:$0x2], $0x1, s25, s19, $0xb8;
	[tilespmem:$0x700] =	vst v63  }
0x2d: {  	p1 =	por $0x0, $0x0;
	s26 =	simm.s32 $0x100;
	_ =	swait.ge [sflag:s14], $0x80  }
0x2e: {  	s28 =	sadd.s32 $0x20, s12;
	s29 =	smov.u32 s12;
	[sflag:s14] =	ssyncset.done $0x0  }
0x2f: {  	s30 =	simm.s32 @!p1 $0x0;
	s25 =	simm.s32 $0x1;
	[sflag:s14] =	ssyncadd.s32 $0xFFFFFF80  }
.LBB2_2:
0x30: {  	[tilespmem:s24], [sflag:$0x1] =	stream.linear.gather @!p1 [hbm4b:s29+s30], $0x100, $0x38;
	[tilespmem:$0x700] =	vst v63  }
0x31: {  	s30 =	smov.u32 s25;
	s25 =	sadd.s32 $0x1, s25;
	_ =	swait.ge [sflag:s18], $0x100  }
0x32: {  	s24 =	sand.u32 $0x300, s26;
	p0 =	sne.s32 s25, $0x50;
	[sflag:s18] =	ssyncset.done $0x0  }
.Ltmp0:
0x33: {  	s29 =	sor.u32 $0x80, s24;
	[sflag:s18] =	ssyncadd.s32 $0xFFFFFF00;
	(pc) =	sbr.rel @p0 .LBB2_2-.Ltmp0, $4  }
0x34: {  	[spmem:s2] =	stream.indirect.scatter.add.f32 [tilespmem:s20], [sflag:$0x2], $0x1, s29, s19, $0xb8;
	[tilespmem:$0x700] =	vst v63  }
0x35: {  	s29 =	smov.u32 s28;
	_ =	swait.ge [sflag:s14], $0x80  }
0x36: {  	s26 =	sadd.s32 $0x100, s26;
	p1 =	sgt.u32 s30, $0x4B;
	[sflag:s14] =	ssyncset.done $0x0  }
0x37: {  	s30 =	simm.s32 @!p1 $0x0;
	s28 =	sadd.s32 $0x20, s28;
	[sflag:s14] =	ssyncadd.s32 $0xFFFFFF80  }
0x38: {  	[tilespmem:s24], [sflag:$0x1] =	stream.linear.gather @!p1 [hbm4b:s29+s30], $0x100, $0x38;
	[tilespmem:$0x700] =	vst v63  }
0x39: {  	s23 =	sadd.s32 $0x1, s23  }
0x3a: {  	p0 =	sne.s32 s23, s11  }
.Ltmp1:
0x3b: {  	[bflag:$0x0] =	sbarrier.arrive $0xFFFF;
	(pc) =	sbr.rel @p0 .LBB2_1-.Ltmp1, $4  }
0x3c: {  	[hbm:s10@s21], [sflag:s6] =	dma.strided [spmem:s13@s22], $0x50, s18, $0x10   }
0x3d: {  	_ =	swait.ge [sflag:s14], $0x50  }
0x3e: {  	[sflag:s14] =	ssyncset.done $0x0  }
0x3f: {  	[sflag:s14] =	ssyncadd.s32 $0xFFFFFFB0  }
0x40: {  	_ =	sfence.sel $0x180000  }
0x41: {  	[bflag:$0x0] =	sbarrier.arrive $0xFFFF  }
0x42: {  	p0 =	sne.s32 s1, $0x0;
	_ =	strace $0x90000047  }
0x43: {  	s0 =	sadd.s32 @!p0 $0x100000, s0;
	[bflag:$0x2] =	sbarrier.arrive $0xFFFF  }
0x44: {  	[sflag:s0] =	ssyncadd.tile.s32 @!p0 $0x1;
	_ =	shalt  }
.Lfunc_end2:
_tile_overlayer_lowered:
.L_overlay_start_2:
0x45: {  	(tag) =	ssettag $0x2  }
0x46: {  	s0 =	rddreg [dreg:$0x0];
	s2 =	stileid.u32  }
0x47: {  	s1 =	rddreg [dreg:$0x1];
	p0 =	sne.s32 s2, $0x0  }
0x48: {  	s3 =	rddreg [dreg:$0x2];
	[bflag:$0x3] =	sbarrier.arrive $0xFFFF;
	s2 =	simm.s32 @!p0 $0x1C02  }
0x49: {  	[timem:s3], [sflag:s2] =	dma.local @!p0 [hbm:s0], s1  }
0x4a: {  	s0 =	simm.s32 @!p0 $0x2  }
0x4b: {  	_ =	swait.ge @!p0 [sflag:s0], s1  }
0x4c: {  	s1 =	ssub.s32 @!p0 $0x0, s1;
	[sflag:s0] =	ssyncset.done @!p0 $0x0  }
0x4d: {  	[sflag:s0] =	ssyncadd.s32 @!p0 s1  }
0x4e: {  	[bflag:$0x3] =	sbarrier.arrive $0xFFFF  }
0x4f: {  	_ =	shalt  }

// kernel: kernel.13.cloned.1.call-start
scs
__scs_entry_jumppad:
0x0: {  	(pc) =	sbr.rel $0x88, $3  }
0x1: {  	(tag) =	ssettag $0x0;
	lr =	simm.s32 $0x1  }
0x2: {  	[smem:$0x3F95] =	sst lr;
	_ =	strace $0xD0000000  }
0x3: {  	_ = 	snop  }
0x4: {  	_ = 	snop  }
0x5: {  	_ = 	snop  }
0x6: {  	_ = 	snop  }
0x7: {  	_ = 	snop  }
__scs_overlays_trampoline_lowered:
0x8: {  	[smem:$0x3FA4] =	sst s0  }
0x9: {  	[smem:$0x3FA5] =	sst s1  }
0xa: {  	[smem:$0x3FA6] =	sst s2  }
0xb: {  	[smem:$0x3FA7] =	sst s3  }
0xc: {  	[smem:$0x3FA8] =	sst s4  }
0xd: {  	[smem:$0x3FA9] =	sst s5  }
0xe: {  	[smem:$0x3FAA] =	sst s6  }
0xf: {  	[smem:$0x3FAB] =	sst s7  }
0x10: {  	[smem:$0x3FAC] =	sst s8  }
0x11: {  	[smem:$0x3FAD] =	sst s9;
	s0 =	simm.s32 @!p0 $0x0  }
0x12: {  	s1 =	sld [smem:$0x3F93];
	s0 =	simm.s32 @p0 $0x1  }
0x13: {  	[smem:$0x3FAE] =	sst s0;
	s0 =	simm.s32 @!p1 $0x0  }
0x14: {  	s2 =	sld [smem:$0x3F92];
	s0 =	simm.s32 @p1 $0x1  }
0x15: {  	[smem:$0x3FAF] =	sst s0;
	s0 =	simm.s32 @!p2 $0x0  }
0x16: {  	s3 =	sld [smem:$0x3FDB];
	s0 =	simm.s32 @p2 $0x1  }
0x17: {  	s4 =	simm.s32 $0x1BF5;
	[smem:$0x3FB1] =	sst s0  }
0x18: {  	s0 =	sld [smem:$0x3F94];
	_ =	swait.ge [sflag:s4], $0x0  }
0x19: {  	s7 =	sld [smem:$0x3F95]  }
0x1a: {  	s8 =	sadd.s32 $0xFFFFE003, lr  }
0x1b: {  	s9 =	sadd.s32 $0xFFFFFEF7, lr;
	s5 =	simm.s32 $0xFFFFFFFF;
	p2 =	slt.u32 s8, $0xFFFFF086  }
0x1c: {  	p1 =	slt.u32 s9, $0xF7A;
	s5 =	simm.s32 @!p2 $0x0  }
0x1d: {  	s5 =	simm.s32 @p1 $0x1;
	p0 =	seq.s32 s7, s2  }
0x1e: {  	s7 =	smul.u32 @!p0 $0xF7A, s2;
	p2 =	seq.s32 @!p0 s5, $0x0  }
0x1f: {  	s9 =	smul.u32 $0xF7A, s1;
	s8 =	simm.s32 @!p0 $0x1BF5;
	p2 =	por !p2, p0  }
0x20: {  	[sflag:s8] =	ssyncset.s32 @!p0 $0xFFFFF086;
	s6 =	sadd.s32 @!p0 s3, s7;
	s7 =	simm.s32 @!p0 $0x108  }
0x21: {  	s3 =	sadd.s32 s3, s9;
	s6 =	sadd.s32 @!p0 $0x88, s6;
	s7 =	simm.s32 @p2 $0x1082  }
0x22: {  	[simem:s7], [sflag:s8] =	dma.local @!p0 [hbm:s6], $0xF7A  }
0x23: {  	s9 =	sor.u32 $0xD0000000, s2;
	s6 =	simm.s32 $0x108;
	_ =	swait.ge @!p0 [sflag:s8], $0x0  }
0x24: {  	s3 =	sadd.s32 $0x88, s3;
	s6 =	simm.s32 @!p1 $0x1082;
	[sflag:s4] =	ssyncset.s32 $0xFFFFF086  }
0x25: {  	[simem:s6], [sflag:s4] =	dma.local [hbm:s3], $0xF7A  }
0x26: {  	[smem:$0x3F95] =	sst s1;
	(tag) =	ssettag s2;
	_ =	strace s9  }
0x27: {  	s1 =	sld [smem:$0x3FA5]  }
0x28: {  	s2 =	sld [smem:$0x3FA6]  }
0x29: {  	s4 =	sld [smem:$0x3FA8]  }
0x2a: {  	p0 =	seq.s32 s5, $0x0;
	s5 =	sld [smem:$0x3FA9]  }
0x2b: {  	s6 =	sld [smem:$0x3FAA]  }
0x2c: {  	s7 =	sld [smem:$0x3FAB]  }
0x2d: {  	s3 =	simm.s32 $0x108;
	s8 =	sld [smem:$0x3FAC]  }
0x2e: {  	s3 =	simm.s32 @!p0 $0x1082;
	s9 =	sld [smem:$0x3FAD]  }
0x2f: {  	lr =	sadd.s32 s0, s3;
	s0 =	sld [smem:$0x3FA4]  }
0x30: {  	s3 =	sld [smem:$0x3FA7]  }
0x31: {  	[smem:$0x3FB0] =	sst s10  }
0x32: {  	s10 =	sld [smem:$0x3FAE];
	_ =	sdelay $0x3  }
0x33: {  	p0 =	seq.s32 s10, $0x1;
	s10 =	sld [smem:$0x3FB0];
	_ =	sdelay $0x3  }
0x34: {  	[smem:$0x3FB0] =	sst s10  }
0x35: {  	s10 =	sld [smem:$0x3FAF];
	_ =	sdelay $0x3  }
0x36: {  	p1 =	seq.s32 s10, $0x1;
	s10 =	sld [smem:$0x3FB0];
	_ =	sdelay $0x3  }
0x37: {  	[smem:$0x3FB0] =	sst s10  }
0x38: {  	s10 =	sld [smem:$0x3FB1]  }
0x39: {  	_ = 	snop;
	(pc) =	sbr.ind lr, $3  }
0x3a: {  	_ = 	snop  }
0x3b: {  	_ = 	snop  }
0x3c: {  	p2 =	seq.s32 s10, $0x1;
	s10 =	sld [smem:$0x3FB0]  }
0x3d: {  	_ =	shalt  }
0x3e: {  	_ =	shalt  }
0x3f: {  	_ =	shalt  }
0x40: {  	_ =	shalt  }
0x41: {  	_ =	shalt  }
0x42: {  	_ =	shalt  }
0x43: {  	_ =	shalt  }
0x44: {  	_ =	shalt  }
0x45: {  	_ =	shalt  }
0x46: {  	_ =	shalt  }
0x47: {  	_ =	shalt  }
0x48: {  	_ =	shalt  }
0x49: {  	_ =	shalt  }
0x4a: {  	_ =	shalt  }
0x4b: {  	_ =	shalt  }
0x4c: {  	_ =	shalt  }
0x4d: {  	_ =	shalt  }
0x4e: {  	_ =	shalt  }
0x4f: {  	_ =	shalt  }
0x50: {  	_ =	shalt  }
0x51: {  	_ =	shalt  }
0x52: {  	_ =	shalt  }
0x53: {  	_ =	shalt  }
0x54: {  	_ =	shalt  }
0x55: {  	_ =	shalt  }
0x56: {  	_ =	shalt  }
0x57: {  	_ =	shalt  }
0x58: {  	_ =	shalt  }
0x59: {  	_ =	shalt  }
0x5a: {  	_ =	shalt  }
0x5b: {  	_ =	shalt  }
0x5c: {  	_ =	shalt  }
0x5d: {  	_ =	shalt  }
0x5e: {  	_ =	shalt  }
0x5f: {  	_ =	shalt  }
0x60: {  	_ =	shalt  }
0x61: {  	_ =	shalt  }
0x62: {  	_ =	shalt  }
0x63: {  	_ =	shalt  }
0x64: {  	_ =	shalt  }
0x65: {  	_ =	shalt  }
0x66: {  	_ =	shalt  }
0x67: {  	_ =	shalt  }
0x68: {  	_ =	shalt  }
0x69: {  	_ =	shalt  }
0x6a: {  	_ =	shalt  }
0x6b: {  	_ =	shalt  }
0x6c: {  	_ =	shalt  }
0x6d: {  	_ =	shalt  }
0x6e: {  	_ =	shalt  }
0x6f: {  	_ =	shalt  }
0x70: {  	_ =	shalt  }
0x71: {  	_ =	shalt  }
0x72: {  	_ =	shalt  }
0x73: {  	_ =	shalt  }
0x74: {  	_ =	shalt  }
0x75: {  	_ =	shalt  }
0x76: {  	_ =	shalt  }
0x77: {  	_ =	shalt  }
0x78: {  	_ =	shalt  }
0x79: {  	_ =	shalt  }
0x7a: {  	_ =	shalt  }
0x7b: {  	_ =	shalt  }
0x7c: {  	_ =	shalt  }
0x7d: {  	_ =	shalt  }
0x7e: {  	_ =	shalt  }
0x7f: {  	_ =	shalt  }
0x80: {  	_ =	shalt  }
0x81: {  	_ =	shalt  }
0x82: {  	_ =	shalt  }
0x83: {  	_ =	shalt  }
0x84: {  	_ =	shalt  }
0x85: {  	_ =	shalt  }
0x86: {  	_ =	shalt  }
0x87: {  	_ =	shalt  }
.Lfunc_end0:
.L_simem_size_0:
called_computation.1_lowered:
.L_overlay_start_0:
0x88: {  	s2 =	sld [smem:$0x3FD9]  }
0x89: {  	s3 =	sld [smem:$0x3FFE];
	_ =	sdelay $0x1  }
0x8a: {  	s1 =	srdreg.scid  }
0x8b: {  	s0 =	sand.u32 $0x1, s1  }
0x8c: {  	s16 =	sshll.u32 s0, $0xA;
	s2 =	sadd.s32 s3, s2  }
0x8d: {  	s2 =	sadd.s32 s2, s16  }
0x8e: {  	[smem:$0x3FBC] =	sst s2  }
0x8f: {  	_ = 	snop  }
0x90: {  	(tm) =	ssettm $0x1  }
0x91: {  	s17 =	sld [smem:$0x3FFB];
	_ =	sdelay $0x3  }
0x92: {  	_ =	strace s17  }
0x93: {  	s2 =	sld [smem:$0x3FFC];
	_ =	sdelay $0x3  }
0x94: {  	_ =	strace s2  }
0x95: {  	s2 =	sld [smem:$0x3FFD];
	_ =	sdelay $0x3  }
0x96: {  	_ =	strace s2  }
0x97: {  	_ =	strace $0x8FFFFFFF  }
0x98: {  	s18 =	sld [smem:$0x3FDB];
	_ =	sdelay $0x1  }
0x99: {  	s19 =	simm.s32 $_scs_section_size  }
0x9a: {  	s4 =	simm.s32 $_size__tile_overlayer_lowered;
	s5 =	simm.s32 $_tile_overlayer_lowered  }
0x9b: {  	s22 =	simm.s32 $0x1BFF;
	s21 =	sshll.u32 s5, $0x1;
	s2 =	sadd.s32 s19, s18  }
0x9c: {  	s6 =	simm.s32 $0x0;
	s20 =	sshll.u32 s4, $0x1;
	s4 =	sadd.s32 s21, s2  }
0x9d: {  	[timem:s6], [sflag:s22] =	dma.local [hbm:s4], s20  }
0x9e: {  	_ =	swait.ge [sflag:s22], s20  }
0x9f: {  	s3 =	ssub.s32 $0x0, s20;
	[sflag:s22] =	ssyncset.done $0x0  }
0xa0: {  	[sflag:s22] =	ssyncadd.s32 s3;
	_ =	sdelay $0x1  }
0xa1: {  	s23 =	simm.s32 $0x1B8B  }
0xa2: {  	_ =	swait.ge [sflag:s23], $0x1  }
0xa3: {  	[sflag:s23] =	ssyncset.done $0x0  }
0xa4: {  	s25 =	simm.s32 $0x1B8E;
	s24 =	sld [smem:$0x3FFE];
	[sflag:s23] =	ssyncadd.s32 $0xFFFFFFFF  }
0xa5: {  	s26 =	simm.s32 $execute0_lowered;
	[smem:$0x3FD2] =	sst s25  }
0xa6: {  	s4 =	sshll.u32 s26, $0x1;
	_ =	strace $0x80000049;
	[dreg:$0x1] =	wrdreg $0xFFFFFFFF  }
0xa7: {  	s28 =	simm.s32 $_size_execute0_lowered;
	s2 =	sadd.s32 s2, s4;
	[dreg:$0x0] =	wrdreg $0x0  }
0xa8: {  	s4 =	sshll.u32 s28, $0x1;
	[dreg:$0x2] =	wrdreg s2  }
0xa9: {  	[dreg:$0x3] =	wrdreg s4  }
0xaa: {  	[dreg:$0x4] =	wrdreg $0xC0  }
0xab: {  	_ =	task [dreg:s6], $0x5FFFF  }
0xac: {  	[dreg:$0x1] =	wrdreg $0xFFFFFFFF  }
0xad: {  	[dreg:$0x0] =	wrdreg $0x60  }
0xae: {  	[dreg:$0x2] =	wrdreg s24  }
0xaf: {  	[dreg:$0x3] =	wrdreg $0x84000  }
0xb0: {  	[dreg:$0x4] =	wrdreg $0x9  }
0xb1: {  	_ =	task.clear_ibuf [dreg:s6], $0x5FFFF;
	_ =	strace $0x90000049  }
0xb2: {  	s29 =	simm.s32 $0x9;
	_ =	strace $0x8000004B  }
0xb3: {  	_ =	swait.ge [sflag:s29], $0x1  }
0xb4: {  	[sflag:s29] =	ssyncadd.s32 $0xFFFFFFFF  }
0xb5: {  	_ =	strace $0x9000004B  }
0xb6: {  	_ =	sfence  }
0xb7: {  	s30 =	sld [smem:$0x0];
	_ =	sdelay $0x2  }
0xb8: {  	s31 =	sshll.u32 s1, $0xD;
	s1 =	sshrl.u32 s1, $0x2  }
0xb9: {  	s3 =	sand.u32 $0x4000, s31;
	s1 =	sadd.s32 s1, s30  }
0xba: {  	s0 =	sor.u32 s3, s0;
	s1 =	sshll.u32 s1, $0x11  }
0xbb: {  	s0 =	sor.u32 s1, s0  }
0xbc: {  	s0 =	sadd.s32 $0x8F2B, s0  }
0xbd: {  	[sflag:s0] =	ssyncadd.remote.s32 $0x1  }
0xbe: {  	_ =	sfence.sel $0xFFFF  }
0xbf: {  	[dreg:$0x0] =	wrdreg $0xFFFFFFFF;
	(pc) =	sbr.abs _section_cstart, $3  }
0xc0: {  	[dreg:$0x1] =	wrdreg $0xFFFFFFFF  }
0xc1: {  	_ =	task.clear_ibuf [dreg:s6], $0x2FFFF;
	_ =	strace $0x9FFFFFFF  }
0xc2: {  	(tm) =	ssettm $0x7FFFFFFF  }
0xc3: {  	_ =	shalt  }
tec
execute0_lowered:
.L_overlay_start_1:
0x0: {  	(tag) =	ssettag $0x1  }
0x1: {  	s0 =	rddreg [dreg:$0x0]  }
0x2: {  	s1 =	rddreg [dreg:$0x1]  }
0x3: {  	s2 =	srdreg.scid;
	s3 =	simm.s32 $0x0;
	s16 =	stileid.u32  }
0x4: {  	s17 =	simm.s32 $0x100;
	s18 =	simm.s32 $0x200;
	s19 =	simm.s32 $0x300  }
0x5: {  	s20 =	simm.s32 $0x2;
	s21 =	simm.s32 $0x80;
	s22 =	simm.s32 $0x400  }
0x6: {  	s23 =	simm.s32 $0x4400;
	s28 =	simm.s32 $0x380;
	s29 =	simm.s32 $0x0  }
0x7: {  	s2 =	sand.u32 $0x1, s2;
	[smem:$0x7FF] =	sst s3;
	s6 =	smul.u32 $0x14000, s16  }
0x8: {  	s4 =	sadd.s32 $0x17A00, s0;
	s11 =	sadd.s32 $0x3FA00, s0;
	s8 =	smul.u32 $0x50000, s16  }
0x9: {  	s14 =	sadd.s32 $0x3A00, s0;
	s24 =	sshll.u32 s16, $0x1;
	s12 =	smul.u32 $0x2800, s16  }
0xa: {  	s13 =	smul.u32 $0xA000, s16;
	s31 =	sshll.u32 s16, $0x6;
	s16 =	simm.s32 $0x3  }
0xb: {  	s5 =	smul.u32 $0x140000, s2;
	_ =	strace $0x8000004A;
	s7 =	ssub.s32 $0x2, s2  }
0xc: {  	p0 =	seq.s32 s2, $0x0;
	s25 =	sshrl.u32 s7, $0x1;
	s26 =	sshrl.u32 s8, $0x2  }
0xd: {  	s11 =	smov.u32 @p0 s4;
	s5 =	sadd.s32 s6, s5;
	s6 =	sor.u32 s2, s24  }
0xe: {  	s10 =	ssub.s32 s7, s25;
	s15 =	sadd.s32 s26, s1;
	s2 =	smul.u32 $0x5000, s2  }
0xf: {  	s11 =	sadd.s32 s11, s12;
	s12 =	sor.u32 $0x1C03, s31;
	s24 =	simm.s32 $0x1  }
0x10: {  	s5 =	sshrl.u32 s5, $0x3;
	s6 =	smul.u32 $0x5000, s6;
	s10 =	smax.u32 s10, $0x1  }
0x11: {  	s15 =	sshrl.u32 s15, $0x3;
	s0 =	sadd.s32 s5, s0;
	s30 =	sadd.s32 s2, s13  }
0x12: {  	s6 =	sshrl.u32 s6, $0x3;
	s9 =	sadd.s32 $0x67A00, s0;
	s2 =	sor.u32 $0x500, s30  }
0x13: {  	s0 =	sor.u32 $0x400, s30;
	s5 =	sadd.s32 s14, s6;
	s2 =	sshrl.u32 s2, $0x3  }
0x14: {  	s0 =	sshrl.u32 s0, $0x3;
	s6 =	sadd.s32 $0x20, s5;
	s7 =	sadd.s32 $0x40, s5  }
0x15: {  	s8 =	sadd.s32 $0x60, s5;
	s13 =	sadd.s32 s2, s14;
	s14 =	sadd.s32 s0, s14  }
.LBB2_1:
0x16: {  	[spmem:s15], [sflag:s12] =	dma.local [hbm:s11], $0x2800  }
0x17: {  	_ =	swait.ge [sflag:s16], $0x2800  }
0x18: {  	[sflag:s16] =	ssyncset.done $0x0  }
0x19: {  	[sflag:s16] =	ssyncadd.s32 $0xFFFFD800  }
0x1a: {  	[bflag:$0x0] =	sbarrier.arrive $0xFFFF  }
0x1b: {  	[tilespmem:s3], [sflag:$0x2] =	stream.linear.gather [hbm4b:s5+s3], $0x100, $0x38;
	[tilespmem:$0x1C400] =	vst v63  }
0x1c: {  	_ = 	snop  }
0x1d: {  	[tilespmem:s17], [sflag:$0x2] =	stream.linear.gather [hbm4b:s6+s3], $0x100, $0x38;
	[tilespmem:$0x1C400] =	vst v63  }
0x1e: {  	_ = 	snop  }
0x1f: {  	[tilespmem:s18], [sflag:$0x2] =	stream.linear.gather [hbm4b:s7+s3], $0x100, $0x38;
	[tilespmem:$0x1C400] =	vst v63  }
0x20: {  	_ = 	snop  }
0x21: {  	[tilespmem:s19], [sflag:$0x2] =	stream.linear.gather [hbm4b:s8+s3], $0x100, $0x38;
	[tilespmem:$0x1C400] =	vst v63  }
0x22: {  	_ =	swait.ge [sflag:s20], $0x100  }
0x23: {  	[sflag:s20] =	ssyncset.done $0x0  }
0x24: {  	[sflag:s20] =	ssyncadd.s32 $0xFFFFFF00  }
0x25: {  	[tilespmem:s22], [sflag:$0x1] =	stream.indirect.gather [hbm4b:s4+s21], $0x80, s3, s21, $0xb8;
	[tilespmem:$0x1C400] =	vst v63  }
0x26: {  	_ =	swait.ge [sflag:s20], $0x100  }
0x27: {  	[sflag:s20] =	ssyncset.done $0x0  }
0x28: {  	[sflag:s20] =	ssyncadd.s32 $0xFFFFFF00  }
0x29: {  	[tilespmem:s23], [sflag:$0x1] =	stream.indirect.gather [hbm4b:s4+s21], $0x80, s17, s21, $0xb8;
	[tilespmem:$0x1C400] =	vst v63  }
0x2a: {  	_ =	swait.ge [sflag:s24], $0x4000  }
0x2b: {  	s0 =	sand.u32 $0x200, s3;
	[sflag:s24] =	ssyncset.done $0x0  }
0x2c: {  	s2 =	sor.u32 $0x80, s0;
	[sflag:s24] =	ssyncadd.s32 $0xFFFFC000  }
0x2d: {  	[spmem:s1] =	stream.indirect.scatter.add.f32 [tilespmem:s22], [sflag:$0x3], $0x80, s2, s21, $0xb8;
	[tilespmem:$0x1C400] =	vst v63  }
0x2e: {  	_ =	swait.ge [sflag:s16], $0x4000  }
0x2f: {  	[sflag:s16] =	ssyncset.done $0x0  }
0x30: {  	[sflag:s16] =	ssyncadd.s32 $0xFFFFC000  }
0x31: {  	[tilespmem:s0], [sflag:$0x2] =	stream.linear.gather [hbm4b:s14+s3], $0x100, $0x38;
	[tilespmem:$0x1C400] =	vst v63  }
0x32: {  	s25 =	sxor.u32 $0xFFFFFFFF, s3;
	_ =	swait.ge [sflag:s20], $0x100  }
0x33: {  	s2 =	sand.u32 $0x800, s25;
	[sflag:s20] =	ssyncset.done $0x0  }
0x34: {  	s2 =	sshrl.u32 s2, $0x2;
	[sflag:s20] =	ssyncadd.s32 $0xFFFFFF00  }
0x35: {  	[tilespmem:s22], [sflag:$0x1] =	stream.indirect.gather [hbm4b:s4+s21], $0x80, s2, s21, $0xb8;
	[tilespmem:$0x1C400] =	vst v63  }
0x36: {  	_ =	swait.ge [sflag:s24], $0x4000  }
0x37: {  	[sflag:s24] =	ssyncset.done $0x0  }
0x38: {  	s26 =	sor.u32 $0x180, s0;
	[sflag:s24] =	ssyncadd.s32 $0xFFFFC000  }
0x39: {  	[spmem:s1] =	stream.indirect.scatter.add.f32 [tilespmem:s23], [sflag:$0x3], $0x80, s26, s21, $0xb8;
	[tilespmem:$0x1C400] =	vst v63  }
0x3a: {  	_ =	swait.ge [sflag:s16], $0x4000  }
0x3b: {  	[sflag:s16] =	ssyncset.done $0x0  }
0x3c: {  	s30 =	simm.s32 $0x200;
	s0 =	sor.u32 $0x100, s0;
	[sflag:s16] =	ssyncadd.s32 $0xFFFFC000  }
0x3d: {  	[tilespmem:s0], [sflag:$0x2] =	stream.linear.gather [hbm4b:s13+s3], $0x100, $0x38;
	[tilespmem:$0x1C400] =	vst v63  }
0x3e: {  	s31 =	sadd.s32 $0x40, s14;
	s25 =	simm.s32 $0xC00;
	_ =	swait.ge [sflag:s20], $0x100  }
0x3f: {  	s2 =	simm.s32 $0x800;
	s26 =	sand.u32 $0xC00, s25;
	[sflag:s20] =	ssyncset.done $0x0  }
0x40: {  	s25 =	sshrl.u32 s26, $0x2;
	s0 =	sadd.s32 $0x40, s13;
	[sflag:s20] =	ssyncadd.s32 $0xFFFFFF00  }
.LBB2_2:
0x41: {  	[tilespmem:s23], [sflag:$0x1] =	stream.indirect.gather [hbm4b:s4+s21], $0x80, s25, s21, $0xb8;
	[tilespmem:$0x1C400] =	vst v63  }
0x42: {  	s25 =	smov.u32 s30  }
0x43: {  	p0 =	sne.s32 s30, $0x4A00;
	s30 =	sadd.s32 $0x200, s30;
	_ =	swait.ge [sflag:s24], $0x4000  }
0x44: {  	s25 =	sand.u32 $0x200, s25;
	[sflag:s24] =	ssyncset.done $0x0  }
0x45: {  	s26 =	sor.u32 $0x80, s25;
	[sflag:s24] =	ssyncadd.s32 $0xFFFFC000  }
0x46: {  	[spmem:s1] =	stream.indirect.scatter.add.f32 [tilespmem:s22], [sflag:$0x3], $0x80, s26, s21, $0xb8;
	[tilespmem:$0x1C400] =	vst v63  }
0x47: {  	_ =	swait.ge [sflag:s16], $0x4000  }
0x48: {  	[sflag:s16] =	ssyncset.done $0x0  }
0x49: {  	[sflag:s16] =	ssyncadd.s32 $0xFFFFC000  }
0x4a: {  	[tilespmem:s25], [sflag:$0x2] =	stream.linear.gather [hbm4b:s31+s3], $0x100, $0x38;
	[tilespmem:$0x1C400] =	vst v63  }
0x4b: {  	s26 =	sxor.u32 $0xFFFFFFFF, s2;
	_ =	swait.ge [sflag:s20], $0x100  }
0x4c: {  	s26 =	sand.u32 $0x800, s26;
	[sflag:s20] =	ssyncset.done $0x0  }
0x4d: {  	s26 =	sshrl.u32 s26, $0x2;
	[sflag:s20] =	ssyncadd.s32 $0xFFFFFF00  }
0x4e: {  	[tilespmem:s22], [sflag:$0x1] =	stream.indirect.gather [hbm4b:s4+s21], $0x80, s26, s21, $0xb8;
	[tilespmem:$0x1C400] =	vst v63  }
0x4f: {  	_ =	swait.ge [sflag:s24], $0x4000  }
0x50: {  	[sflag:s24] =	ssyncset.done $0x0  }
0x51: {  	s26 =	sor.u32 $0x180, s25;
	[sflag:s24] =	ssyncadd.s32 $0xFFFFC000  }
0x52: {  	[spmem:s1] =	stream.indirect.scatter.add.f32 [tilespmem:s23], [sflag:$0x3], $0x80, s26, s21, $0xb8;
	[tilespmem:$0x1C400] =	vst v63  }
0x53: {  	_ =	swait.ge [sflag:s16], $0x4000  }
0x54: {  	[sflag:s16] =	ssyncset.done $0x0  }
.Ltmp0:
0x55: {  	s25 =	sor.u32 $0x100, s25;
	[sflag:s16] =	ssyncadd.s32 $0xFFFFC000;
	(pc) =	sbr.rel @p0 .LBB2_2-.Ltmp0, $4  }
0x56: {  	[tilespmem:s25], [sflag:$0x2] =	stream.linear.gather [hbm4b:s0+s3], $0x100, $0x38;
	[tilespmem:$0x1C400] =	vst v63  }
0x57: {  	s31 =	sadd.s32 $0x40, s31;
	s25 =	sadd.s32 $0xC00, s2;
	_ =	swait.ge [sflag:s20], $0x100  }
0x58: {  	s0 =	sadd.s32 $0x40, s0;
	s25 =	sand.u32 $0xC00, s25;
	[sflag:s20] =	ssyncset.done $0x0  }
0x59: {  	s2 =	sadd.s32 $0x800, s2;
	s25 =	sshrl.u32 s25, $0x2;
	[sflag:s20] =	ssyncadd.s32 $0xFFFFFF00  }
0x5a: {  	[tilespmem:s23], [sflag:$0x1] =	stream.indirect.gather [hbm4b:s4+s21], $0x80, s25, s21, $0xb8;
	[tilespmem:$0x1C400] =	vst v63  }
0x5b: {  	_ =	swait.ge [sflag:s24], $0x4000  }
0x5c: {  	[sflag:s24] =	ssyncset.done $0x0  }
0x5d: {  	[sflag:s24] =	ssyncadd.s32 $0xFFFFC000  }
0x5e: {  	[spmem:s1] =	stream.indirect.scatter.add.f32 [tilespmem:s22], [sflag:$0x3], $0x80, s21, s21, $0xb8;
	[tilespmem:$0x1C400] =	vst v63  }
0x5f: {  	_ =	swait.ge [sflag:s16], $0x4000  }
0x60: {  	[sflag:s16] =	ssyncset.done $0x0  }
0x61: {  	[sflag:s16] =	ssyncadd.s32 $0xFFFFC000  }
0x62: {  	_ =	swait.ge [sflag:s20], $0x100  }
0x63: {  	[sflag:s20] =	ssyncset.done $0x0  }
0x64: {  	[sflag:s20] =	ssyncadd.s32 $0xFFFFFF00  }
0x65: {  	[tilespmem:s22], [sflag:$0x1] =	stream.indirect.gather [hbm4b:s4+s21], $0x80, s18, s21, $0xb8;
	[tilespmem:$0x1C400] =	vst v63  }
0x66: {  	_ =	swait.ge [sflag:s24], $0x4000  }
0x67: {  	[sflag:s24] =	ssyncset.done $0x0  }
0x68: {  	s0 =	simm.s32 $0x180;
	[sflag:s24] =	ssyncadd.s32 $0xFFFFC000  }
0x69: {  	[spmem:s1] =	stream.indirect.scatter.add.f32 [tilespmem:s23], [sflag:$0x3], $0x80, s0, s21, $0xb8;
	[tilespmem:$0x1C400] =	vst v63  }
0x6a: {  	_ =	swait.ge [sflag:s16], $0x4000  }
0x6b: {  	[sflag:s16] =	ssyncset.done $0x0  }
0x6c: {  	[sflag:s16] =	ssyncadd.s32 $0xFFFFC000  }
0x6d: {  	_ =	swait.ge [sflag:s20], $0x100  }
0x6e: {  	[sflag:s20] =	ssyncset.done $0x0  }
0x6f: {  	[sflag:s20] =	ssyncadd.s32 $0xFFFFFF00  }
0x70: {  	[tilespmem:s23], [sflag:$0x1] =	stream.indirect.gather [hbm4b:s4+s21], $0x80, s19, s21, $0xb8;
	[tilespmem:$0x1C400] =	vst v63  }
0x71: {  	_ =	swait.ge [sflag:s24], $0x4000  }
0x72: {  	[sflag:s24] =	ssyncset.done $0x0  }
0x73: {  	s31 =	simm.s32 $0x280;
	[sflag:s24] =	ssyncadd.s32 $0xFFFFC000  }
0x74: {  	[spmem:s1] =	stream.indirect.scatter.add.f32 [tilespmem:s22], [sflag:$0x3], $0x80, s31, s21, $0xb8;
	[tilespmem:$0x1C400] =	vst v63  }
0x75: {  	_ =	swait.ge [sflag:s16], $0x4000  }
0x76: {  	[sflag:s16] =	ssyncset.done $0x0  }
0x77: {  	[sflag:s16] =	ssyncadd.s32 $0xFFFFC000  }
0x78: {  	_ =	swait.ge [sflag:s24], $0x4000  }
0x79: {  	[sflag:s24] =	ssyncset.done $0x0  }
0x7a: {  	[sflag:s24] =	ssyncadd.s32 $0xFFFFC000  }
0x7b: {  	[spmem:s1] =	stream.indirect.scatter.add.f32 [tilespmem:s23], [sflag:$0x3], $0x80, s28, s21, $0xb8;
	[tilespmem:$0x1C400] =	vst v63  }
0x7c: {  	_ =	swait.ge [sflag:s16], $0x4000  }
0x7d: {  	s29 =	sadd.s32 $0x1, s29;
	[sflag:s16] =	ssyncset.done $0x0  }
0x7e: {  	p0 =	sne.s32 s29, s10;
	[sflag:s16] =	ssyncadd.s32 $0xFFFFC000  }
.Ltmp1:
0x7f: {  	[bflag:$0x0] =	sbarrier.arrive $0xFFFF;
	(pc) =	sbr.rel @p0 .LBB2_1-.Ltmp1, $4  }
0x80: {  	[hbm:s9], [sflag:s12] =	dma.local [spmem:s15], $0x2800  }
0x81: {  	_ =	swait.ge [sflag:s16], $0x2800  }
0x82: {  	[sflag:s16] =	ssyncset.done $0x0  }
0x83: {  	[sflag:s16] =	ssyncadd.s32 $0xFFFFD800  }
0x84: {  	_ =	sfence.sel $0x180000  }
0x85: {  	[bflag:$0x0] =	sbarrier.arrive $0xFFFF  }
0x86: {  	_ =	strace $0x9000004A  }
0x87: {  	s0 =	stileid.u32;
	[bflag:$0x2] =	sbarrier.arrive $0xFFFF  }
0x88: {  	p0 =	sne.s32 s0, $0x0;
	s0 =	rddreg [dreg:$0x2]  }
0x89: {  	s0 =	sadd.s32 @!p0 $0x100000, s0  }
0x8a: {  	[sflag:s0] =	ssyncadd.tile.s32 @!p0 $0x1;
	_ =	shalt  }
.Lfunc_end2:
_tile_overlayer_lowered:
.L_overlay_start_2:
0x8b: {  	(tag) =	ssettag $0x2  }
0x8c: {  	s0 =	rddreg [dreg:$0x0];
	s2 =	stileid.u32  }
0x8d: {  	s1 =	rddreg [dreg:$0x1];
	p0 =	sne.s32 s2, $0x0  }
0x8e: {  	s3 =	rddreg [dreg:$0x2];
	[bflag:$0x3] =	sbarrier.arrive $0xFFFF;
	s2 =	simm.s32 @!p0 $0x1C03  }
0x8f: {  	[timem:s3], [sflag:s2] =	dma.local @!p0 [hbm:s0], s1  }
0x90: {  	s0 =	simm.s32 @!p0 $0x3  }
0x91: {  	_ =	swait.ge @!p0 [sflag:s0], s1  }
0x92: {  	s1 =	ssub.s32 @!p0 $0x0, s1;
	[sflag:s0] =	ssyncset.done @!p0 $0x0  }
0x93: {  	[sflag:s0] =	ssyncadd.s32 @!p0 s1  }
0x94: {  	[bflag:$0x3] =	sbarrier.arrive $0xFFFF  }
0x95: {  	_ =	shalt  }

// kernel: kernel.16.cloned.1.call-start
scs
__scs_entry_jumppad:
0x0: {  	(pc) =	sbr.rel $0x88, $3  }
0x1: {  	(tag) =	ssettag $0x0;
	lr =	simm.s32 $0x1  }
0x2: {  	[smem:$0x3F95] =	sst lr;
	_ =	strace $0xD0000000  }
0x3: {  	_ = 	snop  }
0x4: {  	_ = 	snop  }
0x5: {  	_ = 	snop  }
0x6: {  	_ = 	snop  }
0x7: {  	_ = 	snop  }
__scs_overlays_trampoline_lowered:
0x8: {  	[smem:$0x3FA4] =	sst s0  }
0x9: {  	[smem:$0x3FA5] =	sst s1  }
0xa: {  	[smem:$0x3FA6] =	sst s2  }
0xb: {  	[smem:$0x3FA7] =	sst s3  }
0xc: {  	[smem:$0x3FA8] =	sst s4  }
0xd: {  	[smem:$0x3FA9] =	sst s5  }
0xe: {  	[smem:$0x3FAA] =	sst s6  }
0xf: {  	[smem:$0x3FAB] =	sst s7  }
0x10: {  	[smem:$0x3FAC] =	sst s8  }
0x11: {  	[smem:$0x3FAD] =	sst s9;
	s0 =	simm.s32 @!p0 $0x0  }
0x12: {  	s1 =	sld [smem:$0x3F93];
	s0 =	simm.s32 @p0 $0x1  }
0x13: {  	[smem:$0x3FAE] =	sst s0;
	s0 =	simm.s32 @!p1 $0x0  }
0x14: {  	s2 =	sld [smem:$0x3F92];
	s0 =	simm.s32 @p1 $0x1  }
0x15: {  	[smem:$0x3FAF] =	sst s0;
	s0 =	simm.s32 @!p2 $0x0  }
0x16: {  	s3 =	sld [smem:$0x3FDB];
	s0 =	simm.s32 @p2 $0x1  }
0x17: {  	s4 =	simm.s32 $0x1BF5;
	[smem:$0x3FB1] =	sst s0  }
0x18: {  	s0 =	sld [smem:$0x3F94];
	_ =	swait.ge [sflag:s4], $0x0  }
0x19: {  	s7 =	sld [smem:$0x3F95]  }
0x1a: {  	s8 =	sadd.s32 $0xFFFFE003, lr  }
0x1b: {  	s9 =	sadd.s32 $0xFFFFFEF7, lr;
	s5 =	simm.s32 $0xFFFFFFFF;
	p2 =	slt.u32 s8, $0xFFFFF086  }
0x1c: {  	p1 =	slt.u32 s9, $0xF7A;
	s5 =	simm.s32 @!p2 $0x0  }
0x1d: {  	s5 =	simm.s32 @p1 $0x1;
	p0 =	seq.s32 s7, s2  }
0x1e: {  	s7 =	smul.u32 @!p0 $0xF7A, s2;
	p2 =	seq.s32 @!p0 s5, $0x0  }
0x1f: {  	s9 =	smul.u32 $0xF7A, s1;
	s8 =	simm.s32 @!p0 $0x1BF5;
	p2 =	por !p2, p0  }
0x20: {  	[sflag:s8] =	ssyncset.s32 @!p0 $0xFFFFF086;
	s6 =	sadd.s32 @!p0 s3, s7;
	s7 =	simm.s32 @!p0 $0x108  }
0x21: {  	s3 =	sadd.s32 s3, s9;
	s6 =	sadd.s32 @!p0 $0x88, s6;
	s7 =	simm.s32 @p2 $0x1082  }
0x22: {  	[simem:s7], [sflag:s8] =	dma.local @!p0 [hbm:s6], $0xF7A  }
0x23: {  	s9 =	sor.u32 $0xD0000000, s2;
	s6 =	simm.s32 $0x108;
	_ =	swait.ge @!p0 [sflag:s8], $0x0  }
0x24: {  	s3 =	sadd.s32 $0x88, s3;
	s6 =	simm.s32 @!p1 $0x1082;
	[sflag:s4] =	ssyncset.s32 $0xFFFFF086  }
0x25: {  	[simem:s6], [sflag:s4] =	dma.local [hbm:s3], $0xF7A  }
0x26: {  	[smem:$0x3F95] =	sst s1;
	(tag) =	ssettag s2;
	_ =	strace s9  }
0x27: {  	s1 =	sld [smem:$0x3FA5]  }
0x28: {  	s2 =	sld [smem:$0x3FA6]  }
0x29: {  	s4 =	sld [smem:$0x3FA8]  }
0x2a: {  	p0 =	seq.s32 s5, $0x0;
	s5 =	sld [smem:$0x3FA9]  }
0x2b: {  	s6 =	sld [smem:$0x3FAA]  }
0x2c: {  	s7 =	sld [smem:$0x3FAB]  }
0x2d: {  	s3 =	simm.s32 $0x108;
	s8 =	sld [smem:$0x3FAC]  }
0x2e: {  	s3 =	simm.s32 @!p0 $0x1082;
	s9 =	sld [smem:$0x3FAD]  }
0x2f: {  	lr =	sadd.s32 s0, s3;
	s0 =	sld [smem:$0x3FA4]  }
0x30: {  	s3 =	sld [smem:$0x3FA7]  }
0x31: {  	[smem:$0x3FB0] =	sst s10  }
0x32: {  	s10 =	sld [smem:$0x3FAE];
	_ =	sdelay $0x3  }
0x33: {  	p0 =	seq.s32 s10, $0x1;
	s10 =	sld [smem:$0x3FB0];
	_ =	sdelay $0x3  }
0x34: {  	[smem:$0x3FB0] =	sst s10  }
0x35: {  	s10 =	sld [smem:$0x3FAF];
	_ =	sdelay $0x3  }
0x36: {  	p1 =	seq.s32 s10, $0x1;
	s10 =	sld [smem:$0x3FB0];
	_ =	sdelay $0x3  }
0x37: {  	[smem:$0x3FB0] =	sst s10  }
0x38: {  	s10 =	sld [smem:$0x3FB1]  }
0x39: {  	_ = 	snop;
	(pc) =	sbr.ind lr, $3  }
0x3a: {  	_ = 	snop  }
0x3b: {  	_ = 	snop  }
0x3c: {  	p2 =	seq.s32 s10, $0x1;
	s10 =	sld [smem:$0x3FB0]  }
0x3d: {  	_ =	shalt  }
0x3e: {  	_ =	shalt  }
0x3f: {  	_ =	shalt  }
0x40: {  	_ =	shalt  }
0x41: {  	_ =	shalt  }
0x42: {  	_ =	shalt  }
0x43: {  	_ =	shalt  }
0x44: {  	_ =	shalt  }
0x45: {  	_ =	shalt  }
0x46: {  	_ =	shalt  }
0x47: {  	_ =	shalt  }
0x48: {  	_ =	shalt  }
0x49: {  	_ =	shalt  }
0x4a: {  	_ =	shalt  }
0x4b: {  	_ =	shalt  }
0x4c: {  	_ =	shalt  }
0x4d: {  	_ =	shalt  }
0x4e: {  	_ =	shalt  }
0x4f: {  	_ =	shalt  }
0x50: {  	_ =	shalt  }
0x51: {  	_ =	shalt  }
0x52: {  	_ =	shalt  }
0x53: {  	_ =	shalt  }
0x54: {  	_ =	shalt  }
0x55: {  	_ =	shalt  }
0x56: {  	_ =	shalt  }
0x57: {  	_ =	shalt  }
0x58: {  	_ =	shalt  }
0x59: {  	_ =	shalt  }
0x5a: {  	_ =	shalt  }
0x5b: {  	_ =	shalt  }
0x5c: {  	_ =	shalt  }
0x5d: {  	_ =	shalt  }
0x5e: {  	_ =	shalt  }
0x5f: {  	_ =	shalt  }
0x60: {  	_ =	shalt  }
0x61: {  	_ =	shalt  }
0x62: {  	_ =	shalt  }
0x63: {  	_ =	shalt  }
0x64: {  	_ =	shalt  }
0x65: {  	_ =	shalt  }
0x66: {  	_ =	shalt  }
0x67: {  	_ =	shalt  }
0x68: {  	_ =	shalt  }
0x69: {  	_ =	shalt  }
0x6a: {  	_ =	shalt  }
0x6b: {  	_ =	shalt  }
0x6c: {  	_ =	shalt  }
0x6d: {  	_ =	shalt  }
0x6e: {  	_ =	shalt  }
0x6f: {  	_ =	shalt  }
0x70: {  	_ =	shalt  }
0x71: {  	_ =	shalt  }
0x72: {  	_ =	shalt  }
0x73: {  	_ =	shalt  }
0x74: {  	_ =	shalt  }
0x75: {  	_ =	shalt  }
0x76: {  	_ =	shalt  }
0x77: {  	_ =	shalt  }
0x78: {  	_ =	shalt  }
0x79: {  	_ =	shalt  }
0x7a: {  	_ =	shalt  }
0x7b: {  	_ =	shalt  }
0x7c: {  	_ =	shalt  }
0x7d: {  	_ =	shalt  }
0x7e: {  	_ =	shalt  }
0x7f: {  	_ =	shalt  }
0x80: {  	_ =	shalt  }
0x81: {  	_ =	shalt  }
0x82: {  	_ =	shalt  }
0x83: {  	_ =	shalt  }
0x84: {  	_ =	shalt  }
0x85: {  	_ =	shalt  }
0x86: {  	_ =	shalt  }
0x87: {  	_ =	shalt  }
.Lfunc_end0:
.L_simem_size_0:
called_computation.2_lowered:
.L_overlay_start_0:
0x88: {  	s2 =	sld [smem:$0x3FD9]  }
0x89: {  	s3 =	sld [smem:$0x3FFE];
	_ =	sdelay $0x1  }
0x8a: {  	s1 =	srdreg.scid  }
0x8b: {  	s0 =	sand.u32 $0x1, s1  }
0x8c: {  	s16 =	sshll.u32 s0, $0xA;
	s2 =	sadd.s32 s3, s2  }
0x8d: {  	s2 =	sadd.s32 s2, s16  }
0x8e: {  	[smem:$0x3FBC] =	sst s2  }
0x8f: {  	_ = 	snop  }
0x90: {  	(tm) =	ssettm $0x1  }
0x91: {  	s17 =	sld [smem:$0x3FFB];
	_ =	sdelay $0x3  }
0x92: {  	_ =	strace s17  }
0x93: {  	s2 =	sld [smem:$0x3FFC];
	_ =	sdelay $0x3  }
0x94: {  	_ =	strace s2  }
0x95: {  	s2 =	sld [smem:$0x3FFD];
	_ =	sdelay $0x3  }
0x96: {  	_ =	strace s2  }
0x97: {  	_ =	strace $0x8FFFFFFF  }
0x98: {  	s18 =	sld [smem:$0x3FDB];
	_ =	sdelay $0x1  }
0x99: {  	s19 =	simm.s32 $_scs_section_size  }
0x9a: {  	s4 =	simm.s32 $_size__tile_overlayer_lowered;
	s5 =	simm.s32 $_tile_overlayer_lowered  }
0x9b: {  	s22 =	simm.s32 $0x1BFF;
	s21 =	sshll.u32 s5, $0x1;
	s2 =	sadd.s32 s19, s18  }
0x9c: {  	s6 =	simm.s32 $0x0;
	s20 =	sshll.u32 s4, $0x1;
	s4 =	sadd.s32 s21, s2  }
0x9d: {  	[timem:s6], [sflag:s22] =	dma.local [hbm:s4], s20  }
0x9e: {  	_ =	swait.ge [sflag:s22], s20  }
0x9f: {  	s3 =	ssub.s32 $0x0, s20;
	[sflag:s22] =	ssyncset.done $0x0  }
0xa0: {  	[sflag:s22] =	ssyncadd.s32 s3;
	_ =	sdelay $0x1  }
0xa1: {  	s23 =	simm.s32 $0x1B8B  }
0xa2: {  	_ =	swait.ge [sflag:s23], $0x1  }
0xa3: {  	[sflag:s23] =	ssyncset.done $0x0  }
0xa4: {  	s25 =	simm.s32 $0x1B8E;
	s24 =	sld [smem:$0x3FFE];
	[sflag:s23] =	ssyncadd.s32 $0xFFFFFFFF  }
0xa5: {  	s26 =	simm.s32 $execute0_lowered;
	[smem:$0x3FD2] =	sst s25  }
0xa6: {  	s4 =	sshll.u32 s26, $0x1;
	_ =	strace $0x8000004C;
	[dreg:$0x1] =	wrdreg $0xFFFFFFFF  }
0xa7: {  	s28 =	simm.s32 $_size_execute0_lowered;
	s2 =	sadd.s32 s2, s4;
	[dreg:$0x0] =	wrdreg $0x0  }
0xa8: {  	s4 =	sshll.u32 s28, $0x1;
	[dreg:$0x2] =	wrdreg s2  }
0xa9: {  	[dreg:$0x3] =	wrdreg s4  }
0xaa: {  	[dreg:$0x4] =	wrdreg $0xC0  }
0xab: {  	_ =	task [dreg:s6], $0x5FFFF  }
0xac: {  	[dreg:$0x1] =	wrdreg $0xFFFFFFFF  }
0xad: {  	[dreg:$0x0] =	wrdreg $0x60  }
0xae: {  	[dreg:$0x2] =	wrdreg s24  }
0xaf: {  	[dreg:$0x3] =	wrdreg $0x84000  }
0xb0: {  	[dreg:$0x4] =	wrdreg $0x9  }
0xb1: {  	_ =	task.clear_ibuf [dreg:s6], $0x5FFFF;
	_ =	strace $0x9000004C  }
0xb2: {  	s29 =	simm.s32 $0x9;
	_ =	strace $0x8000004E  }
0xb3: {  	_ =	swait.ge [sflag:s29], $0x1  }
0xb4: {  	[sflag:s29] =	ssyncadd.s32 $0xFFFFFFFF  }
0xb5: {  	_ =	strace $0x9000004E  }
0xb6: {  	_ =	sfence  }
0xb7: {  	s30 =	sld [smem:$0x0];
	_ =	sdelay $0x2  }
0xb8: {  	s31 =	sshll.u32 s1, $0xD;
	s1 =	sshrl.u32 s1, $0x2  }
0xb9: {  	s3 =	sand.u32 $0x4000, s31;
	s1 =	sadd.s32 s1, s30  }
0xba: {  	s0 =	sor.u32 s3, s0;
	s1 =	sshll.u32 s1, $0x11  }
0xbb: {  	s0 =	sor.u32 s1, s0  }
0xbc: {  	s0 =	sadd.s32 $0x8F2B, s0  }
0xbd: {  	[sflag:s0] =	ssyncadd.remote.s32 $0x1  }
0xbe: {  	_ =	sfence.sel $0xFFFF  }
0xbf: {  	[dreg:$0x0] =	wrdreg $0xFFFFFFFF;
	(pc) =	sbr.abs _section_cstart, $3  }
0xc0: {  	[dreg:$0x1] =	wrdreg $0xFFFFFFFF  }
0xc1: {  	_ =	task.clear_ibuf [dreg:s6], $0x2FFFF;
	_ =	strace $0x9FFFFFFF  }
0xc2: {  	(tm) =	ssettm $0x7FFFFFFF  }
0xc3: {  	_ =	shalt  }
tec
execute0_lowered:
.L_overlay_start_1:
0x0: {  	(tag) =	ssettag $0x1  }
0x1: {  	s0 =	rddreg [dreg:$0x0]  }
0x2: {  	s2 =	rddreg [dreg:$0x1];
	s1 =	srdreg.scid  }
0x3: {  	s16 =	stileid.u32;
	s3 =	simm.s32 $0x0;
	s19 =	simm.s32 $0x3  }
0x4: {  	s20 =	simm.s32 $0x100;
	s21 =	simm.s32 $0x200;
	s28 =	simm.s32 $0x1  }
0x5: {  	s29 =	simm.s32 $0x180;
	s30 =	simm.s32 $0x280;
	s31 =	simm.s32 $0x380  }
0x6: {  	s1 =	sand.u32 $0x1, s1;
	s10 =	smul.u32 $0x14000, s16;
	[smem:$0x7FF] =	sst s3  }
0x7: {  	s4 =	sadd.s32 $0x17A00, s0;
	s5 =	sadd.s32 $0x67A00, s0;
	s9 =	smul.u32 $0x50000, s16  }
0x8: {  	s11 =	sadd.s32 $0x3FA00, s0;
	s7 =	sshll.u32 s16, $0x1;
	s14 =	smul.u32 $0x2800, s16  }
0x9: {  	s13 =	sadd.s32 $0x3A00, s0;
	s15 =	smul.u32 $0xA000, s16;
	s24 =	sshll.u32 s16, $0x6  }
0xa: {  	s6 =	smul.u32 $0x140000, s1;
	_ =	strace $0x8000004D;
	s8 =	ssub.s32 $0x2, s1  }
0xb: {  	s7 =	sor.u32 s1, s7;
	p0 =	seq.s32 s1, $0x0;
	s1 =	smul.u32 $0x5000, s1  }
0xc: {  	s12 =	sshrl.u32 s8, $0x1;
	s7 =	smul.u32 $0x5000, s7;
	s22 =	sshrl.u32 s9, $0x2  }
0xd: {  	s6 =	sadd.s32 s10, s6;
	s12 =	ssub.s32 s8, s12;
	s18 =	sadd.s32 s22, s2  }
0xe: {  	s10 =	sshrl.u32 s10, $0x3;
	s1 =	sadd.s32 s1, s15;
	s22 =	simm.s32 $0x300  }
0xf: {  	s6 =	sshrl.u32 s6, $0x3;
	s7 =	sshrl.u32 s7, $0x3;
	s23 =	smax.u32 s12, $0x1  }
0x10: {  	s25 =	sor.u32 $0x500, s1;
	s1 =	sor.u32 $0x400, s1;
	s18 =	sshrl.u32 s18, $0x3  }
0x11: {  	s0 =	sadd.s32 s6, s0;
	s6 =	sadd.s32 s13, s7;
	[dreg:$0x5] =	wrdreg s23  }
0x12: {  	s26 =	sshrl.u32 s1, $0x3;
	s23 =	simm.s32 $0x2;
	s17 =	sadd.s32 $0x8FA00, s0  }
0x13: {  	s7 =	sadd.s32 $0x20, s6;
	s0 =	sadd.s32 $0xDFA00, s0;
	[dreg:$0x3] =	wrdreg s17  }
0x14: {  	s8 =	sadd.s32 $0x40, s6;
	s9 =	sadd.s32 $0x60, s6;
	[dreg:$0x4] =	wrdreg s0  }
0x15: {  	s0 =	smov.u32 s11;
	s11 =	smov.u32 @p0 s5;
	s17 =	sadd.s32 s26, s13  }
0x16: {  	s26 =	simm.s32 $0x4400;
	s0 =	smov.u32 @p0 s4;
	s10 =	sadd.s32 s11, s10  }
0x17: {  	s0 =	sadd.s32 s0, s14;
	s14 =	sor.u32 $0x1C03, s24;
	[dreg:$0x7] =	wrdreg s10  }
0x18: {  	s24 =	simm.s32 $0x80;
	[dreg:$0x6] =	wrdreg s0;
	s0 =	sshrl.u32 s25, $0x3  }
0x19: {  	s25 =	simm.s32 $0x400;
	s16 =	sadd.s32 s0, s13;
	s0 =	simm.s32 $0x0  }
.LBB2_1:
0x1a: {  	s1 =	rddreg [dreg:$0x6]  }
0x1b: {  	[spmem:s18], [sflag:s14] =	dma.local [hbm:s1], $0x2800  }
0x1c: {  	_ =	swait.ge [sflag:s19], $0x2800  }
0x1d: {  	[sflag:s19] =	ssyncset.done $0x0  }
0x1e: {  	[sflag:s19] =	ssyncadd.s32 $0xFFFFD800  }
0x1f: {  	[bflag:$0x0] =	sbarrier.arrive $0xFFFF  }
0x20: {  	[tilespmem:s3], [sflag:$0x2] =	stream.linear.gather [hbm4b:s6+s3], $0x100, $0x38;
	[tilespmem:$0x1C400] =	vst v63  }
0x21: {  	_ = 	snop  }
0x22: {  	[tilespmem:s20], [sflag:$0x2] =	stream.linear.gather [hbm4b:s7+s3], $0x100, $0x38;
	[tilespmem:$0x1C400] =	vst v63  }
0x23: {  	_ = 	snop  }
0x24: {  	[tilespmem:s21], [sflag:$0x2] =	stream.linear.gather [hbm4b:s8+s3], $0x100, $0x38;
	[tilespmem:$0x1C400] =	vst v63  }
0x25: {  	_ = 	snop  }
0x26: {  	[tilespmem:s22], [sflag:$0x2] =	stream.linear.gather [hbm4b:s9+s3], $0x100, $0x38;
	[tilespmem:$0x1C400] =	vst v63  }
0x27: {  	_ =	swait.ge [sflag:s23], $0x100  }
0x28: {  	[sflag:s23] =	ssyncset.done $0x0  }
0x29: {  	[sflag:s23] =	ssyncadd.s32 $0xFFFFFF00  }
0x2a: {  	[tilespmem:s25], [sflag:$0x1] =	stream.indirect.gather [hbm4b:s4+s24], $0x80, s3, s24, $0xb8;
	[tilespmem:$0x1C400] =	vst v63  }
0x2b: {  	_ =	swait.ge [sflag:s23], $0x100  }
0x2c: {  	[sflag:s23] =	ssyncset.done $0x0  }
0x2d: {  	[sflag:s23] =	ssyncadd.s32 $0xFFFFFF00  }
0x2e: {  	[tilespmem:s26], [sflag:$0x1] =	stream.indirect.gather [hbm4b:s4+s24], $0x80, s20, s24, $0xb8;
	[tilespmem:$0x1C400] =	vst v63  }
0x2f: {  	_ =	swait.ge [sflag:s28], $0x4000  }
0x30: {  	s10 =	sand.u32 $0x200, s3;
	[sflag:s28] =	ssyncset.done $0x0  }
0x31: {  	s12 =	sor.u32 $0x80, s10;
	[sflag:s28] =	ssyncadd.s32 $0xFFFFC000  }
0x32: {  	[spmem:s2] =	stream.indirect.scatter.add.f32 [tilespmem:s25], [sflag:$0x3], $0x80, s12, s24, $0xb8;
	[tilespmem:$0x1C400] =	vst v63  }
0x33: {  	_ =	swait.ge [sflag:s19], $0x4000  }
0x34: {  	[sflag:s19] =	ssyncset.done $0x0  }
0x35: {  	[sflag:s19] =	ssyncadd.s32 $0xFFFFC000  }
0x36: {  	[tilespmem:s10], [sflag:$0x2] =	stream.linear.gather [hbm4b:s17+s3], $0x100, $0x38;
	[tilespmem:$0x1C400] =	vst v63  }
0x37: {  	s13 =	sxor.u32 $0xFFFFFFFF, s3;
	_ =	swait.ge [sflag:s23], $0x100  }
0x38: {  	s1 =	sand.u32 $0x800, s13;
	[sflag:s23] =	ssyncset.done $0x0  }
0x39: {  	s1 =	sshrl.u32 s1, $0x2;
	[sflag:s23] =	ssyncadd.s32 $0xFFFFFF00  }
0x3a: {  	[tilespmem:s25], [sflag:$0x1] =	stream.indirect.gather [hbm4b:s4+s24], $0x80, s1, s24, $0xb8;
	[tilespmem:$0x1C400] =	vst v63  }
0x3b: {  	_ =	swait.ge [sflag:s28], $0x4000  }
0x3c: {  	[sflag:s28] =	ssyncset.done $0x0  }
0x3d: {  	s15 =	sor.u32 $0x180, s10;
	[sflag:s28] =	ssyncadd.s32 $0xFFFFC000  }
0x3e: {  	[spmem:s2] =	stream.indirect.scatter.add.f32 [tilespmem:s26], [sflag:$0x3], $0x80, s15, s24, $0xb8;
	[tilespmem:$0x1C400] =	vst v63  }
0x3f: {  	_ =	swait.ge [sflag:s19], $0x4000  }
0x40: {  	[sflag:s19] =	ssyncset.done $0x0  }
0x41: {  	s11 =	simm.s32 $0xC00;
	s10 =	sor.u32 $0x100, s10;
	[sflag:s19] =	ssyncadd.s32 $0xFFFFC000  }
0x42: {  	[tilespmem:s10], [sflag:$0x2] =	stream.linear.gather [hbm4b:s16+s3], $0x100, $0x38;
	[tilespmem:$0x1C400] =	vst v63  }
0x43: {  	s12 =	sand.u32 $0xC00, s11;
	s11 =	sadd.s32 $0x40, s16;
	_ =	swait.ge [sflag:s23], $0x100  }
0x44: {  	s13 =	sshrl.u32 s12, $0x2;
	s12 =	simm.s32 $0x800;
	[sflag:s23] =	ssyncset.done $0x0  }
0x45: {  	s1 =	simm.s32 $0x200;
	s10 =	sadd.s32 $0x40, s17;
	[sflag:s23] =	ssyncadd.s32 $0xFFFFFF00  }
.LBB2_2:
0x46: {  	[tilespmem:s26], [sflag:$0x1] =	stream.indirect.gather [hbm4b:s4+s24], $0x80, s13, s24, $0xb8;
	[tilespmem:$0x1C400] =	vst v63  }
0x47: {  	s13 =	smov.u32 s1  }
0x48: {  	p0 =	sne.s32 s1, $0x4A00;
	s1 =	sadd.s32 $0x200, s1;
	_ =	swait.ge [sflag:s28], $0x4000  }
0x49: {  	s13 =	sand.u32 $0x200, s13;
	[sflag:s28] =	ssyncset.done $0x0  }
0x4a: {  	s15 =	sor.u32 $0x80, s13;
	[sflag:s28] =	ssyncadd.s32 $0xFFFFC000  }
0x4b: {  	[spmem:s2] =	stream.indirect.scatter.add.f32 [tilespmem:s25], [sflag:$0x3], $0x80, s15, s24, $0xb8;
	[tilespmem:$0x1C400] =	vst v63  }
0x4c: {  	_ =	swait.ge [sflag:s19], $0x4000  }
0x4d: {  	[sflag:s19] =	ssyncset.done $0x0  }
0x4e: {  	[sflag:s19] =	ssyncadd.s32 $0xFFFFC000  }
0x4f: {  	[tilespmem:s13], [sflag:$0x2] =	stream.linear.gather [hbm4b:s10+s3], $0x100, $0x38;
	[tilespmem:$0x1C400] =	vst v63  }
0x50: {  	s15 =	sxor.u32 $0xFFFFFFFF, s12;
	_ =	swait.ge [sflag:s23], $0x100  }
0x51: {  	s15 =	sand.u32 $0x800, s15;
	[sflag:s23] =	ssyncset.done $0x0  }
0x52: {  	s15 =	sshrl.u32 s15, $0x2;
	[sflag:s23] =	ssyncadd.s32 $0xFFFFFF00  }
0x53: {  	[tilespmem:s25], [sflag:$0x1] =	stream.indirect.gather [hbm4b:s4+s24], $0x80, s15, s24, $0xb8;
	[tilespmem:$0x1C400] =	vst v63  }
0x54: {  	_ =	swait.ge [sflag:s28], $0x4000  }
0x55: {  	[sflag:s28] =	ssyncset.done $0x0  }
0x56: {  	s15 =	sor.u32 $0x180, s13;
	[sflag:s28] =	ssyncadd.s32 $0xFFFFC000  }
0x57: {  	[spmem:s2] =	stream.indirect.scatter.add.f32 [tilespmem:s26], [sflag:$0x3], $0x80, s15, s24, $0xb8;
	[tilespmem:$0x1C400] =	vst v63  }
0x58: {  	_ =	swait.ge [sflag:s19], $0x4000  }
0x59: {  	[sflag:s19] =	ssyncset.done $0x0  }
.Ltmp0:
0x5a: {  	s13 =	sor.u32 $0x100, s13;
	[sflag:s19] =	ssyncadd.s32 $0xFFFFC000;
	(pc) =	sbr.rel @p0 .LBB2_2-.Ltmp0, $4  }
0x5b: {  	[tilespmem:s13], [sflag:$0x2] =	stream.linear.gather [hbm4b:s11+s3], $0x100, $0x38;
	[tilespmem:$0x1C400] =	vst v63  }
0x5c: {  	s10 =	sadd.s32 $0x40, s10;
	s13 =	sadd.s32 $0xC00, s12;
	_ =	swait.ge [sflag:s23], $0x100  }
0x5d: {  	s11 =	sadd.s32 $0x40, s11;
	s13 =	sand.u32 $0xC00, s13;
	[sflag:s23] =	ssyncset.done $0x0  }
0x5e: {  	s12 =	sadd.s32 $0x800, s12;
	s13 =	sshrl.u32 s13, $0x2;
	[sflag:s23] =	ssyncadd.s32 $0xFFFFFF00  }
0x5f: {  	[tilespmem:s26], [sflag:$0x1] =	stream.indirect.gather [hbm4b:s4+s24], $0x80, s13, s24, $0xb8;
	[tilespmem:$0x1C400] =	vst v63  }
0x60: {  	_ =	swait.ge [sflag:s28], $0x4000  }
0x61: {  	[sflag:s28] =	ssyncset.done $0x0  }
0x62: {  	[sflag:s28] =	ssyncadd.s32 $0xFFFFC000  }
0x63: {  	[spmem:s2] =	stream.indirect.scatter.add.f32 [tilespmem:s25], [sflag:$0x3], $0x80, s24, s24, $0xb8;
	[tilespmem:$0x1C400] =	vst v63  }
0x64: {  	_ =	swait.ge [sflag:s19], $0x4000  }
0x65: {  	[sflag:s19] =	ssyncset.done $0x0  }
0x66: {  	[sflag:s19] =	ssyncadd.s32 $0xFFFFC000  }
0x67: {  	_ =	swait.ge [sflag:s23], $0x100  }
0x68: {  	[sflag:s23] =	ssyncset.done $0x0  }
0x69: {  	[sflag:s23] =	ssyncadd.s32 $0xFFFFFF00  }
0x6a: {  	[tilespmem:s25], [sflag:$0x1] =	stream.indirect.gather [hbm4b:s4+s24], $0x80, s21, s24, $0xb8;
	[tilespmem:$0x1C400] =	vst v63  }
0x6b: {  	_ =	swait.ge [sflag:s28], $0x4000  }
0x6c: {  	[sflag:s28] =	ssyncset.done $0x0  }
0x6d: {  	[sflag:s28] =	ssyncadd.s32 $0xFFFFC000  }
0x6e: {  	[spmem:s2] =	stream.indirect.scatter.add.f32 [tilespmem:s26], [sflag:$0x3], $0x80, s29, s24, $0xb8;
	[tilespmem:$0x1C400] =	vst v63  }
0x6f: {  	_ =	swait.ge [sflag:s19], $0x4000  }
0x70: {  	[sflag:s19] =	ssyncset.done $0x0  }
0x71: {  	[sflag:s19] =	ssyncadd.s32 $0xFFFFC000  }
0x72: {  	_ =	swait.ge [sflag:s23], $0x100  }
0x73: {  	[sflag:s23] =	ssyncset.done $0x0  }
0x74: {  	[sflag:s23] =	ssyncadd.s32 $0xFFFFFF00  }
0x75: {  	[tilespmem:s26], [sflag:$0x1] =	stream.indirect.gather [hbm4b:s4+s24], $0x80, s22, s24, $0xb8;
	[tilespmem:$0x1C400] =	vst v63  }
0x76: {  	_ =	swait.ge [sflag:s28], $0x4000  }
0x77: {  	[sflag:s28] =	ssyncset.done $0x0  }
0x78: {  	[sflag:s28] =	ssyncadd.s32 $0xFFFFC000  }
0x79: {  	[spmem:s2] =	stream.indirect.scatter.add.f32 [tilespmem:s25], [sflag:$0x3], $0x80, s30, s24, $0xb8;
	[tilespmem:$0x1C400] =	vst v63  }
0x7a: {  	_ =	swait.ge [sflag:s19], $0x4000  }
0x7b: {  	[sflag:s19] =	ssyncset.done $0x0  }
0x7c: {  	[sflag:s19] =	ssyncadd.s32 $0xFFFFC000  }
0x7d: {  	_ =	swait.ge [sflag:s28], $0x4000  }
0x7e: {  	[sflag:s28] =	ssyncset.done $0x0  }
0x7f: {  	[sflag:s28] =	ssyncadd.s32 $0xFFFFC000  }
0x80: {  	[spmem:s2] =	stream.indirect.scatter.add.f32 [tilespmem:s26], [sflag:$0x3], $0x80, s31, s24, $0xb8;
	[tilespmem:$0x1C400] =	vst v63  }
0x81: {  	_ =	swait.ge [sflag:s19], $0x4000  }
0x82: {  	[sflag:s19] =	ssyncset.done $0x0  }
0x83: {  	[sflag:s19] =	ssyncadd.s32 $0xFFFFC000  }
0x84: {  	[bflag:$0x0] =	sbarrier.arrive $0xFFFF  }
0x85: {  	s1 =	rddreg [dreg:$0x3]  }
0x86: {  	[hbm:s1], [sflag:s14] =	dma.local [spmem:s18], $0x2800  }
0x87: {  	_ =	swait.ge [sflag:s19], $0x2800  }
0x88: {  	[sflag:s19] =	ssyncset.done $0x0  }
0x89: {  	s11 =	rddreg [dreg:$0x7];
	[sflag:s19] =	ssyncadd.s32 $0xFFFFD800  }
0x8a: {  	[spmem:s18], [sflag:s14] =	dma.local [hbm:s11], $0x2800  }
0x8b: {  	_ =	swait.ge [sflag:s19], $0x2800  }
0x8c: {  	[sflag:s19] =	ssyncset.done $0x0  }
0x8d: {  	[sflag:s19] =	ssyncadd.s32 $0xFFFFD800  }
0x8e: {  	s12 =	simm.s32 $0x0;
	[bflag:$0x0] =	sbarrier.arrive $0xFFFF  }
0x8f: {  	[tilespmem:s12], [sflag:$0x2] =	stream.linear.gather [hbm4b:s6+s12], $0x100, $0x38;
	[tilespmem:$0x1C400] =	vst v63  }
0x90: {  	_ = 	snop  }
0x91: {  	[tilespmem:s20], [sflag:$0x2] =	stream.linear.gather [hbm4b:s7+s12], $0x100, $0x38;
	[tilespmem:$0x1C400] =	vst v63  }
0x92: {  	_ = 	snop  }
0x93: {  	[tilespmem:s21], [sflag:$0x2] =	stream.linear.gather [hbm4b:s8+s12], $0x100, $0x38;
	[tilespmem:$0x1C400] =	vst v63  }
0x94: {  	_ = 	snop  }
0x95: {  	[tilespmem:s22], [sflag:$0x2] =	stream.linear.gather [hbm4b:s9+s12], $0x100, $0x38;
	[tilespmem:$0x1C400] =	vst v63  }
0x96: {  	_ =	swait.ge [sflag:s23], $0x100  }
0x97: {  	[sflag:s23] =	ssyncset.done $0x0  }
0x98: {  	[sflag:s23] =	ssyncadd.s32 $0xFFFFFF00  }
0x99: {  	[tilespmem:s25], [sflag:$0x1] =	stream.indirect.gather [hbm4b:s5+s24], $0x80, s12, s24, $0xb8;
	[tilespmem:$0x1C400] =	vst v63  }
0x9a: {  	_ =	swait.ge [sflag:s23], $0x100  }
0x9b: {  	[sflag:s23] =	ssyncset.done $0x0  }
0x9c: {  	[sflag:s23] =	ssyncadd.s32 $0xFFFFFF00  }
0x9d: {  	[tilespmem:s26], [sflag:$0x1] =	stream.indirect.gather [hbm4b:s5+s24], $0x80, s20, s24, $0xb8;
	[tilespmem:$0x1C400] =	vst v63  }
0x9e: {  	_ =	swait.ge [sflag:s28], $0x4000  }
0x9f: {  	s10 =	sand.u32 $0x200, s12;
	[sflag:s28] =	ssyncset.done $0x0  }
0xa0: {  	s11 =	sor.u32 $0x80, s10;
	[sflag:s28] =	ssyncadd.s32 $0xFFFFC000  }
0xa1: {  	[spmem:s2] =	stream.indirect.scatter.add.f32 [tilespmem:s25], [sflag:$0x3], $0x80, s11, s24, $0xb8;
	[tilespmem:$0x1C400] =	vst v63  }
0xa2: {  	_ =	swait.ge [sflag:s19], $0x4000  }
0xa3: {  	[sflag:s19] =	ssyncset.done $0x0  }
0xa4: {  	[sflag:s19] =	ssyncadd.s32 $0xFFFFC000  }
0xa5: {  	[tilespmem:s10], [sflag:$0x2] =	stream.linear.gather [hbm4b:s17+s3], $0x100, $0x38;
	[tilespmem:$0x1C400] =	vst v63  }
0xa6: {  	s1 =	sxor.u32 $0xFFFFFFFF, s12;
	_ =	swait.ge [sflag:s23], $0x100  }
0xa7: {  	s1 =	sand.u32 $0x800, s1;
	[sflag:s23] =	ssyncset.done $0x0  }
0xa8: {  	s1 =	sshrl.u32 s1, $0x2;
	[sflag:s23] =	ssyncadd.s32 $0xFFFFFF00  }
0xa9: {  	[tilespmem:s25], [sflag:$0x1] =	stream.indirect.gather [hbm4b:s5+s24], $0x80, s1, s24, $0xb8;
	[tilespmem:$0x1C400] =	vst v63  }
0xaa: {  	_ =	swait.ge [sflag:s28], $0x4000  }
0xab: {  	[sflag:s28] =	ssyncset.done $0x0  }
0xac: {  	s13 =	sor.u32 $0x180, s10;
	[sflag:s28] =	ssyncadd.s32 $0xFFFFC000  }
0xad: {  	[spmem:s2] =	stream.indirect.scatter.add.f32 [tilespmem:s26], [sflag:$0x3], $0x80, s13, s24, $0xb8;
	[tilespmem:$0x1C400] =	vst v63  }
0xae: {  	_ =	swait.ge [sflag:s19], $0x4000  }
0xaf: {  	[sflag:s19] =	ssyncset.done $0x0  }
0xb0: {  	s15 =	simm.s32 $0xC00;
	s10 =	sor.u32 $0x100, s10;
	[sflag:s19] =	ssyncadd.s32 $0xFFFFC000  }
0xb1: {  	[tilespmem:s10], [sflag:$0x2] =	stream.linear.gather [hbm4b:s16+s3], $0x100, $0x38;
	[tilespmem:$0x1C400] =	vst v63  }
0xb2: {  	s12 =	sand.u32 $0xC00, s15;
	s11 =	sadd.s32 $0x40, s16;
	_ =	swait.ge [sflag:s23], $0x100  }
0xb3: {  	s1 =	simm.s32 $0x200;
	s13 =	sshrl.u32 s12, $0x2;
	[sflag:s23] =	ssyncset.done $0x0  }
0xb4: {  	s12 =	simm.s32 $0x800;
	s10 =	sadd.s32 $0x40, s17;
	[sflag:s23] =	ssyncadd.s32 $0xFFFFFF00  }
.LBB2_4:
0xb5: {  	[tilespmem:s26], [sflag:$0x1] =	stream.indirect.gather [hbm4b:s5+s24], $0x80, s13, s24, $0xb8;
	[tilespmem:$0x1C400] =	vst v63  }
0xb6: {  	s13 =	smov.u32 s1  }
0xb7: {  	p0 =	sne.s32 s1, $0x4A00;
	s1 =	sadd.s32 $0x200, s1;
	_ =	swait.ge [sflag:s28], $0x4000  }
0xb8: {  	s13 =	sand.u32 $0x200, s13;
	[sflag:s28] =	ssyncset.done $0x0  }
0xb9: {  	s15 =	sor.u32 $0x80, s13;
	[sflag:s28] =	ssyncadd.s32 $0xFFFFC000  }
0xba: {  	[spmem:s2] =	stream.indirect.scatter.add.f32 [tilespmem:s25], [sflag:$0x3], $0x80, s15, s24, $0xb8;
	[tilespmem:$0x1C400] =	vst v63  }
0xbb: {  	_ =	swait.ge [sflag:s19], $0x4000  }
0xbc: {  	[sflag:s19] =	ssyncset.done $0x0  }
0xbd: {  	[sflag:s19] =	ssyncadd.s32 $0xFFFFC000  }
0xbe: {  	[tilespmem:s13], [sflag:$0x2] =	stream.linear.gather [hbm4b:s10+s3], $0x100, $0x38;
	[tilespmem:$0x1C400] =	vst v63  }
0xbf: {  	s15 =	sxor.u32 $0xFFFFFFFF, s12;
	_ =	swait.ge [sflag:s23], $0x100  }
0xc0: {  	s15 =	sand.u32 $0x800, s15;
	[sflag:s23] =	ssyncset.done $0x0  }
0xc1: {  	s15 =	sshrl.u32 s15, $0x2;
	[sflag:s23] =	ssyncadd.s32 $0xFFFFFF00  }
0xc2: {  	[tilespmem:s25], [sflag:$0x1] =	stream.indirect.gather [hbm4b:s5+s24], $0x80, s15, s24, $0xb8;
	[tilespmem:$0x1C400] =	vst v63  }
0xc3: {  	_ =	swait.ge [sflag:s28], $0x4000  }
0xc4: {  	[sflag:s28] =	ssyncset.done $0x0  }
0xc5: {  	s15 =	sor.u32 $0x180, s13;
	[sflag:s28] =	ssyncadd.s32 $0xFFFFC000  }
0xc6: {  	[spmem:s2] =	stream.indirect.scatter.add.f32 [tilespmem:s26], [sflag:$0x3], $0x80, s15, s24, $0xb8;
	[tilespmem:$0x1C400] =	vst v63  }
0xc7: {  	_ =	swait.ge [sflag:s19], $0x4000  }
0xc8: {  	[sflag:s19] =	ssyncset.done $0x0  }
.Ltmp1:
0xc9: {  	s13 =	sor.u32 $0x100, s13;
	[sflag:s19] =	ssyncadd.s32 $0xFFFFC000;
	(pc) =	sbr.rel @p0 .LBB2_4-.Ltmp1, $4  }
0xca: {  	[tilespmem:s13], [sflag:$0x2] =	stream.linear.gather [hbm4b:s11+s3], $0x100, $0x38;
	[tilespmem:$0x1C400] =	vst v63  }
0xcb: {  	s10 =	sadd.s32 $0x40, s10;
	s13 =	sadd.s32 $0xC00, s12;
	_ =	swait.ge [sflag:s23], $0x100  }
0xcc: {  	s11 =	sadd.s32 $0x40, s11;
	s13 =	sand.u32 $0xC00, s13;
	[sflag:s23] =	ssyncset.done $0x0  }
0xcd: {  	s12 =	sadd.s32 $0x800, s12;
	s13 =	sshrl.u32 s13, $0x2;
	[sflag:s23] =	ssyncadd.s32 $0xFFFFFF00  }
0xce: {  	[tilespmem:s26], [sflag:$0x1] =	stream.indirect.gather [hbm4b:s5+s24], $0x80, s13, s24, $0xb8;
	[tilespmem:$0x1C400] =	vst v63  }
0xcf: {  	_ =	swait.ge [sflag:s28], $0x4000  }
0xd0: {  	[sflag:s28] =	ssyncset.done $0x0  }
0xd1: {  	[sflag:s28] =	ssyncadd.s32 $0xFFFFC000  }
0xd2: {  	[spmem:s2] =	stream.indirect.scatter.add.f32 [tilespmem:s25], [sflag:$0x3], $0x80, s24, s24, $0xb8;
	[tilespmem:$0x1C400] =	vst v63  }
0xd3: {  	_ =	swait.ge [sflag:s19], $0x4000  }
0xd4: {  	[sflag:s19] =	ssyncset.done $0x0  }
0xd5: {  	[sflag:s19] =	ssyncadd.s32 $0xFFFFC000  }
0xd6: {  	_ =	swait.ge [sflag:s23], $0x100  }
0xd7: {  	[sflag:s23] =	ssyncset.done $0x0  }
0xd8: {  	[sflag:s23] =	ssyncadd.s32 $0xFFFFFF00  }
0xd9: {  	[tilespmem:s25], [sflag:$0x1] =	stream.indirect.gather [hbm4b:s5+s24], $0x80, s21, s24, $0xb8;
	[tilespmem:$0x1C400] =	vst v63  }
0xda: {  	_ =	swait.ge [sflag:s28], $0x4000  }
0xdb: {  	[sflag:s28] =	ssyncset.done $0x0  }
0xdc: {  	[sflag:s28] =	ssyncadd.s32 $0xFFFFC000  }
0xdd: {  	[spmem:s2] =	stream.indirect.scatter.add.f32 [tilespmem:s26], [sflag:$0x3], $0x80, s29, s24, $0xb8;
	[tilespmem:$0x1C400] =	vst v63  }
0xde: {  	_ =	swait.ge [sflag:s19], $0x4000  }
0xdf: {  	[sflag:s19] =	ssyncset.done $0x0  }
0xe0: {  	[sflag:s19] =	ssyncadd.s32 $0xFFFFC000  }
0xe1: {  	_ =	swait.ge [sflag:s23], $0x100  }
0xe2: {  	[sflag:s23] =	ssyncset.done $0x0  }
0xe3: {  	[sflag:s23] =	ssyncadd.s32 $0xFFFFFF00  }
0xe4: {  	[tilespmem:s26], [sflag:$0x1] =	stream.indirect.gather [hbm4b:s5+s24], $0x80, s22, s24, $0xb8;
	[tilespmem:$0x1C400] =	vst v63  }
0xe5: {  	_ =	swait.ge [sflag:s28], $0x4000  }
0xe6: {  	[sflag:s28] =	ssyncset.done $0x0  }
0xe7: {  	[sflag:s28] =	ssyncadd.s32 $0xFFFFC000  }
0xe8: {  	[spmem:s2] =	stream.indirect.scatter.add.f32 [tilespmem:s25], [sflag:$0x3], $0x80, s30, s24, $0xb8;
	[tilespmem:$0x1C400] =	vst v63  }
0xe9: {  	_ =	swait.ge [sflag:s19], $0x4000  }
0xea: {  	[sflag:s19] =	ssyncset.done $0x0  }
0xeb: {  	[sflag:s19] =	ssyncadd.s32 $0xFFFFC000  }
0xec: {  	_ =	swait.ge [sflag:s28], $0x4000  }
0xed: {  	[sflag:s28] =	ssyncset.done $0x0  }
0xee: {  	[sflag:s28] =	ssyncadd.s32 $0xFFFFC000  }
0xef: {  	[spmem:s2] =	stream.indirect.scatter.add.f32 [tilespmem:s26], [sflag:$0x3], $0x80, s31, s24, $0xb8;
	[tilespmem:$0x1C400] =	vst v63  }
0xf0: {  	_ =	swait.ge [sflag:s19], $0x4000  }
0xf1: {  	[sflag:s19] =	ssyncset.done $0x0  }
0xf2: {  	[sflag:s19] =	ssyncadd.s32 $0xFFFFC000  }
0xf3: {  	[bflag:$0x0] =	sbarrier.arrive $0xFFFF  }
0xf4: {  	s1 =	rddreg [dreg:$0x4]  }
0xf5: {  	[hbm:s1], [sflag:s14] =	dma.local [spmem:s18], $0x2800  }
0xf6: {  	_ =	swait.ge [sflag:s19], $0x2800  }
0xf7: {  	s0 =	sadd.s32 $0x1, s0;
	s15 =	rddreg [dreg:$0x5]  }
0xf8: {  	p0 =	sne.s32 s0, s15  }
.Ltmp2:
0xf9: {  	_ = 	snop;
	(pc) =	sbr.rel @p0 .LBB2_1-.Ltmp2, $3  }
0xfa: {  	_ =	sdelay $0x1  }
0xfb: {  	[sflag:s19] =	ssyncset.done $0x0  }
0xfc: {  	[sflag:s19] =	ssyncadd.s32 $0xFFFFD800  }
0xfd: {  	_ =	sfence.sel $0x180000  }
0xfe: {  	[bflag:$0x0] =	sbarrier.arrive $0xFFFF  }
0xff: {  	_ =	strace $0x9000004D  }
0x100: {  	s0 =	stileid.u32;
	[bflag:$0x2] =	sbarrier.arrive $0xFFFF  }
0x101: {  	p0 =	sne.s32 s0, $0x0;
	s0 =	rddreg [dreg:$0x2]  }
0x102: {  	s0 =	sadd.s32 @!p0 $0x100000, s0  }
0x103: {  	[sflag:s0] =	ssyncadd.tile.s32 @!p0 $0x1;
	_ =	shalt  }
.Lfunc_end2:
_tile_overlayer_lowered:
.L_overlay_start_2:
0x104: {  	(tag) =	ssettag $0x2  }
0x105: {  	s0 =	rddreg [dreg:$0x0];
	s2 =	stileid.u32  }
0x106: {  	s1 =	rddreg [dreg:$0x1];
	p0 =	sne.s32 s2, $0x0  }
0x107: {  	s3 =	rddreg [dreg:$0x2];
	[bflag:$0x3] =	sbarrier.arrive $0xFFFF;
	s2 =	simm.s32 @!p0 $0x1C03  }
0x108: {  	[timem:s3], [sflag:s2] =	dma.local @!p0 [hbm:s0], s1  }
0x109: {  	s0 =	simm.s32 @!p0 $0x3  }
0x10a: {  	_ =	swait.ge @!p0 [sflag:s0], s1  }
0x10b: {  	s1 =	ssub.s32 @!p0 $0x0, s1;
	[sflag:s0] =	ssyncset.done @!p0 $0x0  }
0x10c: {  	[sflag:s0] =	ssyncadd.s32 @!p0 s1  }
0x10d: {  	[bflag:$0x3] =	sbarrier.arrive $0xFFFF  }
0x10e: {  	_ =	shalt  }

// kernel: kernel.19.cloned.1.call-start
scs
__scs_entry_jumppad:
0x0: {  	(pc) =	sbr.rel $0x88, $3  }
0x1: {  	(tag) =	ssettag $0x0;
	lr =	simm.s32 $0x1  }
0x2: {  	[smem:$0x3F95] =	sst lr;
	_ =	strace $0xD0000000  }
0x3: {  	_ = 	snop  }
0x4: {  	_ = 	snop  }
0x5: {  	_ = 	snop  }
0x6: {  	_ = 	snop  }
0x7: {  	_ = 	snop  }
__scs_overlays_trampoline_lowered:
0x8: {  	[smem:$0x3FA4] =	sst s0  }
0x9: {  	[smem:$0x3FA5] =	sst s1  }
0xa: {  	[smem:$0x3FA6] =	sst s2  }
0xb: {  	[smem:$0x3FA7] =	sst s3  }
0xc: {  	[smem:$0x3FA8] =	sst s4  }
0xd: {  	[smem:$0x3FA9] =	sst s5  }
0xe: {  	[smem:$0x3FAA] =	sst s6  }
0xf: {  	[smem:$0x3FAB] =	sst s7  }
0x10: {  	[smem:$0x3FAC] =	sst s8  }
0x11: {  	[smem:$0x3FAD] =	sst s9;
	s0 =	simm.s32 @!p0 $0x0  }
0x12: {  	s1 =	sld [smem:$0x3F93];
	s0 =	simm.s32 @p0 $0x1  }
0x13: {  	[smem:$0x3FAE] =	sst s0;
	s0 =	simm.s32 @!p1 $0x0  }
0x14: {  	s2 =	sld [smem:$0x3F92];
	s0 =	simm.s32 @p1 $0x1  }
0x15: {  	[smem:$0x3FAF] =	sst s0;
	s0 =	simm.s32 @!p2 $0x0  }
0x16: {  	s3 =	sld [smem:$0x3FDB];
	s0 =	simm.s32 @p2 $0x1  }
0x17: {  	s4 =	simm.s32 $0x1BF5;
	[smem:$0x3FB1] =	sst s0  }
0x18: {  	s0 =	sld [smem:$0x3F94];
	_ =	swait.ge [sflag:s4], $0x0  }
0x19: {  	s7 =	sld [smem:$0x3F95]  }
0x1a: {  	s8 =	sadd.s32 $0xFFFFE003, lr  }
0x1b: {  	s9 =	sadd.s32 $0xFFFFFEF7, lr;
	s5 =	simm.s32 $0xFFFFFFFF;
	p2 =	slt.u32 s8, $0xFFFFF086  }
0x1c: {  	p1 =	slt.u32 s9, $0xF7A;
	s5 =	simm.s32 @!p2 $0x0  }
0x1d: {  	s5 =	simm.s32 @p1 $0x1;
	p0 =	seq.s32 s7, s2  }
0x1e: {  	s7 =	smul.u32 @!p0 $0xF7A, s2;
	p2 =	seq.s32 @!p0 s5, $0x0  }
0x1f: {  	s9 =	smul.u32 $0xF7A, s1;
	s8 =	simm.s32 @!p0 $0x1BF5;
	p2 =	por !p2, p0  }
0x20: {  	[sflag:s8] =	ssyncset.s32 @!p0 $0xFFFFF086;
	s6 =	sadd.s32 @!p0 s3, s7;
	s7 =	simm.s32 @!p0 $0x108  }
0x21: {  	s3 =	sadd.s32 s3, s9;
	s6 =	sadd.s32 @!p0 $0x88, s6;
	s7 =	simm.s32 @p2 $0x1082  }
0x22: {  	[simem:s7], [sflag:s8] =	dma.local @!p0 [hbm:s6], $0xF7A  }
0x23: {  	s9 =	sor.u32 $0xD0000000, s2;
	s6 =	simm.s32 $0x108;
	_ =	swait.ge @!p0 [sflag:s8], $0x0  }
0x24: {  	s3 =	sadd.s32 $0x88, s3;
	s6 =	simm.s32 @!p1 $0x1082;
	[sflag:s4] =	ssyncset.s32 $0xFFFFF086  }
0x25: {  	[simem:s6], [sflag:s4] =	dma.local [hbm:s3], $0xF7A  }
0x26: {  	[smem:$0x3F95] =	sst s1;
	(tag) =	ssettag s2;
	_ =	strace s9  }
0x27: {  	s1 =	sld [smem:$0x3FA5]  }
0x28: {  	s2 =	sld [smem:$0x3FA6]  }
0x29: {  	s4 =	sld [smem:$0x3FA8]  }
0x2a: {  	p0 =	seq.s32 s5, $0x0;
	s5 =	sld [smem:$0x3FA9]  }
0x2b: {  	s6 =	sld [smem:$0x3FAA]  }
0x2c: {  	s7 =	sld [smem:$0x3FAB]  }
0x2d: {  	s3 =	simm.s32 $0x108;
	s8 =	sld [smem:$0x3FAC]  }
0x2e: {  	s3 =	simm.s32 @!p0 $0x1082;
	s9 =	sld [smem:$0x3FAD]  }
0x2f: {  	lr =	sadd.s32 s0, s3;
	s0 =	sld [smem:$0x3FA4]  }
0x30: {  	s3 =	sld [smem:$0x3FA7]  }
0x31: {  	[smem:$0x3FB0] =	sst s10  }
0x32: {  	s10 =	sld [smem:$0x3FAE];
	_ =	sdelay $0x3  }
0x33: {  	p0 =	seq.s32 s10, $0x1;
	s10 =	sld [smem:$0x3FB0];
	_ =	sdelay $0x3  }
0x34: {  	[smem:$0x3FB0] =	sst s10  }
0x35: {  	s10 =	sld [smem:$0x3FAF];
	_ =	sdelay $0x3  }
0x36: {  	p1 =	seq.s32 s10, $0x1;
	s10 =	sld [smem:$0x3FB0];
	_ =	sdelay $0x3  }
0x37: {  	[smem:$0x3FB0] =	sst s10  }
0x38: {  	s10 =	sld [smem:$0x3FB1]  }
0x39: {  	_ = 	snop;
	(pc) =	sbr.ind lr, $3  }
0x3a: {  	_ = 	snop  }
0x3b: {  	_ = 	snop  }
0x3c: {  	p2 =	seq.s32 s10, $0x1;
	s10 =	sld [smem:$0x3FB0]  }
0x3d: {  	_ =	shalt  }
0x3e: {  	_ =	shalt  }
0x3f: {  	_ =	shalt  }
0x40: {  	_ =	shalt  }
0x41: {  	_ =	shalt  }
0x42: {  	_ =	shalt  }
0x43: {  	_ =	shalt  }
0x44: {  	_ =	shalt  }
0x45: {  	_ =	shalt  }
0x46: {  	_ =	shalt  }
0x47: {  	_ =	shalt  }
0x48: {  	_ =	shalt  }
0x49: {  	_ =	shalt  }
0x4a: {  	_ =	shalt  }
0x4b: {  	_ =	shalt  }
0x4c: {  	_ =	shalt  }
0x4d: {  	_ =	shalt  }
0x4e: {  	_ =	shalt  }
0x4f: {  	_ =	shalt  }
0x50: {  	_ =	shalt  }
0x51: {  	_ =	shalt  }
0x52: {  	_ =	shalt  }
0x53: {  	_ =	shalt  }
0x54: {  	_ =	shalt  }
0x55: {  	_ =	shalt  }
0x56: {  	_ =	shalt  }
0x57: {  	_ =	shalt  }
0x58: {  	_ =	shalt  }
0x59: {  	_ =	shalt  }
0x5a: {  	_ =	shalt  }
0x5b: {  	_ =	shalt  }
0x5c: {  	_ =	shalt  }
0x5d: {  	_ =	shalt  }
0x5e: {  	_ =	shalt  }
0x5f: {  	_ =	shalt  }
0x60: {  	_ =	shalt  }
0x61: {  	_ =	shalt  }
0x62: {  	_ =	shalt  }
0x63: {  	_ =	shalt  }
0x64: {  	_ =	shalt  }
0x65: {  	_ =	shalt  }
0x66: {  	_ =	shalt  }
0x67: {  	_ =	shalt  }
0x68: {  	_ =	shalt  }
0x69: {  	_ =	shalt  }
0x6a: {  	_ =	shalt  }
0x6b: {  	_ =	shalt  }
0x6c: {  	_ =	shalt  }
0x6d: {  	_ =	shalt  }
0x6e: {  	_ =	shalt  }
0x6f: {  	_ =	shalt  }
0x70: {  	_ =	shalt  }
0x71: {  	_ =	shalt  }
0x72: {  	_ =	shalt  }
0x73: {  	_ =	shalt  }
0x74: {  	_ =	shalt  }
0x75: {  	_ =	shalt  }
0x76: {  	_ =	shalt  }
0x77: {  	_ =	shalt  }
0x78: {  	_ =	shalt  }
0x79: {  	_ =	shalt  }
0x7a: {  	_ =	shalt  }
0x7b: {  	_ =	shalt  }
0x7c: {  	_ =	shalt  }
0x7d: {  	_ =	shalt  }
0x7e: {  	_ =	shalt  }
0x7f: {  	_ =	shalt  }
0x80: {  	_ =	shalt  }
0x81: {  	_ =	shalt  }
0x82: {  	_ =	shalt  }
0x83: {  	_ =	shalt  }
0x84: {  	_ =	shalt  }
0x85: {  	_ =	shalt  }
0x86: {  	_ =	shalt  }
0x87: {  	_ =	shalt  }
.Lfunc_end0:
.L_simem_size_0:
called_computation.3_lowered:
.L_overlay_start_0:
0x88: {  	s2 =	sld [smem:$0x3FD9]  }
0x89: {  	s3 =	sld [smem:$0x3FFE];
	_ =	sdelay $0x1  }
0x8a: {  	s1 =	srdreg.scid  }
0x8b: {  	s0 =	sand.u32 $0x1, s1  }
0x8c: {  	s16 =	sshll.u32 s0, $0xA;
	s2 =	sadd.s32 s3, s2  }
0x8d: {  	s2 =	sadd.s32 s2, s16  }
0x8e: {  	[smem:$0x3FBC] =	sst s2  }
0x8f: {  	_ = 	snop  }
0x90: {  	(tm) =	ssettm $0x1  }
0x91: {  	s17 =	sld [smem:$0x3FFB];
	_ =	sdelay $0x3  }
0x92: {  	_ =	strace s17  }
0x93: {  	s2 =	sld [smem:$0x3FFC];
	_ =	sdelay $0x3  }
0x94: {  	_ =	strace s2  }
0x95: {  	s2 =	sld [smem:$0x3FFD];
	_ =	sdelay $0x3  }
0x96: {  	_ =	strace s2  }
0x97: {  	_ =	strace $0x8FFFFFFF  }
0x98: {  	s18 =	sld [smem:$0x3FDB];
	_ =	sdelay $0x1  }
0x99: {  	s19 =	simm.s32 $_scs_section_size  }
0x9a: {  	s4 =	simm.s32 $_size__tile_overlayer_lowered;
	s5 =	simm.s32 $_tile_overlayer_lowered  }
0x9b: {  	s22 =	simm.s32 $0x1BFF;
	s21 =	sshll.u32 s5, $0x1;
	s2 =	sadd.s32 s19, s18  }
0x9c: {  	s6 =	simm.s32 $0x0;
	s20 =	sshll.u32 s4, $0x1;
	s4 =	sadd.s32 s21, s2  }
0x9d: {  	[timem:s6], [sflag:s22] =	dma.local [hbm:s4], s20  }
0x9e: {  	_ =	swait.ge [sflag:s22], s20  }
0x9f: {  	s3 =	ssub.s32 $0x0, s20;
	[sflag:s22] =	ssyncset.done $0x0  }
0xa0: {  	[sflag:s22] =	ssyncadd.s32 s3;
	_ =	sdelay $0x1  }
0xa1: {  	s23 =	simm.s32 $0x1B8B  }
0xa2: {  	_ =	swait.ge [sflag:s23], $0x1  }
0xa3: {  	[sflag:s23] =	ssyncset.done $0x0  }
0xa4: {  	s25 =	simm.s32 $0x1B8E;
	s24 =	sld [smem:$0x3FFE];
	[sflag:s23] =	ssyncadd.s32 $0xFFFFFFFF  }
0xa5: {  	s26 =	simm.s32 $execute0_lowered;
	[smem:$0x3FD2] =	sst s25  }
0xa6: {  	s4 =	sshll.u32 s26, $0x1;
	_ =	strace $0x8000004F;
	[dreg:$0x1] =	wrdreg $0xFFFFFFFF  }
0xa7: {  	s28 =	simm.s32 $_size_execute0_lowered;
	s2 =	sadd.s32 s2, s4;
	[dreg:$0x0] =	wrdreg $0x0  }
0xa8: {  	s4 =	sshll.u32 s28, $0x1;
	[dreg:$0x2] =	wrdreg s2  }
0xa9: {  	[dreg:$0x3] =	wrdreg s4  }
0xaa: {  	[dreg:$0x4] =	wrdreg $0xC0  }
0xab: {  	_ =	task [dreg:s6], $0x5FFFF  }
0xac: {  	[dreg:$0x1] =	wrdreg $0xFFFFFFFF  }
0xad: {  	[dreg:$0x0] =	wrdreg $0x60  }
0xae: {  	[dreg:$0x2] =	wrdreg s24  }
0xaf: {  	[dreg:$0x3] =	wrdreg $0x44000  }
0xb0: {  	[dreg:$0x4] =	wrdreg $0x9  }
0xb1: {  	_ =	task.clear_ibuf [dreg:s6], $0x5FFFF;
	_ =	strace $0x9000004F  }
0xb2: {  	s29 =	simm.s32 $0x9;
	_ =	strace $0x80000051  }
0xb3: {  	_ =	swait.ge [sflag:s29], $0x1  }
0xb4: {  	[sflag:s29] =	ssyncadd.s32 $0xFFFFFFFF  }
0xb5: {  	_ =	strace $0x90000051  }
0xb6: {  	_ =	sfence  }
0xb7: {  	s30 =	sld [smem:$0x0];
	_ =	sdelay $0x2  }
0xb8: {  	s31 =	sshll.u32 s1, $0xD;
	s1 =	sshrl.u32 s1, $0x2  }
0xb9: {  	s3 =	sand.u32 $0x4000, s31;
	s1 =	sadd.s32 s1, s30  }
0xba: {  	s0 =	sor.u32 s3, s0;
	s1 =	sshll.u32 s1, $0x11  }
0xbb: {  	s0 =	sor.u32 s1, s0  }
0xbc: {  	s0 =	sadd.s32 $0x8F2B, s0  }
0xbd: {  	[sflag:s0] =	ssyncadd.remote.s32 $0x1  }
0xbe: {  	_ =	sfence.sel $0xFFFF  }
0xbf: {  	[dreg:$0x0] =	wrdreg $0xFFFFFFFF;
	(pc) =	sbr.abs _section_cstart, $3  }
0xc0: {  	[dreg:$0x1] =	wrdreg $0xFFFFFFFF  }
0xc1: {  	_ =	task.clear_ibuf [dreg:s6], $0x2FFFF;
	_ =	strace $0x9FFFFFFF  }
0xc2: {  	(tm) =	ssettm $0x7FFFFFFF  }
0xc3: {  	_ =	shalt  }
tec
execute0_lowered:
.L_overlay_start_1:
0x0: {  	(tag) =	ssettag $0x1  }
0x1: {  	s0 =	rddreg [dreg:$0x0]  }
0x2: {  	s2 =	rddreg [dreg:$0x1]  }
0x3: {  	s3 =	simm.s32 $0x0;
	s1 =	srdreg.scid;
	s16 =	stileid.u32  }
0x4: {  	s17 =	simm.s32 $0x100;
	s18 =	simm.s32 $0x200;
	s19 =	simm.s32 $0x300  }
0x5: {  	s20 =	simm.s32 $0x2;
	s21 =	simm.s32 $0x80;
	s22 =	simm.s32 $0x400  }
0x6: {  	s23 =	simm.s32 $0x2400;
	s24 =	simm.s32 $0x1;
	s28 =	simm.s32 $0x380  }
0x7: {  	s29 =	simm.s32 $0x0;
	[smem:$0x7FF] =	sst s3;
	s1 =	sand.u32 $0x1, s1  }
0x8: {  	s10 =	smul.u32 $0xA000, s16;
	s4 =	sadd.s32 $0x17A00, s0;
	s11 =	sadd.s32 $0x2BA00, s0  }
0x9: {  	s6 =	sshll.u32 s16, $0x1;
	s14 =	sadd.s32 $0x3A00, s0;
	s31 =	sshll.u32 s16, $0x6  }
0xa: {  	s16 =	simm.s32 $0x3;
	s5 =	smul.u32 $0xA0000, s1;
	s7 =	ssub.s32 $0x2, s1  }
0xb: {  	s6 =	sor.u32 s1, s6;
	p0 =	seq.s32 s1, $0x0;
	s1 =	smul.u32 $0x5000, s1  }
0xc: {  	_ =	strace $0x80000050;
	s8 =	sshrl.u32 s7, $0x1;
	s6 =	smul.u32 $0x5000, s6  }
0xd: {  	s15 =	sadd.s32 s10, s2;
	s13 =	sshrl.u32 s10, $0x3;
	s11 =	smov.u32 @p0 s4  }
0xe: {  	s5 =	sadd.s32 s10, s5;
	s12 =	ssub.s32 s7, s8;
	s30 =	sadd.s32 s1, s10  }
0xf: {  	s11 =	sadd.s32 s11, s13;
	s15 =	sshrl.u32 s15, $0x3;
	s5 =	sshrl.u32 s5, $0x3  }
0x10: {  	s26 =	sshrl.u32 s6, $0x3;
	s10 =	smax.u32 s12, $0x1;
	s1 =	sor.u32 $0x500, s30  }
0x11: {  	s12 =	sor.u32 $0x1C03, s31;
	s0 =	sadd.s32 s5, s0;
	s5 =	sadd.s32 s14, s26  }
0x12: {  	s1 =	sshrl.u32 s1, $0x3;
	s9 =	sadd.s32 $0x3FA00, s0;
	s0 =	sor.u32 $0x400, s30  }
0x13: {  	s6 =	sadd.s32 $0x20, s5;
	s7 =	sadd.s32 $0x40, s5;
	s0 =	sshrl.u32 s0, $0x3  }
0x14: {  	s8 =	sadd.s32 $0x60, s5;
	s13 =	sadd.s32 s1, s14;
	s14 =	sadd.s32 s0, s14  }
.LBB2_1:
0x15: {  	[spmem:s15], [sflag:s12] =	dma.local [hbm:s11], $0x1400  }
0x16: {  	_ =	swait.ge [sflag:s16], $0x1400  }
0x17: {  	[sflag:s16] =	ssyncset.done $0x0  }
0x18: {  	[sflag:s16] =	ssyncadd.s32 $0xFFFFEC00  }
0x19: {  	[bflag:$0x0] =	sbarrier.arrive $0xFFFF  }
0x1a: {  	[tilespmem:s3], [sflag:$0x2] =	stream.linear.gather [hbm4b:s5+s3], $0x100, $0x38;
	[tilespmem:$0xE400] =	vst v63  }
0x1b: {  	_ = 	snop  }
0x1c: {  	[tilespmem:s17], [sflag:$0x2] =	stream.linear.gather [hbm4b:s6+s3], $0x100, $0x38;
	[tilespmem:$0xE400] =	vst v63  }
0x1d: {  	_ = 	snop  }
0x1e: {  	[tilespmem:s18], [sflag:$0x2] =	stream.linear.gather [hbm4b:s7+s3], $0x100, $0x38;
	[tilespmem:$0xE400] =	vst v63  }
0x1f: {  	_ = 	snop  }
0x20: {  	[tilespmem:s19], [sflag:$0x2] =	stream.linear.gather [hbm4b:s8+s3], $0x100, $0x38;
	[tilespmem:$0xE400] =	vst v63  }
0x21: {  	_ =	swait.ge [sflag:s20], $0x100  }
0x22: {  	[sflag:s20] =	ssyncset.done $0x0  }
0x23: {  	[sflag:s20] =	ssyncadd.s32 $0xFFFFFF00  }
0x24: {  	[tilespmem:s22], [sflag:$0x1] =	stream.indirect.gather [hbm4b:s4+s21], $0x40, s3, s21, $0xb8;
	[tilespmem:$0xE400] =	vst v63  }
0x25: {  	_ =	swait.ge [sflag:s20], $0x100  }
0x26: {  	[sflag:s20] =	ssyncset.done $0x0  }
0x27: {  	[sflag:s20] =	ssyncadd.s32 $0xFFFFFF00  }
0x28: {  	[tilespmem:s23], [sflag:$0x1] =	stream.indirect.gather [hbm4b:s4+s21], $0x40, s17, s21, $0xb8;
	[tilespmem:$0xE400] =	vst v63  }
0x29: {  	_ =	swait.ge [sflag:s24], $0x2000  }
0x2a: {  	s0 =	sand.u32 $0x200, s3;
	[sflag:s24] =	ssyncset.done $0x0  }
0x2b: {  	s1 =	sor.u32 $0x80, s0;
	[sflag:s24] =	ssyncadd.s32 $0xFFFFE000  }
0x2c: {  	[spmem:s2] =	stream.indirect.scatter.add.f32 [tilespmem:s22], [sflag:$0x3], $0x40, s1, s21, $0xb8;
	[tilespmem:$0xE400] =	vst v63  }
0x2d: {  	_ =	swait.ge [sflag:s16], $0x2000  }
0x2e: {  	[sflag:s16] =	ssyncset.done $0x0  }
0x2f: {  	[sflag:s16] =	ssyncadd.s32 $0xFFFFE000  }
0x30: {  	[tilespmem:s0], [sflag:$0x2] =	stream.linear.gather [hbm4b:s14+s3], $0x100, $0x38;
	[tilespmem:$0xE400] =	vst v63  }
0x31: {  	s25 =	sxor.u32 $0xFFFFFFFF, s3;
	_ =	swait.ge [sflag:s20], $0x100  }
0x32: {  	s1 =	sand.u32 $0x800, s25;
	[sflag:s20] =	ssyncset.done $0x0  }
0x33: {  	s1 =	sshrl.u32 s1, $0x2;
	[sflag:s20] =	ssyncadd.s32 $0xFFFFFF00  }
0x34: {  	[tilespmem:s22], [sflag:$0x1] =	stream.indirect.gather [hbm4b:s4+s21], $0x40, s1, s21, $0xb8;
	[tilespmem:$0xE400] =	vst v63  }
0x35: {  	_ =	swait.ge [sflag:s24], $0x2000  }
0x36: {  	[sflag:s24] =	ssyncset.done $0x0  }
0x37: {  	s26 =	sor.u32 $0x180, s0;
	[sflag:s24] =	ssyncadd.s32 $0xFFFFE000  }
0x38: {  	[spmem:s2] =	stream.indirect.scatter.add.f32 [tilespmem:s23], [sflag:$0x3], $0x40, s26, s21, $0xb8;
	[tilespmem:$0xE400] =	vst v63  }
0x39: {  	_ =	swait.ge [sflag:s16], $0x2000  }
0x3a: {  	[sflag:s16] =	ssyncset.done $0x0  }
0x3b: {  	s30 =	simm.s32 $0x200;
	s0 =	sor.u32 $0x100, s0;
	[sflag:s16] =	ssyncadd.s32 $0xFFFFE000  }
0x3c: {  	[tilespmem:s0], [sflag:$0x2] =	stream.linear.gather [hbm4b:s13+s3], $0x100, $0x38;
	[tilespmem:$0xE400] =	vst v63  }
0x3d: {  	s31 =	sadd.s32 $0x40, s14;
	s25 =	simm.s32 $0xC00;
	_ =	swait.ge [sflag:s20], $0x100  }
0x3e: {  	s1 =	simm.s32 $0x800;
	s26 =	sand.u32 $0xC00, s25;
	[sflag:s20] =	ssyncset.done $0x0  }
0x3f: {  	s25 =	sshrl.u32 s26, $0x2;
	s0 =	sadd.s32 $0x40, s13;
	[sflag:s20] =	ssyncadd.s32 $0xFFFFFF00  }
.LBB2_2:
0x40: {  	[tilespmem:s23], [sflag:$0x1] =	stream.indirect.gather [hbm4b:s4+s21], $0x40, s25, s21, $0xb8;
	[tilespmem:$0xE400] =	vst v63  }
0x41: {  	s25 =	smov.u32 s30  }
0x42: {  	p0 =	sne.s32 s30, $0x4A00;
	s30 =	sadd.s32 $0x200, s30;
	_ =	swait.ge [sflag:s24], $0x2000  }
0x43: {  	s25 =	sand.u32 $0x200, s25;
	[sflag:s24] =	ssyncset.done $0x0  }
0x44: {  	s26 =	sor.u32 $0x80, s25;
	[sflag:s24] =	ssyncadd.s32 $0xFFFFE000  }
0x45: {  	[spmem:s2] =	stream.indirect.scatter.add.f32 [tilespmem:s22], [sflag:$0x3], $0x40, s26, s21, $0xb8;
	[tilespmem:$0xE400] =	vst v63  }
0x46: {  	_ =	swait.ge [sflag:s16], $0x2000  }
0x47: {  	[sflag:s16] =	ssyncset.done $0x0  }
0x48: {  	[sflag:s16] =	ssyncadd.s32 $0xFFFFE000  }
0x49: {  	[tilespmem:s25], [sflag:$0x2] =	stream.linear.gather [hbm4b:s31+s3], $0x100, $0x38;
	[tilespmem:$0xE400] =	vst v63  }
0x4a: {  	s26 =	sxor.u32 $0xFFFFFFFF, s1;
	_ =	swait.ge [sflag:s20], $0x100  }
0x4b: {  	s26 =	sand.u32 $0x800, s26;
	[sflag:s20] =	ssyncset.done $0x0  }
0x4c: {  	s26 =	sshrl.u32 s26, $0x2;
	[sflag:s20] =	ssyncadd.s32 $0xFFFFFF00  }
0x4d: {  	[tilespmem:s22], [sflag:$0x1] =	stream.indirect.gather [hbm4b:s4+s21], $0x40, s26, s21, $0xb8;
	[tilespmem:$0xE400] =	vst v63  }
0x4e: {  	_ =	swait.ge [sflag:s24], $0x2000  }
0x4f: {  	[sflag:s24] =	ssyncset.done $0x0  }
0x50: {  	s26 =	sor.u32 $0x180, s25;
	[sflag:s24] =	ssyncadd.s32 $0xFFFFE000  }
0x51: {  	[spmem:s2] =	stream.indirect.scatter.add.f32 [tilespmem:s23], [sflag:$0x3], $0x40, s26, s21, $0xb8;
	[tilespmem:$0xE400] =	vst v63  }
0x52: {  	_ =	swait.ge [sflag:s16], $0x2000  }
0x53: {  	[sflag:s16] =	ssyncset.done $0x0  }
.Ltmp0:
0x54: {  	s25 =	sor.u32 $0x100, s25;
	[sflag:s16] =	ssyncadd.s32 $0xFFFFE000;
	(pc) =	sbr.rel @p0 .LBB2_2-.Ltmp0, $4  }
0x55: {  	[tilespmem:s25], [sflag:$0x2] =	stream.linear.gather [hbm4b:s0+s3], $0x100, $0x38;
	[tilespmem:$0xE400] =	vst v63  }
0x56: {  	s31 =	sadd.s32 $0x40, s31;
	s25 =	sadd.s32 $0xC00, s1;
	_ =	swait.ge [sflag:s20], $0x100  }
0x57: {  	s0 =	sadd.s32 $0x40, s0;
	s25 =	sand.u32 $0xC00, s25;
	[sflag:s20] =	ssyncset.done $0x0  }
0x58: {  	s1 =	sadd.s32 $0x800, s1;
	s25 =	sshrl.u32 s25, $0x2;
	[sflag:s20] =	ssyncadd.s32 $0xFFFFFF00  }
0x59: {  	[tilespmem:s23], [sflag:$0x1] =	stream.indirect.gather [hbm4b:s4+s21], $0x40, s25, s21, $0xb8;
	[tilespmem:$0xE400] =	vst v63  }
0x5a: {  	_ =	swait.ge [sflag:s24], $0x2000  }
0x5b: {  	[sflag:s24] =	ssyncset.done $0x0  }
0x5c: {  	[sflag:s24] =	ssyncadd.s32 $0xFFFFE000  }
0x5d: {  	[spmem:s2] =	stream.indirect.scatter.add.f32 [tilespmem:s22], [sflag:$0x3], $0x40, s21, s21, $0xb8;
	[tilespmem:$0xE400] =	vst v63  }
0x5e: {  	_ =	swait.ge [sflag:s16], $0x2000  }
0x5f: {  	[sflag:s16] =	ssyncset.done $0x0  }
0x60: {  	[sflag:s16] =	ssyncadd.s32 $0xFFFFE000  }
0x61: {  	_ =	swait.ge [sflag:s20], $0x100  }
0x62: {  	[sflag:s20] =	ssyncset.done $0x0  }
0x63: {  	[sflag:s20] =	ssyncadd.s32 $0xFFFFFF00  }
0x64: {  	[tilespmem:s22], [sflag:$0x1] =	stream.indirect.gather [hbm4b:s4+s21], $0x40, s18, s21, $0xb8;
	[tilespmem:$0xE400] =	vst v63  }
0x65: {  	_ =	swait.ge [sflag:s24], $0x2000  }
0x66: {  	[sflag:s24] =	ssyncset.done $0x0  }
0x67: {  	s0 =	simm.s32 $0x180;
	[sflag:s24] =	ssyncadd.s32 $0xFFFFE000  }
0x68: {  	[spmem:s2] =	stream.indirect.scatter.add.f32 [tilespmem:s23], [sflag:$0x3], $0x40, s0, s21, $0xb8;
	[tilespmem:$0xE400] =	vst v63  }
0x69: {  	_ =	swait.ge [sflag:s16], $0x2000  }
0x6a: {  	[sflag:s16] =	ssyncset.done $0x0  }
0x6b: {  	[sflag:s16] =	ssyncadd.s32 $0xFFFFE000  }
0x6c: {  	_ =	swait.ge [sflag:s20], $0x100  }
0x6d: {  	[sflag:s20] =	ssyncset.done $0x0  }
0x6e: {  	[sflag:s20] =	ssyncadd.s32 $0xFFFFFF00  }
0x6f: {  	[tilespmem:s23], [sflag:$0x1] =	stream.indirect.gather [hbm4b:s4+s21], $0x40, s19, s21, $0xb8;
	[tilespmem:$0xE400] =	vst v63  }
0x70: {  	_ =	swait.ge [sflag:s24], $0x2000  }
0x71: {  	[sflag:s24] =	ssyncset.done $0x0  }
0x72: {  	s31 =	simm.s32 $0x280;
	[sflag:s24] =	ssyncadd.s32 $0xFFFFE000  }
0x73: {  	[spmem:s2] =	stream.indirect.scatter.add.f32 [tilespmem:s22], [sflag:$0x3], $0x40, s31, s21, $0xb8;
	[tilespmem:$0xE400] =	vst v63  }
0x74: {  	_ =	swait.ge [sflag:s16], $0x2000  }
0x75: {  	[sflag:s16] =	ssyncset.done $0x0  }
0x76: {  	[sflag:s16] =	ssyncadd.s32 $0xFFFFE000  }
0x77: {  	_ =	swait.ge [sflag:s24], $0x2000  }
0x78: {  	[sflag:s24] =	ssyncset.done $0x0  }
0x79: {  	[sflag:s24] =	ssyncadd.s32 $0xFFFFE000  }
0x7a: {  	[spmem:s2] =	stream.indirect.scatter.add.f32 [tilespmem:s23], [sflag:$0x3], $0x40, s28, s21, $0xb8;
	[tilespmem:$0xE400] =	vst v63  }
0x7b: {  	_ =	swait.ge [sflag:s16], $0x2000  }
0x7c: {  	s29 =	sadd.s32 $0x1, s29;
	[sflag:s16] =	ssyncset.done $0x0  }
0x7d: {  	p0 =	sne.s32 s29, s10;
	[sflag:s16] =	ssyncadd.s32 $0xFFFFE000  }
.Ltmp1:
0x7e: {  	[bflag:$0x0] =	sbarrier.arrive $0xFFFF;
	(pc) =	sbr.rel @p0 .LBB2_1-.Ltmp1, $4  }
0x7f: {  	[hbm:s9], [sflag:s12] =	dma.local [spmem:s15], $0x1400  }
0x80: {  	_ =	swait.ge [sflag:s16], $0x1400  }
0x81: {  	[sflag:s16] =	ssyncset.done $0x0  }
0x82: {  	[sflag:s16] =	ssyncadd.s32 $0xFFFFEC00  }
0x83: {  	_ =	sfence.sel $0x180000  }
0x84: {  	[bflag:$0x0] =	sbarrier.arrive $0xFFFF  }
0x85: {  	_ =	strace $0x90000050  }
0x86: {  	s0 =	stileid.u32;
	[bflag:$0x2] =	sbarrier.arrive $0xFFFF  }
0x87: {  	p0 =	sne.s32 s0, $0x0;
	s0 =	rddreg [dreg:$0x2]  }
0x88: {  	s0 =	sadd.s32 @!p0 $0x100000, s0  }
0x89: {  	[sflag:s0] =	ssyncadd.tile.s32 @!p0 $0x1;
	_ =	shalt  }
.Lfunc_end2:
_tile_overlayer_lowered:
.L_overlay_start_2:
0x8a: {  	(tag) =	ssettag $0x2  }
0x8b: {  	s0 =	rddreg [dreg:$0x0];
	s2 =	stileid.u32  }
0x8c: {  	s1 =	rddreg [dreg:$0x1];
	p0 =	sne.s32 s2, $0x0  }
0x8d: {  	s3 =	rddreg [dreg:$0x2];
	[bflag:$0x3] =	sbarrier.arrive $0xFFFF;
	s2 =	simm.s32 @!p0 $0x1C03  }
0x8e: {  	[timem:s3], [sflag:s2] =	dma.local @!p0 [hbm:s0], s1  }
0x8f: {  	s0 =	simm.s32 @!p0 $0x3  }
0x90: {  	_ =	swait.ge @!p0 [sflag:s0], s1  }
0x91: {  	s1 =	ssub.s32 @!p0 $0x0, s1;
	[sflag:s0] =	ssyncset.done @!p0 $0x0  }
0x92: {  	[sflag:s0] =	ssyncadd.s32 @!p0 s1  }
0x93: {  	[bflag:$0x3] =	sbarrier.arrive $0xFFFF  }
0x94: {  	_ =	shalt  }

</sc_bundles>
